<compile_context>
chip_gen: v7x
topology: tpu7x:2x2x1
jax: 0.10.2.dev20260603
libtpu: 0.0.44.dev20260713+nightly
codegen_flags: <defaults>
</compile_context>

<pallas_src>
import jax
import jax.numpy as jnp
from jax import lax
from jax.experimental import pallas as pl
from jax.experimental.pallas import tpu as pltpu
from jax.experimental.pallas import tpu_sc as plsc

N = 10000
D = 128
C_OUT = 40
E = 320000

NC = 2
NS = 16
NW = NC * NS
L = 16

EPT = E // NW
CHUNK = 80
NCHUNK = EPT // CHUNK
NBUF = 4

DEPT = E // NW
DCHUNK = 2000
NDCHUNK = DEPT // DCHUNK


def _deg_body(edge_hbm, out_hbm, didx_v, ones_v, deg_sh):
    cid = lax.axis_index("c")
    sid = lax.axis_index("s")
    wid = cid * NS + sid

    def _fill_zero(i, _):
        ones_v[pl.ds(i * L, L)] = jnp.zeros((L,), jnp.float32)
        return 0

    def _fill_one(i, _):
        ones_v[pl.ds(i * L, L)] = jnp.ones((L,), jnp.float32)
        return 0

    lax.fori_loop(0, DCHUNK // L, _fill_zero, 0)

    @pl.when(sid == 0)
    def _zero_shared():
        for c in range(N // DCHUNK):
            pltpu.sync_copy(ones_v, deg_sh.at[pl.ds(c * DCHUNK, DCHUNK)])

    lax.fori_loop(0, DCHUNK // L, _fill_one, 0)
    plsc.subcore_barrier()

    def _chunk(c, _):
        base = E + wid * DEPT + c * DCHUNK
        pltpu.sync_copy(edge_hbm.at[pl.ds(base, DCHUNK)], didx_v)
        pltpu.sync_copy(ones_v, deg_sh.at[didx_v], add=True)
        return 0

    lax.fori_loop(0, NDCHUNK, _chunk, 0)
    plsc.subcore_barrier()

    @pl.when(sid == 0)
    def _flush():
        pltpu.sync_copy(deg_sh, out_hbm.at[cid])


_deg_kernel = pl.kernel(
    _deg_body,
    out_type=jax.ShapeDtypeStruct((NC, N), jnp.float32),
    mesh=plsc.VectorSubcoreMesh(
        core_axis_name="c", subcore_axis_name="s", num_cores=NC,
        num_subcores=NS),
    scratch_types=[
        pltpu.VMEM((DCHUNK,), jnp.int32),
        pltpu.VMEM((DCHUNK,), jnp.float32),
        pltpu.VMEM_SHARED((N,), jnp.float32),
    ],
)


def _agg_body(g_hbm, edge_hbm, out_hbm, sb0, sb1, sb2, sb3, db0, db1, db2,
              db3, db4, db5, db6, db7, rw0, rw1, rw2, rw3, acc_sh, se0,
              se1, se2, se3, sg0, sg1, sg2, sg3, ss0, ss1, ss2, ss3):
    cid = lax.axis_index("c")
    sid = lax.axis_index("s")
    wid = cid * NS + sid

    sbufs = (sb0, sb1, sb2, sb3)
    dbufs = (db0, db1, db2, db3, db4, db5, db6, db7)
    rows = (rw0, rw1, rw2, rw3)
    sems_e = (se0, se1, se2, se3)
    sems_g = (sg0, sg1, sg2, sg3)
    sems_s = (ss0, ss1, ss2, ss3)

    def _sidx(c, b):
        base = wid * EPT + c * CHUNK
        return pltpu.make_async_copy(edge_hbm.at[pl.ds(base, CHUNK)],
                                     sbufs[b], sems_e[b])

    def _didx(c, b, b8):
        base = E + wid * EPT + c * CHUNK
        return pltpu.make_async_copy(edge_hbm.at[pl.ds(base, CHUNK)],
                                     dbufs[b8], sems_e[b])

    def _gather(b):
        return pltpu.make_async_copy(g_hbm.at[sbufs[b]], rows[b],
                                     sems_g[b])

    def _scatter_start(b, b8):
        pltpu.async_copy(rows[b], acc_sh.at[dbufs[b8]], sems_s[b],
                         add=True)

    def _scatter_wait(b, b8):
        pltpu.make_async_copy(rows[b], acc_sh.at[dbufs[b8]],
                              sems_s[b]).wait()

    def _zrow(i, _):
        rw0[i // 8, pl.ds((i % 8) * L, L)] = jnp.zeros((L,), jnp.float32)
        return 0

    lax.fori_loop(0, CHUNK * (D // L), _zrow, 0)

    FR = 624
    zoff = pl.multiple_of(sid * FR, 8)

    def _zcopy(k):
        if k < 7:
            return pltpu.make_async_copy(
                rw0, acc_sh.at[pl.ds(zoff + k * CHUNK, CHUNK)], sg0)
        return pltpu.make_async_copy(
            rw0.at[pl.ds(0, FR - 7 * CHUNK)],
            acc_sh.at[pl.ds(zoff + 7 * CHUNK, FR - 7 * CHUNK)], sg0)

    def _zrem():
        return pltpu.make_async_copy(
            rw0.at[pl.ds(0, N - NS * FR)],
            acc_sh.at[pl.ds(NS * FR, N - NS * FR)], sg0)

    for k in range(8):
        _zcopy(k).start()

    @pl.when(sid == 0)
    def _zrem_start():
        _zrem().start()

    for k in range(8):
        _zcopy(k).wait()

    @pl.when(sid == 0)
    def _zrem_wait():
        _zrem().wait()

    for b in range(NBUF):
        _sidx(b, b).start()
        _didx(b, b, b).start()
    for c in range(2):
        _sidx(c, c).wait()
        _didx(c, c, c).wait()
        _gather(c).start()
    plsc.subcore_barrier()

    def _step(c, b, b8):
        @pl.when(c < NCHUNK)
        def _():
            b2 = (b + 2) % NBUF
            b8_2 = (b8 + 2) % (2 * NBUF)
            b8_6 = (b8 + 6) % (2 * NBUF)

            @pl.when(c + 2 < NCHUNK)
            def _():
                _sidx(c + 2, b2).wait()
                _didx(c + 2, b2, b8_2).wait()

                @pl.when(c >= 2)
                def _():
                    _scatter_wait(b2, b8_6)

                _gather(b2).start()

            _gather(b).wait()
            _scatter_start(b, b8)

            @pl.when(c + NBUF < NCHUNK)
            def _():
                _sidx(c + NBUF, b).start()
                _didx(c + NBUF, b, (b8 + NBUF) % (2 * NBUF)).start()

    def _oct(q, _):
        for u in range(2 * NBUF):
            _step(q * 2 * NBUF + u, u % NBUF, u)
        return 0

    lax.fori_loop(0, pl.cdiv(NCHUNK, 2 * NBUF), _oct, 0)

    for c in range(NCHUNK - 4, NCHUNK):
        _scatter_wait(c % NBUF, c % (2 * NBUF))
    plsc.subcore_barrier()

    FR = 624
    foff = pl.multiple_of(sid * FR, 8)
    pltpu.sync_copy(acc_sh.at[pl.ds(foff, FR)],
                    out_hbm.at[cid, pl.ds(foff, FR)])

    @pl.when(sid == 0)
    def _frem():
        pltpu.sync_copy(acc_sh.at[pl.ds(NS * FR, N - NS * FR)],
                        out_hbm.at[cid, pl.ds(NS * FR, N - NS * FR)])


_agg_kernel = pl.kernel(
    _agg_body,
    out_type=jax.ShapeDtypeStruct((NC, N, D), jnp.float32),
    mesh=plsc.VectorSubcoreMesh(
        core_axis_name="c", subcore_axis_name="s", num_cores=NC,
        num_subcores=NS),
    scratch_types=(
        [pltpu.VMEM((CHUNK,), jnp.int32) for _ in range(3 * NBUF)]
        + [pltpu.VMEM((CHUNK, D), jnp.float32) for _ in range(NBUF)]
        + [pltpu.VMEM_SHARED((N, D), jnp.float32)]
        + [pltpu.SemaphoreType.DMA for _ in range(3 * NBUF)]
    ),
)

MB = 2000
GRID = N // MB


def _k1_body(x_ref, w_ref, degp_ref, g_ref, dis_ref):
    deg = degp_ref[0] + degp_ref[1] + 1.0
    dis = lax.rsqrt(deg)
    h = jnp.dot(x_ref[...], w_ref[...],
                preferred_element_type=jnp.float32)
    g_ref[...] = h * dis
    dis_ref[...] = dis


_k1 = pl.pallas_call(
    _k1_body,
    grid=(GRID,),
    in_specs=[
        pl.BlockSpec((MB, D), lambda i: (i, 0)),
        pl.BlockSpec((D, D), lambda i: (0, 0)),
        pl.BlockSpec((NC, MB, 1), lambda i: (0, i, 0)),
    ],
    out_specs=[
        pl.BlockSpec((MB, D), lambda i: (i, 0)),
        pl.BlockSpec((MB, 1), lambda i: (i, 0)),
    ],
    out_shape=[
        jax.ShapeDtypeStruct((N, D), jnp.float32),
        jax.ShapeDtypeStruct((N, 1), jnp.float32),
    ],
)


def _k2_body(s_ref, g_ref, dis_ref, b_ref, w_ref, g2_ref):
    t = (s_ref[0] + s_ref[1] + g_ref[...]) * dis_ref[...] + b_ref[...]
    t = jnp.maximum(t, 0.0)
    g2_ref[...] = jnp.dot(
        t, w_ref[...], preferred_element_type=jnp.float32) * dis_ref[...]


_k2 = pl.pallas_call(
    _k2_body,
    grid=(GRID,),
    in_specs=[
        pl.BlockSpec((NC, MB, D), lambda i: (0, i, 0)),
        pl.BlockSpec((MB, D), lambda i: (i, 0)),
        pl.BlockSpec((MB, 1), lambda i: (i, 0)),
        pl.BlockSpec((1, D), lambda i: (0, 0)),
        pl.BlockSpec((D, D), lambda i: (0, 0)),
    ],
    out_specs=pl.BlockSpec((MB, D), lambda i: (i, 0)),
    out_shape=jax.ShapeDtypeStruct((N, D), jnp.float32),
)


def _k3_body(s_ref, g_ref, dis_ref, b_ref, w_ref, bo_ref, out_ref):
    t = (s_ref[0] + s_ref[1] + g_ref[...]) * dis_ref[...] + b_ref[...]
    out_ref[...] = jnp.dot(
        t, w_ref[...], preferred_element_type=jnp.float32) + bo_ref[...]


_k3 = pl.pallas_call(
    _k3_body,
    grid=(GRID,),
    in_specs=[
        pl.BlockSpec((NC, MB, D), lambda i: (0, i, 0)),
        pl.BlockSpec((MB, D), lambda i: (i, 0)),
        pl.BlockSpec((MB, 1), lambda i: (i, 0)),
        pl.BlockSpec((1, D), lambda i: (0, 0)),
        pl.BlockSpec((D, C_OUT), lambda i: (0, 0)),
        pl.BlockSpec((1, C_OUT), lambda i: (0, 0)),
    ],
    out_specs=pl.BlockSpec((MB, C_OUT), lambda i: (i, 0)),
    out_shape=jax.ShapeDtypeStruct((N, C_OUT), jnp.float32),
)


def kernel(x, edge_index, W1, b1, W2, b2, W_out, b_out):
    edge1d = edge_index.astype(jnp.int32).reshape(2 * E)

    degp = _deg_kernel(edge1d).reshape(NC, N, 1)
    g1, dis = _k1(x, W1, degp)
    s1 = _agg_kernel(g1, edge1d)
    g2 = _k2(s1, g1, dis, b1.reshape(1, D), W2)
    s2 = _agg_kernel(g2, edge1d)
    out = _k3(s2, g2, dis, b2.reshape(1, D), W_out,
              b_out.reshape(1, C_OUT))
    return out

# --- scband reference (transcript-rebuilt; emitter-appended) ---
"""Pipeline reference for scband-gcn-39410619908620 (READ-ONLY COPY).

The authoritative reference and input builder live on the scoring server;
editing this copy changes nothing except your own understanding.
"""

import jax, jax.numpy as jnp
import numpy as np

NUM_NODES = 10000
D_FEAT = 128
HIDDEN = 128
NUM_CLASSES = 40
NUM_EDGES = 320000


def gcn_conv(x, edge_index, W, b, num_nodes):
    # PyG-style GCNConv: add self-loops, symmetric degree normalization,
    # linear transform, scatter-add aggregation, bias.
    src = edge_index[0]
    dst = edge_index[1]
    loop = jnp.arange(num_nodes, dtype=edge_index.dtype)
    src = jnp.concatenate([src, loop])
    dst = jnp.concatenate([dst, loop])
    deg = jnp.zeros((num_nodes,), dtype=x.dtype).at[dst].add(1.0)
    deg_inv_sqrt = jnp.where(deg > 0, deg ** -0.5, 0.0)
    norm = deg_inv_sqrt[src] * deg_inv_sqrt[dst]
    h = x @ W
    msg = h[src] * norm[:, None]
    out = jnp.zeros((num_nodes, W.shape[1]), dtype=x.dtype).at[dst].add(msg)
    return out + b


def setup_inputs(seed: int = 0) -> dict:
    key = jax.random.key(seed)
    k_x, k_e, k_w1, k_w2, k_wo = jax.random.split(key, 5)
    x = jax.random.normal(k_x, (NUM_NODES, D_FEAT), dtype=jnp.float32)
    edge_index = jax.random.randint(k_e, (2, NUM_EDGES), 0, NUM_NODES, dtype=jnp.int64)
    s1 = (1.0 / np.sqrt(D_FEAT)).astype(np.float32) if hasattr((1.0 / np.sqrt(D_FEAT)), 'astype') else np.float32(1.0 / np.sqrt(D_FEAT))
    W1 = jax.random.normal(k_w1, (D_FEAT, HIDDEN), dtype=jnp.float32) * (1.0 / np.sqrt(D_FEAT))
    b1 = jnp.zeros((HIDDEN,), dtype=jnp.float32)
    W2 = jax.random.normal(k_w2, (HIDDEN, HIDDEN), dtype=jnp.float32) * (1.0 / np.sqrt(HIDDEN))
    b2 = jnp.zeros((HIDDEN,), dtype=jnp.float32)
    W_out = jax.random.normal(k_wo, (HIDDEN, NUM_CLASSES), dtype=jnp.float32) * (1.0 / np.sqrt(HIDDEN))
    b_out = jnp.zeros((NUM_CLASSES,), dtype=jnp.float32)
    return {"x": x, "edge_index": edge_index, "W1": W1, "b1": b1, "W2": W2, "b2": b2, "W_out": W_out, "b_out": b_out}


def reference(x, edge_index, W1, b1, W2, b2, W_out, b_out):
    h = gcn_conv(x, edge_index, W1, b1, NUM_NODES)
    h = jax.nn.relu(h)
    h = gcn_conv(h, edge_index, W2, b2, NUM_NODES)
    out = h @ W_out + b_out
    return out

if __name__ == "__main__":
    import jax
    _d = setup_inputs()
    print(jax.jit(kernel)(*tuple(_d.values())))

</pallas_src>

<mosaic_0001>
#map = affine_map<(d0, d1) -> (0)>
#map1 = affine_map<(d0, d1) -> (0, 0)>
module attributes {stable_mosaic.version = 14 : i64} {
  func.func @_deg_body(%arg0: i32, %arg1: i32, %arg2: memref<640000xi32, #tpu.memory_space<hbm>>, %arg3: memref<2x10000xf32, #tpu.memory_space<hbm>>, %arg4: memref<2000xi32, #tpu.memory_space<vmem>>, %arg5: memref<2000xf32, #tpu.memory_space<vmem>>, %arg6: memref<10000xf32, #tpu.memory_space<vmem_shared>>) attributes {dimension_semantics = [#tpu.dimension_semantics<core_parallel>, #tpu.dimension_semantics<subcore_parallel>], iteration_bounds = array<i64: 2, 16>, scalar_prefetch = 0 : i64, scratch_operands = 3 : i64, tpu.core_type = #tpu.core_type<sc_vector_subcore>, window_params = [{transform_indices = #map}, {transform_indices = #map1}]} {
    %mul3A = arith.constant 16 : i32
    %mul3A_0 = arith.muli %arg0, %mul3A : i32
    %add3A = arith.addi %mul3A_0, %arg1 : i32
    %scan3A = arith.constant 0 : i32
    %scan3A_1 = arith.constant 0 : i32
    %scan3A_2 = arith.constant 125 : i32
    %scan3A_3 = arith.addi %scan3A_1, %scan3A_2 : i32
    %scan3A_4 = arith.constant 1 : i32
    %scan3A_5 = scf.for %scan3A_29 = %scan3A_1 to %scan3A_3 step %scan3A_4 iter_args(%scan3A_30 = %scan3A) -> (i32)  : i32 {
      %broadcast_in_dim3A = arith.constant 0.000000e+00 : f32
      %broadcast_in_dim3A_31 = vector.broadcast %broadcast_in_dim3A : f32 to vector<16xf32>
      %mul3A_32 = arith.constant 16 : i32
      %mul3A_33 = arith.muli %scan3A_29, %mul3A_32 : i32
      %swap3A = arith.index_cast %mul3A_33 : i32 to index
      %swap3A_34 = tpu.vector_load %arg5[%swap3A] {strides = array<i32>} : memref<2000xf32, #tpu.memory_space<vmem>>, vector<16xf32>,
      %swap3A_35 = vector.shape_cast %swap3A_34 : vector<16xf32> to vector<16xf32>
      %swap3A_36 = vector.shape_cast %broadcast_in_dim3A_31 : vector<16xf32> to vector<16xf32>
      tpu.vector_store %arg5[%swap3A], %swap3A_36 {strides = array<i32>} : memref<2000xf32, #tpu.memory_space<vmem>>, vector<16xf32>,
      %scan3A_37 = arith.constant 0 : i32
      scf.yield %scan3A_37 : i32
    }
    %scan3A_6 = arith.constant 125 : i32
    %eq3A = arith.constant 0 : i32
    %eq3A_7 = arith.cmpi eq, %arg1, %eq3A : i32
    %convert_element_type3A = arith.extui %eq3A_7 : i1 to i32
    %cond3A = arith.constant 0 : i32
    %cond3A_8 = arith.cmpi ne, %convert_element_type3A, %cond3A : i32
    scf.if %cond3A_8 {
      "tpu.region"() ({
        %run_scoped3A = tpu.sem_alloc : memref<!tpu.dma_semaphore, #tpu.memory_space<semaphore_mem>>
        %dma_start3A = arith.constant 0 : i32
        %dma_start3A_29 = tpu.memref_slice %arg6[%dma_start3A] : memref<10000xf32, #tpu.memory_space<vmem_shared>> -> memref<2000xf32, #tpu.memory_space<vmem_shared>>
        %dma_start3A_30 = arith.constant 0 : i32
        %dma_start3A_31 = tpu.memref_slice %arg6[%dma_start3A_30] : memref<10000xf32, #tpu.memory_space<vmem_shared>> -> memref<2000xf32, #tpu.memory_space<vmem_shared>>
        tpu.enqueue_dma source(%arg5 : memref<2000xf32, #tpu.memory_space<vmem>>) target(%dma_start3A_31 : memref<2000xf32, #tpu.memory_space<vmem_shared>>) target_semaphore(%run_scoped3A : memref<!tpu.dma_semaphore, #tpu.memory_space<semaphore_mem>>)
        %dma_wait3A = arith.constant 0 : i32
        %dma_wait3A_32 = tpu.memref_slice %arg6[%dma_wait3A] : memref<10000xf32, #tpu.memory_space<vmem_shared>> -> memref<2000xf32, #tpu.memory_space<vmem_shared>>
        %dma_wait3A_33 = arith.constant 0 : i32
        %dma_wait3A_34 = tpu.memref_slice %arg6[%dma_wait3A_33] : memref<10000xf32, #tpu.memory_space<vmem_shared>> -> memref<2000xf32, #tpu.memory_space<vmem_shared>>
        tpu.wait_dma2 semaphore(%run_scoped3A : memref<!tpu.dma_semaphore, #tpu.memory_space<semaphore_mem>>) src(%arg5 : memref<2000xf32, #tpu.memory_space<vmem>>) dst(%dma_wait3A_34 : memref<2000xf32, #tpu.memory_space<vmem_shared>>)
        tpu.yield
      }) : () -> ()
      "tpu.region"() ({
        %run_scoped3A = tpu.sem_alloc : memref<!tpu.dma_semaphore, #tpu.memory_space<semaphore_mem>>
        %dma_start3A = arith.constant 2000 : i32
        %dma_start3A_29 = tpu.memref_slice %arg6[%dma_start3A] : memref<10000xf32, #tpu.memory_space<vmem_shared>> -> memref<2000xf32, #tpu.memory_space<vmem_shared>>
        %dma_start3A_30 = arith.constant 2000 : i32
        %dma_start3A_31 = tpu.memref_slice %arg6[%dma_start3A_30] : memref<10000xf32, #tpu.memory_space<vmem_shared>> -> memref<2000xf32, #tpu.memory_space<vmem_shared>>
        tpu.enqueue_dma source(%arg5 : memref<2000xf32, #tpu.memory_space<vmem>>) target(%dma_start3A_31 : memref<2000xf32, #tpu.memory_space<vmem_shared>>) target_semaphore(%run_scoped3A : memref<!tpu.dma_semaphore, #tpu.memory_space<semaphore_mem>>)
        %dma_wait3A = arith.constant 2000 : i32
        %dma_wait3A_32 = tpu.memref_slice %arg6[%dma_wait3A] : memref<10000xf32, #tpu.memory_space<vmem_shared>> -> memref<2000xf32, #tpu.memory_space<vmem_shared>>
        %dma_wait3A_33 = arith.constant 2000 : i32
        %dma_wait3A_34 = tpu.memref_slice %arg6[%dma_wait3A_33] : memref<10000xf32, #tpu.memory_space<vmem_shared>> -> memref<2000xf32, #tpu.memory_space<vmem_shared>>
        tpu.wait_dma2 semaphore(%run_scoped3A : memref<!tpu.dma_semaphore, #tpu.memory_space<semaphore_mem>>) src(%arg5 : memref<2000xf32, #tpu.memory_space<vmem>>) dst(%dma_wait3A_34 : memref<2000xf32, #tpu.memory_space<vmem_shared>>)
        tpu.yield
      }) : () -> ()
      "tpu.region"() ({
        %run_scoped3A = tpu.sem_alloc : memref<!tpu.dma_semaphore, #tpu.memory_space<semaphore_mem>>
        %dma_start3A = arith.constant 4000 : i32
        %dma_start3A_29 = tpu.memref_slice %arg6[%dma_start3A] : memref<10000xf32, #tpu.memory_space<vmem_shared>> -> memref<2000xf32, #tpu.memory_space<vmem_shared>>
        %dma_start3A_30 = arith.constant 4000 : i32
        %dma_start3A_31 = tpu.memref_slice %arg6[%dma_start3A_30] : memref<10000xf32, #tpu.memory_space<vmem_shared>> -> memref<2000xf32, #tpu.memory_space<vmem_shared>>
        tpu.enqueue_dma source(%arg5 : memref<2000xf32, #tpu.memory_space<vmem>>) target(%dma_start3A_31 : memref<2000xf32, #tpu.memory_space<vmem_shared>>) target_semaphore(%run_scoped3A : memref<!tpu.dma_semaphore, #tpu.memory_space<semaphore_mem>>)
        %dma_wait3A = arith.constant 4000 : i32
        %dma_wait3A_32 = tpu.memref_slice %arg6[%dma_wait3A] : memref<10000xf32, #tpu.memory_space<vmem_shared>> -> memref<2000xf32, #tpu.memory_space<vmem_shared>>
        %dma_wait3A_33 = arith.constant 4000 : i32
        %dma_wait3A_34 = tpu.memref_slice %arg6[%dma_wait3A_33] : memref<10000xf32, #tpu.memory_space<vmem_shared>> -> memref<2000xf32, #tpu.memory_space<vmem_shared>>
        tpu.wait_dma2 semaphore(%run_scoped3A : memref<!tpu.dma_semaphore, #tpu.memory_space<semaphore_mem>>) src(%arg5 : memref<2000xf32, #tpu.memory_space<vmem>>) dst(%dma_wait3A_34 : memref<2000xf32, #tpu.memory_space<vmem_shared>>)
        tpu.yield
      }) : () -> ()
      "tpu.region"() ({
        %run_scoped3A = tpu.sem_alloc : memref<!tpu.dma_semaphore, #tpu.memory_space<semaphore_mem>>
        %dma_start3A = arith.constant 6000 : i32
        %dma_start3A_29 = tpu.memref_slice %arg6[%dma_start3A] : memref<10000xf32, #tpu.memory_space<vmem_shared>> -> memref<2000xf32, #tpu.memory_space<vmem_shared>>
        %dma_start3A_30 = arith.constant 6000 : i32
        %dma_start3A_31 = tpu.memref_slice %arg6[%dma_start3A_30] : memref<10000xf32, #tpu.memory_space<vmem_shared>> -> memref<2000xf32, #tpu.memory_space<vmem_shared>>
        tpu.enqueue_dma source(%arg5 : memref<2000xf32, #tpu.memory_space<vmem>>) target(%dma_start3A_31 : memref<2000xf32, #tpu.memory_space<vmem_shared>>) target_semaphore(%run_scoped3A : memref<!tpu.dma_semaphore, #tpu.memory_space<semaphore_mem>>)
        %dma_wait3A = arith.constant 6000 : i32
        %dma_wait3A_32 = tpu.memref_slice %arg6[%dma_wait3A] : memref<10000xf32, #tpu.memory_space<vmem_shared>> -> memref<2000xf32, #tpu.memory_space<vmem_shared>>
        %dma_wait3A_33 = arith.constant 6000 : i32
        %dma_wait3A_34 = tpu.memref_slice %arg6[%dma_wait3A_33] : memref<10000xf32, #tpu.memory_space<vmem_shared>> -> memref<2000xf32, #tpu.memory_space<vmem_shared>>
        tpu.wait_dma2 semaphore(%run_scoped3A : memref<!tpu.dma_semaphore, #tpu.memory_space<semaphore_mem>>) src(%arg5 : memref<2000xf32, #tpu.memory_space<vmem>>) dst(%dma_wait3A_34 : memref<2000xf32, #tpu.memory_space<vmem_shared>>)
        tpu.yield
      }) : () -> ()
      "tpu.region"() ({
        %run_scoped3A = tpu.sem_alloc : memref<!tpu.dma_semaphore, #tpu.memory_space<semaphore_mem>>
        %dma_start3A = arith.constant 8000 : i32
        %dma_start3A_29 = tpu.memref_slice %arg6[%dma_start3A] : memref<10000xf32, #tpu.memory_space<vmem_shared>> -> memref<2000xf32, #tpu.memory_space<vmem_shared>>
        %dma_start3A_30 = arith.constant 8000 : i32
        %dma_start3A_31 = tpu.memref_slice %arg6[%dma_start3A_30] : memref<10000xf32, #tpu.memory_space<vmem_shared>> -> memref<2000xf32, #tpu.memory_space<vmem_shared>>
        tpu.enqueue_dma source(%arg5 : memref<2000xf32, #tpu.memory_space<vmem>>) target(%dma_start3A_31 : memref<2000xf32, #tpu.memory_space<vmem_shared>>) target_semaphore(%run_scoped3A : memref<!tpu.dma_semaphore, #tpu.memory_space<semaphore_mem>>)
        %dma_wait3A = arith.constant 8000 : i32
        %dma_wait3A_32 = tpu.memref_slice %arg6[%dma_wait3A] : memref<10000xf32, #tpu.memory_space<vmem_shared>> -> memref<2000xf32, #tpu.memory_space<vmem_shared>>
        %dma_wait3A_33 = arith.constant 8000 : i32
        %dma_wait3A_34 = tpu.memref_slice %arg6[%dma_wait3A_33] : memref<10000xf32, #tpu.memory_space<vmem_shared>> -> memref<2000xf32, #tpu.memory_space<vmem_shared>>
        tpu.wait_dma2 semaphore(%run_scoped3A : memref<!tpu.dma_semaphore, #tpu.memory_space<semaphore_mem>>) src(%arg5 : memref<2000xf32, #tpu.memory_space<vmem>>) dst(%dma_wait3A_34 : memref<2000xf32, #tpu.memory_space<vmem_shared>>)
        tpu.yield
      }) : () -> ()
    } else {
    }
    %scan3A_9 = arith.constant 0 : i32
    %scan3A_10 = arith.constant 0 : i32
    %scan3A_11 = arith.constant 125 : i32
    %scan3A_12 = arith.addi %scan3A_10, %scan3A_11 : i32
    %scan3A_13 = arith.constant 1 : i32
    %scan3A_14 = scf.for %scan3A_29 = %scan3A_10 to %scan3A_12 step %scan3A_13 iter_args(%scan3A_30 = %scan3A_9) -> (i32)  : i32 {
      %broadcast_in_dim3A = arith.constant 1.000000e+00 : f32
      %broadcast_in_dim3A_31 = vector.broadcast %broadcast_in_dim3A : f32 to vector<16xf32>
      %mul3A_32 = arith.constant 16 : i32
      %mul3A_33 = arith.muli %scan3A_29, %mul3A_32 : i32
      %swap3A = arith.index_cast %mul3A_33 : i32 to index
      %swap3A_34 = tpu.vector_load %arg5[%swap3A] {strides = array<i32>} : memref<2000xf32, #tpu.memory_space<vmem>>, vector<16xf32>,
      %swap3A_35 = vector.shape_cast %swap3A_34 : vector<16xf32> to vector<16xf32>
      %swap3A_36 = vector.shape_cast %broadcast_in_dim3A_31 : vector<16xf32> to vector<16xf32>
      tpu.vector_store %arg5[%swap3A], %swap3A_36 {strides = array<i32>} : memref<2000xf32, #tpu.memory_space<vmem>>, vector<16xf32>,
      %scan3A_37 = arith.constant 0 : i32
      scf.yield %scan3A_37 : i32
    }
    %scan3A_15 = arith.constant 125 : i32
    %barrier3A = arith.constant 0 : index
    tpu.barrier barrier_id(%barrier3A)
    %scan3A_16 = arith.constant 0 : i32
    %scan3A_17 = arith.constant 0 : i32
    %scan3A_18 = arith.constant 5 : i32
    %scan3A_19 = arith.addi %scan3A_17, %scan3A_18 : i32
    %scan3A_20 = arith.constant 1 : i32
    %scan3A_21 = scf.for %scan3A_29 = %scan3A_17 to %scan3A_19 step %scan3A_20 iter_args(%scan3A_30 = %scan3A_16) -> (i32)  : i32 {
      %mul3A_31 = arith.constant 10000 : i32
      %mul3A_32 = arith.muli %add3A, %mul3A_31 : i32
      %add3A_33 = arith.constant 320000 : i32
      %add3A_34 = arith.addi %add3A_33, %mul3A_32 : i32
      %mul3A_35 = arith.constant 2000 : i32
      %mul3A_36 = arith.muli %scan3A_29, %mul3A_35 : i32
      %add3A_37 = arith.addi %add3A_34, %mul3A_36 : i32
      "tpu.region"() ({
        %run_scoped3A = tpu.sem_alloc : memref<!tpu.dma_semaphore, #tpu.memory_space<semaphore_mem>>
        %dma_start3A = tpu.memref_slice %arg2[%add3A_37] : memref<640000xi32, #tpu.memory_space<hbm>> -> memref<2000xi32, #tpu.memory_space<hbm>>
        %dma_start3A_39 = tpu.memref_slice %arg2[%add3A_37] : memref<640000xi32, #tpu.memory_space<hbm>> -> memref<2000xi32, #tpu.memory_space<hbm>>
        tpu.enqueue_dma source(%dma_start3A_39 : memref<2000xi32, #tpu.memory_space<hbm>>) target(%arg4 : memref<2000xi32, #tpu.memory_space<vmem>>) target_semaphore(%run_scoped3A : memref<!tpu.dma_semaphore, #tpu.memory_space<semaphore_mem>>)
        %dma_wait3A = tpu.memref_slice %arg2[%add3A_37] : memref<640000xi32, #tpu.memory_space<hbm>> -> memref<2000xi32, #tpu.memory_space<hbm>>
        %dma_wait3A_40 = tpu.memref_slice %arg2[%add3A_37] : memref<640000xi32, #tpu.memory_space<hbm>> -> memref<2000xi32, #tpu.memory_space<hbm>>
        tpu.wait_dma2 semaphore(%run_scoped3A : memref<!tpu.dma_semaphore, #tpu.memory_space<semaphore_mem>>) src(%dma_wait3A_40 : memref<2000xi32, #tpu.memory_space<hbm>>) dst(%arg4 : memref<2000xi32, #tpu.memory_space<vmem>>)
        tpu.yield
      }) : () -> ()
      "tpu.region"() ({
        %run_scoped3A = tpu.sem_alloc : memref<!tpu.dma_semaphore, #tpu.memory_space<semaphore_mem>>
        %dma_start3A = arith.constant 0 : i32
        %dma_start3A_39 = tpu.memref_slice %arg6[%dma_start3A] : memref<10000xf32, #tpu.memory_space<vmem_shared>> -> memref<10000xf32, #tpu.memory_space<vmem_shared>>
        tpu.enqueue_indirect_dma source(%arg5 : memref<2000xf32, #tpu.memory_space<vmem>>) target(%dma_start3A_39 : memref<10000xf32, #tpu.memory_space<vmem_shared>>) offsets(%arg4 : memref<2000xi32, #tpu.memory_space<vmem>>) semaphore(%run_scoped3A : memref<!tpu.dma_semaphore, #tpu.memory_space<semaphore_mem>>) {add = true}
        %dma_wait3A = arith.constant 0 : i32
        %dma_wait3A_40 = tpu.memref_slice %arg6[%dma_wait3A] : memref<10000xf32, #tpu.memory_space<vmem_shared>> -> memref<10000xf32, #tpu.memory_space<vmem_shared>>
        tpu.wait_indirect_dma semaphore(%run_scoped3A : memref<!tpu.dma_semaphore, #tpu.memory_space<semaphore_mem>>) src(%arg5 : memref<2000xf32, #tpu.memory_space<vmem>>) dst(%dma_wait3A_40 : memref<10000xf32, #tpu.memory_space<vmem_shared>>)
        tpu.yield
      }) : () -> ()
      %scan3A_38 = arith.constant 0 : i32
      scf.yield %scan3A_38 : i32
    }
    %scan3A_22 = arith.constant 5 : i32
    %barrier3A_23 = arith.constant 0 : index
    tpu.barrier barrier_id(%barrier3A_23)
    %eq3A_24 = arith.constant 0 : i32
    %eq3A_25 = arith.cmpi eq, %arg1, %eq3A_24 : i32
    %convert_element_type3A_26 = arith.extui %eq3A_25 : i1 to i32
    %cond3A_27 = arith.constant 0 : i32
    %cond3A_28 = arith.cmpi ne, %convert_element_type3A_26, %cond3A_27 : i32
    scf.if %cond3A_28 {
      "tpu.region"() ({
        %run_scoped3A = tpu.sem_alloc : memref<!tpu.dma_semaphore, #tpu.memory_space<semaphore_mem>>
        %dma_start3A = arith.constant 0 : i32
        %dma_start3A_29 = tpu.memref_slice %arg3[%arg0, %dma_start3A] : memref<2x10000xf32, #tpu.memory_space<hbm>> -> memref<1x10000xf32, #tpu.memory_space<hbm>>
        %dma_start3A_30 = tpu.memref_squeeze %dma_start3A_29 : memref<1x10000xf32, #tpu.memory_space<hbm>> -> memref<10000xf32, #tpu.memory_space<hbm>>
        tpu.enqueue_dma source(%arg6 : memref<10000xf32, #tpu.memory_space<vmem_shared>>) target(%dma_start3A_30 : memref<10000xf32, #tpu.memory_space<hbm>>) target_semaphore(%run_scoped3A : memref<!tpu.dma_semaphore, #tpu.memory_space<semaphore_mem>>)
        %dma_wait3A = arith.constant 0 : i32
        %dma_wait3A_31 = tpu.memref_slice %arg3[%arg0, %dma_wait3A] : memref<2x10000xf32, #tpu.memory_space<hbm>> -> memref<1x10000xf32, #tpu.memory_space<hbm>>
        %dma_wait3A_32 = tpu.memref_squeeze %dma_wait3A_31 : memref<1x10000xf32, #tpu.memory_space<hbm>> -> memref<10000xf32, #tpu.memory_space<hbm>>
        tpu.wait_dma2 semaphore(%run_scoped3A : memref<!tpu.dma_semaphore, #tpu.memory_space<semaphore_mem>>) src(%arg6 : memref<10000xf32, #tpu.memory_space<vmem_shared>>) dst(%dma_wait3A_32 : memref<10000xf32, #tpu.memory_space<hbm>>)
        tpu.yield
      }) : () -> ()
    } else {
    }
    return
  }
}

#map = affine_map<(d0, d1) -> (0, 0)>
#map1 = affine_map<(d0, d1) -> (0)>
#map2 = affine_map<(d0, d1) -> (0, 0, 0)>
module attributes {stable_mosaic.version = 14 : i64} {
  func.func @_agg_body(%arg0: i32, %arg1: i32, %arg2: memref<10000x128xf32, #tpu.memory_space<hbm>>, %arg3: memref<640000xi32, #tpu.memory_space<hbm>>, %arg4: memref<2x10000x128xf32, #tpu.memory_space<hbm>>, %arg5: memref<80xi32, #tpu.memory_space<vmem>>, %arg6: memref<80xi32, #tpu.memory_space<vmem>>, %arg7: memref<80xi32, #tpu.memory_space<vmem>>, %arg8: memref<80xi32, #tpu.memory_space<vmem>>, %arg9: memref<80xi32, #tpu.memory_space<vmem>>, %arg10: memref<80xi32, #tpu.memory_space<vmem>>, %arg11: memref<80xi32, #tpu.memory_space<vmem>>, %arg12: memref<80xi32, #tpu.memory_space<vmem>>, %arg13: memref<80xi32, #tpu.memory_space<vmem>>, %arg14: memref<80xi32, #tpu.memory_space<vmem>>, %arg15: memref<80xi32, #tpu.memory_space<vmem>>, %arg16: memref<80xi32, #tpu.memory_space<vmem>>, %arg17: memref<80x128xf32, #tpu.memory_space<vmem>>, %arg18: memref<80x128xf32, #tpu.memory_space<vmem>>, %arg19: memref<80x128xf32, #tpu.memory_space<vmem>>, %arg20: memref<80x128xf32, #tpu.memory_space<vmem>>, %arg21: memref<10000x128xf32, #tpu.memory_space<vmem_shared>>, %arg22: memref<!tpu.dma_semaphore, #tpu.memory_space<semaphore_mem>>, %arg23: memref<!tpu.dma_semaphore, #tpu.memory_space<semaphore_mem>>, %arg24: memref<!tpu.dma_semaphore, #tpu.memory_space<semaphore_mem>>, %arg25: memref<!tpu.dma_semaphore, #tpu.memory_space<semaphore_mem>>, %arg26: memref<!tpu.dma_semaphore, #tpu.memory_space<semaphore_mem>>, %arg27: memref<!tpu.dma_semaphore, #tpu.memory_space<semaphore_mem>>, %arg28: memref<!tpu.dma_semaphore, #tpu.memory_space<semaphore_mem>>, %arg29: memref<!tpu.dma_semaphore, #tpu.memory_space<semaphore_mem>>, %arg30: memref<!tpu.dma_semaphore, #tpu.memory_space<semaphore_mem>>, %arg31: memref<!tpu.dma_semaphore, #tpu.memory_space<semaphore_mem>>, %arg32: memref<!tpu.dma_semaphore, #tpu.memory_space<semaphore_mem>>, %arg33: memref<!tpu.dma_semaphore, #tpu.memory_space<semaphore_mem>>) attributes {dimension_semantics = [#tpu.dimension_semantics<core_parallel>, #tpu.dimension_semantics<subcore_parallel>], iteration_bounds = array<i64: 2, 16>, scalar_prefetch = 0 : i64, scratch_operands = 29 : i64, tpu.core_type = #tpu.core_type<sc_vector_subcore>, window_params = [{transform_indices = #map}, {transform_indices = #map1}, {transform_indices = #map2}]} {
    %mul3A = arith.constant 16 : i32
    %mul3A_0 = arith.muli %arg0, %mul3A : i32
    %add3A = arith.addi %mul3A_0, %arg1 : i32
    %scan3A = arith.constant 0 : i32
    %scan3A_1 = arith.constant 0 : i32
    %scan3A_2 = arith.constant 640 : i32
    %scan3A_3 = arith.addi %scan3A_1, %scan3A_2 : i32
    %scan3A_4 = arith.constant 1 : i32
    %scan3A_5 = scf.for %scan3A_240 = %scan3A_1 to %scan3A_3 step %scan3A_4 iter_args(%scan3A_241 = %scan3A) -> (i32)  : i32 {
      %broadcast_in_dim3A = arith.constant 0.000000e+00 : f32
      %broadcast_in_dim3A_242 = vector.broadcast %broadcast_in_dim3A : f32 to vector<16xf32>
      %jit3A = arith.constant 8 : i32
      %div3A = arith.divsi %scan3A_240, %jit3A : i32
      %sign3A = arith.constant 0 : i32
      %sign3A_243 = arith.cmpi sgt, %scan3A_240, %sign3A : i32
      %sign3A_244 = arith.extui %sign3A_243 : i1 to i32
      %sign3A_245 = arith.constant 0 : i32
      %sign3A_246 = arith.cmpi slt, %scan3A_240, %sign3A_245 : i32
      %sign3A_247 = arith.extui %sign3A_246 : i1 to i32
      %sign3A_248 = arith.subi %sign3A_244, %sign3A_247 : i32
      %sign3A_249 = arith.constant 0 : i32
      %sign3A_250 = arith.cmpi sgt, %jit3A, %sign3A_249 : i32
      %sign3A_251 = arith.extui %sign3A_250 : i1 to i32
      %sign3A_252 = arith.constant 0 : i32
      %sign3A_253 = arith.cmpi slt, %jit3A, %sign3A_252 : i32
      %sign3A_254 = arith.extui %sign3A_253 : i1 to i32
      %sign3A_255 = arith.subi %sign3A_251, %sign3A_254 : i32
      %ne3A = arith.cmpi ne, %sign3A_248, %sign3A_255 : i32
      %rem3A = arith.remsi %scan3A_240, %jit3A : i32
      %ne3A_256 = arith.constant 0 : i32
      %ne3A_257 = arith.cmpi ne, %rem3A, %ne3A_256 : i32
      %and3A = arith.andi %ne3A, %ne3A_257 : i1
      %sub3A = arith.constant 1 : i32
      %sub3A_258 = arith.subi %div3A, %sub3A : i32
      %select_n3A = arith.select %and3A, %sub3A_258, %div3A : i32
      %jit3A_259 = arith.constant 8 : i32
      %eq3A_260 = arith.constant 0 : i32
      %eq3A_261 = arith.cmpi eq, %jit3A_259, %eq3A_260 : i32
      %jit3A_262 = arith.constant 1 : i32
      %select_n3A_263 = arith.select %eq3A_261, %jit3A_262, %jit3A_259 : i32
      %rem3A_264 = arith.remsi %scan3A_240, %select_n3A_263 : i32
      %ne3A_265 = arith.constant 0 : i32
      %ne3A_266 = arith.cmpi ne, %rem3A_264, %ne3A_265 : i32
      %lt3A = arith.constant 0 : i32
      %lt3A_267 = arith.cmpi slt, %rem3A_264, %lt3A : i32
      %lt3A_268 = arith.constant 0 : i32
      %lt3A_269 = arith.cmpi slt, %select_n3A_263, %lt3A_268 : i32
      %ne3A_270 = arith.xori %lt3A_267, %lt3A_269 : i1
      %and3A_271 = arith.andi %ne3A_270, %ne3A_266 : i1
      %add3A_272 = arith.addi %rem3A_264, %select_n3A_263 : i32
      %select_n3A_273 = arith.select %and3A_271, %add3A_272, %rem3A_264 : i32
      %mul3A_274 = arith.constant 16 : i32
      %mul3A_275 = arith.muli %select_n3A_273, %mul3A_274 : i32
      %swap3A = arith.index_cast %select_n3A : i32 to index
      %swap3A_276 = arith.index_cast %mul3A_275 : i32 to index
      %swap3A_277 = tpu.vector_load %arg17[%swap3A, %swap3A_276] {strides = array<i32>} : memref<80x128xf32, #tpu.memory_space<vmem>>, vector<1x16xf32>,
      %swap3A_278 = vector.shape_cast %swap3A_277 : vector<1x16xf32> to vector<16xf32>
      %swap3A_279 = vector.shape_cast %broadcast_in_dim3A_242 : vector<16xf32> to vector<1x16xf32>
      tpu.vector_store %arg17[%swap3A, %swap3A_276], %swap3A_279 {strides = array<i32>} : memref<80x128xf32, #tpu.memory_space<vmem>>, vector<1x16xf32>,
      %scan3A_280 = arith.constant 0 : i32
      scf.yield %scan3A_280 : i32
    }
    %scan3A_6 = arith.constant 640 : i32
    %mul3A_7 = arith.constant 624 : i32
    %mul3A_8 = arith.muli %arg1, %mul3A_7 : i32
    %multiple_of3A = tpu.assume_multiple %mul3A_8, 8 : i32
    %add3A_9 = arith.constant 0 : i32
    %add3A_10 = arith.addi %multiple_of3A, %add3A_9 : i32
    %dma_start3A = arith.constant 0 : i32
    %dma_start3A_11 = tpu.memref_slice %arg21[%add3A_10, %dma_start3A] : memref<10000x128xf32, #tpu.memory_space<vmem_shared>> -> memref<80x128xf32, #tpu.memory_space<vmem_shared>>
    %dma_start3A_12 = arith.constant 0 : i32
    %dma_start3A_13 = tpu.memref_slice %arg21[%add3A_10, %dma_start3A_12] : memref<10000x128xf32, #tpu.memory_space<vmem_shared>> -> memref<80x128xf32, #tpu.memory_space<vmem_shared>>
    tpu.enqueue_dma source(%arg17 : memref<80x128xf32, #tpu.memory_space<vmem>>) target(%dma_start3A_13 : memref<80x128xf32, #tpu.memory_space<vmem_shared>>) target_semaphore(%arg26 : memref<!tpu.dma_semaphore, #tpu.memory_space<semaphore_mem>>)
    %add3A_14 = arith.constant 80 : i32
    %add3A_15 = arith.addi %multiple_of3A, %add3A_14 : i32
    %dma_start3A_16 = arith.constant 0 : i32
    %dma_start3A_17 = tpu.memref_slice %arg21[%add3A_15, %dma_start3A_16] : memref<10000x128xf32, #tpu.memory_space<vmem_shared>> -> memref<80x128xf32, #tpu.memory_space<vmem_shared>>
    %dma_start3A_18 = arith.constant 0 : i32
    %dma_start3A_19 = tpu.memref_slice %arg21[%add3A_15, %dma_start3A_18] : memref<10000x128xf32, #tpu.memory_space<vmem_shared>> -> memref<80x128xf32, #tpu.memory_space<vmem_shared>>
    tpu.enqueue_dma source(%arg17 : memref<80x128xf32, #tpu.memory_space<vmem>>) target(%dma_start3A_19 : memref<80x128xf32, #tpu.memory_space<vmem_shared>>) target_semaphore(%arg26 : memref<!tpu.dma_semaphore, #tpu.memory_space<semaphore_mem>>)
    %add3A_20 = arith.constant 160 : i32
    %add3A_21 = arith.addi %multiple_of3A, %add3A_20 : i32
    %dma_start3A_22 = arith.constant 0 : i32
    %dma_start3A_23 = tpu.memref_slice %arg21[%add3A_21, %dma_start3A_22] : memref<10000x128xf32, #tpu.memory_space<vmem_shared>> -> memref<80x128xf32, #tpu.memory_space<vmem_shared>>
    %dma_start3A_24 = arith.constant 0 : i32
    %dma_start3A_25 = tpu.memref_slice %arg21[%add3A_21, %dma_start3A_24] : memref<10000x128xf32, #tpu.memory_space<vmem_shared>> -> memref<80x128xf32, #tpu.memory_space<vmem_shared>>
    tpu.enqueue_dma source(%arg17 : memref<80x128xf32, #tpu.memory_space<vmem>>) target(%dma_start3A_25 : memref<80x128xf32, #tpu.memory_space<vmem_shared>>) target_semaphore(%arg26 : memref<!tpu.dma_semaphore, #tpu.memory_space<semaphore_mem>>)
    %add3A_26 = arith.constant 240 : i32
    %add3A_27 = arith.addi %multiple_of3A, %add3A_26 : i32
    %dma_start3A_28 = arith.constant 0 : i32
    %dma_start3A_29 = tpu.memref_slice %arg21[%add3A_27, %dma_start3A_28] : memref<10000x128xf32, #tpu.memory_space<vmem_shared>> -> memref<80x128xf32, #tpu.memory_space<vmem_shared>>
    %dma_start3A_30 = arith.constant 0 : i32
    %dma_start3A_31 = tpu.memref_slice %arg21[%add3A_27, %dma_start3A_30] : memref<10000x128xf32, #tpu.memory_space<vmem_shared>> -> memref<80x128xf32, #tpu.memory_space<vmem_shared>>
    tpu.enqueue_dma source(%arg17 : memref<80x128xf32, #tpu.memory_space<vmem>>) target(%dma_start3A_31 : memref<80x128xf32, #tpu.memory_space<vmem_shared>>) target_semaphore(%arg26 : memref<!tpu.dma_semaphore, #tpu.memory_space<semaphore_mem>>)
    %add3A_32 = arith.constant 320 : i32
    %add3A_33 = arith.addi %multiple_of3A, %add3A_32 : i32
    %dma_start3A_34 = arith.constant 0 : i32
    %dma_start3A_35 = tpu.memref_slice %arg21[%add3A_33, %dma_start3A_34] : memref<10000x128xf32, #tpu.memory_space<vmem_shared>> -> memref<80x128xf32, #tpu.memory_space<vmem_shared>>
    %dma_start3A_36 = arith.constant 0 : i32
    %dma_start3A_37 = tpu.memref_slice %arg21[%add3A_33, %dma_start3A_36] : memref<10000x128xf32, #tpu.memory_space<vmem_shared>> -> memref<80x128xf32, #tpu.memory_space<vmem_shared>>
    tpu.enqueue_dma source(%arg17 : memref<80x128xf32, #tpu.memory_space<vmem>>) target(%dma_start3A_37 : memref<80x128xf32, #tpu.memory_space<vmem_shared>>) target_semaphore(%arg26 : memref<!tpu.dma_semaphore, #tpu.memory_space<semaphore_mem>>)
    %add3A_38 = arith.constant 400 : i32
    %add3A_39 = arith.addi %multiple_of3A, %add3A_38 : i32
    %dma_start3A_40 = arith.constant 0 : i32
    %dma_start3A_41 = tpu.memref_slice %arg21[%add3A_39, %dma_start3A_40] : memref<10000x128xf32, #tpu.memory_space<vmem_shared>> -> memref<80x128xf32, #tpu.memory_space<vmem_shared>>
    %dma_start3A_42 = arith.constant 0 : i32
    %dma_start3A_43 = tpu.memref_slice %arg21[%add3A_39, %dma_start3A_42] : memref<10000x128xf32, #tpu.memory_space<vmem_shared>> -> memref<80x128xf32, #tpu.memory_space<vmem_shared>>
    tpu.enqueue_dma source(%arg17 : memref<80x128xf32, #tpu.memory_space<vmem>>) target(%dma_start3A_43 : memref<80x128xf32, #tpu.memory_space<vmem_shared>>) target_semaphore(%arg26 : memref<!tpu.dma_semaphore, #tpu.memory_space<semaphore_mem>>)
    %add3A_44 = arith.constant 480 : i32
    %add3A_45 = arith.addi %multiple_of3A, %add3A_44 : i32
    %dma_start3A_46 = arith.constant 0 : i32
    %dma_start3A_47 = tpu.memref_slice %arg21[%add3A_45, %dma_start3A_46] : memref<10000x128xf32, #tpu.memory_space<vmem_shared>> -> memref<80x128xf32, #tpu.memory_space<vmem_shared>>
    %dma_start3A_48 = arith.constant 0 : i32
    %dma_start3A_49 = tpu.memref_slice %arg21[%add3A_45, %dma_start3A_48] : memref<10000x128xf32, #tpu.memory_space<vmem_shared>> -> memref<80x128xf32, #tpu.memory_space<vmem_shared>>
    tpu.enqueue_dma source(%arg17 : memref<80x128xf32, #tpu.memory_space<vmem>>) target(%dma_start3A_49 : memref<80x128xf32, #tpu.memory_space<vmem_shared>>) target_semaphore(%arg26 : memref<!tpu.dma_semaphore, #tpu.memory_space<semaphore_mem>>)
    %add3A_50 = arith.constant 560 : i32
    %add3A_51 = arith.addi %multiple_of3A, %add3A_50 : i32
    %dma_start3A_52 = arith.constant 0 : i32
    %dma_start3A_53 = arith.constant 0 : i32
    %dma_start3A_54 = tpu.memref_slice %arg17[%dma_start3A_52, %dma_start3A_53] : memref<80x128xf32, #tpu.memory_space<vmem>> -> memref<64x128xf32, #tpu.memory_space<vmem>>
    %dma_start3A_55 = arith.constant 0 : i32
    %dma_start3A_56 = tpu.memref_slice %arg21[%add3A_51, %dma_start3A_55] : memref<10000x128xf32, #tpu.memory_space<vmem_shared>> -> memref<64x128xf32, #tpu.memory_space<vmem_shared>>
    %dma_start3A_57 = arith.constant 0 : i32
    %dma_start3A_58 = tpu.memref_slice %arg21[%add3A_51, %dma_start3A_57] : memref<10000x128xf32, #tpu.memory_space<vmem_shared>> -> memref<64x128xf32, #tpu.memory_space<vmem_shared>>
    %dma_start3A_59 = arith.constant 0 : i32
    %dma_start3A_60 = arith.constant 0 : i32
    %dma_start3A_61 = tpu.memref_slice %arg17[%dma_start3A_59, %dma_start3A_60] : memref<80x128xf32, #tpu.memory_space<vmem>> -> memref<64x128xf32, #tpu.memory_space<vmem>>
    tpu.enqueue_dma source(%dma_start3A_61 : memref<64x128xf32, #tpu.memory_space<vmem>>) target(%dma_start3A_58 : memref<64x128xf32, #tpu.memory_space<vmem_shared>>) target_semaphore(%arg26 : memref<!tpu.dma_semaphore, #tpu.memory_space<semaphore_mem>>)
    %eq3A = arith.constant 0 : i32
    %eq3A_62 = arith.cmpi eq, %arg1, %eq3A : i32
    %convert_element_type3A = arith.extui %eq3A_62 : i1 to i32
    %cond3A = arith.constant 0 : i32
    %cond3A_63 = arith.cmpi ne, %convert_element_type3A, %cond3A : i32
    scf.if %cond3A_63 {
      %dma_start3A_240 = arith.constant 0 : i32
      %dma_start3A_241 = arith.constant 0 : i32
      %dma_start3A_242 = tpu.memref_slice %arg17[%dma_start3A_240, %dma_start3A_241] : memref<80x128xf32, #tpu.memory_space<vmem>> -> memref<16x128xf32, #tpu.memory_space<vmem>>
      %dma_start3A_243 = arith.constant 9984 : i32
      %dma_start3A_244 = arith.constant 0 : i32
      %dma_start3A_245 = tpu.memref_slice %arg21[%dma_start3A_243, %dma_start3A_244] : memref<10000x128xf32, #tpu.memory_space<vmem_shared>> -> memref<16x128xf32, #tpu.memory_space<vmem_shared>>
      %dma_start3A_246 = arith.constant 9984 : i32
      %dma_start3A_247 = arith.constant 0 : i32
      %dma_start3A_248 = tpu.memref_slice %arg21[%dma_start3A_246, %dma_start3A_247] : memref<10000x128xf32, #tpu.memory_space<vmem_shared>> -> memref<16x128xf32, #tpu.memory_space<vmem_shared>>
      %dma_start3A_249 = arith.constant 0 : i32
      %dma_start3A_250 = arith.constant 0 : i32
      %dma_start3A_251 = tpu.memref_slice %arg17[%dma_start3A_249, %dma_start3A_250] : memref<80x128xf32, #tpu.memory_space<vmem>> -> memref<16x128xf32, #tpu.memory_space<vmem>>
      tpu.enqueue_dma source(%dma_start3A_251 : memref<16x128xf32, #tpu.memory_space<vmem>>) target(%dma_start3A_248 : memref<16x128xf32, #tpu.memory_space<vmem_shared>>) target_semaphore(%arg26 : memref<!tpu.dma_semaphore, #tpu.memory_space<semaphore_mem>>)
    } else {
    }
    %add3A_64 = arith.constant 0 : i32
    %add3A_65 = arith.addi %multiple_of3A, %add3A_64 : i32
    %dma_wait3A = arith.constant 0 : i32
    %dma_wait3A_66 = tpu.memref_slice %arg21[%add3A_65, %dma_wait3A] : memref<10000x128xf32, #tpu.memory_space<vmem_shared>> -> memref<80x128xf32, #tpu.memory_space<vmem_shared>>
    %dma_wait3A_67 = arith.constant 0 : i32
    %dma_wait3A_68 = tpu.memref_slice %arg21[%add3A_65, %dma_wait3A_67] : memref<10000x128xf32, #tpu.memory_space<vmem_shared>> -> memref<80x128xf32, #tpu.memory_space<vmem_shared>>
    tpu.wait_dma2 semaphore(%arg26 : memref<!tpu.dma_semaphore, #tpu.memory_space<semaphore_mem>>) src(%arg17 : memref<80x128xf32, #tpu.memory_space<vmem>>) dst(%dma_wait3A_68 : memref<80x128xf32, #tpu.memory_space<vmem_shared>>)
    %add3A_69 = arith.constant 80 : i32
    %add3A_70 = arith.addi %multiple_of3A, %add3A_69 : i32
    %dma_wait3A_71 = arith.constant 0 : i32
    %dma_wait3A_72 = tpu.memref_slice %arg21[%add3A_70, %dma_wait3A_71] : memref<10000x128xf32, #tpu.memory_space<vmem_shared>> -> memref<80x128xf32, #tpu.memory_space<vmem_shared>>
    %dma_wait3A_73 = arith.constant 0 : i32
    %dma_wait3A_74 = tpu.memref_slice %arg21[%add3A_70, %dma_wait3A_73] : memref<10000x128xf32, #tpu.memory_space<vmem_shared>> -> memref<80x128xf32, #tpu.memory_space<vmem_shared>>
    tpu.wait_dma2 semaphore(%arg26 : memref<!tpu.dma_semaphore, #tpu.memory_space<semaphore_mem>>) src(%arg17 : memref<80x128xf32, #tpu.memory_space<vmem>>) dst(%dma_wait3A_74 : memref<80x128xf32, #tpu.memory_space<vmem_shared>>)
    %add3A_75 = arith.constant 160 : i32
    %add3A_76 = arith.addi %multiple_of3A, %add3A_75 : i32
    %dma_wait3A_77 = arith.constant 0 : i32
    %dma_wait3A_78 = tpu.memref_slice %arg21[%add3A_76, %dma_wait3A_77] : memref<10000x128xf32, #tpu.memory_space<vmem_shared>> -> memref<80x128xf32, #tpu.memory_space<vmem_shared>>
    %dma_wait3A_79 = arith.constant 0 : i32
    %dma_wait3A_80 = tpu.memref_slice %arg21[%add3A_76, %dma_wait3A_79] : memref<10000x128xf32, #tpu.memory_space<vmem_shared>> -> memref<80x128xf32, #tpu.memory_space<vmem_shared>>
    tpu.wait_dma2 semaphore(%arg26 : memref<!tpu.dma_semaphore, #tpu.memory_space<semaphore_mem>>) src(%arg17 : memref<80x128xf32, #tpu.memory_space<vmem>>) dst(%dma_wait3A_80 : memref<80x128xf32, #tpu.memory_space<vmem_shared>>)
    %add3A_81 = arith.constant 240 : i32
    %add3A_82 = arith.addi %multiple_of3A, %add3A_81 : i32
    %dma_wait3A_83 = arith.constant 0 : i32
    %dma_wait3A_84 = tpu.memref_slice %arg21[%add3A_82, %dma_wait3A_83] : memref<10000x128xf32, #tpu.memory_space<vmem_shared>> -> memref<80x128xf32, #tpu.memory_space<vmem_shared>>
    %dma_wait3A_85 = arith.constant 0 : i32
    %dma_wait3A_86 = tpu.memref_slice %arg21[%add3A_82, %dma_wait3A_85] : memref<10000x128xf32, #tpu.memory_space<vmem_shared>> -> memref<80x128xf32, #tpu.memory_space<vmem_shared>>
    tpu.wait_dma2 semaphore(%arg26 : memref<!tpu.dma_semaphore, #tpu.memory_space<semaphore_mem>>) src(%arg17 : memref<80x128xf32, #tpu.memory_space<vmem>>) dst(%dma_wait3A_86 : memref<80x128xf32, #tpu.memory_space<vmem_shared>>)
    %add3A_87 = arith.constant 320 : i32
    %add3A_88 = arith.addi %multiple_of3A, %add3A_87 : i32
    %dma_wait3A_89 = arith.constant 0 : i32
    %dma_wait3A_90 = tpu.memref_slice %arg21[%add3A_88, %dma_wait3A_89] : memref<10000x128xf32, #tpu.memory_space<vmem_shared>> -> memref<80x128xf32, #tpu.memory_space<vmem_shared>>
    %dma_wait3A_91 = arith.constant 0 : i32
    %dma_wait3A_92 = tpu.memref_slice %arg21[%add3A_88, %dma_wait3A_91] : memref<10000x128xf32, #tpu.memory_space<vmem_shared>> -> memref<80x128xf32, #tpu.memory_space<vmem_shared>>
    tpu.wait_dma2 semaphore(%arg26 : memref<!tpu.dma_semaphore, #tpu.memory_space<semaphore_mem>>) src(%arg17 : memref<80x128xf32, #tpu.memory_space<vmem>>) dst(%dma_wait3A_92 : memref<80x128xf32, #tpu.memory_space<vmem_shared>>)
    %add3A_93 = arith.constant 400 : i32
    %add3A_94 = arith.addi %multiple_of3A, %add3A_93 : i32
    %dma_wait3A_95 = arith.constant 0 : i32
    %dma_wait3A_96 = tpu.memref_slice %arg21[%add3A_94, %dma_wait3A_95] : memref<10000x128xf32, #tpu.memory_space<vmem_shared>> -> memref<80x128xf32, #tpu.memory_space<vmem_shared>>
    %dma_wait3A_97 = arith.constant 0 : i32
    %dma_wait3A_98 = tpu.memref_slice %arg21[%add3A_94, %dma_wait3A_97] : memref<10000x128xf32, #tpu.memory_space<vmem_shared>> -> memref<80x128xf32, #tpu.memory_space<vmem_shared>>
    tpu.wait_dma2 semaphore(%arg26 : memref<!tpu.dma_semaphore, #tpu.memory_space<semaphore_mem>>) src(%arg17 : memref<80x128xf32, #tpu.memory_space<vmem>>) dst(%dma_wait3A_98 : memref<80x128xf32, #tpu.memory_space<vmem_shared>>)
    %add3A_99 = arith.constant 480 : i32
    %add3A_100 = arith.addi %multiple_of3A, %add3A_99 : i32
    %dma_wait3A_101 = arith.constant 0 : i32
    %dma_wait3A_102 = tpu.memref_slice %arg21[%add3A_100, %dma_wait3A_101] : memref<10000x128xf32, #tpu.memory_space<vmem_shared>> -> memref<80x128xf32, #tpu.memory_space<vmem_shared>>
    %dma_wait3A_103 = arith.constant 0 : i32
    %dma_wait3A_104 = tpu.memref_slice %arg21[%add3A_100, %dma_wait3A_103] : memref<10000x128xf32, #tpu.memory_space<vmem_shared>> -> memref<80x128xf32, #tpu.memory_space<vmem_shared>>
    tpu.wait_dma2 semaphore(%arg26 : memref<!tpu.dma_semaphore, #tpu.memory_space<semaphore_mem>>) src(%arg17 : memref<80x128xf32, #tpu.memory_space<vmem>>) dst(%dma_wait3A_104 : memref<80x128xf32, #tpu.memory_space<vmem_shared>>)
    %add3A_105 = arith.constant 560 : i32
    %add3A_106 = arith.addi %multiple_of3A, %add3A_105 : i32
    %dma_wait3A_107 = arith.constant 0 : i32
    %dma_wait3A_108 = arith.constant 0 : i32
    %dma_wait3A_109 = tpu.memref_slice %arg17[%dma_wait3A_107, %dma_wait3A_108] : memref<80x128xf32, #tpu.memory_space<vmem>> -> memref<64x128xf32, #tpu.memory_space<vmem>>
    %dma_wait3A_110 = arith.constant 0 : i32
    %dma_wait3A_111 = tpu.memref_slice %arg21[%add3A_106, %dma_wait3A_110] : memref<10000x128xf32, #tpu.memory_space<vmem_shared>> -> memref<64x128xf32, #tpu.memory_space<vmem_shared>>
    %dma_wait3A_112 = arith.constant 0 : i32
    %dma_wait3A_113 = tpu.memref_slice %arg21[%add3A_106, %dma_wait3A_112] : memref<10000x128xf32, #tpu.memory_space<vmem_shared>> -> memref<64x128xf32, #tpu.memory_space<vmem_shared>>
    %dma_wait3A_114 = arith.constant 0 : i32
    %dma_wait3A_115 = arith.constant 0 : i32
    %dma_wait3A_116 = tpu.memref_slice %arg17[%dma_wait3A_114, %dma_wait3A_115] : memref<80x128xf32, #tpu.memory_space<vmem>> -> memref<64x128xf32, #tpu.memory_space<vmem>>
    tpu.wait_dma2 semaphore(%arg26 : memref<!tpu.dma_semaphore, #tpu.memory_space<semaphore_mem>>) src(%dma_wait3A_116 : memref<64x128xf32, #tpu.memory_space<vmem>>) dst(%dma_wait3A_113 : memref<64x128xf32, #tpu.memory_space<vmem_shared>>)
    %eq3A_117 = arith.constant 0 : i32
    %eq3A_118 = arith.cmpi eq, %arg1, %eq3A_117 : i32
    %convert_element_type3A_119 = arith.extui %eq3A_118 : i1 to i32
    %cond3A_120 = arith.constant 0 : i32
    %cond3A_121 = arith.cmpi ne, %convert_element_type3A_119, %cond3A_120 : i32
    scf.if %cond3A_121 {
      %dma_wait3A_240 = arith.constant 0 : i32
      %dma_wait3A_241 = arith.constant 0 : i32
      %dma_wait3A_242 = tpu.memref_slice %arg17[%dma_wait3A_240, %dma_wait3A_241] : memref<80x128xf32, #tpu.memory_space<vmem>> -> memref<16x128xf32, #tpu.memory_space<vmem>>
      %dma_wait3A_243 = arith.constant 9984 : i32
      %dma_wait3A_244 = arith.constant 0 : i32
      %dma_wait3A_245 = tpu.memref_slice %arg21[%dma_wait3A_243, %dma_wait3A_244] : memref<10000x128xf32, #tpu.memory_space<vmem_shared>> -> memref<16x128xf32, #tpu.memory_space<vmem_shared>>
      %dma_wait3A_246 = arith.constant 9984 : i32
      %dma_wait3A_247 = arith.constant 0 : i32
      %dma_wait3A_248 = tpu.memref_slice %arg21[%dma_wait3A_246, %dma_wait3A_247] : memref<10000x128xf32, #tpu.memory_space<vmem_shared>> -> memref<16x128xf32, #tpu.memory_space<vmem_shared>>
      %dma_wait3A_249 = arith.constant 0 : i32
      %dma_wait3A_250 = arith.constant 0 : i32
      %dma_wait3A_251 = tpu.memref_slice %arg17[%dma_wait3A_249, %dma_wait3A_250] : memref<80x128xf32, #tpu.memory_space<vmem>> -> memref<16x128xf32, #tpu.memory_space<vmem>>
      tpu.wait_dma2 semaphore(%arg26 : memref<!tpu.dma_semaphore, #tpu.memory_space<semaphore_mem>>) src(%dma_wait3A_251 : memref<16x128xf32, #tpu.memory_space<vmem>>) dst(%dma_wait3A_248 : memref<16x128xf32, #tpu.memory_space<vmem_shared>>)
    } else {
    }
    %mul3A_122 = arith.constant 10000 : i32
    %mul3A_123 = arith.muli %add3A, %mul3A_122 : i32
    %add3A_124 = arith.constant 0 : i32
    %add3A_125 = arith.addi %mul3A_123, %add3A_124 : i32
    %dma_start3A_126 = tpu.memref_slice %arg3[%add3A_125] : memref<640000xi32, #tpu.memory_space<hbm>> -> memref<80xi32, #tpu.memory_space<hbm>>
    %dma_start3A_127 = tpu.memref_slice %arg3[%add3A_125] : memref<640000xi32, #tpu.memory_space<hbm>> -> memref<80xi32, #tpu.memory_space<hbm>>
    tpu.enqueue_dma source(%dma_start3A_127 : memref<80xi32, #tpu.memory_space<hbm>>) target(%arg5 : memref<80xi32, #tpu.memory_space<vmem>>) target_semaphore(%arg22 : memref<!tpu.dma_semaphore, #tpu.memory_space<semaphore_mem>>)
    %mul3A_128 = arith.constant 10000 : i32
    %mul3A_129 = arith.muli %add3A, %mul3A_128 : i32
    %add3A_130 = arith.constant 320000 : i32
    %add3A_131 = arith.addi %add3A_130, %mul3A_129 : i32
    %add3A_132 = arith.constant 0 : i32
    %add3A_133 = arith.addi %add3A_131, %add3A_132 : i32
    %dma_start3A_134 = tpu.memref_slice %arg3[%add3A_133] : memref<640000xi32, #tpu.memory_space<hbm>> -> memref<80xi32, #tpu.memory_space<hbm>>
    %dma_start3A_135 = tpu.memref_slice %arg3[%add3A_133] : memref<640000xi32, #tpu.memory_space<hbm>> -> memref<80xi32, #tpu.memory_space<hbm>>
    tpu.enqueue_dma source(%dma_start3A_135 : memref<80xi32, #tpu.memory_space<hbm>>) target(%arg9 : memref<80xi32, #tpu.memory_space<vmem>>) target_semaphore(%arg22 : memref<!tpu.dma_semaphore, #tpu.memory_space<semaphore_mem>>)
    %mul3A_136 = arith.constant 10000 : i32
    %mul3A_137 = arith.muli %add3A, %mul3A_136 : i32
    %add3A_138 = arith.constant 80 : i32
    %add3A_139 = arith.addi %mul3A_137, %add3A_138 : i32
    %dma_start3A_140 = tpu.memref_slice %arg3[%add3A_139] : memref<640000xi32, #tpu.memory_space<hbm>> -> memref<80xi32, #tpu.memory_space<hbm>>
    %dma_start3A_141 = tpu.memref_slice %arg3[%add3A_139] : memref<640000xi32, #tpu.memory_space<hbm>> -> memref<80xi32, #tpu.memory_space<hbm>>
    tpu.enqueue_dma source(%dma_start3A_141 : memref<80xi32, #tpu.memory_space<hbm>>) target(%arg6 : memref<80xi32, #tpu.memory_space<vmem>>) target_semaphore(%arg23 : memref<!tpu.dma_semaphore, #tpu.memory_space<semaphore_mem>>)
    %mul3A_142 = arith.constant 10000 : i32
    %mul3A_143 = arith.muli %add3A, %mul3A_142 : i32
    %add3A_144 = arith.constant 320000 : i32
    %add3A_145 = arith.addi %add3A_144, %mul3A_143 : i32
    %add3A_146 = arith.constant 80 : i32
    %add3A_147 = arith.addi %add3A_145, %add3A_146 : i32
    %dma_start3A_148 = tpu.memref_slice %arg3[%add3A_147] : memref<640000xi32, #tpu.memory_space<hbm>> -> memref<80xi32, #tpu.memory_space<hbm>>
    %dma_start3A_149 = tpu.memref_slice %arg3[%add3A_147] : memref<640000xi32, #tpu.memory_space<hbm>> -> memref<80xi32, #tpu.memory_space<hbm>>
    tpu.enqueue_dma source(%dma_start3A_149 : memref<80xi32, #tpu.memory_space<hbm>>) target(%arg10 : memref<80xi32, #tpu.memory_space<vmem>>) target_semaphore(%arg23 : memref<!tpu.dma_semaphore, #tpu.memory_space<semaphore_mem>>)
    %mul3A_150 = arith.constant 10000 : i32
    %mul3A_151 = arith.muli %add3A, %mul3A_150 : i32
    %add3A_152 = arith.constant 160 : i32
    %add3A_153 = arith.addi %mul3A_151, %add3A_152 : i32
    %dma_start3A_154 = tpu.memref_slice %arg3[%add3A_153] : memref<640000xi32, #tpu.memory_space<hbm>> -> memref<80xi32, #tpu.memory_space<hbm>>
    %dma_start3A_155 = tpu.memref_slice %arg3[%add3A_153] : memref<640000xi32, #tpu.memory_space<hbm>> -> memref<80xi32, #tpu.memory_space<hbm>>
    tpu.enqueue_dma source(%dma_start3A_155 : memref<80xi32, #tpu.memory_space<hbm>>) target(%arg7 : memref<80xi32, #tpu.memory_space<vmem>>) target_semaphore(%arg24 : memref<!tpu.dma_semaphore, #tpu.memory_space<semaphore_mem>>)
    %mul3A_156 = arith.constant 10000 : i32
    %mul3A_157 = arith.muli %add3A, %mul3A_156 : i32
    %add3A_158 = arith.constant 320000 : i32
    %add3A_159 = arith.addi %add3A_158, %mul3A_157 : i32
    %add3A_160 = arith.constant 160 : i32
    %add3A_161 = arith.addi %add3A_159, %add3A_160 : i32
    %dma_start3A_162 = tpu.memref_slice %arg3[%add3A_161] : memref<640000xi32, #tpu.memory_space<hbm>> -> memref<80xi32, #tpu.memory_space<hbm>>
    %dma_start3A_163 = tpu.memref_slice %arg3[%add3A_161] : memref<640000xi32, #tpu.memory_space<hbm>> -> memref<80xi32, #tpu.memory_space<hbm>>
    tpu.enqueue_dma source(%dma_start3A_163 : memref<80xi32, #tpu.memory_space<hbm>>) target(%arg11 : memref<80xi32, #tpu.memory_space<vmem>>) target_semaphore(%arg24 : memref<!tpu.dma_semaphore, #tpu.memory_space<semaphore_mem>>)
    %mul3A_164 = arith.constant 10000 : i32
    %mul3A_165 = arith.muli %add3A, %mul3A_164 : i32
    %add3A_166 = arith.constant 240 : i32
    %add3A_167 = arith.addi %mul3A_165, %add3A_166 : i32
    %dma_start3A_168 = tpu.memref_slice %arg3[%add3A_167] : memref<640000xi32, #tpu.memory_space<hbm>> -> memref<80xi32, #tpu.memory_space<hbm>>
    %dma_start3A_169 = tpu.memref_slice %arg3[%add3A_167] : memref<640000xi32, #tpu.memory_space<hbm>> -> memref<80xi32, #tpu.memory_space<hbm>>
    tpu.enqueue_dma source(%dma_start3A_169 : memref<80xi32, #tpu.memory_space<hbm>>) target(%arg8 : memref<80xi32, #tpu.memory_space<vmem>>) target_semaphore(%arg25 : memref<!tpu.dma_semaphore, #tpu.memory_space<semaphore_mem>>)
    %mul3A_170 = arith.constant 10000 : i32
    %mul3A_171 = arith.muli %add3A, %mul3A_170 : i32
    %add3A_172 = arith.constant 320000 : i32
    %add3A_173 = arith.addi %add3A_172, %mul3A_171 : i32
    %add3A_174 = arith.constant 240 : i32
    %add3A_175 = arith.addi %add3A_173, %add3A_174 : i32
    %dma_start3A_176 = tpu.memref_slice %arg3[%add3A_175] : memref<640000xi32, #tpu.memory_space<hbm>> -> memref<80xi32, #tpu.memory_space<hbm>>
    %dma_start3A_177 = tpu.memref_slice %arg3[%add3A_175] : memref<640000xi32, #tpu.memory_space<hbm>> -> memref<80xi32, #tpu.memory_space<hbm>>
    tpu.enqueue_dma source(%dma_start3A_177 : memref<80xi32, #tpu.memory_space<hbm>>) target(%arg12 : memref<80xi32, #tpu.memory_space<vmem>>) target_semaphore(%arg25 : memref<!tpu.dma_semaphore, #tpu.memory_space<semaphore_mem>>)
    %mul3A_178 = arith.constant 10000 : i32
    %mul3A_179 = arith.muli %add3A, %mul3A_178 : i32
    %add3A_180 = arith.constant 0 : i32
    %add3A_181 = arith.addi %mul3A_179, %add3A_180 : i32
    %dma_wait3A_182 = tpu.memref_slice %arg3[%add3A_181] : memref<640000xi32, #tpu.memory_space<hbm>> -> memref<80xi32, #tpu.memory_space<hbm>>
    %dma_wait3A_183 = tpu.memref_slice %arg3[%add3A_181] : memref<640000xi32, #tpu.memory_space<hbm>> -> memref<80xi32, #tpu.memory_space<hbm>>
    tpu.wait_dma2 semaphore(%arg22 : memref<!tpu.dma_semaphore, #tpu.memory_space<semaphore_mem>>) src(%dma_wait3A_183 : memref<80xi32, #tpu.memory_space<hbm>>) dst(%arg5 : memref<80xi32, #tpu.memory_space<vmem>>)
    %mul3A_184 = arith.constant 10000 : i32
    %mul3A_185 = arith.muli %add3A, %mul3A_184 : i32
    %add3A_186 = arith.constant 320000 : i32
    %add3A_187 = arith.addi %add3A_186, %mul3A_185 : i32
    %add3A_188 = arith.constant 0 : i32
    %add3A_189 = arith.addi %add3A_187, %add3A_188 : i32
    %dma_wait3A_190 = tpu.memref_slice %arg3[%add3A_189] : memref<640000xi32, #tpu.memory_space<hbm>> -> memref<80xi32, #tpu.memory_space<hbm>>
    %dma_wait3A_191 = tpu.memref_slice %arg3[%add3A_189] : memref<640000xi32, #tpu.memory_space<hbm>> -> memref<80xi32, #tpu.memory_space<hbm>>
    tpu.wait_dma2 semaphore(%arg22 : memref<!tpu.dma_semaphore, #tpu.memory_space<semaphore_mem>>) src(%dma_wait3A_191 : memref<80xi32, #tpu.memory_space<hbm>>) dst(%arg9 : memref<80xi32, #tpu.memory_space<vmem>>)
    %dma_start3A_192 = arith.constant 0 : i32
    %dma_start3A_193 = arith.constant 0 : i32
    %dma_start3A_194 = tpu.memref_slice %arg2[%dma_start3A_192, %dma_start3A_193] : memref<10000x128xf32, #tpu.memory_space<hbm>> -> memref<10000x128xf32, #tpu.memory_space<hbm>>
    tpu.enqueue_indirect_dma source(%dma_start3A_194 : memref<10000x128xf32, #tpu.memory_space<hbm>>) target(%arg17 : memref<80x128xf32, #tpu.memory_space<vmem>>) offsets(%arg5 : memref<80xi32, #tpu.memory_space<vmem>>) semaphore(%arg26 : memref<!tpu.dma_semaphore, #tpu.memory_space<semaphore_mem>>)
    %mul3A_195 = arith.constant 10000 : i32
    %mul3A_196 = arith.muli %add3A, %mul3A_195 : i32
    %add3A_197 = arith.constant 80 : i32
    %add3A_198 = arith.addi %mul3A_196, %add3A_197 : i32
    %dma_wait3A_199 = tpu.memref_slice %arg3[%add3A_198] : memref<640000xi32, #tpu.memory_space<hbm>> -> memref<80xi32, #tpu.memory_space<hbm>>
    %dma_wait3A_200 = tpu.memref_slice %arg3[%add3A_198] : memref<640000xi32, #tpu.memory_space<hbm>> -> memref<80xi32, #tpu.memory_space<hbm>>
    tpu.wait_dma2 semaphore(%arg23 : memref<!tpu.dma_semaphore, #tpu.memory_space<semaphore_mem>>) src(%dma_wait3A_200 : memref<80xi32, #tpu.memory_space<hbm>>) dst(%arg6 : memref<80xi32, #tpu.memory_space<vmem>>)
    %mul3A_201 = arith.constant 10000 : i32
    %mul3A_202 = arith.muli %add3A, %mul3A_201 : i32
    %add3A_203 = arith.constant 320000 : i32
    %add3A_204 = arith.addi %add3A_203, %mul3A_202 : i32
    %add3A_205 = arith.constant 80 : i32
    %add3A_206 = arith.addi %add3A_204, %add3A_205 : i32
    %dma_wait3A_207 = tpu.memref_slice %arg3[%add3A_206] : memref<640000xi32, #tpu.memory_space<hbm>> -> memref<80xi32, #tpu.memory_space<hbm>>
    %dma_wait3A_208 = tpu.memref_slice %arg3[%add3A_206] : memref<640000xi32, #tpu.memory_space<hbm>> -> memref<80xi32, #tpu.memory_space<hbm>>
    tpu.wait_dma2 semaphore(%arg23 : memref<!tpu.dma_semaphore, #tpu.memory_space<semaphore_mem>>) src(%dma_wait3A_208 : memref<80xi32, #tpu.memory_space<hbm>>) dst(%arg10 : memref<80xi32, #tpu.memory_space<vmem>>)
    %dma_start3A_209 = arith.constant 0 : i32
    %dma_start3A_210 = arith.constant 0 : i32
    %dma_start3A_211 = tpu.memref_slice %arg2[%dma_start3A_209, %dma_start3A_210] : memref<10000x128xf32, #tpu.memory_space<hbm>> -> memref<10000x128xf32, #tpu.memory_space<hbm>>
    tpu.enqueue_indirect_dma source(%dma_start3A_211 : memref<10000x128xf32, #tpu.memory_space<hbm>>) target(%arg18 : memref<80x128xf32, #tpu.memory_space<vmem>>) offsets(%arg6 : memref<80xi32, #tpu.memory_space<vmem>>) semaphore(%arg27 : memref<!tpu.dma_semaphore, #tpu.memory_space<semaphore_mem>>)
    %barrier3A = arith.constant 0 : index
    tpu.barrier barrier_id(%barrier3A)
    %scan3A_212 = arith.constant 0 : i32
    %scan3A_213 = arith.constant 0 : i32
    %scan3A_214 = arith.constant 16 : i32
    %scan3A_215 = arith.addi %scan3A_213, %scan3A_214 : i32
    %scan3A_216 = arith.constant 1 : i32
    %scan3A_217 = scf.for %scan3A_240 = %scan3A_213 to %scan3A_215 step %scan3A_216 iter_args(%scan3A_241 = %scan3A_212) -> (i32)  : i32 {
      %mul3A_242 = arith.constant 2 : i32
      %mul3A_243 = arith.muli %scan3A_240, %mul3A_242 : i32
      %mul3A_244 = arith.constant 4 : i32
      %mul3A_245 = arith.muli %mul3A_243, %mul3A_244 : i32
      %add3A_246 = arith.constant 0 : i32
      %add3A_247 = arith.addi %mul3A_245, %add3A_246 : i32
      %lt3A = arith.constant 125 : i32
      %lt3A_248 = arith.cmpi slt, %add3A_247, %lt3A : i32
      %convert_element_type3A_249 = arith.extui %lt3A_248 : i1 to i32
      %cond3A_250 = arith.constant 0 : i32
      %cond3A_251 = arith.cmpi ne, %convert_element_type3A_249, %cond3A_250 : i32
      scf.if %cond3A_251 {
        %add3A_330 = arith.constant 2 : i32
        %add3A_331 = arith.addi %add3A_247, %add3A_330 : i32
        %lt3A_332 = arith.constant 125 : i32
        %lt3A_333 = arith.cmpi slt, %add3A_331, %lt3A_332 : i32
        %convert_element_type3A_334 = arith.extui %lt3A_333 : i1 to i32
        %cond3A_335 = arith.constant 0 : i32
        %cond3A_336 = arith.cmpi ne, %convert_element_type3A_334, %cond3A_335 : i32
        scf.if %cond3A_336 {
          %add3A_350 = arith.constant 2 : i32
          %add3A_351 = arith.addi %add3A_247, %add3A_350 : i32
          %mul3A_352 = arith.constant 10000 : i32
          %mul3A_353 = arith.muli %add3A, %mul3A_352 : i32
          %mul3A_354 = arith.constant 80 : i32
          %mul3A_355 = arith.muli %add3A_351, %mul3A_354 : i32
          %add3A_356 = arith.addi %mul3A_353, %mul3A_355 : i32
          %dma_wait3A_357 = tpu.memref_slice %arg3[%add3A_356] : memref<640000xi32, #tpu.memory_space<hbm>> -> memref<80xi32, #tpu.memory_space<hbm>>
          %dma_wait3A_358 = tpu.memref_slice %arg3[%add3A_356] : memref<640000xi32, #tpu.memory_space<hbm>> -> memref<80xi32, #tpu.memory_space<hbm>>
          tpu.wait_dma2 semaphore(%arg24 : memref<!tpu.dma_semaphore, #tpu.memory_space<semaphore_mem>>) src(%dma_wait3A_358 : memref<80xi32, #tpu.memory_space<hbm>>) dst(%arg7 : memref<80xi32, #tpu.memory_space<vmem>>)
          %add3A_359 = arith.constant 2 : i32
          %add3A_360 = arith.addi %add3A_247, %add3A_359 : i32
          %mul3A_361 = arith.constant 10000 : i32
          %mul3A_362 = arith.muli %add3A, %mul3A_361 : i32
          %add3A_363 = arith.constant 320000 : i32
          %add3A_364 = arith.addi %add3A_363, %mul3A_362 : i32
          %mul3A_365 = arith.constant 80 : i32
          %mul3A_366 = arith.muli %add3A_360, %mul3A_365 : i32
          %add3A_367 = arith.addi %add3A_364, %mul3A_366 : i32
          %dma_wait3A_368 = tpu.memref_slice %arg3[%add3A_367] : memref<640000xi32, #tpu.memory_space<hbm>> -> memref<80xi32, #tpu.memory_space<hbm>>
          %dma_wait3A_369 = tpu.memref_slice %arg3[%add3A_367] : memref<640000xi32, #tpu.memory_space<hbm>> -> memref<80xi32, #tpu.memory_space<hbm>>
          tpu.wait_dma2 semaphore(%arg24 : memref<!tpu.dma_semaphore, #tpu.memory_space<semaphore_mem>>) src(%dma_wait3A_369 : memref<80xi32, #tpu.memory_space<hbm>>) dst(%arg11 : memref<80xi32, #tpu.memory_space<vmem>>)
          %ge3A = arith.constant 2 : i32
          %ge3A_370 = arith.cmpi sge, %add3A_247, %ge3A : i32
          %convert_element_type3A_371 = arith.extui %ge3A_370 : i1 to i32
          %cond3A_372 = arith.constant 0 : i32
          %cond3A_373 = arith.cmpi ne, %convert_element_type3A_371, %cond3A_372 : i32
          scf.if %cond3A_373 {
            %dma_wait3A_377 = arith.constant 0 : i32
            %dma_wait3A_378 = arith.constant 0 : i32
            %dma_wait3A_379 = tpu.memref_slice %arg21[%dma_wait3A_377, %dma_wait3A_378] : memref<10000x128xf32, #tpu.memory_space<vmem_shared>> -> memref<10000x128xf32, #tpu.memory_space<vmem_shared>>
            tpu.wait_indirect_dma semaphore(%arg32 : memref<!tpu.dma_semaphore, #tpu.memory_space<semaphore_mem>>) src(%arg19 : memref<80x128xf32, #tpu.memory_space<vmem>>) dst(%dma_wait3A_379 : memref<10000x128xf32, #tpu.memory_space<vmem_shared>>)
          } else {
          }
          %dma_start3A_374 = arith.constant 0 : i32
          %dma_start3A_375 = arith.constant 0 : i32
          %dma_start3A_376 = tpu.memref_slice %arg2[%dma_start3A_374, %dma_start3A_375] : memref<10000x128xf32, #tpu.memory_space<hbm>> -> memref<10000x128xf32, #tpu.memory_space<hbm>>
          tpu.enqueue_indirect_dma source(%dma_start3A_376 : memref<10000x128xf32, #tpu.memory_space<hbm>>) target(%arg19 : memref<80x128xf32, #tpu.memory_space<vmem>>) offsets(%arg7 : memref<80xi32, #tpu.memory_space<vmem>>) semaphore(%arg28 : memref<!tpu.dma_semaphore, #tpu.memory_space<semaphore_mem>>)
        } else {
        }
        %dma_wait3A_337 = arith.constant 0 : i32
        %dma_wait3A_338 = arith.constant 0 : i32
        %dma_wait3A_339 = tpu.memref_slice %arg2[%dma_wait3A_337, %dma_wait3A_338] : memref<10000x128xf32, #tpu.memory_space<hbm>> -> memref<10000x128xf32, #tpu.memory_space<hbm>>
        tpu.wait_indirect_dma semaphore(%arg26 : memref<!tpu.dma_semaphore, #tpu.memory_space<semaphore_mem>>) src(%dma_wait3A_339 : memref<10000x128xf32, #tpu.memory_space<hbm>>) dst(%arg17 : memref<80x128xf32, #tpu.memory_space<vmem>>)
        %dma_start3A_340 = arith.constant 0 : i32
        %dma_start3A_341 = arith.constant 0 : i32
        %dma_start3A_342 = tpu.memref_slice %arg21[%dma_start3A_340, %dma_start3A_341] : memref<10000x128xf32, #tpu.memory_space<vmem_shared>> -> memref<10000x128xf32, #tpu.memory_space<vmem_shared>>
        tpu.enqueue_indirect_dma source(%arg17 : memref<80x128xf32, #tpu.memory_space<vmem>>) target(%dma_start3A_342 : memref<10000x128xf32, #tpu.memory_space<vmem_shared>>) offsets(%arg9 : memref<80xi32, #tpu.memory_space<vmem>>) semaphore(%arg30 : memref<!tpu.dma_semaphore, #tpu.memory_space<semaphore_mem>>) {add = true}
        %add3A_343 = arith.constant 4 : i32
        %add3A_344 = arith.addi %add3A_247, %add3A_343 : i32
        %lt3A_345 = arith.constant 125 : i32
        %lt3A_346 = arith.cmpi slt, %add3A_344, %lt3A_345 : i32
        %convert_element_type3A_347 = arith.extui %lt3A_346 : i1 to i32
        %cond3A_348 = arith.constant 0 : i32
        %cond3A_349 = arith.cmpi ne, %convert_element_type3A_347, %cond3A_348 : i32
        scf.if %cond3A_349 {
          %add3A_350 = arith.constant 4 : i32
          %add3A_351 = arith.addi %add3A_247, %add3A_350 : i32
          %mul3A_352 = arith.constant 10000 : i32
          %mul3A_353 = arith.muli %add3A, %mul3A_352 : i32
          %mul3A_354 = arith.constant 80 : i32
          %mul3A_355 = arith.muli %add3A_351, %mul3A_354 : i32
          %add3A_356 = arith.addi %mul3A_353, %mul3A_355 : i32
          %dma_start3A_357 = tpu.memref_slice %arg3[%add3A_356] : memref<640000xi32, #tpu.memory_space<hbm>> -> memref<80xi32, #tpu.memory_space<hbm>>
          %dma_start3A_358 = tpu.memref_slice %arg3[%add3A_356] : memref<640000xi32, #tpu.memory_space<hbm>> -> memref<80xi32, #tpu.memory_space<hbm>>
          tpu.enqueue_dma source(%dma_start3A_358 : memref<80xi32, #tpu.memory_space<hbm>>) target(%arg5 : memref<80xi32, #tpu.memory_space<vmem>>) target_semaphore(%arg22 : memref<!tpu.dma_semaphore, #tpu.memory_space<semaphore_mem>>)
          %add3A_359 = arith.constant 4 : i32
          %add3A_360 = arith.addi %add3A_247, %add3A_359 : i32
          %mul3A_361 = arith.constant 10000 : i32
          %mul3A_362 = arith.muli %add3A, %mul3A_361 : i32
          %add3A_363 = arith.constant 320000 : i32
          %add3A_364 = arith.addi %add3A_363, %mul3A_362 : i32
          %mul3A_365 = arith.constant 80 : i32
          %mul3A_366 = arith.muli %add3A_360, %mul3A_365 : i32
          %add3A_367 = arith.addi %add3A_364, %mul3A_366 : i32
          %dma_start3A_368 = tpu.memref_slice %arg3[%add3A_367] : memref<640000xi32, #tpu.memory_space<hbm>> -> memref<80xi32, #tpu.memory_space<hbm>>
          %dma_start3A_369 = tpu.memref_slice %arg3[%add3A_367] : memref<640000xi32, #tpu.memory_space<hbm>> -> memref<80xi32, #tpu.memory_space<hbm>>
          tpu.enqueue_dma source(%dma_start3A_369 : memref<80xi32, #tpu.memory_space<hbm>>) target(%arg13 : memref<80xi32, #tpu.memory_space<vmem>>) target_semaphore(%arg22 : memref<!tpu.dma_semaphore, #tpu.memory_space<semaphore_mem>>)
        } else {
        }
      } else {
      }
      %mul3A_252 = arith.constant 2 : i32
      %mul3A_253 = arith.muli %scan3A_240, %mul3A_252 : i32
      %mul3A_254 = arith.constant 4 : i32
      %mul3A_255 = arith.muli %mul3A_253, %mul3A_254 : i32
      %add3A_256 = arith.constant 1 : i32
      %add3A_257 = arith.addi %mul3A_255, %add3A_256 : i32
      %lt3A_258 = arith.constant 125 : i32
      %lt3A_259 = arith.cmpi slt, %add3A_257, %lt3A_258 : i32
      %convert_element_type3A_260 = arith.extui %lt3A_259 : i1 to i32
      %cond3A_261 = arith.constant 0 : i32
      %cond3A_262 = arith.cmpi ne, %convert_element_type3A_260, %cond3A_261 : i32
      scf.if %cond3A_262 {
        %add3A_330 = arith.constant 2 : i32
        %add3A_331 = arith.addi %add3A_257, %add3A_330 : i32
        %lt3A_332 = arith.constant 125 : i32
        %lt3A_333 = arith.cmpi slt, %add3A_331, %lt3A_332 : i32
        %convert_element_type3A_334 = arith.extui %lt3A_333 : i1 to i32
        %cond3A_335 = arith.constant 0 : i32
        %cond3A_336 = arith.cmpi ne, %convert_element_type3A_334, %cond3A_335 : i32
        scf.if %cond3A_336 {
          %add3A_350 = arith.constant 2 : i32
          %add3A_351 = arith.addi %add3A_257, %add3A_350 : i32
          %mul3A_352 = arith.constant 10000 : i32
          %mul3A_353 = arith.muli %add3A, %mul3A_352 : i32
          %mul3A_354 = arith.constant 80 : i32
          %mul3A_355 = arith.muli %add3A_351, %mul3A_354 : i32
          %add3A_356 = arith.addi %mul3A_353, %mul3A_355 : i32
          %dma_wait3A_357 = tpu.memref_slice %arg3[%add3A_356] : memref<640000xi32, #tpu.memory_space<hbm>> -> memref<80xi32, #tpu.memory_space<hbm>>
          %dma_wait3A_358 = tpu.memref_slice %arg3[%add3A_356] : memref<640000xi32, #tpu.memory_space<hbm>> -> memref<80xi32, #tpu.memory_space<hbm>>
          tpu.wait_dma2 semaphore(%arg25 : memref<!tpu.dma_semaphore, #tpu.memory_space<semaphore_mem>>) src(%dma_wait3A_358 : memref<80xi32, #tpu.memory_space<hbm>>) dst(%arg8 : memref<80xi32, #tpu.memory_space<vmem>>)
          %add3A_359 = arith.constant 2 : i32
          %add3A_360 = arith.addi %add3A_257, %add3A_359 : i32
          %mul3A_361 = arith.constant 10000 : i32
          %mul3A_362 = arith.muli %add3A, %mul3A_361 : i32
          %add3A_363 = arith.constant 320000 : i32
          %add3A_364 = arith.addi %add3A_363, %mul3A_362 : i32
          %mul3A_365 = arith.constant 80 : i32
          %mul3A_366 = arith.muli %add3A_360, %mul3A_365 : i32
          %add3A_367 = arith.addi %add3A_364, %mul3A_366 : i32
          %dma_wait3A_368 = tpu.memref_slice %arg3[%add3A_367] : memref<640000xi32, #tpu.memory_space<hbm>> -> memref<80xi32, #tpu.memory_space<hbm>>
          %dma_wait3A_369 = tpu.memref_slice %arg3[%add3A_367] : memref<640000xi32, #tpu.memory_space<hbm>> -> memref<80xi32, #tpu.memory_space<hbm>>
          tpu.wait_dma2 semaphore(%arg25 : memref<!tpu.dma_semaphore, #tpu.memory_space<semaphore_mem>>) src(%dma_wait3A_369 : memref<80xi32, #tpu.memory_space<hbm>>) dst(%arg12 : memref<80xi32, #tpu.memory_space<vmem>>)
          %ge3A = arith.constant 2 : i32
          %ge3A_370 = arith.cmpi sge, %add3A_257, %ge3A : i32
          %convert_element_type3A_371 = arith.extui %ge3A_370 : i1 to i32
          %cond3A_372 = arith.constant 0 : i32
          %cond3A_373 = arith.cmpi ne, %convert_element_type3A_371, %cond3A_372 : i32
          scf.if %cond3A_373 {
            %dma_wait3A_377 = arith.constant 0 : i32
            %dma_wait3A_378 = arith.constant 0 : i32
            %dma_wait3A_379 = tpu.memref_slice %arg21[%dma_wait3A_377, %dma_wait3A_378] : memref<10000x128xf32, #tpu.memory_space<vmem_shared>> -> memref<10000x128xf32, #tpu.memory_space<vmem_shared>>
            tpu.wait_indirect_dma semaphore(%arg33 : memref<!tpu.dma_semaphore, #tpu.memory_space<semaphore_mem>>) src(%arg20 : memref<80x128xf32, #tpu.memory_space<vmem>>) dst(%dma_wait3A_379 : memref<10000x128xf32, #tpu.memory_space<vmem_shared>>)
          } else {
          }
          %dma_start3A_374 = arith.constant 0 : i32
          %dma_start3A_375 = arith.constant 0 : i32
          %dma_start3A_376 = tpu.memref_slice %arg2[%dma_start3A_374, %dma_start3A_375] : memref<10000x128xf32, #tpu.memory_space<hbm>> -> memref<10000x128xf32, #tpu.memory_space<hbm>>
          tpu.enqueue_indirect_dma source(%dma_start3A_376 : memref<10000x128xf32, #tpu.memory_space<hbm>>) target(%arg20 : memref<80x128xf32, #tpu.memory_space<vmem>>) offsets(%arg8 : memref<80xi32, #tpu.memory_space<vmem>>) semaphore(%arg29 : memref<!tpu.dma_semaphore, #tpu.memory_space<semaphore_mem>>)
        } else {
        }
        %dma_wait3A_337 = arith.constant 0 : i32
        %dma_wait3A_338 = arith.constant 0 : i32
        %dma_wait3A_339 = tpu.memref_slice %arg2[%dma_wait3A_337, %dma_wait3A_338] : memref<10000x128xf32, #tpu.memory_space<hbm>> -> memref<10000x128xf32, #tpu.memory_space<hbm>>
        tpu.wait_indirect_dma semaphore(%arg27 : memref<!tpu.dma_semaphore, #tpu.memory_space<semaphore_mem>>) src(%dma_wait3A_339 : memref<10000x128xf32, #tpu.memory_space<hbm>>) dst(%arg18 : memref<80x128xf32, #tpu.memory_space<vmem>>)
        %dma_start3A_340 = arith.constant 0 : i32
        %dma_start3A_341 = arith.constant 0 : i32
        %dma_start3A_342 = tpu.memref_slice %arg21[%dma_start3A_340, %dma_start3A_341] : memref<10000x128xf32, #tpu.memory_space<vmem_shared>> -> memref<10000x128xf32, #tpu.memory_space<vmem_shared>>
        tpu.enqueue_indirect_dma source(%arg18 : memref<80x128xf32, #tpu.memory_space<vmem>>) target(%dma_start3A_342 : memref<10000x128xf32, #tpu.memory_space<vmem_shared>>) offsets(%arg10 : memref<80xi32, #tpu.memory_space<vmem>>) semaphore(%arg31 : memref<!tpu.dma_semaphore, #tpu.memory_space<semaphore_mem>>) {add = true}
        %add3A_343 = arith.constant 4 : i32
        %add3A_344 = arith.addi %add3A_257, %add3A_343 : i32
        %lt3A_345 = arith.constant 125 : i32
        %lt3A_346 = arith.cmpi slt, %add3A_344, %lt3A_345 : i32
        %convert_element_type3A_347 = arith.extui %lt3A_346 : i1 to i32
        %cond3A_348 = arith.constant 0 : i32
        %cond3A_349 = arith.cmpi ne, %convert_element_type3A_347, %cond3A_348 : i32
        scf.if %cond3A_349 {
          %add3A_350 = arith.constant 4 : i32
          %add3A_351 = arith.addi %add3A_257, %add3A_350 : i32
          %mul3A_352 = arith.constant 10000 : i32
          %mul3A_353 = arith.muli %add3A, %mul3A_352 : i32
          %mul3A_354 = arith.constant 80 : i32
          %mul3A_355 = arith.muli %add3A_351, %mul3A_354 : i32
          %add3A_356 = arith.addi %mul3A_353, %mul3A_355 : i32
          %dma_start3A_357 = tpu.memref_slice %arg3[%add3A_356] : memref<640000xi32, #tpu.memory_space<hbm>> -> memref<80xi32, #tpu.memory_space<hbm>>
          %dma_start3A_358 = tpu.memref_slice %arg3[%add3A_356] : memref<640000xi32, #tpu.memory_space<hbm>> -> memref<80xi32, #tpu.memory_space<hbm>>
          tpu.enqueue_dma source(%dma_start3A_358 : memref<80xi32, #tpu.memory_space<hbm>>) target(%arg6 : memref<80xi32, #tpu.memory_space<vmem>>) target_semaphore(%arg23 : memref<!tpu.dma_semaphore, #tpu.memory_space<semaphore_mem>>)
          %add3A_359 = arith.constant 4 : i32
          %add3A_360 = arith.addi %add3A_257, %add3A_359 : i32
          %mul3A_361 = arith.constant 10000 : i32
          %mul3A_362 = arith.muli %add3A, %mul3A_361 : i32
          %add3A_363 = arith.constant 320000 : i32
          %add3A_364 = arith.addi %add3A_363, %mul3A_362 : i32
          %mul3A_365 = arith.constant 80 : i32
          %mul3A_366 = arith.muli %add3A_360, %mul3A_365 : i32
          %add3A_367 = arith.addi %add3A_364, %mul3A_366 : i32
          %dma_start3A_368 = tpu.memref_slice %arg3[%add3A_367] : memref<640000xi32, #tpu.memory_space<hbm>> -> memref<80xi32, #tpu.memory_space<hbm>>
          %dma_start3A_369 = tpu.memref_slice %arg3[%add3A_367] : memref<640000xi32, #tpu.memory_space<hbm>> -> memref<80xi32, #tpu.memory_space<hbm>>
          tpu.enqueue_dma source(%dma_start3A_369 : memref<80xi32, #tpu.memory_space<hbm>>) target(%arg14 : memref<80xi32, #tpu.memory_space<vmem>>) target_semaphore(%arg23 : memref<!tpu.dma_semaphore, #tpu.memory_space<semaphore_mem>>)
        } else {
        }
      } else {
      }
      %mul3A_263 = arith.constant 2 : i32
      %mul3A_264 = arith.muli %scan3A_240, %mul3A_263 : i32
      %mul3A_265 = arith.constant 4 : i32
      %mul3A_266 = arith.muli %mul3A_264, %mul3A_265 : i32
      %add3A_267 = arith.constant 2 : i32
      %add3A_268 = arith.addi %mul3A_266, %add3A_267 : i32
      %lt3A_269 = arith.constant 125 : i32
      %lt3A_270 = arith.cmpi slt, %add3A_268, %lt3A_269 : i32
      %convert_element_type3A_271 = arith.extui %lt3A_270 : i1 to i32
      %cond3A_272 = arith.constant 0 : i32
      %cond3A_273 = arith.cmpi ne, %convert_element_type3A_271, %cond3A_272 : i32
      scf.if %cond3A_273 {
        %add3A_330 = arith.constant 2 : i32
        %add3A_331 = arith.addi %add3A_268, %add3A_330 : i32
        %lt3A_332 = arith.constant 125 : i32
        %lt3A_333 = arith.cmpi slt, %add3A_331, %lt3A_332 : i32
        %convert_element_type3A_334 = arith.extui %lt3A_333 : i1 to i32
        %cond3A_335 = arith.constant 0 : i32
        %cond3A_336 = arith.cmpi ne, %convert_element_type3A_334, %cond3A_335 : i32
        scf.if %cond3A_336 {
          %add3A_350 = arith.constant 2 : i32
          %add3A_351 = arith.addi %add3A_268, %add3A_350 : i32
          %mul3A_352 = arith.constant 10000 : i32
          %mul3A_353 = arith.muli %add3A, %mul3A_352 : i32
          %mul3A_354 = arith.constant 80 : i32
          %mul3A_355 = arith.muli %add3A_351, %mul3A_354 : i32
          %add3A_356 = arith.addi %mul3A_353, %mul3A_355 : i32
          %dma_wait3A_357 = tpu.memref_slice %arg3[%add3A_356] : memref<640000xi32, #tpu.memory_space<hbm>> -> memref<80xi32, #tpu.memory_space<hbm>>
          %dma_wait3A_358 = tpu.memref_slice %arg3[%add3A_356] : memref<640000xi32, #tpu.memory_space<hbm>> -> memref<80xi32, #tpu.memory_space<hbm>>
          tpu.wait_dma2 semaphore(%arg22 : memref<!tpu.dma_semaphore, #tpu.memory_space<semaphore_mem>>) src(%dma_wait3A_358 : memref<80xi32, #tpu.memory_space<hbm>>) dst(%arg5 : memref<80xi32, #tpu.memory_space<vmem>>)
          %add3A_359 = arith.constant 2 : i32
          %add3A_360 = arith.addi %add3A_268, %add3A_359 : i32
          %mul3A_361 = arith.constant 10000 : i32
          %mul3A_362 = arith.muli %add3A, %mul3A_361 : i32
          %add3A_363 = arith.constant 320000 : i32
          %add3A_364 = arith.addi %add3A_363, %mul3A_362 : i32
          %mul3A_365 = arith.constant 80 : i32
          %mul3A_366 = arith.muli %add3A_360, %mul3A_365 : i32
          %add3A_367 = arith.addi %add3A_364, %mul3A_366 : i32
          %dma_wait3A_368 = tpu.memref_slice %arg3[%add3A_367] : memref<640000xi32, #tpu.memory_space<hbm>> -> memref<80xi32, #tpu.memory_space<hbm>>
          %dma_wait3A_369 = tpu.memref_slice %arg3[%add3A_367] : memref<640000xi32, #tpu.memory_space<hbm>> -> memref<80xi32, #tpu.memory_space<hbm>>
          tpu.wait_dma2 semaphore(%arg22 : memref<!tpu.dma_semaphore, #tpu.memory_space<semaphore_mem>>) src(%dma_wait3A_369 : memref<80xi32, #tpu.memory_space<hbm>>) dst(%arg13 : memref<80xi32, #tpu.memory_space<vmem>>)
          %ge3A = arith.constant 2 : i32
          %ge3A_370 = arith.cmpi sge, %add3A_268, %ge3A : i32
          %convert_element_type3A_371 = arith.extui %ge3A_370 : i1 to i32
          %cond3A_372 = arith.constant 0 : i32
          %cond3A_373 = arith.cmpi ne, %convert_element_type3A_371, %cond3A_372 : i32
          scf.if %cond3A_373 {
            %dma_wait3A_377 = arith.constant 0 : i32
            %dma_wait3A_378 = arith.constant 0 : i32
            %dma_wait3A_379 = tpu.memref_slice %arg21[%dma_wait3A_377, %dma_wait3A_378] : memref<10000x128xf32, #tpu.memory_space<vmem_shared>> -> memref<10000x128xf32, #tpu.memory_space<vmem_shared>>
            tpu.wait_indirect_dma semaphore(%arg30 : memref<!tpu.dma_semaphore, #tpu.memory_space<semaphore_mem>>) src(%arg17 : memref<80x128xf32, #tpu.memory_space<vmem>>) dst(%dma_wait3A_379 : memref<10000x128xf32, #tpu.memory_space<vmem_shared>>)
          } else {
          }
          %dma_start3A_374 = arith.constant 0 : i32
          %dma_start3A_375 = arith.constant 0 : i32
          %dma_start3A_376 = tpu.memref_slice %arg2[%dma_start3A_374, %dma_start3A_375] : memref<10000x128xf32, #tpu.memory_space<hbm>> -> memref<10000x128xf32, #tpu.memory_space<hbm>>
          tpu.enqueue_indirect_dma source(%dma_start3A_376 : memref<10000x128xf32, #tpu.memory_space<hbm>>) target(%arg17 : memref<80x128xf32, #tpu.memory_space<vmem>>) offsets(%arg5 : memref<80xi32, #tpu.memory_space<vmem>>) semaphore(%arg26 : memref<!tpu.dma_semaphore, #tpu.memory_space<semaphore_mem>>)
        } else {
        }
        %dma_wait3A_337 = arith.constant 0 : i32
        %dma_wait3A_338 = arith.constant 0 : i32
        %dma_wait3A_339 = tpu.memref_slice %arg2[%dma_wait3A_337, %dma_wait3A_338] : memref<10000x128xf32, #tpu.memory_space<hbm>> -> memref<10000x128xf32, #tpu.memory_space<hbm>>
        tpu.wait_indirect_dma semaphore(%arg28 : memref<!tpu.dma_semaphore, #tpu.memory_space<semaphore_mem>>) src(%dma_wait3A_339 : memref<10000x128xf32, #tpu.memory_space<hbm>>) dst(%arg19 : memref<80x128xf32, #tpu.memory_space<vmem>>)
        %dma_start3A_340 = arith.constant 0 : i32
        %dma_start3A_341 = arith.constant 0 : i32
        %dma_start3A_342 = tpu.memref_slice %arg21[%dma_start3A_340, %dma_start3A_341] : memref<10000x128xf32, #tpu.memory_space<vmem_shared>> -> memref<10000x128xf32, #tpu.memory_space<vmem_shared>>
        tpu.enqueue_indirect_dma source(%arg19 : memref<80x128xf32, #tpu.memory_space<vmem>>) target(%dma_start3A_342 : memref<10000x128xf32, #tpu.memory_space<vmem_shared>>) offsets(%arg11 : memref<80xi32, #tpu.memory_space<vmem>>) semaphore(%arg32 : memref<!tpu.dma_semaphore, #tpu.memory_space<semaphore_mem>>) {add = true}
        %add3A_343 = arith.constant 4 : i32
        %add3A_344 = arith.addi %add3A_268, %add3A_343 : i32
        %lt3A_345 = arith.constant 125 : i32
        %lt3A_346 = arith.cmpi slt, %add3A_344, %lt3A_345 : i32
        %convert_element_type3A_347 = arith.extui %lt3A_346 : i1 to i32
        %cond3A_348 = arith.constant 0 : i32
        %cond3A_349 = arith.cmpi ne, %convert_element_type3A_347, %cond3A_348 : i32
        scf.if %cond3A_349 {
          %add3A_350 = arith.constant 4 : i32
          %add3A_351 = arith.addi %add3A_268, %add3A_350 : i32
          %mul3A_352 = arith.constant 10000 : i32
          %mul3A_353 = arith.muli %add3A, %mul3A_352 : i32
          %mul3A_354 = arith.constant 80 : i32
          %mul3A_355 = arith.muli %add3A_351, %mul3A_354 : i32
          %add3A_356 = arith.addi %mul3A_353, %mul3A_355 : i32
          %dma_start3A_357 = tpu.memref_slice %arg3[%add3A_356] : memref<640000xi32, #tpu.memory_space<hbm>> -> memref<80xi32, #tpu.memory_space<hbm>>
          %dma_start3A_358 = tpu.memref_slice %arg3[%add3A_356] : memref<640000xi32, #tpu.memory_space<hbm>> -> memref<80xi32, #tpu.memory_space<hbm>>
          tpu.enqueue_dma source(%dma_start3A_358 : memref<80xi32, #tpu.memory_space<hbm>>) target(%arg7 : memref<80xi32, #tpu.memory_space<vmem>>) target_semaphore(%arg24 : memref<!tpu.dma_semaphore, #tpu.memory_space<semaphore_mem>>)
          %add3A_359 = arith.constant 4 : i32
          %add3A_360 = arith.addi %add3A_268, %add3A_359 : i32
          %mul3A_361 = arith.constant 10000 : i32
          %mul3A_362 = arith.muli %add3A, %mul3A_361 : i32
          %add3A_363 = arith.constant 320000 : i32
          %add3A_364 = arith.addi %add3A_363, %mul3A_362 : i32
          %mul3A_365 = arith.constant 80 : i32
          %mul3A_366 = arith.muli %add3A_360, %mul3A_365 : i32
          %add3A_367 = arith.addi %add3A_364, %mul3A_366 : i32
          %dma_start3A_368 = tpu.memref_slice %arg3[%add3A_367] : memref<640000xi32, #tpu.memory_space<hbm>> -> memref<80xi32, #tpu.memory_space<hbm>>
          %dma_start3A_369 = tpu.memref_slice %arg3[%add3A_367] : memref<640000xi32, #tpu.memory_space<hbm>> -> memref<80xi32, #tpu.memory_space<hbm>>
          tpu.enqueue_dma source(%dma_start3A_369 : memref<80xi32, #tpu.memory_space<hbm>>) target(%arg15 : memref<80xi32, #tpu.memory_space<vmem>>) target_semaphore(%arg24 : memref<!tpu.dma_semaphore, #tpu.memory_space<semaphore_mem>>)
        } else {
        }
      } else {
      }
      %mul3A_274 = arith.constant 2 : i32
      %mul3A_275 = arith.muli %scan3A_240, %mul3A_274 : i32
      %mul3A_276 = arith.constant 4 : i32
      %mul3A_277 = arith.muli %mul3A_275, %mul3A_276 : i32
      %add3A_278 = arith.constant 3 : i32
      %add3A_279 = arith.addi %mul3A_277, %add3A_278 : i32
      %lt3A_280 = arith.constant 125 : i32
      %lt3A_281 = arith.cmpi slt, %add3A_279, %lt3A_280 : i32
      %convert_element_type3A_282 = arith.extui %lt3A_281 : i1 to i32
      %cond3A_283 = arith.constant 0 : i32
      %cond3A_284 = arith.cmpi ne, %convert_element_type3A_282, %cond3A_283 : i32
      scf.if %cond3A_284 {
        %add3A_330 = arith.constant 2 : i32
        %add3A_331 = arith.addi %add3A_279, %add3A_330 : i32
        %lt3A_332 = arith.constant 125 : i32
        %lt3A_333 = arith.cmpi slt, %add3A_331, %lt3A_332 : i32
        %convert_element_type3A_334 = arith.extui %lt3A_333 : i1 to i32
        %cond3A_335 = arith.constant 0 : i32
        %cond3A_336 = arith.cmpi ne, %convert_element_type3A_334, %cond3A_335 : i32
        scf.if %cond3A_336 {
          %add3A_350 = arith.constant 2 : i32
          %add3A_351 = arith.addi %add3A_279, %add3A_350 : i32
          %mul3A_352 = arith.constant 10000 : i32
          %mul3A_353 = arith.muli %add3A, %mul3A_352 : i32
          %mul3A_354 = arith.constant 80 : i32
          %mul3A_355 = arith.muli %add3A_351, %mul3A_354 : i32
          %add3A_356 = arith.addi %mul3A_353, %mul3A_355 : i32
          %dma_wait3A_357 = tpu.memref_slice %arg3[%add3A_356] : memref<640000xi32, #tpu.memory_space<hbm>> -> memref<80xi32, #tpu.memory_space<hbm>>
          %dma_wait3A_358 = tpu.memref_slice %arg3[%add3A_356] : memref<640000xi32, #tpu.memory_space<hbm>> -> memref<80xi32, #tpu.memory_space<hbm>>
          tpu.wait_dma2 semaphore(%arg23 : memref<!tpu.dma_semaphore, #tpu.memory_space<semaphore_mem>>) src(%dma_wait3A_358 : memref<80xi32, #tpu.memory_space<hbm>>) dst(%arg6 : memref<80xi32, #tpu.memory_space<vmem>>)
          %add3A_359 = arith.constant 2 : i32
          %add3A_360 = arith.addi %add3A_279, %add3A_359 : i32
          %mul3A_361 = arith.constant 10000 : i32
          %mul3A_362 = arith.muli %add3A, %mul3A_361 : i32
          %add3A_363 = arith.constant 320000 : i32
          %add3A_364 = arith.addi %add3A_363, %mul3A_362 : i32
          %mul3A_365 = arith.constant 80 : i32
          %mul3A_366 = arith.muli %add3A_360, %mul3A_365 : i32
          %add3A_367 = arith.addi %add3A_364, %mul3A_366 : i32
          %dma_wait3A_368 = tpu.memref_slice %arg3[%add3A_367] : memref<640000xi32, #tpu.memory_space<hbm>> -> memref<80xi32, #tpu.memory_space<hbm>>
          %dma_wait3A_369 = tpu.memref_slice %arg3[%add3A_367] : memref<640000xi32, #tpu.memory_space<hbm>> -> memref<80xi32, #tpu.memory_space<hbm>>
          tpu.wait_dma2 semaphore(%arg23 : memref<!tpu.dma_semaphore, #tpu.memory_space<semaphore_mem>>) src(%dma_wait3A_369 : memref<80xi32, #tpu.memory_space<hbm>>) dst(%arg14 : memref<80xi32, #tpu.memory_space<vmem>>)
          %ge3A = arith.constant 2 : i32
          %ge3A_370 = arith.cmpi sge, %add3A_279, %ge3A : i32
          %convert_element_type3A_371 = arith.extui %ge3A_370 : i1 to i32
          %cond3A_372 = arith.constant 0 : i32
          %cond3A_373 = arith.cmpi ne, %convert_element_type3A_371, %cond3A_372 : i32
          scf.if %cond3A_373 {
            %dma_wait3A_377 = arith.constant 0 : i32
            %dma_wait3A_378 = arith.constant 0 : i32
            %dma_wait3A_379 = tpu.memref_slice %arg21[%dma_wait3A_377, %dma_wait3A_378] : memref<10000x128xf32, #tpu.memory_space<vmem_shared>> -> memref<10000x128xf32, #tpu.memory_space<vmem_shared>>
            tpu.wait_indirect_dma semaphore(%arg31 : memref<!tpu.dma_semaphore, #tpu.memory_space<semaphore_mem>>) src(%arg18 : memref<80x128xf32, #tpu.memory_space<vmem>>) dst(%dma_wait3A_379 : memref<10000x128xf32, #tpu.memory_space<vmem_shared>>)
          } else {
          }
          %dma_start3A_374 = arith.constant 0 : i32
          %dma_start3A_375 = arith.constant 0 : i32
          %dma_start3A_376 = tpu.memref_slice %arg2[%dma_start3A_374, %dma_start3A_375] : memref<10000x128xf32, #tpu.memory_space<hbm>> -> memref<10000x128xf32, #tpu.memory_space<hbm>>
          tpu.enqueue_indirect_dma source(%dma_start3A_376 : memref<10000x128xf32, #tpu.memory_space<hbm>>) target(%arg18 : memref<80x128xf32, #tpu.memory_space<vmem>>) offsets(%arg6 : memref<80xi32, #tpu.memory_space<vmem>>) semaphore(%arg27 : memref<!tpu.dma_semaphore, #tpu.memory_space<semaphore_mem>>)
        } else {
        }
        %dma_wait3A_337 = arith.constant 0 : i32
        %dma_wait3A_338 = arith.constant 0 : i32
        %dma_wait3A_339 = tpu.memref_slice %arg2[%dma_wait3A_337, %dma_wait3A_338] : memref<10000x128xf32, #tpu.memory_space<hbm>> -> memref<10000x128xf32, #tpu.memory_space<hbm>>
        tpu.wait_indirect_dma semaphore(%arg29 : memref<!tpu.dma_semaphore, #tpu.memory_space<semaphore_mem>>) src(%dma_wait3A_339 : memref<10000x128xf32, #tpu.memory_space<hbm>>) dst(%arg20 : memref<80x128xf32, #tpu.memory_space<vmem>>)
        %dma_start3A_340 = arith.constant 0 : i32
        %dma_start3A_341 = arith.constant 0 : i32
        %dma_start3A_342 = tpu.memref_slice %arg21[%dma_start3A_340, %dma_start3A_341] : memref<10000x128xf32, #tpu.memory_space<vmem_shared>> -> memref<10000x128xf32, #tpu.memory_space<vmem_shared>>
        tpu.enqueue_indirect_dma source(%arg20 : memref<80x128xf32, #tpu.memory_space<vmem>>) target(%dma_start3A_342 : memref<10000x128xf32, #tpu.memory_space<vmem_shared>>) offsets(%arg12 : memref<80xi32, #tpu.memory_space<vmem>>) semaphore(%arg33 : memref<!tpu.dma_semaphore, #tpu.memory_space<semaphore_mem>>) {add = true}
        %add3A_343 = arith.constant 4 : i32
        %add3A_344 = arith.addi %add3A_279, %add3A_343 : i32
        %lt3A_345 = arith.constant 125 : i32
        %lt3A_346 = arith.cmpi slt, %add3A_344, %lt3A_345 : i32
        %convert_element_type3A_347 = arith.extui %lt3A_346 : i1 to i32
        %cond3A_348 = arith.constant 0 : i32
        %cond3A_349 = arith.cmpi ne, %convert_element_type3A_347, %cond3A_348 : i32
        scf.if %cond3A_349 {
          %add3A_350 = arith.constant 4 : i32
          %add3A_351 = arith.addi %add3A_279, %add3A_350 : i32
          %mul3A_352 = arith.constant 10000 : i32
          %mul3A_353 = arith.muli %add3A, %mul3A_352 : i32
          %mul3A_354 = arith.constant 80 : i32
          %mul3A_355 = arith.muli %add3A_351, %mul3A_354 : i32
          %add3A_356 = arith.addi %mul3A_353, %mul3A_355 : i32
          %dma_start3A_357 = tpu.memref_slice %arg3[%add3A_356] : memref<640000xi32, #tpu.memory_space<hbm>> -> memref<80xi32, #tpu.memory_space<hbm>>
          %dma_start3A_358 = tpu.memref_slice %arg3[%add3A_356] : memref<640000xi32, #tpu.memory_space<hbm>> -> memref<80xi32, #tpu.memory_space<hbm>>
          tpu.enqueue_dma source(%dma_start3A_358 : memref<80xi32, #tpu.memory_space<hbm>>) target(%arg8 : memref<80xi32, #tpu.memory_space<vmem>>) target_semaphore(%arg25 : memref<!tpu.dma_semaphore, #tpu.memory_space<semaphore_mem>>)
          %add3A_359 = arith.constant 4 : i32
          %add3A_360 = arith.addi %add3A_279, %add3A_359 : i32
          %mul3A_361 = arith.constant 10000 : i32
          %mul3A_362 = arith.muli %add3A, %mul3A_361 : i32
          %add3A_363 = arith.constant 320000 : i32
          %add3A_364 = arith.addi %add3A_363, %mul3A_362 : i32
          %mul3A_365 = arith.constant 80 : i32
          %mul3A_366 = arith.muli %add3A_360, %mul3A_365 : i32
          %add3A_367 = arith.addi %add3A_364, %mul3A_366 : i32
          %dma_start3A_368 = tpu.memref_slice %arg3[%add3A_367] : memref<640000xi32, #tpu.memory_space<hbm>> -> memref<80xi32, #tpu.memory_space<hbm>>
          %dma_start3A_369 = tpu.memref_slice %arg3[%add3A_367] : memref<640000xi32, #tpu.memory_space<hbm>> -> memref<80xi32, #tpu.memory_space<hbm>>
          tpu.enqueue_dma source(%dma_start3A_369 : memref<80xi32, #tpu.memory_space<hbm>>) target(%arg16 : memref<80xi32, #tpu.memory_space<vmem>>) target_semaphore(%arg25 : memref<!tpu.dma_semaphore, #tpu.memory_space<semaphore_mem>>)
        } else {
        }
      } else {
      }
      %mul3A_285 = arith.constant 2 : i32
      %mul3A_286 = arith.muli %scan3A_240, %mul3A_285 : i32
      %mul3A_287 = arith.constant 4 : i32
      %mul3A_288 = arith.muli %mul3A_286, %mul3A_287 : i32
      %add3A_289 = arith.constant 4 : i32
      %add3A_290 = arith.addi %mul3A_288, %add3A_289 : i32
      %lt3A_291 = arith.constant 125 : i32
      %lt3A_292 = arith.cmpi slt, %add3A_290, %lt3A_291 : i32
      %convert_element_type3A_293 = arith.extui %lt3A_292 : i1 to i32
      %cond3A_294 = arith.constant 0 : i32
      %cond3A_295 = arith.cmpi ne, %convert_element_type3A_293, %cond3A_294 : i32
      scf.if %cond3A_295 {
        %add3A_330 = arith.constant 2 : i32
        %add3A_331 = arith.addi %add3A_290, %add3A_330 : i32
        %lt3A_332 = arith.constant 125 : i32
        %lt3A_333 = arith.cmpi slt, %add3A_331, %lt3A_332 : i32
        %convert_element_type3A_334 = arith.extui %lt3A_333 : i1 to i32
        %cond3A_335 = arith.constant 0 : i32
        %cond3A_336 = arith.cmpi ne, %convert_element_type3A_334, %cond3A_335 : i32
        scf.if %cond3A_336 {
          %add3A_350 = arith.constant 2 : i32
          %add3A_351 = arith.addi %add3A_290, %add3A_350 : i32
          %mul3A_352 = arith.constant 10000 : i32
          %mul3A_353 = arith.muli %add3A, %mul3A_352 : i32
          %mul3A_354 = arith.constant 80 : i32
          %mul3A_355 = arith.muli %add3A_351, %mul3A_354 : i32
          %add3A_356 = arith.addi %mul3A_353, %mul3A_355 : i32
          %dma_wait3A_357 = tpu.memref_slice %arg3[%add3A_356] : memref<640000xi32, #tpu.memory_space<hbm>> -> memref<80xi32, #tpu.memory_space<hbm>>
          %dma_wait3A_358 = tpu.memref_slice %arg3[%add3A_356] : memref<640000xi32, #tpu.memory_space<hbm>> -> memref<80xi32, #tpu.memory_space<hbm>>
          tpu.wait_dma2 semaphore(%arg24 : memref<!tpu.dma_semaphore, #tpu.memory_space<semaphore_mem>>) src(%dma_wait3A_358 : memref<80xi32, #tpu.memory_space<hbm>>) dst(%arg7 : memref<80xi32, #tpu.memory_space<vmem>>)
          %add3A_359 = arith.constant 2 : i32
          %add3A_360 = arith.addi %add3A_290, %add3A_359 : i32
          %mul3A_361 = arith.constant 10000 : i32
          %mul3A_362 = arith.muli %add3A, %mul3A_361 : i32
          %add3A_363 = arith.constant 320000 : i32
          %add3A_364 = arith.addi %add3A_363, %mul3A_362 : i32
          %mul3A_365 = arith.constant 80 : i32
          %mul3A_366 = arith.muli %add3A_360, %mul3A_365 : i32
          %add3A_367 = arith.addi %add3A_364, %mul3A_366 : i32
          %dma_wait3A_368 = tpu.memref_slice %arg3[%add3A_367] : memref<640000xi32, #tpu.memory_space<hbm>> -> memref<80xi32, #tpu.memory_space<hbm>>
          %dma_wait3A_369 = tpu.memref_slice %arg3[%add3A_367] : memref<640000xi32, #tpu.memory_space<hbm>> -> memref<80xi32, #tpu.memory_space<hbm>>
          tpu.wait_dma2 semaphore(%arg24 : memref<!tpu.dma_semaphore, #tpu.memory_space<semaphore_mem>>) src(%dma_wait3A_369 : memref<80xi32, #tpu.memory_space<hbm>>) dst(%arg15 : memref<80xi32, #tpu.memory_space<vmem>>)
          %ge3A = arith.constant 2 : i32
          %ge3A_370 = arith.cmpi sge, %add3A_290, %ge3A : i32
          %convert_element_type3A_371 = arith.extui %ge3A_370 : i1 to i32
          %cond3A_372 = arith.constant 0 : i32
          %cond3A_373 = arith.cmpi ne, %convert_element_type3A_371, %cond3A_372 : i32
          scf.if %cond3A_373 {
            %dma_wait3A_377 = arith.constant 0 : i32
            %dma_wait3A_378 = arith.constant 0 : i32
            %dma_wait3A_379 = tpu.memref_slice %arg21[%dma_wait3A_377, %dma_wait3A_378] : memref<10000x128xf32, #tpu.memory_space<vmem_shared>> -> memref<10000x128xf32, #tpu.memory_space<vmem_shared>>
            tpu.wait_indirect_dma semaphore(%arg32 : memref<!tpu.dma_semaphore, #tpu.memory_space<semaphore_mem>>) src(%arg19 : memref<80x128xf32, #tpu.memory_space<vmem>>) dst(%dma_wait3A_379 : memref<10000x128xf32, #tpu.memory_space<vmem_shared>>)
          } else {
          }
          %dma_start3A_374 = arith.constant 0 : i32
          %dma_start3A_375 = arith.constant 0 : i32
          %dma_start3A_376 = tpu.memref_slice %arg2[%dma_start3A_374, %dma_start3A_375] : memref<10000x128xf32, #tpu.memory_space<hbm>> -> memref<10000x128xf32, #tpu.memory_space<hbm>>
          tpu.enqueue_indirect_dma source(%dma_start3A_376 : memref<10000x128xf32, #tpu.memory_space<hbm>>) target(%arg19 : memref<80x128xf32, #tpu.memory_space<vmem>>) offsets(%arg7 : memref<80xi32, #tpu.memory_space<vmem>>) semaphore(%arg28 : memref<!tpu.dma_semaphore, #tpu.memory_space<semaphore_mem>>)
        } else {
        }
        %dma_wait3A_337 = arith.constant 0 : i32
        %dma_wait3A_338 = arith.constant 0 : i32
        %dma_wait3A_339 = tpu.memref_slice %arg2[%dma_wait3A_337, %dma_wait3A_338] : memref<10000x128xf32, #tpu.memory_space<hbm>> -> memref<10000x128xf32, #tpu.memory_space<hbm>>
        tpu.wait_indirect_dma semaphore(%arg26 : memref<!tpu.dma_semaphore, #tpu.memory_space<semaphore_mem>>) src(%dma_wait3A_339 : memref<10000x128xf32, #tpu.memory_space<hbm>>) dst(%arg17 : memref<80x128xf32, #tpu.memory_space<vmem>>)
        %dma_start3A_340 = arith.constant 0 : i32
        %dma_start3A_341 = arith.constant 0 : i32
        %dma_start3A_342 = tpu.memref_slice %arg21[%dma_start3A_340, %dma_start3A_341] : memref<10000x128xf32, #tpu.memory_space<vmem_shared>> -> memref<10000x128xf32, #tpu.memory_space<vmem_shared>>
        tpu.enqueue_indirect_dma source(%arg17 : memref<80x128xf32, #tpu.memory_space<vmem>>) target(%dma_start3A_342 : memref<10000x128xf32, #tpu.memory_space<vmem_shared>>) offsets(%arg13 : memref<80xi32, #tpu.memory_space<vmem>>) semaphore(%arg30 : memref<!tpu.dma_semaphore, #tpu.memory_space<semaphore_mem>>) {add = true}
        %add3A_343 = arith.constant 4 : i32
        %add3A_344 = arith.addi %add3A_290, %add3A_343 : i32
        %lt3A_345 = arith.constant 125 : i32
        %lt3A_346 = arith.cmpi slt, %add3A_344, %lt3A_345 : i32
        %convert_element_type3A_347 = arith.extui %lt3A_346 : i1 to i32
        %cond3A_348 = arith.constant 0 : i32
        %cond3A_349 = arith.cmpi ne, %convert_element_type3A_347, %cond3A_348 : i32
        scf.if %cond3A_349 {
          %add3A_350 = arith.constant 4 : i32
          %add3A_351 = arith.addi %add3A_290, %add3A_350 : i32
          %mul3A_352 = arith.constant 10000 : i32
          %mul3A_353 = arith.muli %add3A, %mul3A_352 : i32
          %mul3A_354 = arith.constant 80 : i32
          %mul3A_355 = arith.muli %add3A_351, %mul3A_354 : i32
          %add3A_356 = arith.addi %mul3A_353, %mul3A_355 : i32
          %dma_start3A_357 = tpu.memref_slice %arg3[%add3A_356] : memref<640000xi32, #tpu.memory_space<hbm>> -> memref<80xi32, #tpu.memory_space<hbm>>
          %dma_start3A_358 = tpu.memref_slice %arg3[%add3A_356] : memref<640000xi32, #tpu.memory_space<hbm>> -> memref<80xi32, #tpu.memory_space<hbm>>
          tpu.enqueue_dma source(%dma_start3A_358 : memref<80xi32, #tpu.memory_space<hbm>>) target(%arg5 : memref<80xi32, #tpu.memory_space<vmem>>) target_semaphore(%arg22 : memref<!tpu.dma_semaphore, #tpu.memory_space<semaphore_mem>>)
          %add3A_359 = arith.constant 4 : i32
          %add3A_360 = arith.addi %add3A_290, %add3A_359 : i32
          %mul3A_361 = arith.constant 10000 : i32
          %mul3A_362 = arith.muli %add3A, %mul3A_361 : i32
          %add3A_363 = arith.constant 320000 : i32
          %add3A_364 = arith.addi %add3A_363, %mul3A_362 : i32
          %mul3A_365 = arith.constant 80 : i32
          %mul3A_366 = arith.muli %add3A_360, %mul3A_365 : i32
          %add3A_367 = arith.addi %add3A_364, %mul3A_366 : i32
          %dma_start3A_368 = tpu.memref_slice %arg3[%add3A_367] : memref<640000xi32, #tpu.memory_space<hbm>> -> memref<80xi32, #tpu.memory_space<hbm>>
          %dma_start3A_369 = tpu.memref_slice %arg3[%add3A_367] : memref<640000xi32, #tpu.memory_space<hbm>> -> memref<80xi32, #tpu.memory_space<hbm>>
          tpu.enqueue_dma source(%dma_start3A_369 : memref<80xi32, #tpu.memory_space<hbm>>) target(%arg9 : memref<80xi32, #tpu.memory_space<vmem>>) target_semaphore(%arg22 : memref<!tpu.dma_semaphore, #tpu.memory_space<semaphore_mem>>)
        } else {
        }
      } else {
      }
      %mul3A_296 = arith.constant 2 : i32
      %mul3A_297 = arith.muli %scan3A_240, %mul3A_296 : i32
      %mul3A_298 = arith.constant 4 : i32
      %mul3A_299 = arith.muli %mul3A_297, %mul3A_298 : i32
      %add3A_300 = arith.constant 5 : i32
      %add3A_301 = arith.addi %mul3A_299, %add3A_300 : i32
      %lt3A_302 = arith.constant 125 : i32
      %lt3A_303 = arith.cmpi slt, %add3A_301, %lt3A_302 : i32
      %convert_element_type3A_304 = arith.extui %lt3A_303 : i1 to i32
      %cond3A_305 = arith.constant 0 : i32
      %cond3A_306 = arith.cmpi ne, %convert_element_type3A_304, %cond3A_305 : i32
      scf.if %cond3A_306 {
        %add3A_330 = arith.constant 2 : i32
        %add3A_331 = arith.addi %add3A_301, %add3A_330 : i32
        %lt3A_332 = arith.constant 125 : i32
        %lt3A_333 = arith.cmpi slt, %add3A_331, %lt3A_332 : i32
        %convert_element_type3A_334 = arith.extui %lt3A_333 : i1 to i32
        %cond3A_335 = arith.constant 0 : i32
        %cond3A_336 = arith.cmpi ne, %convert_element_type3A_334, %cond3A_335 : i32
        scf.if %cond3A_336 {
          %add3A_350 = arith.constant 2 : i32
          %add3A_351 = arith.addi %add3A_301, %add3A_350 : i32
          %mul3A_352 = arith.constant 10000 : i32
          %mul3A_353 = arith.muli %add3A, %mul3A_352 : i32
          %mul3A_354 = arith.constant 80 : i32
          %mul3A_355 = arith.muli %add3A_351, %mul3A_354 : i32
          %add3A_356 = arith.addi %mul3A_353, %mul3A_355 : i32
          %dma_wait3A_357 = tpu.memref_slice %arg3[%add3A_356] : memref<640000xi32, #tpu.memory_space<hbm>> -> memref<80xi32, #tpu.memory_space<hbm>>
          %dma_wait3A_358 = tpu.memref_slice %arg3[%add3A_356] : memref<640000xi32, #tpu.memory_space<hbm>> -> memref<80xi32, #tpu.memory_space<hbm>>
          tpu.wait_dma2 semaphore(%arg25 : memref<!tpu.dma_semaphore, #tpu.memory_space<semaphore_mem>>) src(%dma_wait3A_358 : memref<80xi32, #tpu.memory_space<hbm>>) dst(%arg8 : memref<80xi32, #tpu.memory_space<vmem>>)
          %add3A_359 = arith.constant 2 : i32
          %add3A_360 = arith.addi %add3A_301, %add3A_359 : i32
          %mul3A_361 = arith.constant 10000 : i32
          %mul3A_362 = arith.muli %add3A, %mul3A_361 : i32
          %add3A_363 = arith.constant 320000 : i32
          %add3A_364 = arith.addi %add3A_363, %mul3A_362 : i32
          %mul3A_365 = arith.constant 80 : i32
          %mul3A_366 = arith.muli %add3A_360, %mul3A_365 : i32
          %add3A_367 = arith.addi %add3A_364, %mul3A_366 : i32
          %dma_wait3A_368 = tpu.memref_slice %arg3[%add3A_367] : memref<640000xi32, #tpu.memory_space<hbm>> -> memref<80xi32, #tpu.memory_space<hbm>>
          %dma_wait3A_369 = tpu.memref_slice %arg3[%add3A_367] : memref<640000xi32, #tpu.memory_space<hbm>> -> memref<80xi32, #tpu.memory_space<hbm>>
          tpu.wait_dma2 semaphore(%arg25 : memref<!tpu.dma_semaphore, #tpu.memory_space<semaphore_mem>>) src(%dma_wait3A_369 : memref<80xi32, #tpu.memory_space<hbm>>) dst(%arg16 : memref<80xi32, #tpu.memory_space<vmem>>)
          %ge3A = arith.constant 2 : i32
          %ge3A_370 = arith.cmpi sge, %add3A_301, %ge3A : i32
          %convert_element_type3A_371 = arith.extui %ge3A_370 : i1 to i32
          %cond3A_372 = arith.constant 0 : i32
          %cond3A_373 = arith.cmpi ne, %convert_element_type3A_371, %cond3A_372 : i32
          scf.if %cond3A_373 {
            %dma_wait3A_377 = arith.constant 0 : i32
            %dma_wait3A_378 = arith.constant 0 : i32
            %dma_wait3A_379 = tpu.memref_slice %arg21[%dma_wait3A_377, %dma_wait3A_378] : memref<10000x128xf32, #tpu.memory_space<vmem_shared>> -> memref<10000x128xf32, #tpu.memory_space<vmem_shared>>
            tpu.wait_indirect_dma semaphore(%arg33 : memref<!tpu.dma_semaphore, #tpu.memory_space<semaphore_mem>>) src(%arg20 : memref<80x128xf32, #tpu.memory_space<vmem>>) dst(%dma_wait3A_379 : memref<10000x128xf32, #tpu.memory_space<vmem_shared>>)
          } else {
          }
          %dma_start3A_374 = arith.constant 0 : i32
          %dma_start3A_375 = arith.constant 0 : i32
          %dma_start3A_376 = tpu.memref_slice %arg2[%dma_start3A_374, %dma_start3A_375] : memref<10000x128xf32, #tpu.memory_space<hbm>> -> memref<10000x128xf32, #tpu.memory_space<hbm>>
          tpu.enqueue_indirect_dma source(%dma_start3A_376 : memref<10000x128xf32, #tpu.memory_space<hbm>>) target(%arg20 : memref<80x128xf32, #tpu.memory_space<vmem>>) offsets(%arg8 : memref<80xi32, #tpu.memory_space<vmem>>) semaphore(%arg29 : memref<!tpu.dma_semaphore, #tpu.memory_space<semaphore_mem>>)
        } else {
        }
        %dma_wait3A_337 = arith.constant 0 : i32
        %dma_wait3A_338 = arith.constant 0 : i32
        %dma_wait3A_339 = tpu.memref_slice %arg2[%dma_wait3A_337, %dma_wait3A_338] : memref<10000x128xf32, #tpu.memory_space<hbm>> -> memref<10000x128xf32, #tpu.memory_space<hbm>>
        tpu.wait_indirect_dma semaphore(%arg27 : memref<!tpu.dma_semaphore, #tpu.memory_space<semaphore_mem>>) src(%dma_wait3A_339 : memref<10000x128xf32, #tpu.memory_space<hbm>>) dst(%arg18 : memref<80x128xf32, #tpu.memory_space<vmem>>)
        %dma_start3A_340 = arith.constant 0 : i32
        %dma_start3A_341 = arith.constant 0 : i32
        %dma_start3A_342 = tpu.memref_slice %arg21[%dma_start3A_340, %dma_start3A_341] : memref<10000x128xf32, #tpu.memory_space<vmem_shared>> -> memref<10000x128xf32, #tpu.memory_space<vmem_shared>>
        tpu.enqueue_indirect_dma source(%arg18 : memref<80x128xf32, #tpu.memory_space<vmem>>) target(%dma_start3A_342 : memref<10000x128xf32, #tpu.memory_space<vmem_shared>>) offsets(%arg14 : memref<80xi32, #tpu.memory_space<vmem>>) semaphore(%arg31 : memref<!tpu.dma_semaphore, #tpu.memory_space<semaphore_mem>>) {add = true}
        %add3A_343 = arith.constant 4 : i32
        %add3A_344 = arith.addi %add3A_301, %add3A_343 : i32
        %lt3A_345 = arith.constant 125 : i32
        %lt3A_346 = arith.cmpi slt, %add3A_344, %lt3A_345 : i32
        %convert_element_type3A_347 = arith.extui %lt3A_346 : i1 to i32
        %cond3A_348 = arith.constant 0 : i32
        %cond3A_349 = arith.cmpi ne, %convert_element_type3A_347, %cond3A_348 : i32
        scf.if %cond3A_349 {
          %add3A_350 = arith.constant 4 : i32
          %add3A_351 = arith.addi %add3A_301, %add3A_350 : i32
          %mul3A_352 = arith.constant 10000 : i32
          %mul3A_353 = arith.muli %add3A, %mul3A_352 : i32
          %mul3A_354 = arith.constant 80 : i32
          %mul3A_355 = arith.muli %add3A_351, %mul3A_354 : i32
          %add3A_356 = arith.addi %mul3A_353, %mul3A_355 : i32
          %dma_start3A_357 = tpu.memref_slice %arg3[%add3A_356] : memref<640000xi32, #tpu.memory_space<hbm>> -> memref<80xi32, #tpu.memory_space<hbm>>
          %dma_start3A_358 = tpu.memref_slice %arg3[%add3A_356] : memref<640000xi32, #tpu.memory_space<hbm>> -> memref<80xi32, #tpu.memory_space<hbm>>
          tpu.enqueue_dma source(%dma_start3A_358 : memref<80xi32, #tpu.memory_space<hbm>>) target(%arg6 : memref<80xi32, #tpu.memory_space<vmem>>) target_semaphore(%arg23 : memref<!tpu.dma_semaphore, #tpu.memory_space<semaphore_mem>>)
          %add3A_359 = arith.constant 4 : i32
          %add3A_360 = arith.addi %add3A_301, %add3A_359 : i32
          %mul3A_361 = arith.constant 10000 : i32
          %mul3A_362 = arith.muli %add3A, %mul3A_361 : i32
          %add3A_363 = arith.constant 320000 : i32
          %add3A_364 = arith.addi %add3A_363, %mul3A_362 : i32
          %mul3A_365 = arith.constant 80 : i32
          %mul3A_366 = arith.muli %add3A_360, %mul3A_365 : i32
          %add3A_367 = arith.addi %add3A_364, %mul3A_366 : i32
          %dma_start3A_368 = tpu.memref_slice %arg3[%add3A_367] : memref<640000xi32, #tpu.memory_space<hbm>> -> memref<80xi32, #tpu.memory_space<hbm>>
          %dma_start3A_369 = tpu.memref_slice %arg3[%add3A_367] : memref<640000xi32, #tpu.memory_space<hbm>> -> memref<80xi32, #tpu.memory_space<hbm>>
          tpu.enqueue_dma source(%dma_start3A_369 : memref<80xi32, #tpu.memory_space<hbm>>) target(%arg10 : memref<80xi32, #tpu.memory_space<vmem>>) target_semaphore(%arg23 : memref<!tpu.dma_semaphore, #tpu.memory_space<semaphore_mem>>)
        } else {
        }
      } else {
      }
      %mul3A_307 = arith.constant 2 : i32
      %mul3A_308 = arith.muli %scan3A_240, %mul3A_307 : i32
      %mul3A_309 = arith.constant 4 : i32
      %mul3A_310 = arith.muli %mul3A_308, %mul3A_309 : i32
      %add3A_311 = arith.constant 6 : i32
      %add3A_312 = arith.addi %mul3A_310, %add3A_311 : i32
      %lt3A_313 = arith.constant 125 : i32
      %lt3A_314 = arith.cmpi slt, %add3A_312, %lt3A_313 : i32
      %convert_element_type3A_315 = arith.extui %lt3A_314 : i1 to i32
      %cond3A_316 = arith.constant 0 : i32
      %cond3A_317 = arith.cmpi ne, %convert_element_type3A_315, %cond3A_316 : i32
      scf.if %cond3A_317 {
        %add3A_330 = arith.constant 2 : i32
        %add3A_331 = arith.addi %add3A_312, %add3A_330 : i32
        %lt3A_332 = arith.constant 125 : i32
        %lt3A_333 = arith.cmpi slt, %add3A_331, %lt3A_332 : i32
        %convert_element_type3A_334 = arith.extui %lt3A_333 : i1 to i32
        %cond3A_335 = arith.constant 0 : i32
        %cond3A_336 = arith.cmpi ne, %convert_element_type3A_334, %cond3A_335 : i32
        scf.if %cond3A_336 {
          %add3A_350 = arith.constant 2 : i32
          %add3A_351 = arith.addi %add3A_312, %add3A_350 : i32
          %mul3A_352 = arith.constant 10000 : i32
          %mul3A_353 = arith.muli %add3A, %mul3A_352 : i32
          %mul3A_354 = arith.constant 80 : i32
          %mul3A_355 = arith.muli %add3A_351, %mul3A_354 : i32
          %add3A_356 = arith.addi %mul3A_353, %mul3A_355 : i32
          %dma_wait3A_357 = tpu.memref_slice %arg3[%add3A_356] : memref<640000xi32, #tpu.memory_space<hbm>> -> memref<80xi32, #tpu.memory_space<hbm>>
          %dma_wait3A_358 = tpu.memref_slice %arg3[%add3A_356] : memref<640000xi32, #tpu.memory_space<hbm>> -> memref<80xi32, #tpu.memory_space<hbm>>
          tpu.wait_dma2 semaphore(%arg22 : memref<!tpu.dma_semaphore, #tpu.memory_space<semaphore_mem>>) src(%dma_wait3A_358 : memref<80xi32, #tpu.memory_space<hbm>>) dst(%arg5 : memref<80xi32, #tpu.memory_space<vmem>>)
          %add3A_359 = arith.constant 2 : i32
          %add3A_360 = arith.addi %add3A_312, %add3A_359 : i32
          %mul3A_361 = arith.constant 10000 : i32
          %mul3A_362 = arith.muli %add3A, %mul3A_361 : i32
          %add3A_363 = arith.constant 320000 : i32
          %add3A_364 = arith.addi %add3A_363, %mul3A_362 : i32
          %mul3A_365 = arith.constant 80 : i32
          %mul3A_366 = arith.muli %add3A_360, %mul3A_365 : i32
          %add3A_367 = arith.addi %add3A_364, %mul3A_366 : i32
          %dma_wait3A_368 = tpu.memref_slice %arg3[%add3A_367] : memref<640000xi32, #tpu.memory_space<hbm>> -> memref<80xi32, #tpu.memory_space<hbm>>
          %dma_wait3A_369 = tpu.memref_slice %arg3[%add3A_367] : memref<640000xi32, #tpu.memory_space<hbm>> -> memref<80xi32, #tpu.memory_space<hbm>>
          tpu.wait_dma2 semaphore(%arg22 : memref<!tpu.dma_semaphore, #tpu.memory_space<semaphore_mem>>) src(%dma_wait3A_369 : memref<80xi32, #tpu.memory_space<hbm>>) dst(%arg9 : memref<80xi32, #tpu.memory_space<vmem>>)
          %ge3A = arith.constant 2 : i32
          %ge3A_370 = arith.cmpi sge, %add3A_312, %ge3A : i32
          %convert_element_type3A_371 = arith.extui %ge3A_370 : i1 to i32
          %cond3A_372 = arith.constant 0 : i32
          %cond3A_373 = arith.cmpi ne, %convert_element_type3A_371, %cond3A_372 : i32
          scf.if %cond3A_373 {
            %dma_wait3A_377 = arith.constant 0 : i32
            %dma_wait3A_378 = arith.constant 0 : i32
            %dma_wait3A_379 = tpu.memref_slice %arg21[%dma_wait3A_377, %dma_wait3A_378] : memref<10000x128xf32, #tpu.memory_space<vmem_shared>> -> memref<10000x128xf32, #tpu.memory_space<vmem_shared>>
            tpu.wait_indirect_dma semaphore(%arg30 : memref<!tpu.dma_semaphore, #tpu.memory_space<semaphore_mem>>) src(%arg17 : memref<80x128xf32, #tpu.memory_space<vmem>>) dst(%dma_wait3A_379 : memref<10000x128xf32, #tpu.memory_space<vmem_shared>>)
          } else {
          }
          %dma_start3A_374 = arith.constant 0 : i32
          %dma_start3A_375 = arith.constant 0 : i32
          %dma_start3A_376 = tpu.memref_slice %arg2[%dma_start3A_374, %dma_start3A_375] : memref<10000x128xf32, #tpu.memory_space<hbm>> -> memref<10000x128xf32, #tpu.memory_space<hbm>>
          tpu.enqueue_indirect_dma source(%dma_start3A_376 : memref<10000x128xf32, #tpu.memory_space<hbm>>) target(%arg17 : memref<80x128xf32, #tpu.memory_space<vmem>>) offsets(%arg5 : memref<80xi32, #tpu.memory_space<vmem>>) semaphore(%arg26 : memref<!tpu.dma_semaphore, #tpu.memory_space<semaphore_mem>>)
        } else {
        }
        %dma_wait3A_337 = arith.constant 0 : i32
        %dma_wait3A_338 = arith.constant 0 : i32
        %dma_wait3A_339 = tpu.memref_slice %arg2[%dma_wait3A_337, %dma_wait3A_338] : memref<10000x128xf32, #tpu.memory_space<hbm>> -> memref<10000x128xf32, #tpu.memory_space<hbm>>
        tpu.wait_indirect_dma semaphore(%arg28 : memref<!tpu.dma_semaphore, #tpu.memory_space<semaphore_mem>>) src(%dma_wait3A_339 : memref<10000x128xf32, #tpu.memory_space<hbm>>) dst(%arg19 : memref<80x128xf32, #tpu.memory_space<vmem>>)
        %dma_start3A_340 = arith.constant 0 : i32
        %dma_start3A_341 = arith.constant 0 : i32
        %dma_start3A_342 = tpu.memref_slice %arg21[%dma_start3A_340, %dma_start3A_341] : memref<10000x128xf32, #tpu.memory_space<vmem_shared>> -> memref<10000x128xf32, #tpu.memory_space<vmem_shared>>
        tpu.enqueue_indirect_dma source(%arg19 : memref<80x128xf32, #tpu.memory_space<vmem>>) target(%dma_start3A_342 : memref<10000x128xf32, #tpu.memory_space<vmem_shared>>) offsets(%arg15 : memref<80xi32, #tpu.memory_space<vmem>>) semaphore(%arg32 : memref<!tpu.dma_semaphore, #tpu.memory_space<semaphore_mem>>) {add = true}
        %add3A_343 = arith.constant 4 : i32
        %add3A_344 = arith.addi %add3A_312, %add3A_343 : i32
        %lt3A_345 = arith.constant 125 : i32
        %lt3A_346 = arith.cmpi slt, %add3A_344, %lt3A_345 : i32
        %convert_element_type3A_347 = arith.extui %lt3A_346 : i1 to i32
        %cond3A_348 = arith.constant 0 : i32
        %cond3A_349 = arith.cmpi ne, %convert_element_type3A_347, %cond3A_348 : i32
        scf.if %cond3A_349 {
          %add3A_350 = arith.constant 4 : i32
          %add3A_351 = arith.addi %add3A_312, %add3A_350 : i32
          %mul3A_352 = arith.constant 10000 : i32
          %mul3A_353 = arith.muli %add3A, %mul3A_352 : i32
          %mul3A_354 = arith.constant 80 : i32
          %mul3A_355 = arith.muli %add3A_351, %mul3A_354 : i32
          %add3A_356 = arith.addi %mul3A_353, %mul3A_355 : i32
          %dma_start3A_357 = tpu.memref_slice %arg3[%add3A_356] : memref<640000xi32, #tpu.memory_space<hbm>> -> memref<80xi32, #tpu.memory_space<hbm>>
          %dma_start3A_358 = tpu.memref_slice %arg3[%add3A_356] : memref<640000xi32, #tpu.memory_space<hbm>> -> memref<80xi32, #tpu.memory_space<hbm>>
          tpu.enqueue_dma source(%dma_start3A_358 : memref<80xi32, #tpu.memory_space<hbm>>) target(%arg7 : memref<80xi32, #tpu.memory_space<vmem>>) target_semaphore(%arg24 : memref<!tpu.dma_semaphore, #tpu.memory_space<semaphore_mem>>)
          %add3A_359 = arith.constant 4 : i32
          %add3A_360 = arith.addi %add3A_312, %add3A_359 : i32
          %mul3A_361 = arith.constant 10000 : i32
          %mul3A_362 = arith.muli %add3A, %mul3A_361 : i32
          %add3A_363 = arith.constant 320000 : i32
          %add3A_364 = arith.addi %add3A_363, %mul3A_362 : i32
          %mul3A_365 = arith.constant 80 : i32
          %mul3A_366 = arith.muli %add3A_360, %mul3A_365 : i32
          %add3A_367 = arith.addi %add3A_364, %mul3A_366 : i32
          %dma_start3A_368 = tpu.memref_slice %arg3[%add3A_367] : memref<640000xi32, #tpu.memory_space<hbm>> -> memref<80xi32, #tpu.memory_space<hbm>>
          %dma_start3A_369 = tpu.memref_slice %arg3[%add3A_367] : memref<640000xi32, #tpu.memory_space<hbm>> -> memref<80xi32, #tpu.memory_space<hbm>>
          tpu.enqueue_dma source(%dma_start3A_369 : memref<80xi32, #tpu.memory_space<hbm>>) target(%arg11 : memref<80xi32, #tpu.memory_space<vmem>>) target_semaphore(%arg24 : memref<!tpu.dma_semaphore, #tpu.memory_space<semaphore_mem>>)
        } else {
        }
      } else {
      }
      %mul3A_318 = arith.constant 2 : i32
      %mul3A_319 = arith.muli %scan3A_240, %mul3A_318 : i32
      %mul3A_320 = arith.constant 4 : i32
      %mul3A_321 = arith.muli %mul3A_319, %mul3A_320 : i32
      %add3A_322 = arith.constant 7 : i32
      %add3A_323 = arith.addi %mul3A_321, %add3A_322 : i32
      %lt3A_324 = arith.constant 125 : i32
      %lt3A_325 = arith.cmpi slt, %add3A_323, %lt3A_324 : i32
      %convert_element_type3A_326 = arith.extui %lt3A_325 : i1 to i32
      %cond3A_327 = arith.constant 0 : i32
      %cond3A_328 = arith.cmpi ne, %convert_element_type3A_326, %cond3A_327 : i32
      scf.if %cond3A_328 {
        %add3A_330 = arith.constant 2 : i32
        %add3A_331 = arith.addi %add3A_323, %add3A_330 : i32
        %lt3A_332 = arith.constant 125 : i32
        %lt3A_333 = arith.cmpi slt, %add3A_331, %lt3A_332 : i32
        %convert_element_type3A_334 = arith.extui %lt3A_333 : i1 to i32
        %cond3A_335 = arith.constant 0 : i32
        %cond3A_336 = arith.cmpi ne, %convert_element_type3A_334, %cond3A_335 : i32
        scf.if %cond3A_336 {
          %add3A_350 = arith.constant 2 : i32
          %add3A_351 = arith.addi %add3A_323, %add3A_350 : i32
          %mul3A_352 = arith.constant 10000 : i32
          %mul3A_353 = arith.muli %add3A, %mul3A_352 : i32
          %mul3A_354 = arith.constant 80 : i32
          %mul3A_355 = arith.muli %add3A_351, %mul3A_354 : i32
          %add3A_356 = arith.addi %mul3A_353, %mul3A_355 : i32
          %dma_wait3A_357 = tpu.memref_slice %arg3[%add3A_356] : memref<640000xi32, #tpu.memory_space<hbm>> -> memref<80xi32, #tpu.memory_space<hbm>>
          %dma_wait3A_358 = tpu.memref_slice %arg3[%add3A_356] : memref<640000xi32, #tpu.memory_space<hbm>> -> memref<80xi32, #tpu.memory_space<hbm>>
          tpu.wait_dma2 semaphore(%arg23 : memref<!tpu.dma_semaphore, #tpu.memory_space<semaphore_mem>>) src(%dma_wait3A_358 : memref<80xi32, #tpu.memory_space<hbm>>) dst(%arg6 : memref<80xi32, #tpu.memory_space<vmem>>)
          %add3A_359 = arith.constant 2 : i32
          %add3A_360 = arith.addi %add3A_323, %add3A_359 : i32
          %mul3A_361 = arith.constant 10000 : i32
          %mul3A_362 = arith.muli %add3A, %mul3A_361 : i32
          %add3A_363 = arith.constant 320000 : i32
          %add3A_364 = arith.addi %add3A_363, %mul3A_362 : i32
          %mul3A_365 = arith.constant 80 : i32
          %mul3A_366 = arith.muli %add3A_360, %mul3A_365 : i32
          %add3A_367 = arith.addi %add3A_364, %mul3A_366 : i32
          %dma_wait3A_368 = tpu.memref_slice %arg3[%add3A_367] : memref<640000xi32, #tpu.memory_space<hbm>> -> memref<80xi32, #tpu.memory_space<hbm>>
          %dma_wait3A_369 = tpu.memref_slice %arg3[%add3A_367] : memref<640000xi32, #tpu.memory_space<hbm>> -> memref<80xi32, #tpu.memory_space<hbm>>
          tpu.wait_dma2 semaphore(%arg23 : memref<!tpu.dma_semaphore, #tpu.memory_space<semaphore_mem>>) src(%dma_wait3A_369 : memref<80xi32, #tpu.memory_space<hbm>>) dst(%arg10 : memref<80xi32, #tpu.memory_space<vmem>>)
          %ge3A = arith.constant 2 : i32
          %ge3A_370 = arith.cmpi sge, %add3A_323, %ge3A : i32
          %convert_element_type3A_371 = arith.extui %ge3A_370 : i1 to i32
          %cond3A_372 = arith.constant 0 : i32
          %cond3A_373 = arith.cmpi ne, %convert_element_type3A_371, %cond3A_372 : i32
          scf.if %cond3A_373 {
            %dma_wait3A_377 = arith.constant 0 : i32
            %dma_wait3A_378 = arith.constant 0 : i32
            %dma_wait3A_379 = tpu.memref_slice %arg21[%dma_wait3A_377, %dma_wait3A_378] : memref<10000x128xf32, #tpu.memory_space<vmem_shared>> -> memref<10000x128xf32, #tpu.memory_space<vmem_shared>>
            tpu.wait_indirect_dma semaphore(%arg31 : memref<!tpu.dma_semaphore, #tpu.memory_space<semaphore_mem>>) src(%arg18 : memref<80x128xf32, #tpu.memory_space<vmem>>) dst(%dma_wait3A_379 : memref<10000x128xf32, #tpu.memory_space<vmem_shared>>)
          } else {
          }
          %dma_start3A_374 = arith.constant 0 : i32
          %dma_start3A_375 = arith.constant 0 : i32
          %dma_start3A_376 = tpu.memref_slice %arg2[%dma_start3A_374, %dma_start3A_375] : memref<10000x128xf32, #tpu.memory_space<hbm>> -> memref<10000x128xf32, #tpu.memory_space<hbm>>
          tpu.enqueue_indirect_dma source(%dma_start3A_376 : memref<10000x128xf32, #tpu.memory_space<hbm>>) target(%arg18 : memref<80x128xf32, #tpu.memory_space<vmem>>) offsets(%arg6 : memref<80xi32, #tpu.memory_space<vmem>>) semaphore(%arg27 : memref<!tpu.dma_semaphore, #tpu.memory_space<semaphore_mem>>)
        } else {
        }
        %dma_wait3A_337 = arith.constant 0 : i32
        %dma_wait3A_338 = arith.constant 0 : i32
        %dma_wait3A_339 = tpu.memref_slice %arg2[%dma_wait3A_337, %dma_wait3A_338] : memref<10000x128xf32, #tpu.memory_space<hbm>> -> memref<10000x128xf32, #tpu.memory_space<hbm>>
        tpu.wait_indirect_dma semaphore(%arg29 : memref<!tpu.dma_semaphore, #tpu.memory_space<semaphore_mem>>) src(%dma_wait3A_339 : memref<10000x128xf32, #tpu.memory_space<hbm>>) dst(%arg20 : memref<80x128xf32, #tpu.memory_space<vmem>>)
        %dma_start3A_340 = arith.constant 0 : i32
        %dma_start3A_341 = arith.constant 0 : i32
        %dma_start3A_342 = tpu.memref_slice %arg21[%dma_start3A_340, %dma_start3A_341] : memref<10000x128xf32, #tpu.memory_space<vmem_shared>> -> memref<10000x128xf32, #tpu.memory_space<vmem_shared>>
        tpu.enqueue_indirect_dma source(%arg20 : memref<80x128xf32, #tpu.memory_space<vmem>>) target(%dma_start3A_342 : memref<10000x128xf32, #tpu.memory_space<vmem_shared>>) offsets(%arg16 : memref<80xi32, #tpu.memory_space<vmem>>) semaphore(%arg33 : memref<!tpu.dma_semaphore, #tpu.memory_space<semaphore_mem>>) {add = true}
        %add3A_343 = arith.constant 4 : i32
        %add3A_344 = arith.addi %add3A_323, %add3A_343 : i32
        %lt3A_345 = arith.constant 125 : i32
        %lt3A_346 = arith.cmpi slt, %add3A_344, %lt3A_345 : i32
        %convert_element_type3A_347 = arith.extui %lt3A_346 : i1 to i32
        %cond3A_348 = arith.constant 0 : i32
        %cond3A_349 = arith.cmpi ne, %convert_element_type3A_347, %cond3A_348 : i32
        scf.if %cond3A_349 {
          %add3A_350 = arith.constant 4 : i32
          %add3A_351 = arith.addi %add3A_323, %add3A_350 : i32
          %mul3A_352 = arith.constant 10000 : i32
          %mul3A_353 = arith.muli %add3A, %mul3A_352 : i32
          %mul3A_354 = arith.constant 80 : i32
          %mul3A_355 = arith.muli %add3A_351, %mul3A_354 : i32
          %add3A_356 = arith.addi %mul3A_353, %mul3A_355 : i32
          %dma_start3A_357 = tpu.memref_slice %arg3[%add3A_356] : memref<640000xi32, #tpu.memory_space<hbm>> -> memref<80xi32, #tpu.memory_space<hbm>>
          %dma_start3A_358 = tpu.memref_slice %arg3[%add3A_356] : memref<640000xi32, #tpu.memory_space<hbm>> -> memref<80xi32, #tpu.memory_space<hbm>>
          tpu.enqueue_dma source(%dma_start3A_358 : memref<80xi32, #tpu.memory_space<hbm>>) target(%arg8 : memref<80xi32, #tpu.memory_space<vmem>>) target_semaphore(%arg25 : memref<!tpu.dma_semaphore, #tpu.memory_space<semaphore_mem>>)
          %add3A_359 = arith.constant 4 : i32
          %add3A_360 = arith.addi %add3A_323, %add3A_359 : i32
          %mul3A_361 = arith.constant 10000 : i32
          %mul3A_362 = arith.muli %add3A, %mul3A_361 : i32
          %add3A_363 = arith.constant 320000 : i32
          %add3A_364 = arith.addi %add3A_363, %mul3A_362 : i32
          %mul3A_365 = arith.constant 80 : i32
          %mul3A_366 = arith.muli %add3A_360, %mul3A_365 : i32
          %add3A_367 = arith.addi %add3A_364, %mul3A_366 : i32
          %dma_start3A_368 = tpu.memref_slice %arg3[%add3A_367] : memref<640000xi32, #tpu.memory_space<hbm>> -> memref<80xi32, #tpu.memory_space<hbm>>
          %dma_start3A_369 = tpu.memref_slice %arg3[%add3A_367] : memref<640000xi32, #tpu.memory_space<hbm>> -> memref<80xi32, #tpu.memory_space<hbm>>
          tpu.enqueue_dma source(%dma_start3A_369 : memref<80xi32, #tpu.memory_space<hbm>>) target(%arg12 : memref<80xi32, #tpu.memory_space<vmem>>) target_semaphore(%arg25 : memref<!tpu.dma_semaphore, #tpu.memory_space<semaphore_mem>>)
        } else {
        }
      } else {
      }
      %scan3A_329 = arith.constant 0 : i32
      scf.yield %scan3A_329 : i32
    }
    %scan3A_218 = arith.constant 16 : i32
    %dma_wait3A_219 = arith.constant 0 : i32
    %dma_wait3A_220 = arith.constant 0 : i32
    %dma_wait3A_221 = tpu.memref_slice %arg21[%dma_wait3A_219, %dma_wait3A_220] : memref<10000x128xf32, #tpu.memory_space<vmem_shared>> -> memref<10000x128xf32, #tpu.memory_space<vmem_shared>>
    tpu.wait_indirect_dma semaphore(%arg31 : memref<!tpu.dma_semaphore, #tpu.memory_space<semaphore_mem>>) src(%arg18 : memref<80x128xf32, #tpu.memory_space<vmem>>) dst(%dma_wait3A_221 : memref<10000x128xf32, #tpu.memory_space<vmem_shared>>)
    %dma_wait3A_222 = arith.constant 0 : i32
    %dma_wait3A_223 = arith.constant 0 : i32
    %dma_wait3A_224 = tpu.memref_slice %arg21[%dma_wait3A_222, %dma_wait3A_223] : memref<10000x128xf32, #tpu.memory_space<vmem_shared>> -> memref<10000x128xf32, #tpu.memory_space<vmem_shared>>
    tpu.wait_indirect_dma semaphore(%arg32 : memref<!tpu.dma_semaphore, #tpu.memory_space<semaphore_mem>>) src(%arg19 : memref<80x128xf32, #tpu.memory_space<vmem>>) dst(%dma_wait3A_224 : memref<10000x128xf32, #tpu.memory_space<vmem_shared>>)
    %dma_wait3A_225 = arith.constant 0 : i32
    %dma_wait3A_226 = arith.constant 0 : i32
    %dma_wait3A_227 = tpu.memref_slice %arg21[%dma_wait3A_225, %dma_wait3A_226] : memref<10000x128xf32, #tpu.memory_space<vmem_shared>> -> memref<10000x128xf32, #tpu.memory_space<vmem_shared>>
    tpu.wait_indirect_dma semaphore(%arg33 : memref<!tpu.dma_semaphore, #tpu.memory_space<semaphore_mem>>) src(%arg20 : memref<80x128xf32, #tpu.memory_space<vmem>>) dst(%dma_wait3A_227 : memref<10000x128xf32, #tpu.memory_space<vmem_shared>>)
    %dma_wait3A_228 = arith.constant 0 : i32
    %dma_wait3A_229 = arith.constant 0 : i32
    %dma_wait3A_230 = tpu.memref_slice %arg21[%dma_wait3A_228, %dma_wait3A_229] : memref<10000x128xf32, #tpu.memory_space<vmem_shared>> -> memref<10000x128xf32, #tpu.memory_space<vmem_shared>>
    tpu.wait_indirect_dma semaphore(%arg30 : memref<!tpu.dma_semaphore, #tpu.memory_space<semaphore_mem>>) src(%arg17 : memref<80x128xf32, #tpu.memory_space<vmem>>) dst(%dma_wait3A_230 : memref<10000x128xf32, #tpu.memory_space<vmem_shared>>)
    %barrier3A_231 = arith.constant 0 : index
    tpu.barrier barrier_id(%barrier3A_231)
    %mul3A_232 = arith.constant 624 : i32
    %mul3A_233 = arith.muli %arg1, %mul3A_232 : i32
    %multiple_of3A_234 = tpu.assume_multiple %mul3A_233, 8 : i32
    "tpu.region"() ({
      %run_scoped3A = tpu.sem_alloc : memref<!tpu.dma_semaphore, #tpu.memory_space<semaphore_mem>>
      %dma_start3A_240 = arith.constant 0 : i32
      %dma_start3A_241 = tpu.memref_slice %arg4[%arg0, %multiple_of3A_234, %dma_start3A_240] : memref<2x10000x128xf32, #tpu.memory_space<hbm>> -> memref<1x624x128xf32, #tpu.memory_space<hbm>>
      %dma_start3A_242 = tpu.memref_squeeze %dma_start3A_241 : memref<1x624x128xf32, #tpu.memory_space<hbm>> -> memref<624x128xf32, #tpu.memory_space<hbm>>
      %dma_start3A_243 = arith.constant 0 : i32
      %dma_start3A_244 = tpu.memref_slice %arg21[%multiple_of3A_234, %dma_start3A_243] : memref<10000x128xf32, #tpu.memory_space<vmem_shared>> -> memref<624x128xf32, #tpu.memory_space<vmem_shared>>
      tpu.enqueue_dma source(%dma_start3A_244 : memref<624x128xf32, #tpu.memory_space<vmem_shared>>) target(%dma_start3A_242 : memref<624x128xf32, #tpu.memory_space<hbm>>) target_semaphore(%run_scoped3A : memref<!tpu.dma_semaphore, #tpu.memory_space<semaphore_mem>>)
      %dma_wait3A_245 = arith.constant 0 : i32
      %dma_wait3A_246 = tpu.memref_slice %arg4[%arg0, %multiple_of3A_234, %dma_wait3A_245] : memref<2x10000x128xf32, #tpu.memory_space<hbm>> -> memref<1x624x128xf32, #tpu.memory_space<hbm>>
      %dma_wait3A_247 = tpu.memref_squeeze %dma_wait3A_246 : memref<1x624x128xf32, #tpu.memory_space<hbm>> -> memref<624x128xf32, #tpu.memory_space<hbm>>
      %dma_wait3A_248 = arith.constant 0 : i32
      %dma_wait3A_249 = tpu.memref_slice %arg21[%multiple_of3A_234, %dma_wait3A_248] : memref<10000x128xf32, #tpu.memory_space<vmem_shared>> -> memref<624x128xf32, #tpu.memory_space<vmem_shared>>
      tpu.wait_dma2 semaphore(%run_scoped3A : memref<!tpu.dma_semaphore, #tpu.memory_space<semaphore_mem>>) src(%dma_wait3A_249 : memref<624x128xf32, #tpu.memory_space<vmem_shared>>) dst(%dma_wait3A_247 : memref<624x128xf32, #tpu.memory_space<hbm>>)
      tpu.yield
    }) : () -> ()
    %eq3A_235 = arith.constant 0 : i32
    %eq3A_236 = arith.cmpi eq, %arg1, %eq3A_235 : i32
    %convert_element_type3A_237 = arith.extui %eq3A_236 : i1 to i32
    %cond3A_238 = arith.constant 0 : i32
    %cond3A_239 = arith.cmpi ne, %convert_element_type3A_237, %cond3A_238 : i32
    scf.if %cond3A_239 {
      "tpu.region"() ({
        %run_scoped3A = tpu.sem_alloc : memref<!tpu.dma_semaphore, #tpu.memory_space<semaphore_mem>>
        %dma_start3A_240 = arith.constant 9984 : i32
        %dma_start3A_241 = arith.constant 0 : i32
        %dma_start3A_242 = tpu.memref_slice %arg4[%arg0, %dma_start3A_240, %dma_start3A_241] : memref<2x10000x128xf32, #tpu.memory_space<hbm>> -> memref<1x16x128xf32, #tpu.memory_space<hbm>>
        %dma_start3A_243 = tpu.memref_squeeze %dma_start3A_242 : memref<1x16x128xf32, #tpu.memory_space<hbm>> -> memref<16x128xf32, #tpu.memory_space<hbm>>
        %dma_start3A_244 = arith.constant 9984 : i32
        %dma_start3A_245 = arith.constant 0 : i32
        %dma_start3A_246 = tpu.memref_slice %arg21[%dma_start3A_244, %dma_start3A_245] : memref<10000x128xf32, #tpu.memory_space<vmem_shared>> -> memref<16x128xf32, #tpu.memory_space<vmem_shared>>
        tpu.enqueue_dma source(%dma_start3A_246 : memref<16x128xf32, #tpu.memory_space<vmem_shared>>) target(%dma_start3A_243 : memref<16x128xf32, #tpu.memory_space<hbm>>) target_semaphore(%run_scoped3A : memref<!tpu.dma_semaphore, #tpu.memory_space<semaphore_mem>>)
        %dma_wait3A_247 = arith.constant 9984 : i32
        %dma_wait3A_248 = arith.constant 0 : i32
        %dma_wait3A_249 = tpu.memref_slice %arg4[%arg0, %dma_wait3A_247, %dma_wait3A_248] : memref<2x10000x128xf32, #tpu.memory_space<hbm>> -> memref<1x16x128xf32, #tpu.memory_space<hbm>>
        %dma_wait3A_250 = tpu.memref_squeeze %dma_wait3A_249 : memref<1x16x128xf32, #tpu.memory_space<hbm>> -> memref<16x128xf32, #tpu.memory_space<hbm>>
        %dma_wait3A_251 = arith.constant 9984 : i32
        %dma_wait3A_252 = arith.constant 0 : i32
        %dma_wait3A_253 = tpu.memref_slice %arg21[%dma_wait3A_251, %dma_wait3A_252] : memref<10000x128xf32, #tpu.memory_space<vmem_shared>> -> memref<16x128xf32, #tpu.memory_space<vmem_shared>>
        tpu.wait_dma2 semaphore(%run_scoped3A : memref<!tpu.dma_semaphore, #tpu.memory_space<semaphore_mem>>) src(%dma_wait3A_253 : memref<16x128xf32, #tpu.memory_space<vmem_shared>>) dst(%dma_wait3A_250 : memref<16x128xf32, #tpu.memory_space<hbm>>)
        tpu.yield
      }) : () -> ()
    } else {
    }
    return
  }
}

#map = affine_map<(d0, d1) -> (0, 0)>
#map1 = affine_map<(d0, d1) -> (0)>
#map2 = affine_map<(d0, d1) -> (0, 0, 0)>
module attributes {stable_mosaic.version = 14 : i64} {
  func.func @_agg_body(%arg0: i32, %arg1: i32, %arg2: memref<10000x128xf32, #tpu.memory_space<hbm>>, %arg3: memref<640000xi32, #tpu.memory_space<hbm>>, %arg4: memref<2x10000x128xf32, #tpu.memory_space<hbm>>, %arg5: memref<80xi32, #tpu.memory_space<vmem>>, %arg6: memref<80xi32, #tpu.memory_space<vmem>>, %arg7: memref<80xi32, #tpu.memory_space<vmem>>, %arg8: memref<80xi32, #tpu.memory_space<vmem>>, %arg9: memref<80xi32, #tpu.memory_space<vmem>>, %arg10: memref<80xi32, #tpu.memory_space<vmem>>, %arg11: memref<80xi32, #tpu.memory_space<vmem>>, %arg12: memref<80xi32, #tpu.memory_space<vmem>>, %arg13: memref<80xi32, #tpu.memory_space<vmem>>, %arg14: memref<80xi32, #tpu.memory_space<vmem>>, %arg15: memref<80xi32, #tpu.memory_space<vmem>>, %arg16: memref<80xi32, #tpu.memory_space<vmem>>, %arg17: memref<80x128xf32, #tpu.memory_space<vmem>>, %arg18: memref<80x128xf32, #tpu.memory_space<vmem>>, %arg19: memref<80x128xf32, #tpu.memory_space<vmem>>, %arg20: memref<80x128xf32, #tpu.memory_space<vmem>>, %arg21: memref<10000x128xf32, #tpu.memory_space<vmem_shared>>, %arg22: memref<!tpu.dma_semaphore, #tpu.memory_space<semaphore_mem>>, %arg23: memref<!tpu.dma_semaphore, #tpu.memory_space<semaphore_mem>>, %arg24: memref<!tpu.dma_semaphore, #tpu.memory_space<semaphore_mem>>, %arg25: memref<!tpu.dma_semaphore, #tpu.memory_space<semaphore_mem>>, %arg26: memref<!tpu.dma_semaphore, #tpu.memory_space<semaphore_mem>>, %arg27: memref<!tpu.dma_semaphore, #tpu.memory_space<semaphore_mem>>, %arg28: memref<!tpu.dma_semaphore, #tpu.memory_space<semaphore_mem>>, %arg29: memref<!tpu.dma_semaphore, #tpu.memory_space<semaphore_mem>>, %arg30: memref<!tpu.dma_semaphore, #tpu.memory_space<semaphore_mem>>, %arg31: memref<!tpu.dma_semaphore, #tpu.memory_space<semaphore_mem>>, %arg32: memref<!tpu.dma_semaphore, #tpu.memory_space<semaphore_mem>>, %arg33: memref<!tpu.dma_semaphore, #tpu.memory_space<semaphore_mem>>) attributes {dimension_semantics = [#tpu.dimension_semantics<core_parallel>, #tpu.dimension_semantics<subcore_parallel>], iteration_bounds = array<i64: 2, 16>, scalar_prefetch = 0 : i64, scratch_operands = 29 : i64, tpu.core_type = #tpu.core_type<sc_vector_subcore>, window_params = [{transform_indices = #map}, {transform_indices = #map1}, {transform_indices = #map2}]} {
    %mul3A = arith.constant 16 : i32
    %mul3A_0 = arith.muli %arg0, %mul3A : i32
    %add3A = arith.addi %mul3A_0, %arg1 : i32
    %scan3A = arith.constant 0 : i32
    %scan3A_1 = arith.constant 0 : i32
    %scan3A_2 = arith.constant 640 : i32
    %scan3A_3 = arith.addi %scan3A_1, %scan3A_2 : i32
    %scan3A_4 = arith.constant 1 : i32
    %scan3A_5 = scf.for %scan3A_240 = %scan3A_1 to %scan3A_3 step %scan3A_4 iter_args(%scan3A_241 = %scan3A) -> (i32)  : i32 {
      %broadcast_in_dim3A = arith.constant 0.000000e+00 : f32
      %broadcast_in_dim3A_242 = vector.broadcast %broadcast_in_dim3A : f32 to vector<16xf32>
      %jit3A = arith.constant 8 : i32
      %div3A = arith.divsi %scan3A_240, %jit3A : i32
      %sign3A = arith.constant 0 : i32
      %sign3A_243 = arith.cmpi sgt, %scan3A_240, %sign3A : i32
      %sign3A_244 = arith.extui %sign3A_243 : i1 to i32
      %sign3A_245 = arith.constant 0 : i32
      %sign3A_246 = arith.cmpi slt, %scan3A_240, %sign3A_245 : i32
      %sign3A_247 = arith.extui %sign3A_246 : i1 to i32
      %sign3A_248 = arith.subi %sign3A_244, %sign3A_247 : i32
      %sign3A_249 = arith.constant 0 : i32
      %sign3A_250 = arith.cmpi sgt, %jit3A, %sign3A_249 : i32
      %sign3A_251 = arith.extui %sign3A_250 : i1 to i32
      %sign3A_252 = arith.constant 0 : i32
      %sign3A_253 = arith.cmpi slt, %jit3A, %sign3A_252 : i32
      %sign3A_254 = arith.extui %sign3A_253 : i1 to i32
      %sign3A_255 = arith.subi %sign3A_251, %sign3A_254 : i32
      %ne3A = arith.cmpi ne, %sign3A_248, %sign3A_255 : i32
      %rem3A = arith.remsi %scan3A_240, %jit3A : i32
      %ne3A_256 = arith.constant 0 : i32
      %ne3A_257 = arith.cmpi ne, %rem3A, %ne3A_256 : i32
      %and3A = arith.andi %ne3A, %ne3A_257 : i1
      %sub3A = arith.constant 1 : i32
      %sub3A_258 = arith.subi %div3A, %sub3A : i32
      %select_n3A = arith.select %and3A, %sub3A_258, %div3A : i32
      %jit3A_259 = arith.constant 8 : i32
      %eq3A_260 = arith.constant 0 : i32
      %eq3A_261 = arith.cmpi eq, %jit3A_259, %eq3A_260 : i32
      %jit3A_262 = arith.constant 1 : i32
      %select_n3A_263 = arith.select %eq3A_261, %jit3A_262, %jit3A_259 : i32
      %rem3A_264 = arith.remsi %scan3A_240, %select_n3A_263 : i32
      %ne3A_265 = arith.constant 0 : i32
      %ne3A_266 = arith.cmpi ne, %rem3A_264, %ne3A_265 : i32
      %lt3A = arith.constant 0 : i32
      %lt3A_267 = arith.cmpi slt, %rem3A_264, %lt3A : i32
      %lt3A_268 = arith.constant 0 : i32
      %lt3A_269 = arith.cmpi slt, %select_n3A_263, %lt3A_268 : i32
      %ne3A_270 = arith.xori %lt3A_267, %lt3A_269 : i1
      %and3A_271 = arith.andi %ne3A_270, %ne3A_266 : i1
      %add3A_272 = arith.addi %rem3A_264, %select_n3A_263 : i32
      %select_n3A_273 = arith.select %and3A_271, %add3A_272, %rem3A_264 : i32
      %mul3A_274 = arith.constant 16 : i32
      %mul3A_275 = arith.muli %select_n3A_273, %mul3A_274 : i32
      %swap3A = arith.index_cast %select_n3A : i32 to index
      %swap3A_276 = arith.index_cast %mul3A_275 : i32 to index
      %swap3A_277 = tpu.vector_load %arg17[%swap3A, %swap3A_276] {strides = array<i32>} : memref<80x128xf32, #tpu.memory_space<vmem>>, vector<1x16xf32>,
      %swap3A_278 = vector.shape_cast %swap3A_277 : vector<1x16xf32> to vector<16xf32>
      %swap3A_279 = vector.shape_cast %broadcast_in_dim3A_242 : vector<16xf32> to vector<1x16xf32>
      tpu.vector_store %arg17[%swap3A, %swap3A_276], %swap3A_279 {strides = array<i32>} : memref<80x128xf32, #tpu.memory_space<vmem>>, vector<1x16xf32>,
      %scan3A_280 = arith.constant 0 : i32
      scf.yield %scan3A_280 : i32
    }
    %scan3A_6 = arith.constant 640 : i32
    %mul3A_7 = arith.constant 624 : i32
    %mul3A_8 = arith.muli %arg1, %mul3A_7 : i32
    %multiple_of3A = tpu.assume_multiple %mul3A_8, 8 : i32
    %add3A_9 = arith.constant 0 : i32
    %add3A_10 = arith.addi %multiple_of3A, %add3A_9 : i32
    %dma_start3A = arith.constant 0 : i32
    %dma_start3A_11 = tpu.memref_slice %arg21[%add3A_10, %dma_start3A] : memref<10000x128xf32, #tpu.memory_space<vmem_shared>> -> memref<80x128xf32, #tpu.memory_space<vmem_shared>>
    %dma_start3A_12 = arith.constant 0 : i32
    %dma_start3A_13 = tpu.memref_slice %arg21[%add3A_10, %dma_start3A_12] : memref<10000x128xf32, #tpu.memory_space<vmem_shared>> -> memref<80x128xf32, #tpu.memory_space<vmem_shared>>
    tpu.enqueue_dma source(%arg17 : memref<80x128xf32, #tpu.memory_space<vmem>>) target(%dma_start3A_13 : memref<80x128xf32, #tpu.memory_space<vmem_shared>>) target_semaphore(%arg26 : memref<!tpu.dma_semaphore, #tpu.memory_space<semaphore_mem>>)
    %add3A_14 = arith.constant 80 : i32
    %add3A_15 = arith.addi %multiple_of3A, %add3A_14 : i32
    %dma_start3A_16 = arith.constant 0 : i32
    %dma_start3A_17 = tpu.memref_slice %arg21[%add3A_15, %dma_start3A_16] : memref<10000x128xf32, #tpu.memory_space<vmem_shared>> -> memref<80x128xf32, #tpu.memory_space<vmem_shared>>
    %dma_start3A_18 = arith.constant 0 : i32
    %dma_start3A_19 = tpu.memref_slice %arg21[%add3A_15, %dma_start3A_18] : memref<10000x128xf32, #tpu.memory_space<vmem_shared>> -> memref<80x128xf32, #tpu.memory_space<vmem_shared>>
    tpu.enqueue_dma source(%arg17 : memref<80x128xf32, #tpu.memory_space<vmem>>) target(%dma_start3A_19 : memref<80x128xf32, #tpu.memory_space<vmem_shared>>) target_semaphore(%arg26 : memref<!tpu.dma_semaphore, #tpu.memory_space<semaphore_mem>>)
    %add3A_20 = arith.constant 160 : i32
    %add3A_21 = arith.addi %multiple_of3A, %add3A_20 : i32
    %dma_start3A_22 = arith.constant 0 : i32
    %dma_start3A_23 = tpu.memref_slice %arg21[%add3A_21, %dma_start3A_22] : memref<10000x128xf32, #tpu.memory_space<vmem_shared>> -> memref<80x128xf32, #tpu.memory_space<vmem_shared>>
    %dma_start3A_24 = arith.constant 0 : i32
    %dma_start3A_25 = tpu.memref_slice %arg21[%add3A_21, %dma_start3A_24] : memref<10000x128xf32, #tpu.memory_space<vmem_shared>> -> memref<80x128xf32, #tpu.memory_space<vmem_shared>>
    tpu.enqueue_dma source(%arg17 : memref<80x128xf32, #tpu.memory_space<vmem>>) target(%dma_start3A_25 : memref<80x128xf32, #tpu.memory_space<vmem_shared>>) target_semaphore(%arg26 : memref<!tpu.dma_semaphore, #tpu.memory_space<semaphore_mem>>)
    %add3A_26 = arith.constant 240 : i32
    %add3A_27 = arith.addi %multiple_of3A, %add3A_26 : i32
    %dma_start3A_28 = arith.constant 0 : i32
    %dma_start3A_29 = tpu.memref_slice %arg21[%add3A_27, %dma_start3A_28] : memref<10000x128xf32, #tpu.memory_space<vmem_shared>> -> memref<80x128xf32, #tpu.memory_space<vmem_shared>>
    %dma_start3A_30 = arith.constant 0 : i32
    %dma_start3A_31 = tpu.memref_slice %arg21[%add3A_27, %dma_start3A_30] : memref<10000x128xf32, #tpu.memory_space<vmem_shared>> -> memref<80x128xf32, #tpu.memory_space<vmem_shared>>
    tpu.enqueue_dma source(%arg17 : memref<80x128xf32, #tpu.memory_space<vmem>>) target(%dma_start3A_31 : memref<80x128xf32, #tpu.memory_space<vmem_shared>>) target_semaphore(%arg26 : memref<!tpu.dma_semaphore, #tpu.memory_space<semaphore_mem>>)
    %add3A_32 = arith.constant 320 : i32
    %add3A_33 = arith.addi %multiple_of3A, %add3A_32 : i32
    %dma_start3A_34 = arith.constant 0 : i32
    %dma_start3A_35 = tpu.memref_slice %arg21[%add3A_33, %dma_start3A_34] : memref<10000x128xf32, #tpu.memory_space<vmem_shared>> -> memref<80x128xf32, #tpu.memory_space<vmem_shared>>
    %dma_start3A_36 = arith.constant 0 : i32
    %dma_start3A_37 = tpu.memref_slice %arg21[%add3A_33, %dma_start3A_36] : memref<10000x128xf32, #tpu.memory_space<vmem_shared>> -> memref<80x128xf32, #tpu.memory_space<vmem_shared>>
    tpu.enqueue_dma source(%arg17 : memref<80x128xf32, #tpu.memory_space<vmem>>) target(%dma_start3A_37 : memref<80x128xf32, #tpu.memory_space<vmem_shared>>) target_semaphore(%arg26 : memref<!tpu.dma_semaphore, #tpu.memory_space<semaphore_mem>>)
    %add3A_38 = arith.constant 400 : i32
    %add3A_39 = arith.addi %multiple_of3A, %add3A_38 : i32
    %dma_start3A_40 = arith.constant 0 : i32
    %dma_start3A_41 = tpu.memref_slice %arg21[%add3A_39, %dma_start3A_40] : memref<10000x128xf32, #tpu.memory_space<vmem_shared>> -> memref<80x128xf32, #tpu.memory_space<vmem_shared>>
    %dma_start3A_42 = arith.constant 0 : i32
    %dma_start3A_43 = tpu.memref_slice %arg21[%add3A_39, %dma_start3A_42] : memref<10000x128xf32, #tpu.memory_space<vmem_shared>> -> memref<80x128xf32, #tpu.memory_space<vmem_shared>>
    tpu.enqueue_dma source(%arg17 : memref<80x128xf32, #tpu.memory_space<vmem>>) target(%dma_start3A_43 : memref<80x128xf32, #tpu.memory_space<vmem_shared>>) target_semaphore(%arg26 : memref<!tpu.dma_semaphore, #tpu.memory_space<semaphore_mem>>)
    %add3A_44 = arith.constant 480 : i32
    %add3A_45 = arith.addi %multiple_of3A, %add3A_44 : i32
    %dma_start3A_46 = arith.constant 0 : i32
    %dma_start3A_47 = tpu.memref_slice %arg21[%add3A_45, %dma_start3A_46] : memref<10000x128xf32, #tpu.memory_space<vmem_shared>> -> memref<80x128xf32, #tpu.memory_space<vmem_shared>>
    %dma_start3A_48 = arith.constant 0 : i32
    %dma_start3A_49 = tpu.memref_slice %arg21[%add3A_45, %dma_start3A_48] : memref<10000x128xf32, #tpu.memory_space<vmem_shared>> -> memref<80x128xf32, #tpu.memory_space<vmem_shared>>
    tpu.enqueue_dma source(%arg17 : memref<80x128xf32, #tpu.memory_space<vmem>>) target(%dma_start3A_49 : memref<80x128xf32, #tpu.memory_space<vmem_shared>>) target_semaphore(%arg26 : memref<!tpu.dma_semaphore, #tpu.memory_space<semaphore_mem>>)
    %add3A_50 = arith.constant 560 : i32
    %add3A_51 = arith.addi %multiple_of3A, %add3A_50 : i32
    %dma_start3A_52 = arith.constant 0 : i32
    %dma_start3A_53 = arith.constant 0 : i32
    %dma_start3A_54 = tpu.memref_slice %arg17[%dma_start3A_52, %dma_start3A_53] : memref<80x128xf32, #tpu.memory_space<vmem>> -> memref<64x128xf32, #tpu.memory_space<vmem>>
    %dma_start3A_55 = arith.constant 0 : i32
    %dma_start3A_56 = tpu.memref_slice %arg21[%add3A_51, %dma_start3A_55] : memref<10000x128xf32, #tpu.memory_space<vmem_shared>> -> memref<64x128xf32, #tpu.memory_space<vmem_shared>>
    %dma_start3A_57 = arith.constant 0 : i32
    %dma_start3A_58 = tpu.memref_slice %arg21[%add3A_51, %dma_start3A_57] : memref<10000x128xf32, #tpu.memory_space<vmem_shared>> -> memref<64x128xf32, #tpu.memory_space<vmem_shared>>
    %dma_start3A_59 = arith.constant 0 : i32
    %dma_start3A_60 = arith.constant 0 : i32
    %dma_start3A_61 = tpu.memref_slice %arg17[%dma_start3A_59, %dma_start3A_60] : memref<80x128xf32, #tpu.memory_space<vmem>> -> memref<64x128xf32, #tpu.memory_space<vmem>>
    tpu.enqueue_dma source(%dma_start3A_61 : memref<64x128xf32, #tpu.memory_space<vmem>>) target(%dma_start3A_58 : memref<64x128xf32, #tpu.memory_space<vmem_shared>>) target_semaphore(%arg26 : memref<!tpu.dma_semaphore, #tpu.memory_space<semaphore_mem>>)
    %eq3A = arith.constant 0 : i32
    %eq3A_62 = arith.cmpi eq, %arg1, %eq3A : i32
    %convert_element_type3A = arith.extui %eq3A_62 : i1 to i32
    %cond3A = arith.constant 0 : i32
    %cond3A_63 = arith.cmpi ne, %convert_element_type3A, %cond3A : i32
    scf.if %cond3A_63 {
      %dma_start3A_240 = arith.constant 0 : i32
      %dma_start3A_241 = arith.constant 0 : i32
      %dma_start3A_242 = tpu.memref_slice %arg17[%dma_start3A_240, %dma_start3A_241] : memref<80x128xf32, #tpu.memory_space<vmem>> -> memref<16x128xf32, #tpu.memory_space<vmem>>
      %dma_start3A_243 = arith.constant 9984 : i32
      %dma_start3A_244 = arith.constant 0 : i32
      %dma_start3A_245 = tpu.memref_slice %arg21[%dma_start3A_243, %dma_start3A_244] : memref<10000x128xf32, #tpu.memory_space<vmem_shared>> -> memref<16x128xf32, #tpu.memory_space<vmem_shared>>
      %dma_start3A_246 = arith.constant 9984 : i32
      %dma_start3A_247 = arith.constant 0 : i32
      %dma_start3A_248 = tpu.memref_slice %arg21[%dma_start3A_246, %dma_start3A_247] : memref<10000x128xf32, #tpu.memory_space<vmem_shared>> -> memref<16x128xf32, #tpu.memory_space<vmem_shared>>
      %dma_start3A_249 = arith.constant 0 : i32
      %dma_start3A_250 = arith.constant 0 : i32
      %dma_start3A_251 = tpu.memref_slice %arg17[%dma_start3A_249, %dma_start3A_250] : memref<80x128xf32, #tpu.memory_space<vmem>> -> memref<16x128xf32, #tpu.memory_space<vmem>>
      tpu.enqueue_dma source(%dma_start3A_251 : memref<16x128xf32, #tpu.memory_space<vmem>>) target(%dma_start3A_248 : memref<16x128xf32, #tpu.memory_space<vmem_shared>>) target_semaphore(%arg26 : memref<!tpu.dma_semaphore, #tpu.memory_space<semaphore_mem>>)
    } else {
    }
    %add3A_64 = arith.constant 0 : i32
    %add3A_65 = arith.addi %multiple_of3A, %add3A_64 : i32
    %dma_wait3A = arith.constant 0 : i32
    %dma_wait3A_66 = tpu.memref_slice %arg21[%add3A_65, %dma_wait3A] : memref<10000x128xf32, #tpu.memory_space<vmem_shared>> -> memref<80x128xf32, #tpu.memory_space<vmem_shared>>
    %dma_wait3A_67 = arith.constant 0 : i32
    %dma_wait3A_68 = tpu.memref_slice %arg21[%add3A_65, %dma_wait3A_67] : memref<10000x128xf32, #tpu.memory_space<vmem_shared>> -> memref<80x128xf32, #tpu.memory_space<vmem_shared>>
    tpu.wait_dma2 semaphore(%arg26 : memref<!tpu.dma_semaphore, #tpu.memory_space<semaphore_mem>>) src(%arg17 : memref<80x128xf32, #tpu.memory_space<vmem>>) dst(%dma_wait3A_68 : memref<80x128xf32, #tpu.memory_space<vmem_shared>>)
    %add3A_69 = arith.constant 80 : i32
    %add3A_70 = arith.addi %multiple_of3A, %add3A_69 : i32
    %dma_wait3A_71 = arith.constant 0 : i32
    %dma_wait3A_72 = tpu.memref_slice %arg21[%add3A_70, %dma_wait3A_71] : memref<10000x128xf32, #tpu.memory_space<vmem_shared>> -> memref<80x128xf32, #tpu.memory_space<vmem_shared>>
    %dma_wait3A_73 = arith.constant 0 : i32
    %dma_wait3A_74 = tpu.memref_slice %arg21[%add3A_70, %dma_wait3A_73] : memref<10000x128xf32, #tpu.memory_space<vmem_shared>> -> memref<80x128xf32, #tpu.memory_space<vmem_shared>>
    tpu.wait_dma2 semaphore(%arg26 : memref<!tpu.dma_semaphore, #tpu.memory_space<semaphore_mem>>) src(%arg17 : memref<80x128xf32, #tpu.memory_space<vmem>>) dst(%dma_wait3A_74 : memref<80x128xf32, #tpu.memory_space<vmem_shared>>)
    %add3A_75 = arith.constant 160 : i32
    %add3A_76 = arith.addi %multiple_of3A, %add3A_75 : i32
    %dma_wait3A_77 = arith.constant 0 : i32
    %dma_wait3A_78 = tpu.memref_slice %arg21[%add3A_76, %dma_wait3A_77] : memref<10000x128xf32, #tpu.memory_space<vmem_shared>> -> memref<80x128xf32, #tpu.memory_space<vmem_shared>>
    %dma_wait3A_79 = arith.constant 0 : i32
    %dma_wait3A_80 = tpu.memref_slice %arg21[%add3A_76, %dma_wait3A_79] : memref<10000x128xf32, #tpu.memory_space<vmem_shared>> -> memref<80x128xf32, #tpu.memory_space<vmem_shared>>
    tpu.wait_dma2 semaphore(%arg26 : memref<!tpu.dma_semaphore, #tpu.memory_space<semaphore_mem>>) src(%arg17 : memref<80x128xf32, #tpu.memory_space<vmem>>) dst(%dma_wait3A_80 : memref<80x128xf32, #tpu.memory_space<vmem_shared>>)
    %add3A_81 = arith.constant 240 : i32
    %add3A_82 = arith.addi %multiple_of3A, %add3A_81 : i32
    %dma_wait3A_83 = arith.constant 0 : i32
    %dma_wait3A_84 = tpu.memref_slice %arg21[%add3A_82, %dma_wait3A_83] : memref<10000x128xf32, #tpu.memory_space<vmem_shared>> -> memref<80x128xf32, #tpu.memory_space<vmem_shared>>
    %dma_wait3A_85 = arith.constant 0 : i32
    %dma_wait3A_86 = tpu.memref_slice %arg21[%add3A_82, %dma_wait3A_85] : memref<10000x128xf32, #tpu.memory_space<vmem_shared>> -> memref<80x128xf32, #tpu.memory_space<vmem_shared>>
    tpu.wait_dma2 semaphore(%arg26 : memref<!tpu.dma_semaphore, #tpu.memory_space<semaphore_mem>>) src(%arg17 : memref<80x128xf32, #tpu.memory_space<vmem>>) dst(%dma_wait3A_86 : memref<80x128xf32, #tpu.memory_space<vmem_shared>>)
    %add3A_87 = arith.constant 320 : i32
    %add3A_88 = arith.addi %multiple_of3A, %add3A_87 : i32
    %dma_wait3A_89 = arith.constant 0 : i32
    %dma_wait3A_90 = tpu.memref_slice %arg21[%add3A_88, %dma_wait3A_89] : memref<10000x128xf32, #tpu.memory_space<vmem_shared>> -> memref<80x128xf32, #tpu.memory_space<vmem_shared>>
    %dma_wait3A_91 = arith.constant 0 : i32
    %dma_wait3A_92 = tpu.memref_slice %arg21[%add3A_88, %dma_wait3A_91] : memref<10000x128xf32, #tpu.memory_space<vmem_shared>> -> memref<80x128xf32, #tpu.memory_space<vmem_shared>>
    tpu.wait_dma2 semaphore(%arg26 : memref<!tpu.dma_semaphore, #tpu.memory_space<semaphore_mem>>) src(%arg17 : memref<80x128xf32, #tpu.memory_space<vmem>>) dst(%dma_wait3A_92 : memref<80x128xf32, #tpu.memory_space<vmem_shared>>)
    %add3A_93 = arith.constant 400 : i32
    %add3A_94 = arith.addi %multiple_of3A, %add3A_93 : i32
    %dma_wait3A_95 = arith.constant 0 : i32
    %dma_wait3A_96 = tpu.memref_slice %arg21[%add3A_94, %dma_wait3A_95] : memref<10000x128xf32, #tpu.memory_space<vmem_shared>> -> memref<80x128xf32, #tpu.memory_space<vmem_shared>>
    %dma_wait3A_97 = arith.constant 0 : i32
    %dma_wait3A_98 = tpu.memref_slice %arg21[%add3A_94, %dma_wait3A_97] : memref<10000x128xf32, #tpu.memory_space<vmem_shared>> -> memref<80x128xf32, #tpu.memory_space<vmem_shared>>
    tpu.wait_dma2 semaphore(%arg26 : memref<!tpu.dma_semaphore, #tpu.memory_space<semaphore_mem>>) src(%arg17 : memref<80x128xf32, #tpu.memory_space<vmem>>) dst(%dma_wait3A_98 : memref<80x128xf32, #tpu.memory_space<vmem_shared>>)
    %add3A_99 = arith.constant 480 : i32
    %add3A_100 = arith.addi %multiple_of3A, %add3A_99 : i32
    %dma_wait3A_101 = arith.constant 0 : i32
    %dma_wait3A_102 = tpu.memref_slice %arg21[%add3A_100, %dma_wait3A_101] : memref<10000x128xf32, #tpu.memory_space<vmem_shared>> -> memref<80x128xf32, #tpu.memory_space<vmem_shared>>
    %dma_wait3A_103 = arith.constant 0 : i32
    %dma_wait3A_104 = tpu.memref_slice %arg21[%add3A_100, %dma_wait3A_103] : memref<10000x128xf32, #tpu.memory_space<vmem_shared>> -> memref<80x128xf32, #tpu.memory_space<vmem_shared>>
    tpu.wait_dma2 semaphore(%arg26 : memref<!tpu.dma_semaphore, #tpu.memory_space<semaphore_mem>>) src(%arg17 : memref<80x128xf32, #tpu.memory_space<vmem>>) dst(%dma_wait3A_104 : memref<80x128xf32, #tpu.memory_space<vmem_shared>>)
    %add3A_105 = arith.constant 560 : i32
    %add3A_106 = arith.addi %multiple_of3A, %add3A_105 : i32
    %dma_wait3A_107 = arith.constant 0 : i32
    %dma_wait3A_108 = arith.constant 0 : i32
    %dma_wait3A_109 = tpu.memref_slice %arg17[%dma_wait3A_107, %dma_wait3A_108] : memref<80x128xf32, #tpu.memory_space<vmem>> -> memref<64x128xf32, #tpu.memory_space<vmem>>
    %dma_wait3A_110 = arith.constant 0 : i32
    %dma_wait3A_111 = tpu.memref_slice %arg21[%add3A_106, %dma_wait3A_110] : memref<10000x128xf32, #tpu.memory_space<vmem_shared>> -> memref<64x128xf32, #tpu.memory_space<vmem_shared>>
    %dma_wait3A_112 = arith.constant 0 : i32
    %dma_wait3A_113 = tpu.memref_slice %arg21[%add3A_106, %dma_wait3A_112] : memref<10000x128xf32, #tpu.memory_space<vmem_shared>> -> memref<64x128xf32, #tpu.memory_space<vmem_shared>>
    %dma_wait3A_114 = arith.constant 0 : i32
    %dma_wait3A_115 = arith.constant 0 : i32
    %dma_wait3A_116 = tpu.memref_slice %arg17[%dma_wait3A_114, %dma_wait3A_115] : memref<80x128xf32, #tpu.memory_space<vmem>> -> memref<64x128xf32, #tpu.memory_space<vmem>>
    tpu.wait_dma2 semaphore(%arg26 : memref<!tpu.dma_semaphore, #tpu.memory_space<semaphore_mem>>) src(%dma_wait3A_116 : memref<64x128xf32, #tpu.memory_space<vmem>>) dst(%dma_wait3A_113 : memref<64x128xf32, #tpu.memory_space<vmem_shared>>)
    %eq3A_117 = arith.constant 0 : i32
    %eq3A_118 = arith.cmpi eq, %arg1, %eq3A_117 : i32
    %convert_element_type3A_119 = arith.extui %eq3A_118 : i1 to i32
    %cond3A_120 = arith.constant 0 : i32
    %cond3A_121 = arith.cmpi ne, %convert_element_type3A_119, %cond3A_120 : i32
    scf.if %cond3A_121 {
      %dma_wait3A_240 = arith.constant 0 : i32
      %dma_wait3A_241 = arith.constant 0 : i32
      %dma_wait3A_242 = tpu.memref_slice %arg17[%dma_wait3A_240, %dma_wait3A_241] : memref<80x128xf32, #tpu.memory_space<vmem>> -> memref<16x128xf32, #tpu.memory_space<vmem>>
      %dma_wait3A_243 = arith.constant 9984 : i32
      %dma_wait3A_244 = arith.constant 0 : i32
      %dma_wait3A_245 = tpu.memref_slice %arg21[%dma_wait3A_243, %dma_wait3A_244] : memref<10000x128xf32, #tpu.memory_space<vmem_shared>> -> memref<16x128xf32, #tpu.memory_space<vmem_shared>>
      %dma_wait3A_246 = arith.constant 9984 : i32
      %dma_wait3A_247 = arith.constant 0 : i32
      %dma_wait3A_248 = tpu.memref_slice %arg21[%dma_wait3A_246, %dma_wait3A_247] : memref<10000x128xf32, #tpu.memory_space<vmem_shared>> -> memref<16x128xf32, #tpu.memory_space<vmem_shared>>
      %dma_wait3A_249 = arith.constant 0 : i32
      %dma_wait3A_250 = arith.constant 0 : i32
      %dma_wait3A_251 = tpu.memref_slice %arg17[%dma_wait3A_249, %dma_wait3A_250] : memref<80x128xf32, #tpu.memory_space<vmem>> -> memref<16x128xf32, #tpu.memory_space<vmem>>
      tpu.wait_dma2 semaphore(%arg26 : memref<!tpu.dma_semaphore, #tpu.memory_space<semaphore_mem>>) src(%dma_wait3A_251 : memref<16x128xf32, #tpu.memory_space<vmem>>) dst(%dma_wait3A_248 : memref<16x128xf32, #tpu.memory_space<vmem_shared>>)
    } else {
    }
    %mul3A_122 = arith.constant 10000 : i32
    %mul3A_123 = arith.muli %add3A, %mul3A_122 : i32
    %add3A_124 = arith.constant 0 : i32
    %add3A_125 = arith.addi %mul3A_123, %add3A_124 : i32
    %dma_start3A_126 = tpu.memref_slice %arg3[%add3A_125] : memref<640000xi32, #tpu.memory_space<hbm>> -> memref<80xi32, #tpu.memory_space<hbm>>
    %dma_start3A_127 = tpu.memref_slice %arg3[%add3A_125] : memref<640000xi32, #tpu.memory_space<hbm>> -> memref<80xi32, #tpu.memory_space<hbm>>
    tpu.enqueue_dma source(%dma_start3A_127 : memref<80xi32, #tpu.memory_space<hbm>>) target(%arg5 : memref<80xi32, #tpu.memory_space<vmem>>) target_semaphore(%arg22 : memref<!tpu.dma_semaphore, #tpu.memory_space<semaphore_mem>>)
    %mul3A_128 = arith.constant 10000 : i32
    %mul3A_129 = arith.muli %add3A, %mul3A_128 : i32
    %add3A_130 = arith.constant 320000 : i32
    %add3A_131 = arith.addi %add3A_130, %mul3A_129 : i32
    %add3A_132 = arith.constant 0 : i32
    %add3A_133 = arith.addi %add3A_131, %add3A_132 : i32
    %dma_start3A_134 = tpu.memref_slice %arg3[%add3A_133] : memref<640000xi32, #tpu.memory_space<hbm>> -> memref<80xi32, #tpu.memory_space<hbm>>
    %dma_start3A_135 = tpu.memref_slice %arg3[%add3A_133] : memref<640000xi32, #tpu.memory_space<hbm>> -> memref<80xi32, #tpu.memory_space<hbm>>
    tpu.enqueue_dma source(%dma_start3A_135 : memref<80xi32, #tpu.memory_space<hbm>>) target(%arg9 : memref<80xi32, #tpu.memory_space<vmem>>) target_semaphore(%arg22 : memref<!tpu.dma_semaphore, #tpu.memory_space<semaphore_mem>>)
    %mul3A_136 = arith.constant 10000 : i32
    %mul3A_137 = arith.muli %add3A, %mul3A_136 : i32
    %add3A_138 = arith.constant 80 : i32
    %add3A_139 = arith.addi %mul3A_137, %add3A_138 : i32
    %dma_start3A_140 = tpu.memref_slice %arg3[%add3A_139] : memref<640000xi32, #tpu.memory_space<hbm>> -> memref<80xi32, #tpu.memory_space<hbm>>
    %dma_start3A_141 = tpu.memref_slice %arg3[%add3A_139] : memref<640000xi32, #tpu.memory_space<hbm>> -> memref<80xi32, #tpu.memory_space<hbm>>
    tpu.enqueue_dma source(%dma_start3A_141 : memref<80xi32, #tpu.memory_space<hbm>>) target(%arg6 : memref<80xi32, #tpu.memory_space<vmem>>) target_semaphore(%arg23 : memref<!tpu.dma_semaphore, #tpu.memory_space<semaphore_mem>>)
    %mul3A_142 = arith.constant 10000 : i32
    %mul3A_143 = arith.muli %add3A, %mul3A_142 : i32
    %add3A_144 = arith.constant 320000 : i32
    %add3A_145 = arith.addi %add3A_144, %mul3A_143 : i32
    %add3A_146 = arith.constant 80 : i32
    %add3A_147 = arith.addi %add3A_145, %add3A_146 : i32
    %dma_start3A_148 = tpu.memref_slice %arg3[%add3A_147] : memref<640000xi32, #tpu.memory_space<hbm>> -> memref<80xi32, #tpu.memory_space<hbm>>
    %dma_start3A_149 = tpu.memref_slice %arg3[%add3A_147] : memref<640000xi32, #tpu.memory_space<hbm>> -> memref<80xi32, #tpu.memory_space<hbm>>
    tpu.enqueue_dma source(%dma_start3A_149 : memref<80xi32, #tpu.memory_space<hbm>>) target(%arg10 : memref<80xi32, #tpu.memory_space<vmem>>) target_semaphore(%arg23 : memref<!tpu.dma_semaphore, #tpu.memory_space<semaphore_mem>>)
    %mul3A_150 = arith.constant 10000 : i32
    %mul3A_151 = arith.muli %add3A, %mul3A_150 : i32
    %add3A_152 = arith.constant 160 : i32
    %add3A_153 = arith.addi %mul3A_151, %add3A_152 : i32
    %dma_start3A_154 = tpu.memref_slice %arg3[%add3A_153] : memref<640000xi32, #tpu.memory_space<hbm>> -> memref<80xi32, #tpu.memory_space<hbm>>
    %dma_start3A_155 = tpu.memref_slice %arg3[%add3A_153] : memref<640000xi32, #tpu.memory_space<hbm>> -> memref<80xi32, #tpu.memory_space<hbm>>
    tpu.enqueue_dma source(%dma_start3A_155 : memref<80xi32, #tpu.memory_space<hbm>>) target(%arg7 : memref<80xi32, #tpu.memory_space<vmem>>) target_semaphore(%arg24 : memref<!tpu.dma_semaphore, #tpu.memory_space<semaphore_mem>>)
    %mul3A_156 = arith.constant 10000 : i32
    %mul3A_157 = arith.muli %add3A, %mul3A_156 : i32
    %add3A_158 = arith.constant 320000 : i32
    %add3A_159 = arith.addi %add3A_158, %mul3A_157 : i32
    %add3A_160 = arith.constant 160 : i32
    %add3A_161 = arith.addi %add3A_159, %add3A_160 : i32
    %dma_start3A_162 = tpu.memref_slice %arg3[%add3A_161] : memref<640000xi32, #tpu.memory_space<hbm>> -> memref<80xi32, #tpu.memory_space<hbm>>
    %dma_start3A_163 = tpu.memref_slice %arg3[%add3A_161] : memref<640000xi32, #tpu.memory_space<hbm>> -> memref<80xi32, #tpu.memory_space<hbm>>
    tpu.enqueue_dma source(%dma_start3A_163 : memref<80xi32, #tpu.memory_space<hbm>>) target(%arg11 : memref<80xi32, #tpu.memory_space<vmem>>) target_semaphore(%arg24 : memref<!tpu.dma_semaphore, #tpu.memory_space<semaphore_mem>>)
    %mul3A_164 = arith.constant 10000 : i32
    %mul3A_165 = arith.muli %add3A, %mul3A_164 : i32
    %add3A_166 = arith.constant 240 : i32
    %add3A_167 = arith.addi %mul3A_165, %add3A_166 : i32
    %dma_start3A_168 = tpu.memref_slice %arg3[%add3A_167] : memref<640000xi32, #tpu.memory_space<hbm>> -> memref<80xi32, #tpu.memory_space<hbm>>
    %dma_start3A_169 = tpu.memref_slice %arg3[%add3A_167] : memref<640000xi32, #tpu.memory_space<hbm>> -> memref<80xi32, #tpu.memory_space<hbm>>
    tpu.enqueue_dma source(%dma_start3A_169 : memref<80xi32, #tpu.memory_space<hbm>>) target(%arg8 : memref<80xi32, #tpu.memory_space<vmem>>) target_semaphore(%arg25 : memref<!tpu.dma_semaphore, #tpu.memory_space<semaphore_mem>>)
    %mul3A_170 = arith.constant 10000 : i32
    %mul3A_171 = arith.muli %add3A, %mul3A_170 : i32
    %add3A_172 = arith.constant 320000 : i32
    %add3A_173 = arith.addi %add3A_172, %mul3A_171 : i32
    %add3A_174 = arith.constant 240 : i32
    %add3A_175 = arith.addi %add3A_173, %add3A_174 : i32
    %dma_start3A_176 = tpu.memref_slice %arg3[%add3A_175] : memref<640000xi32, #tpu.memory_space<hbm>> -> memref<80xi32, #tpu.memory_space<hbm>>
    %dma_start3A_177 = tpu.memref_slice %arg3[%add3A_175] : memref<640000xi32, #tpu.memory_space<hbm>> -> memref<80xi32, #tpu.memory_space<hbm>>
    tpu.enqueue_dma source(%dma_start3A_177 : memref<80xi32, #tpu.memory_space<hbm>>) target(%arg12 : memref<80xi32, #tpu.memory_space<vmem>>) target_semaphore(%arg25 : memref<!tpu.dma_semaphore, #tpu.memory_space<semaphore_mem>>)
    %mul3A_178 = arith.constant 10000 : i32
    %mul3A_179 = arith.muli %add3A, %mul3A_178 : i32
    %add3A_180 = arith.constant 0 : i32
    %add3A_181 = arith.addi %mul3A_179, %add3A_180 : i32
    %dma_wait3A_182 = tpu.memref_slice %arg3[%add3A_181] : memref<640000xi32, #tpu.memory_space<hbm>> -> memref<80xi32, #tpu.memory_space<hbm>>
    %dma_wait3A_183 = tpu.memref_slice %arg3[%add3A_181] : memref<640000xi32, #tpu.memory_space<hbm>> -> memref<80xi32, #tpu.memory_space<hbm>>
    tpu.wait_dma2 semaphore(%arg22 : memref<!tpu.dma_semaphore, #tpu.memory_space<semaphore_mem>>) src(%dma_wait3A_183 : memref<80xi32, #tpu.memory_space<hbm>>) dst(%arg5 : memref<80xi32, #tpu.memory_space<vmem>>)
    %mul3A_184 = arith.constant 10000 : i32
    %mul3A_185 = arith.muli %add3A, %mul3A_184 : i32
    %add3A_186 = arith.constant 320000 : i32
    %add3A_187 = arith.addi %add3A_186, %mul3A_185 : i32
    %add3A_188 = arith.constant 0 : i32
    %add3A_189 = arith.addi %add3A_187, %add3A_188 : i32
    %dma_wait3A_190 = tpu.memref_slice %arg3[%add3A_189] : memref<640000xi32, #tpu.memory_space<hbm>> -> memref<80xi32, #tpu.memory_space<hbm>>
    %dma_wait3A_191 = tpu.memref_slice %arg3[%add3A_189] : memref<640000xi32, #tpu.memory_space<hbm>> -> memref<80xi32, #tpu.memory_space<hbm>>
    tpu.wait_dma2 semaphore(%arg22 : memref<!tpu.dma_semaphore, #tpu.memory_space<semaphore_mem>>) src(%dma_wait3A_191 : memref<80xi32, #tpu.memory_space<hbm>>) dst(%arg9 : memref<80xi32, #tpu.memory_space<vmem>>)
    %dma_start3A_192 = arith.constant 0 : i32
    %dma_start3A_193 = arith.constant 0 : i32
    %dma_start3A_194 = tpu.memref_slice %arg2[%dma_start3A_192, %dma_start3A_193] : memref<10000x128xf32, #tpu.memory_space<hbm>> -> memref<10000x128xf32, #tpu.memory_space<hbm>>
    tpu.enqueue_indirect_dma source(%dma_start3A_194 : memref<10000x128xf32, #tpu.memory_space<hbm>>) target(%arg17 : memref<80x128xf32, #tpu.memory_space<vmem>>) offsets(%arg5 : memref<80xi32, #tpu.memory_space<vmem>>) semaphore(%arg26 : memref<!tpu.dma_semaphore, #tpu.memory_space<semaphore_mem>>)
    %mul3A_195 = arith.constant 10000 : i32
    %mul3A_196 = arith.muli %add3A, %mul3A_195 : i32
    %add3A_197 = arith.constant 80 : i32
    %add3A_198 = arith.addi %mul3A_196, %add3A_197 : i32
    %dma_wait3A_199 = tpu.memref_slice %arg3[%add3A_198] : memref<640000xi32, #tpu.memory_space<hbm>> -> memref<80xi32, #tpu.memory_space<hbm>>
    %dma_wait3A_200 = tpu.memref_slice %arg3[%add3A_198] : memref<640000xi32, #tpu.memory_space<hbm>> -> memref<80xi32, #tpu.memory_space<hbm>>
    tpu.wait_dma2 semaphore(%arg23 : memref<!tpu.dma_semaphore, #tpu.memory_space<semaphore_mem>>) src(%dma_wait3A_200 : memref<80xi32, #tpu.memory_space<hbm>>) dst(%arg6 : memref<80xi32, #tpu.memory_space<vmem>>)
    %mul3A_201 = arith.constant 10000 : i32
    %mul3A_202 = arith.muli %add3A, %mul3A_201 : i32
    %add3A_203 = arith.constant 320000 : i32
    %add3A_204 = arith.addi %add3A_203, %mul3A_202 : i32
    %add3A_205 = arith.constant 80 : i32
    %add3A_206 = arith.addi %add3A_204, %add3A_205 : i32
    %dma_wait3A_207 = tpu.memref_slice %arg3[%add3A_206] : memref<640000xi32, #tpu.memory_space<hbm>> -> memref<80xi32, #tpu.memory_space<hbm>>
    %dma_wait3A_208 = tpu.memref_slice %arg3[%add3A_206] : memref<640000xi32, #tpu.memory_space<hbm>> -> memref<80xi32, #tpu.memory_space<hbm>>
    tpu.wait_dma2 semaphore(%arg23 : memref<!tpu.dma_semaphore, #tpu.memory_space<semaphore_mem>>) src(%dma_wait3A_208 : memref<80xi32, #tpu.memory_space<hbm>>) dst(%arg10 : memref<80xi32, #tpu.memory_space<vmem>>)
    %dma_start3A_209 = arith.constant 0 : i32
    %dma_start3A_210 = arith.constant 0 : i32
    %dma_start3A_211 = tpu.memref_slice %arg2[%dma_start3A_209, %dma_start3A_210] : memref<10000x128xf32, #tpu.memory_space<hbm>> -> memref<10000x128xf32, #tpu.memory_space<hbm>>
    tpu.enqueue_indirect_dma source(%dma_start3A_211 : memref<10000x128xf32, #tpu.memory_space<hbm>>) target(%arg18 : memref<80x128xf32, #tpu.memory_space<vmem>>) offsets(%arg6 : memref<80xi32, #tpu.memory_space<vmem>>) semaphore(%arg27 : memref<!tpu.dma_semaphore, #tpu.memory_space<semaphore_mem>>)
    %barrier3A = arith.constant 0 : index
    tpu.barrier barrier_id(%barrier3A)
    %scan3A_212 = arith.constant 0 : i32
    %scan3A_213 = arith.constant 0 : i32
    %scan3A_214 = arith.constant 16 : i32
    %scan3A_215 = arith.addi %scan3A_213, %scan3A_214 : i32
    %scan3A_216 = arith.constant 1 : i32
    %scan3A_217 = scf.for %scan3A_240 = %scan3A_213 to %scan3A_215 step %scan3A_216 iter_args(%scan3A_241 = %scan3A_212) -> (i32)  : i32 {
      %mul3A_242 = arith.constant 2 : i32
      %mul3A_243 = arith.muli %scan3A_240, %mul3A_242 : i32
      %mul3A_244 = arith.constant 4 : i32
      %mul3A_245 = arith.muli %mul3A_243, %mul3A_244 : i32
      %add3A_246 = arith.constant 0 : i32
      %add3A_247 = arith.addi %mul3A_245, %add3A_246 : i32
      %lt3A = arith.constant 125 : i32
      %lt3A_248 = arith.cmpi slt, %add3A_247, %lt3A : i32
      %convert_element_type3A_249 = arith.extui %lt3A_248 : i1 to i32
      %cond3A_250 = arith.constant 0 : i32
      %cond3A_251 = arith.cmpi ne, %convert_element_type3A_249, %cond3A_250 : i32
      scf.if %cond3A_251 {
        %add3A_330 = arith.constant 2 : i32
        %add3A_331 = arith.addi %add3A_247, %add3A_330 : i32
        %lt3A_332 = arith.constant 125 : i32
        %lt3A_333 = arith.cmpi slt, %add3A_331, %lt3A_332 : i32
        %convert_element_type3A_334 = arith.extui %lt3A_333 : i1 to i32
        %cond3A_335 = arith.constant 0 : i32
        %cond3A_336 = arith.cmpi ne, %convert_element_type3A_334, %cond3A_335 : i32
        scf.if %cond3A_336 {
          %add3A_350 = arith.constant 2 : i32
          %add3A_351 = arith.addi %add3A_247, %add3A_350 : i32
          %mul3A_352 = arith.constant 10000 : i32
          %mul3A_353 = arith.muli %add3A, %mul3A_352 : i32
          %mul3A_354 = arith.constant 80 : i32
          %mul3A_355 = arith.muli %add3A_351, %mul3A_354 : i32
          %add3A_356 = arith.addi %mul3A_353, %mul3A_355 : i32
          %dma_wait3A_357 = tpu.memref_slice %arg3[%add3A_356] : memref<640000xi32, #tpu.memory_space<hbm>> -> memref<80xi32, #tpu.memory_space<hbm>>
          %dma_wait3A_358 = tpu.memref_slice %arg3[%add3A_356] : memref<640000xi32, #tpu.memory_space<hbm>> -> memref<80xi32, #tpu.memory_space<hbm>>
          tpu.wait_dma2 semaphore(%arg24 : memref<!tpu.dma_semaphore, #tpu.memory_space<semaphore_mem>>) src(%dma_wait3A_358 : memref<80xi32, #tpu.memory_space<hbm>>) dst(%arg7 : memref<80xi32, #tpu.memory_space<vmem>>)
          %add3A_359 = arith.constant 2 : i32
          %add3A_360 = arith.addi %add3A_247, %add3A_359 : i32
          %mul3A_361 = arith.constant 10000 : i32
          %mul3A_362 = arith.muli %add3A, %mul3A_361 : i32
          %add3A_363 = arith.constant 320000 : i32
          %add3A_364 = arith.addi %add3A_363, %mul3A_362 : i32
          %mul3A_365 = arith.constant 80 : i32
          %mul3A_366 = arith.muli %add3A_360, %mul3A_365 : i32
          %add3A_367 = arith.addi %add3A_364, %mul3A_366 : i32
          %dma_wait3A_368 = tpu.memref_slice %arg3[%add3A_367] : memref<640000xi32, #tpu.memory_space<hbm>> -> memref<80xi32, #tpu.memory_space<hbm>>
          %dma_wait3A_369 = tpu.memref_slice %arg3[%add3A_367] : memref<640000xi32, #tpu.memory_space<hbm>> -> memref<80xi32, #tpu.memory_space<hbm>>
          tpu.wait_dma2 semaphore(%arg24 : memref<!tpu.dma_semaphore, #tpu.memory_space<semaphore_mem>>) src(%dma_wait3A_369 : memref<80xi32, #tpu.memory_space<hbm>>) dst(%arg11 : memref<80xi32, #tpu.memory_space<vmem>>)
          %ge3A = arith.constant 2 : i32
          %ge3A_370 = arith.cmpi sge, %add3A_247, %ge3A : i32
          %convert_element_type3A_371 = arith.extui %ge3A_370 : i1 to i32
          %cond3A_372 = arith.constant 0 : i32
          %cond3A_373 = arith.cmpi ne, %convert_element_type3A_371, %cond3A_372 : i32
          scf.if %cond3A_373 {
            %dma_wait3A_377 = arith.constant 0 : i32
            %dma_wait3A_378 = arith.constant 0 : i32
            %dma_wait3A_379 = tpu.memref_slice %arg21[%dma_wait3A_377, %dma_wait3A_378] : memref<10000x128xf32, #tpu.memory_space<vmem_shared>> -> memref<10000x128xf32, #tpu.memory_space<vmem_shared>>
            tpu.wait_indirect_dma semaphore(%arg32 : memref<!tpu.dma_semaphore, #tpu.memory_space<semaphore_mem>>) src(%arg19 : memref<80x128xf32, #tpu.memory_space<vmem>>) dst(%dma_wait3A_379 : memref<10000x128xf32, #tpu.memory_space<vmem_shared>>)
          } else {
          }
          %dma_start3A_374 = arith.constant 0 : i32
          %dma_start3A_375 = arith.constant 0 : i32
          %dma_start3A_376 = tpu.memref_slice %arg2[%dma_start3A_374, %dma_start3A_375] : memref<10000x128xf32, #tpu.memory_space<hbm>> -> memref<10000x128xf32, #tpu.memory_space<hbm>>
          tpu.enqueue_indirect_dma source(%dma_start3A_376 : memref<10000x128xf32, #tpu.memory_space<hbm>>) target(%arg19 : memref<80x128xf32, #tpu.memory_space<vmem>>) offsets(%arg7 : memref<80xi32, #tpu.memory_space<vmem>>) semaphore(%arg28 : memref<!tpu.dma_semaphore, #tpu.memory_space<semaphore_mem>>)
        } else {
        }
        %dma_wait3A_337 = arith.constant 0 : i32
        %dma_wait3A_338 = arith.constant 0 : i32
        %dma_wait3A_339 = tpu.memref_slice %arg2[%dma_wait3A_337, %dma_wait3A_338] : memref<10000x128xf32, #tpu.memory_space<hbm>> -> memref<10000x128xf32, #tpu.memory_space<hbm>>
        tpu.wait_indirect_dma semaphore(%arg26 : memref<!tpu.dma_semaphore, #tpu.memory_space<semaphore_mem>>) src(%dma_wait3A_339 : memref<10000x128xf32, #tpu.memory_space<hbm>>) dst(%arg17 : memref<80x128xf32, #tpu.memory_space<vmem>>)
        %dma_start3A_340 = arith.constant 0 : i32
        %dma_start3A_341 = arith.constant 0 : i32
        %dma_start3A_342 = tpu.memref_slice %arg21[%dma_start3A_340, %dma_start3A_341] : memref<10000x128xf32, #tpu.memory_space<vmem_shared>> -> memref<10000x128xf32, #tpu.memory_space<vmem_shared>>
        tpu.enqueue_indirect_dma source(%arg17 : memref<80x128xf32, #tpu.memory_space<vmem>>) target(%dma_start3A_342 : memref<10000x128xf32, #tpu.memory_space<vmem_shared>>) offsets(%arg9 : memref<80xi32, #tpu.memory_space<vmem>>) semaphore(%arg30 : memref<!tpu.dma_semaphore, #tpu.memory_space<semaphore_mem>>) {add = true}
        %add3A_343 = arith.constant 4 : i32
        %add3A_344 = arith.addi %add3A_247, %add3A_343 : i32
        %lt3A_345 = arith.constant 125 : i32
        %lt3A_346 = arith.cmpi slt, %add3A_344, %lt3A_345 : i32
        %convert_element_type3A_347 = arith.extui %lt3A_346 : i1 to i32
        %cond3A_348 = arith.constant 0 : i32
        %cond3A_349 = arith.cmpi ne, %convert_element_type3A_347, %cond3A_348 : i32
        scf.if %cond3A_349 {
          %add3A_350 = arith.constant 4 : i32
          %add3A_351 = arith.addi %add3A_247, %add3A_350 : i32
          %mul3A_352 = arith.constant 10000 : i32
          %mul3A_353 = arith.muli %add3A, %mul3A_352 : i32
          %mul3A_354 = arith.constant 80 : i32
          %mul3A_355 = arith.muli %add3A_351, %mul3A_354 : i32
          %add3A_356 = arith.addi %mul3A_353, %mul3A_355 : i32
          %dma_start3A_357 = tpu.memref_slice %arg3[%add3A_356] : memref<640000xi32, #tpu.memory_space<hbm>> -> memref<80xi32, #tpu.memory_space<hbm>>
          %dma_start3A_358 = tpu.memref_slice %arg3[%add3A_356] : memref<640000xi32, #tpu.memory_space<hbm>> -> memref<80xi32, #tpu.memory_space<hbm>>
          tpu.enqueue_dma source(%dma_start3A_358 : memref<80xi32, #tpu.memory_space<hbm>>) target(%arg5 : memref<80xi32, #tpu.memory_space<vmem>>) target_semaphore(%arg22 : memref<!tpu.dma_semaphore, #tpu.memory_space<semaphore_mem>>)
          %add3A_359 = arith.constant 4 : i32
          %add3A_360 = arith.addi %add3A_247, %add3A_359 : i32
          %mul3A_361 = arith.constant 10000 : i32
          %mul3A_362 = arith.muli %add3A, %mul3A_361 : i32
          %add3A_363 = arith.constant 320000 : i32
          %add3A_364 = arith.addi %add3A_363, %mul3A_362 : i32
          %mul3A_365 = arith.constant 80 : i32
          %mul3A_366 = arith.muli %add3A_360, %mul3A_365 : i32
          %add3A_367 = arith.addi %add3A_364, %mul3A_366 : i32
          %dma_start3A_368 = tpu.memref_slice %arg3[%add3A_367] : memref<640000xi32, #tpu.memory_space<hbm>> -> memref<80xi32, #tpu.memory_space<hbm>>
          %dma_start3A_369 = tpu.memref_slice %arg3[%add3A_367] : memref<640000xi32, #tpu.memory_space<hbm>> -> memref<80xi32, #tpu.memory_space<hbm>>
          tpu.enqueue_dma source(%dma_start3A_369 : memref<80xi32, #tpu.memory_space<hbm>>) target(%arg13 : memref<80xi32, #tpu.memory_space<vmem>>) target_semaphore(%arg22 : memref<!tpu.dma_semaphore, #tpu.memory_space<semaphore_mem>>)
        } else {
        }
      } else {
      }
      %mul3A_252 = arith.constant 2 : i32
      %mul3A_253 = arith.muli %scan3A_240, %mul3A_252 : i32
      %mul3A_254 = arith.constant 4 : i32
      %mul3A_255 = arith.muli %mul3A_253, %mul3A_254 : i32
      %add3A_256 = arith.constant 1 : i32
      %add3A_257 = arith.addi %mul3A_255, %add3A_256 : i32
      %lt3A_258 = arith.constant 125 : i32
      %lt3A_259 = arith.cmpi slt, %add3A_257, %lt3A_258 : i32
      %convert_element_type3A_260 = arith.extui %lt3A_259 : i1 to i32
      %cond3A_261 = arith.constant 0 : i32
      %cond3A_262 = arith.cmpi ne, %convert_element_type3A_260, %cond3A_261 : i32
      scf.if %cond3A_262 {
        %add3A_330 = arith.constant 2 : i32
        %add3A_331 = arith.addi %add3A_257, %add3A_330 : i32
        %lt3A_332 = arith.constant 125 : i32
        %lt3A_333 = arith.cmpi slt, %add3A_331, %lt3A_332 : i32
        %convert_element_type3A_334 = arith.extui %lt3A_333 : i1 to i32
        %cond3A_335 = arith.constant 0 : i32
        %cond3A_336 = arith.cmpi ne, %convert_element_type3A_334, %cond3A_335 : i32
        scf.if %cond3A_336 {
          %add3A_350 = arith.constant 2 : i32
          %add3A_351 = arith.addi %add3A_257, %add3A_350 : i32
          %mul3A_352 = arith.constant 10000 : i32
          %mul3A_353 = arith.muli %add3A, %mul3A_352 : i32
          %mul3A_354 = arith.constant 80 : i32
          %mul3A_355 = arith.muli %add3A_351, %mul3A_354 : i32
          %add3A_356 = arith.addi %mul3A_353, %mul3A_355 : i32
          %dma_wait3A_357 = tpu.memref_slice %arg3[%add3A_356] : memref<640000xi32, #tpu.memory_space<hbm>> -> memref<80xi32, #tpu.memory_space<hbm>>
          %dma_wait3A_358 = tpu.memref_slice %arg3[%add3A_356] : memref<640000xi32, #tpu.memory_space<hbm>> -> memref<80xi32, #tpu.memory_space<hbm>>
          tpu.wait_dma2 semaphore(%arg25 : memref<!tpu.dma_semaphore, #tpu.memory_space<semaphore_mem>>) src(%dma_wait3A_358 : memref<80xi32, #tpu.memory_space<hbm>>) dst(%arg8 : memref<80xi32, #tpu.memory_space<vmem>>)
          %add3A_359 = arith.constant 2 : i32
          %add3A_360 = arith.addi %add3A_257, %add3A_359 : i32
          %mul3A_361 = arith.constant 10000 : i32
          %mul3A_362 = arith.muli %add3A, %mul3A_361 : i32
          %add3A_363 = arith.constant 320000 : i32
          %add3A_364 = arith.addi %add3A_363, %mul3A_362 : i32
          %mul3A_365 = arith.constant 80 : i32
          %mul3A_366 = arith.muli %add3A_360, %mul3A_365 : i32
          %add3A_367 = arith.addi %add3A_364, %mul3A_366 : i32
          %dma_wait3A_368 = tpu.memref_slice %arg3[%add3A_367] : memref<640000xi32, #tpu.memory_space<hbm>> -> memref<80xi32, #tpu.memory_space<hbm>>
          %dma_wait3A_369 = tpu.memref_slice %arg3[%add3A_367] : memref<640000xi32, #tpu.memory_space<hbm>> -> memref<80xi32, #tpu.memory_space<hbm>>
          tpu.wait_dma2 semaphore(%arg25 : memref<!tpu.dma_semaphore, #tpu.memory_space<semaphore_mem>>) src(%dma_wait3A_369 : memref<80xi32, #tpu.memory_space<hbm>>) dst(%arg12 : memref<80xi32, #tpu.memory_space<vmem>>)
          %ge3A = arith.constant 2 : i32
          %ge3A_370 = arith.cmpi sge, %add3A_257, %ge3A : i32
          %convert_element_type3A_371 = arith.extui %ge3A_370 : i1 to i32
          %cond3A_372 = arith.constant 0 : i32
          %cond3A_373 = arith.cmpi ne, %convert_element_type3A_371, %cond3A_372 : i32
          scf.if %cond3A_373 {
            %dma_wait3A_377 = arith.constant 0 : i32
            %dma_wait3A_378 = arith.constant 0 : i32
            %dma_wait3A_379 = tpu.memref_slice %arg21[%dma_wait3A_377, %dma_wait3A_378] : memref<10000x128xf32, #tpu.memory_space<vmem_shared>> -> memref<10000x128xf32, #tpu.memory_space<vmem_shared>>
            tpu.wait_indirect_dma semaphore(%arg33 : memref<!tpu.dma_semaphore, #tpu.memory_space<semaphore_mem>>) src(%arg20 : memref<80x128xf32, #tpu.memory_space<vmem>>) dst(%dma_wait3A_379 : memref<10000x128xf32, #tpu.memory_space<vmem_shared>>)
          } else {
          }
          %dma_start3A_374 = arith.constant 0 : i32
          %dma_start3A_375 = arith.constant 0 : i32
          %dma_start3A_376 = tpu.memref_slice %arg2[%dma_start3A_374, %dma_start3A_375] : memref<10000x128xf32, #tpu.memory_space<hbm>> -> memref<10000x128xf32, #tpu.memory_space<hbm>>
          tpu.enqueue_indirect_dma source(%dma_start3A_376 : memref<10000x128xf32, #tpu.memory_space<hbm>>) target(%arg20 : memref<80x128xf32, #tpu.memory_space<vmem>>) offsets(%arg8 : memref<80xi32, #tpu.memory_space<vmem>>) semaphore(%arg29 : memref<!tpu.dma_semaphore, #tpu.memory_space<semaphore_mem>>)
        } else {
        }
        %dma_wait3A_337 = arith.constant 0 : i32
        %dma_wait3A_338 = arith.constant 0 : i32
        %dma_wait3A_339 = tpu.memref_slice %arg2[%dma_wait3A_337, %dma_wait3A_338] : memref<10000x128xf32, #tpu.memory_space<hbm>> -> memref<10000x128xf32, #tpu.memory_space<hbm>>
        tpu.wait_indirect_dma semaphore(%arg27 : memref<!tpu.dma_semaphore, #tpu.memory_space<semaphore_mem>>) src(%dma_wait3A_339 : memref<10000x128xf32, #tpu.memory_space<hbm>>) dst(%arg18 : memref<80x128xf32, #tpu.memory_space<vmem>>)
        %dma_start3A_340 = arith.constant 0 : i32
        %dma_start3A_341 = arith.constant 0 : i32
        %dma_start3A_342 = tpu.memref_slice %arg21[%dma_start3A_340, %dma_start3A_341] : memref<10000x128xf32, #tpu.memory_space<vmem_shared>> -> memref<10000x128xf32, #tpu.memory_space<vmem_shared>>
        tpu.enqueue_indirect_dma source(%arg18 : memref<80x128xf32, #tpu.memory_space<vmem>>) target(%dma_start3A_342 : memref<10000x128xf32, #tpu.memory_space<vmem_shared>>) offsets(%arg10 : memref<80xi32, #tpu.memory_space<vmem>>) semaphore(%arg31 : memref<!tpu.dma_semaphore, #tpu.memory_space<semaphore_mem>>) {add = true}
        %add3A_343 = arith.constant 4 : i32
        %add3A_344 = arith.addi %add3A_257, %add3A_343 : i32
        %lt3A_345 = arith.constant 125 : i32
        %lt3A_346 = arith.cmpi slt, %add3A_344, %lt3A_345 : i32
        %convert_element_type3A_347 = arith.extui %lt3A_346 : i1 to i32
        %cond3A_348 = arith.constant 0 : i32
        %cond3A_349 = arith.cmpi ne, %convert_element_type3A_347, %cond3A_348 : i32
        scf.if %cond3A_349 {
          %add3A_350 = arith.constant 4 : i32
          %add3A_351 = arith.addi %add3A_257, %add3A_350 : i32
          %mul3A_352 = arith.constant 10000 : i32
          %mul3A_353 = arith.muli %add3A, %mul3A_352 : i32
          %mul3A_354 = arith.constant 80 : i32
          %mul3A_355 = arith.muli %add3A_351, %mul3A_354 : i32
          %add3A_356 = arith.addi %mul3A_353, %mul3A_355 : i32
          %dma_start3A_357 = tpu.memref_slice %arg3[%add3A_356] : memref<640000xi32, #tpu.memory_space<hbm>> -> memref<80xi32, #tpu.memory_space<hbm>>
          %dma_start3A_358 = tpu.memref_slice %arg3[%add3A_356] : memref<640000xi32, #tpu.memory_space<hbm>> -> memref<80xi32, #tpu.memory_space<hbm>>
          tpu.enqueue_dma source(%dma_start3A_358 : memref<80xi32, #tpu.memory_space<hbm>>) target(%arg6 : memref<80xi32, #tpu.memory_space<vmem>>) target_semaphore(%arg23 : memref<!tpu.dma_semaphore, #tpu.memory_space<semaphore_mem>>)
          %add3A_359 = arith.constant 4 : i32
          %add3A_360 = arith.addi %add3A_257, %add3A_359 : i32
          %mul3A_361 = arith.constant 10000 : i32
          %mul3A_362 = arith.muli %add3A, %mul3A_361 : i32
          %add3A_363 = arith.constant 320000 : i32
          %add3A_364 = arith.addi %add3A_363, %mul3A_362 : i32
          %mul3A_365 = arith.constant 80 : i32
          %mul3A_366 = arith.muli %add3A_360, %mul3A_365 : i32
          %add3A_367 = arith.addi %add3A_364, %mul3A_366 : i32
          %dma_start3A_368 = tpu.memref_slice %arg3[%add3A_367] : memref<640000xi32, #tpu.memory_space<hbm>> -> memref<80xi32, #tpu.memory_space<hbm>>
          %dma_start3A_369 = tpu.memref_slice %arg3[%add3A_367] : memref<640000xi32, #tpu.memory_space<hbm>> -> memref<80xi32, #tpu.memory_space<hbm>>
          tpu.enqueue_dma source(%dma_start3A_369 : memref<80xi32, #tpu.memory_space<hbm>>) target(%arg14 : memref<80xi32, #tpu.memory_space<vmem>>) target_semaphore(%arg23 : memref<!tpu.dma_semaphore, #tpu.memory_space<semaphore_mem>>)
        } else {
        }
      } else {
      }
      %mul3A_263 = arith.constant 2 : i32
      %mul3A_264 = arith.muli %scan3A_240, %mul3A_263 : i32
      %mul3A_265 = arith.constant 4 : i32
      %mul3A_266 = arith.muli %mul3A_264, %mul3A_265 : i32
      %add3A_267 = arith.constant 2 : i32
      %add3A_268 = arith.addi %mul3A_266, %add3A_267 : i32
      %lt3A_269 = arith.constant 125 : i32
      %lt3A_270 = arith.cmpi slt, %add3A_268, %lt3A_269 : i32
      %convert_element_type3A_271 = arith.extui %lt3A_270 : i1 to i32
      %cond3A_272 = arith.constant 0 : i32
      %cond3A_273 = arith.cmpi ne, %convert_element_type3A_271, %cond3A_272 : i32
      scf.if %cond3A_273 {
        %add3A_330 = arith.constant 2 : i32
        %add3A_331 = arith.addi %add3A_268, %add3A_330 : i32
        %lt3A_332 = arith.constant 125 : i32
        %lt3A_333 = arith.cmpi slt, %add3A_331, %lt3A_332 : i32
        %convert_element_type3A_334 = arith.extui %lt3A_333 : i1 to i32
        %cond3A_335 = arith.constant 0 : i32
        %cond3A_336 = arith.cmpi ne, %convert_element_type3A_334, %cond3A_335 : i32
        scf.if %cond3A_336 {
          %add3A_350 = arith.constant 2 : i32
          %add3A_351 = arith.addi %add3A_268, %add3A_350 : i32
          %mul3A_352 = arith.constant 10000 : i32
          %mul3A_353 = arith.muli %add3A, %mul3A_352 : i32
          %mul3A_354 = arith.constant 80 : i32
          %mul3A_355 = arith.muli %add3A_351, %mul3A_354 : i32
          %add3A_356 = arith.addi %mul3A_353, %mul3A_355 : i32
          %dma_wait3A_357 = tpu.memref_slice %arg3[%add3A_356] : memref<640000xi32, #tpu.memory_space<hbm>> -> memref<80xi32, #tpu.memory_space<hbm>>
          %dma_wait3A_358 = tpu.memref_slice %arg3[%add3A_356] : memref<640000xi32, #tpu.memory_space<hbm>> -> memref<80xi32, #tpu.memory_space<hbm>>
          tpu.wait_dma2 semaphore(%arg22 : memref<!tpu.dma_semaphore, #tpu.memory_space<semaphore_mem>>) src(%dma_wait3A_358 : memref<80xi32, #tpu.memory_space<hbm>>) dst(%arg5 : memref<80xi32, #tpu.memory_space<vmem>>)
          %add3A_359 = arith.constant 2 : i32
          %add3A_360 = arith.addi %add3A_268, %add3A_359 : i32
          %mul3A_361 = arith.constant 10000 : i32
          %mul3A_362 = arith.muli %add3A, %mul3A_361 : i32
          %add3A_363 = arith.constant 320000 : i32
          %add3A_364 = arith.addi %add3A_363, %mul3A_362 : i32
          %mul3A_365 = arith.constant 80 : i32
          %mul3A_366 = arith.muli %add3A_360, %mul3A_365 : i32
          %add3A_367 = arith.addi %add3A_364, %mul3A_366 : i32
          %dma_wait3A_368 = tpu.memref_slice %arg3[%add3A_367] : memref<640000xi32, #tpu.memory_space<hbm>> -> memref<80xi32, #tpu.memory_space<hbm>>
          %dma_wait3A_369 = tpu.memref_slice %arg3[%add3A_367] : memref<640000xi32, #tpu.memory_space<hbm>> -> memref<80xi32, #tpu.memory_space<hbm>>
          tpu.wait_dma2 semaphore(%arg22 : memref<!tpu.dma_semaphore, #tpu.memory_space<semaphore_mem>>) src(%dma_wait3A_369 : memref<80xi32, #tpu.memory_space<hbm>>) dst(%arg13 : memref<80xi32, #tpu.memory_space<vmem>>)
          %ge3A = arith.constant 2 : i32
          %ge3A_370 = arith.cmpi sge, %add3A_268, %ge3A : i32
          %convert_element_type3A_371 = arith.extui %ge3A_370 : i1 to i32
          %cond3A_372 = arith.constant 0 : i32
          %cond3A_373 = arith.cmpi ne, %convert_element_type3A_371, %cond3A_372 : i32
          scf.if %cond3A_373 {
            %dma_wait3A_377 = arith.constant 0 : i32
            %dma_wait3A_378 = arith.constant 0 : i32
            %dma_wait3A_379 = tpu.memref_slice %arg21[%dma_wait3A_377, %dma_wait3A_378] : memref<10000x128xf32, #tpu.memory_space<vmem_shared>> -> memref<10000x128xf32, #tpu.memory_space<vmem_shared>>
            tpu.wait_indirect_dma semaphore(%arg30 : memref<!tpu.dma_semaphore, #tpu.memory_space<semaphore_mem>>) src(%arg17 : memref<80x128xf32, #tpu.memory_space<vmem>>) dst(%dma_wait3A_379 : memref<10000x128xf32, #tpu.memory_space<vmem_shared>>)
          } else {
          }
          %dma_start3A_374 = arith.constant 0 : i32
          %dma_start3A_375 = arith.constant 0 : i32
          %dma_start3A_376 = tpu.memref_slice %arg2[%dma_start3A_374, %dma_start3A_375] : memref<10000x128xf32, #tpu.memory_space<hbm>> -> memref<10000x128xf32, #tpu.memory_space<hbm>>
          tpu.enqueue_indirect_dma source(%dma_start3A_376 : memref<10000x128xf32, #tpu.memory_space<hbm>>) target(%arg17 : memref<80x128xf32, #tpu.memory_space<vmem>>) offsets(%arg5 : memref<80xi32, #tpu.memory_space<vmem>>) semaphore(%arg26 : memref<!tpu.dma_semaphore, #tpu.memory_space<semaphore_mem>>)
        } else {
        }
        %dma_wait3A_337 = arith.constant 0 : i32
        %dma_wait3A_338 = arith.constant 0 : i32
        %dma_wait3A_339 = tpu.memref_slice %arg2[%dma_wait3A_337, %dma_wait3A_338] : memref<10000x128xf32, #tpu.memory_space<hbm>> -> memref<10000x128xf32, #tpu.memory_space<hbm>>
        tpu.wait_indirect_dma semaphore(%arg28 : memref<!tpu.dma_semaphore, #tpu.memory_space<semaphore_mem>>) src(%dma_wait3A_339 : memref<10000x128xf32, #tpu.memory_space<hbm>>) dst(%arg19 : memref<80x128xf32, #tpu.memory_space<vmem>>)
        %dma_start3A_340 = arith.constant 0 : i32
        %dma_start3A_341 = arith.constant 0 : i32
        %dma_start3A_342 = tpu.memref_slice %arg21[%dma_start3A_340, %dma_start3A_341] : memref<10000x128xf32, #tpu.memory_space<vmem_shared>> -> memref<10000x128xf32, #tpu.memory_space<vmem_shared>>
        tpu.enqueue_indirect_dma source(%arg19 : memref<80x128xf32, #tpu.memory_space<vmem>>) target(%dma_start3A_342 : memref<10000x128xf32, #tpu.memory_space<vmem_shared>>) offsets(%arg11 : memref<80xi32, #tpu.memory_space<vmem>>) semaphore(%arg32 : memref<!tpu.dma_semaphore, #tpu.memory_space<semaphore_mem>>) {add = true}
        %add3A_343 = arith.constant 4 : i32
        %add3A_344 = arith.addi %add3A_268, %add3A_343 : i32
        %lt3A_345 = arith.constant 125 : i32
        %lt3A_346 = arith.cmpi slt, %add3A_344, %lt3A_345 : i32
        %convert_element_type3A_347 = arith.extui %lt3A_346 : i1 to i32
        %cond3A_348 = arith.constant 0 : i32
        %cond3A_349 = arith.cmpi ne, %convert_element_type3A_347, %cond3A_348 : i32
        scf.if %cond3A_349 {
          %add3A_350 = arith.constant 4 : i32
          %add3A_351 = arith.addi %add3A_268, %add3A_350 : i32
          %mul3A_352 = arith.constant 10000 : i32
          %mul3A_353 = arith.muli %add3A, %mul3A_352 : i32
          %mul3A_354 = arith.constant 80 : i32
          %mul3A_355 = arith.muli %add3A_351, %mul3A_354 : i32
          %add3A_356 = arith.addi %mul3A_353, %mul3A_355 : i32
          %dma_start3A_357 = tpu.memref_slice %arg3[%add3A_356] : memref<640000xi32, #tpu.memory_space<hbm>> -> memref<80xi32, #tpu.memory_space<hbm>>
          %dma_start3A_358 = tpu.memref_slice %arg3[%add3A_356] : memref<640000xi32, #tpu.memory_space<hbm>> -> memref<80xi32, #tpu.memory_space<hbm>>
          tpu.enqueue_dma source(%dma_start3A_358 : memref<80xi32, #tpu.memory_space<hbm>>) target(%arg7 : memref<80xi32, #tpu.memory_space<vmem>>) target_semaphore(%arg24 : memref<!tpu.dma_semaphore, #tpu.memory_space<semaphore_mem>>)
          %add3A_359 = arith.constant 4 : i32
          %add3A_360 = arith.addi %add3A_268, %add3A_359 : i32
          %mul3A_361 = arith.constant 10000 : i32
          %mul3A_362 = arith.muli %add3A, %mul3A_361 : i32
          %add3A_363 = arith.constant 320000 : i32
          %add3A_364 = arith.addi %add3A_363, %mul3A_362 : i32
          %mul3A_365 = arith.constant 80 : i32
          %mul3A_366 = arith.muli %add3A_360, %mul3A_365 : i32
          %add3A_367 = arith.addi %add3A_364, %mul3A_366 : i32
          %dma_start3A_368 = tpu.memref_slice %arg3[%add3A_367] : memref<640000xi32, #tpu.memory_space<hbm>> -> memref<80xi32, #tpu.memory_space<hbm>>
          %dma_start3A_369 = tpu.memref_slice %arg3[%add3A_367] : memref<640000xi32, #tpu.memory_space<hbm>> -> memref<80xi32, #tpu.memory_space<hbm>>
          tpu.enqueue_dma source(%dma_start3A_369 : memref<80xi32, #tpu.memory_space<hbm>>) target(%arg15 : memref<80xi32, #tpu.memory_space<vmem>>) target_semaphore(%arg24 : memref<!tpu.dma_semaphore, #tpu.memory_space<semaphore_mem>>)
        } else {
        }
      } else {
      }
      %mul3A_274 = arith.constant 2 : i32
      %mul3A_275 = arith.muli %scan3A_240, %mul3A_274 : i32
      %mul3A_276 = arith.constant 4 : i32
      %mul3A_277 = arith.muli %mul3A_275, %mul3A_276 : i32
      %add3A_278 = arith.constant 3 : i32
      %add3A_279 = arith.addi %mul3A_277, %add3A_278 : i32
      %lt3A_280 = arith.constant 125 : i32
      %lt3A_281 = arith.cmpi slt, %add3A_279, %lt3A_280 : i32
      %convert_element_type3A_282 = arith.extui %lt3A_281 : i1 to i32
      %cond3A_283 = arith.constant 0 : i32
      %cond3A_284 = arith.cmpi ne, %convert_element_type3A_282, %cond3A_283 : i32
      scf.if %cond3A_284 {
        %add3A_330 = arith.constant 2 : i32
        %add3A_331 = arith.addi %add3A_279, %add3A_330 : i32
        %lt3A_332 = arith.constant 125 : i32
        %lt3A_333 = arith.cmpi slt, %add3A_331, %lt3A_332 : i32
        %convert_element_type3A_334 = arith.extui %lt3A_333 : i1 to i32
        %cond3A_335 = arith.constant 0 : i32
        %cond3A_336 = arith.cmpi ne, %convert_element_type3A_334, %cond3A_335 : i32
        scf.if %cond3A_336 {
          %add3A_350 = arith.constant 2 : i32
          %add3A_351 = arith.addi %add3A_279, %add3A_350 : i32
          %mul3A_352 = arith.constant 10000 : i32
          %mul3A_353 = arith.muli %add3A, %mul3A_352 : i32
          %mul3A_354 = arith.constant 80 : i32
          %mul3A_355 = arith.muli %add3A_351, %mul3A_354 : i32
          %add3A_356 = arith.addi %mul3A_353, %mul3A_355 : i32
          %dma_wait3A_357 = tpu.memref_slice %arg3[%add3A_356] : memref<640000xi32, #tpu.memory_space<hbm>> -> memref<80xi32, #tpu.memory_space<hbm>>
          %dma_wait3A_358 = tpu.memref_slice %arg3[%add3A_356] : memref<640000xi32, #tpu.memory_space<hbm>> -> memref<80xi32, #tpu.memory_space<hbm>>
          tpu.wait_dma2 semaphore(%arg23 : memref<!tpu.dma_semaphore, #tpu.memory_space<semaphore_mem>>) src(%dma_wait3A_358 : memref<80xi32, #tpu.memory_space<hbm>>) dst(%arg6 : memref<80xi32, #tpu.memory_space<vmem>>)
          %add3A_359 = arith.constant 2 : i32
          %add3A_360 = arith.addi %add3A_279, %add3A_359 : i32
          %mul3A_361 = arith.constant 10000 : i32
          %mul3A_362 = arith.muli %add3A, %mul3A_361 : i32
          %add3A_363 = arith.constant 320000 : i32
          %add3A_364 = arith.addi %add3A_363, %mul3A_362 : i32
          %mul3A_365 = arith.constant 80 : i32
          %mul3A_366 = arith.muli %add3A_360, %mul3A_365 : i32
          %add3A_367 = arith.addi %add3A_364, %mul3A_366 : i32
          %dma_wait3A_368 = tpu.memref_slice %arg3[%add3A_367] : memref<640000xi32, #tpu.memory_space<hbm>> -> memref<80xi32, #tpu.memory_space<hbm>>
          %dma_wait3A_369 = tpu.memref_slice %arg3[%add3A_367] : memref<640000xi32, #tpu.memory_space<hbm>> -> memref<80xi32, #tpu.memory_space<hbm>>
          tpu.wait_dma2 semaphore(%arg23 : memref<!tpu.dma_semaphore, #tpu.memory_space<semaphore_mem>>) src(%dma_wait3A_369 : memref<80xi32, #tpu.memory_space<hbm>>) dst(%arg14 : memref<80xi32, #tpu.memory_space<vmem>>)
          %ge3A = arith.constant 2 : i32
          %ge3A_370 = arith.cmpi sge, %add3A_279, %ge3A : i32
          %convert_element_type3A_371 = arith.extui %ge3A_370 : i1 to i32
          %cond3A_372 = arith.constant 0 : i32
          %cond3A_373 = arith.cmpi ne, %convert_element_type3A_371, %cond3A_372 : i32
          scf.if %cond3A_373 {
            %dma_wait3A_377 = arith.constant 0 : i32
            %dma_wait3A_378 = arith.constant 0 : i32
            %dma_wait3A_379 = tpu.memref_slice %arg21[%dma_wait3A_377, %dma_wait3A_378] : memref<10000x128xf32, #tpu.memory_space<vmem_shared>> -> memref<10000x128xf32, #tpu.memory_space<vmem_shared>>
            tpu.wait_indirect_dma semaphore(%arg31 : memref<!tpu.dma_semaphore, #tpu.memory_space<semaphore_mem>>) src(%arg18 : memref<80x128xf32, #tpu.memory_space<vmem>>) dst(%dma_wait3A_379 : memref<10000x128xf32, #tpu.memory_space<vmem_shared>>)
          } else {
          }
          %dma_start3A_374 = arith.constant 0 : i32
          %dma_start3A_375 = arith.constant 0 : i32
          %dma_start3A_376 = tpu.memref_slice %arg2[%dma_start3A_374, %dma_start3A_375] : memref<10000x128xf32, #tpu.memory_space<hbm>> -> memref<10000x128xf32, #tpu.memory_space<hbm>>
          tpu.enqueue_indirect_dma source(%dma_start3A_376 : memref<10000x128xf32, #tpu.memory_space<hbm>>) target(%arg18 : memref<80x128xf32, #tpu.memory_space<vmem>>) offsets(%arg6 : memref<80xi32, #tpu.memory_space<vmem>>) semaphore(%arg27 : memref<!tpu.dma_semaphore, #tpu.memory_space<semaphore_mem>>)
        } else {
        }
        %dma_wait3A_337 = arith.constant 0 : i32
        %dma_wait3A_338 = arith.constant 0 : i32
        %dma_wait3A_339 = tpu.memref_slice %arg2[%dma_wait3A_337, %dma_wait3A_338] : memref<10000x128xf32, #tpu.memory_space<hbm>> -> memref<10000x128xf32, #tpu.memory_space<hbm>>
        tpu.wait_indirect_dma semaphore(%arg29 : memref<!tpu.dma_semaphore, #tpu.memory_space<semaphore_mem>>) src(%dma_wait3A_339 : memref<10000x128xf32, #tpu.memory_space<hbm>>) dst(%arg20 : memref<80x128xf32, #tpu.memory_space<vmem>>)
        %dma_start3A_340 = arith.constant 0 : i32
        %dma_start3A_341 = arith.constant 0 : i32
        %dma_start3A_342 = tpu.memref_slice %arg21[%dma_start3A_340, %dma_start3A_341] : memref<10000x128xf32, #tpu.memory_space<vmem_shared>> -> memref<10000x128xf32, #tpu.memory_space<vmem_shared>>
        tpu.enqueue_indirect_dma source(%arg20 : memref<80x128xf32, #tpu.memory_space<vmem>>) target(%dma_start3A_342 : memref<10000x128xf32, #tpu.memory_space<vmem_shared>>) offsets(%arg12 : memref<80xi32, #tpu.memory_space<vmem>>) semaphore(%arg33 : memref<!tpu.dma_semaphore, #tpu.memory_space<semaphore_mem>>) {add = true}
        %add3A_343 = arith.constant 4 : i32
        %add3A_344 = arith.addi %add3A_279, %add3A_343 : i32
        %lt3A_345 = arith.constant 125 : i32
        %lt3A_346 = arith.cmpi slt, %add3A_344, %lt3A_345 : i32
        %convert_element_type3A_347 = arith.extui %lt3A_346 : i1 to i32
        %cond3A_348 = arith.constant 0 : i32
        %cond3A_349 = arith.cmpi ne, %convert_element_type3A_347, %cond3A_348 : i32
        scf.if %cond3A_349 {
          %add3A_350 = arith.constant 4 : i32
          %add3A_351 = arith.addi %add3A_279, %add3A_350 : i32
          %mul3A_352 = arith.constant 10000 : i32
          %mul3A_353 = arith.muli %add3A, %mul3A_352 : i32
          %mul3A_354 = arith.constant 80 : i32
          %mul3A_355 = arith.muli %add3A_351, %mul3A_354 : i32
          %add3A_356 = arith.addi %mul3A_353, %mul3A_355 : i32
          %dma_start3A_357 = tpu.memref_slice %arg3[%add3A_356] : memref<640000xi32, #tpu.memory_space<hbm>> -> memref<80xi32, #tpu.memory_space<hbm>>
          %dma_start3A_358 = tpu.memref_slice %arg3[%add3A_356] : memref<640000xi32, #tpu.memory_space<hbm>> -> memref<80xi32, #tpu.memory_space<hbm>>
          tpu.enqueue_dma source(%dma_start3A_358 : memref<80xi32, #tpu.memory_space<hbm>>) target(%arg8 : memref<80xi32, #tpu.memory_space<vmem>>) target_semaphore(%arg25 : memref<!tpu.dma_semaphore, #tpu.memory_space<semaphore_mem>>)
          %add3A_359 = arith.constant 4 : i32
          %add3A_360 = arith.addi %add3A_279, %add3A_359 : i32
          %mul3A_361 = arith.constant 10000 : i32
          %mul3A_362 = arith.muli %add3A, %mul3A_361 : i32
          %add3A_363 = arith.constant 320000 : i32
          %add3A_364 = arith.addi %add3A_363, %mul3A_362 : i32
          %mul3A_365 = arith.constant 80 : i32
          %mul3A_366 = arith.muli %add3A_360, %mul3A_365 : i32
          %add3A_367 = arith.addi %add3A_364, %mul3A_366 : i32
          %dma_start3A_368 = tpu.memref_slice %arg3[%add3A_367] : memref<640000xi32, #tpu.memory_space<hbm>> -> memref<80xi32, #tpu.memory_space<hbm>>
          %dma_start3A_369 = tpu.memref_slice %arg3[%add3A_367] : memref<640000xi32, #tpu.memory_space<hbm>> -> memref<80xi32, #tpu.memory_space<hbm>>
          tpu.enqueue_dma source(%dma_start3A_369 : memref<80xi32, #tpu.memory_space<hbm>>) target(%arg16 : memref<80xi32, #tpu.memory_space<vmem>>) target_semaphore(%arg25 : memref<!tpu.dma_semaphore, #tpu.memory_space<semaphore_mem>>)
        } else {
        }
      } else {
      }
      %mul3A_285 = arith.constant 2 : i32
      %mul3A_286 = arith.muli %scan3A_240, %mul3A_285 : i32
      %mul3A_287 = arith.constant 4 : i32
      %mul3A_288 = arith.muli %mul3A_286, %mul3A_287 : i32
      %add3A_289 = arith.constant 4 : i32
      %add3A_290 = arith.addi %mul3A_288, %add3A_289 : i32
      %lt3A_291 = arith.constant 125 : i32
      %lt3A_292 = arith.cmpi slt, %add3A_290, %lt3A_291 : i32
      %convert_element_type3A_293 = arith.extui %lt3A_292 : i1 to i32
      %cond3A_294 = arith.constant 0 : i32
      %cond3A_295 = arith.cmpi ne, %convert_element_type3A_293, %cond3A_294 : i32
      scf.if %cond3A_295 {
        %add3A_330 = arith.constant 2 : i32
        %add3A_331 = arith.addi %add3A_290, %add3A_330 : i32
        %lt3A_332 = arith.constant 125 : i32
        %lt3A_333 = arith.cmpi slt, %add3A_331, %lt3A_332 : i32
        %convert_element_type3A_334 = arith.extui %lt3A_333 : i1 to i32
        %cond3A_335 = arith.constant 0 : i32
        %cond3A_336 = arith.cmpi ne, %convert_element_type3A_334, %cond3A_335 : i32
        scf.if %cond3A_336 {
          %add3A_350 = arith.constant 2 : i32
          %add3A_351 = arith.addi %add3A_290, %add3A_350 : i32
          %mul3A_352 = arith.constant 10000 : i32
          %mul3A_353 = arith.muli %add3A, %mul3A_352 : i32
          %mul3A_354 = arith.constant 80 : i32
          %mul3A_355 = arith.muli %add3A_351, %mul3A_354 : i32
          %add3A_356 = arith.addi %mul3A_353, %mul3A_355 : i32
          %dma_wait3A_357 = tpu.memref_slice %arg3[%add3A_356] : memref<640000xi32, #tpu.memory_space<hbm>> -> memref<80xi32, #tpu.memory_space<hbm>>
          %dma_wait3A_358 = tpu.memref_slice %arg3[%add3A_356] : memref<640000xi32, #tpu.memory_space<hbm>> -> memref<80xi32, #tpu.memory_space<hbm>>
          tpu.wait_dma2 semaphore(%arg24 : memref<!tpu.dma_semaphore, #tpu.memory_space<semaphore_mem>>) src(%dma_wait3A_358 : memref<80xi32, #tpu.memory_space<hbm>>) dst(%arg7 : memref<80xi32, #tpu.memory_space<vmem>>)
          %add3A_359 = arith.constant 2 : i32
          %add3A_360 = arith.addi %add3A_290, %add3A_359 : i32
          %mul3A_361 = arith.constant 10000 : i32
          %mul3A_362 = arith.muli %add3A, %mul3A_361 : i32
          %add3A_363 = arith.constant 320000 : i32
          %add3A_364 = arith.addi %add3A_363, %mul3A_362 : i32
          %mul3A_365 = arith.constant 80 : i32
          %mul3A_366 = arith.muli %add3A_360, %mul3A_365 : i32
          %add3A_367 = arith.addi %add3A_364, %mul3A_366 : i32
          %dma_wait3A_368 = tpu.memref_slice %arg3[%add3A_367] : memref<640000xi32, #tpu.memory_space<hbm>> -> memref<80xi32, #tpu.memory_space<hbm>>
          %dma_wait3A_369 = tpu.memref_slice %arg3[%add3A_367] : memref<640000xi32, #tpu.memory_space<hbm>> -> memref<80xi32, #tpu.memory_space<hbm>>
          tpu.wait_dma2 semaphore(%arg24 : memref<!tpu.dma_semaphore, #tpu.memory_space<semaphore_mem>>) src(%dma_wait3A_369 : memref<80xi32, #tpu.memory_space<hbm>>) dst(%arg15 : memref<80xi32, #tpu.memory_space<vmem>>)
          %ge3A = arith.constant 2 : i32
          %ge3A_370 = arith.cmpi sge, %add3A_290, %ge3A : i32
          %convert_element_type3A_371 = arith.extui %ge3A_370 : i1 to i32
          %cond3A_372 = arith.constant 0 : i32
          %cond3A_373 = arith.cmpi ne, %convert_element_type3A_371, %cond3A_372 : i32
          scf.if %cond3A_373 {
            %dma_wait3A_377 = arith.constant 0 : i32
            %dma_wait3A_378 = arith.constant 0 : i32
            %dma_wait3A_379 = tpu.memref_slice %arg21[%dma_wait3A_377, %dma_wait3A_378] : memref<10000x128xf32, #tpu.memory_space<vmem_shared>> -> memref<10000x128xf32, #tpu.memory_space<vmem_shared>>
            tpu.wait_indirect_dma semaphore(%arg32 : memref<!tpu.dma_semaphore, #tpu.memory_space<semaphore_mem>>) src(%arg19 : memref<80x128xf32, #tpu.memory_space<vmem>>) dst(%dma_wait3A_379 : memref<10000x128xf32, #tpu.memory_space<vmem_shared>>)
          } else {
          }
          %dma_start3A_374 = arith.constant 0 : i32
          %dma_start3A_375 = arith.constant 0 : i32
          %dma_start3A_376 = tpu.memref_slice %arg2[%dma_start3A_374, %dma_start3A_375] : memref<10000x128xf32, #tpu.memory_space<hbm>> -> memref<10000x128xf32, #tpu.memory_space<hbm>>
          tpu.enqueue_indirect_dma source(%dma_start3A_376 : memref<10000x128xf32, #tpu.memory_space<hbm>>) target(%arg19 : memref<80x128xf32, #tpu.memory_space<vmem>>) offsets(%arg7 : memref<80xi32, #tpu.memory_space<vmem>>) semaphore(%arg28 : memref<!tpu.dma_semaphore, #tpu.memory_space<semaphore_mem>>)
        } else {
        }
        %dma_wait3A_337 = arith.constant 0 : i32
        %dma_wait3A_338 = arith.constant 0 : i32
        %dma_wait3A_339 = tpu.memref_slice %arg2[%dma_wait3A_337, %dma_wait3A_338] : memref<10000x128xf32, #tpu.memory_space<hbm>> -> memref<10000x128xf32, #tpu.memory_space<hbm>>
        tpu.wait_indirect_dma semaphore(%arg26 : memref<!tpu.dma_semaphore, #tpu.memory_space<semaphore_mem>>) src(%dma_wait3A_339 : memref<10000x128xf32, #tpu.memory_space<hbm>>) dst(%arg17 : memref<80x128xf32, #tpu.memory_space<vmem>>)
        %dma_start3A_340 = arith.constant 0 : i32
        %dma_start3A_341 = arith.constant 0 : i32
        %dma_start3A_342 = tpu.memref_slice %arg21[%dma_start3A_340, %dma_start3A_341] : memref<10000x128xf32, #tpu.memory_space<vmem_shared>> -> memref<10000x128xf32, #tpu.memory_space<vmem_shared>>
        tpu.enqueue_indirect_dma source(%arg17 : memref<80x128xf32, #tpu.memory_space<vmem>>) target(%dma_start3A_342 : memref<10000x128xf32, #tpu.memory_space<vmem_shared>>) offsets(%arg13 : memref<80xi32, #tpu.memory_space<vmem>>) semaphore(%arg30 : memref<!tpu.dma_semaphore, #tpu.memory_space<semaphore_mem>>) {add = true}
        %add3A_343 = arith.constant 4 : i32
        %add3A_344 = arith.addi %add3A_290, %add3A_343 : i32
        %lt3A_345 = arith.constant 125 : i32
        %lt3A_346 = arith.cmpi slt, %add3A_344, %lt3A_345 : i32
        %convert_element_type3A_347 = arith.extui %lt3A_346 : i1 to i32
        %cond3A_348 = arith.constant 0 : i32
        %cond3A_349 = arith.cmpi ne, %convert_element_type3A_347, %cond3A_348 : i32
        scf.if %cond3A_349 {
          %add3A_350 = arith.constant 4 : i32
          %add3A_351 = arith.addi %add3A_290, %add3A_350 : i32
          %mul3A_352 = arith.constant 10000 : i32
          %mul3A_353 = arith.muli %add3A, %mul3A_352 : i32
          %mul3A_354 = arith.constant 80 : i32
          %mul3A_355 = arith.muli %add3A_351, %mul3A_354 : i32
          %add3A_356 = arith.addi %mul3A_353, %mul3A_355 : i32
          %dma_start3A_357 = tpu.memref_slice %arg3[%add3A_356] : memref<640000xi32, #tpu.memory_space<hbm>> -> memref<80xi32, #tpu.memory_space<hbm>>
          %dma_start3A_358 = tpu.memref_slice %arg3[%add3A_356] : memref<640000xi32, #tpu.memory_space<hbm>> -> memref<80xi32, #tpu.memory_space<hbm>>
          tpu.enqueue_dma source(%dma_start3A_358 : memref<80xi32, #tpu.memory_space<hbm>>) target(%arg5 : memref<80xi32, #tpu.memory_space<vmem>>) target_semaphore(%arg22 : memref<!tpu.dma_semaphore, #tpu.memory_space<semaphore_mem>>)
          %add3A_359 = arith.constant 4 : i32
          %add3A_360 = arith.addi %add3A_290, %add3A_359 : i32
          %mul3A_361 = arith.constant 10000 : i32
          %mul3A_362 = arith.muli %add3A, %mul3A_361 : i32
          %add3A_363 = arith.constant 320000 : i32
          %add3A_364 = arith.addi %add3A_363, %mul3A_362 : i32
          %mul3A_365 = arith.constant 80 : i32
          %mul3A_366 = arith.muli %add3A_360, %mul3A_365 : i32
          %add3A_367 = arith.addi %add3A_364, %mul3A_366 : i32
          %dma_start3A_368 = tpu.memref_slice %arg3[%add3A_367] : memref<640000xi32, #tpu.memory_space<hbm>> -> memref<80xi32, #tpu.memory_space<hbm>>
          %dma_start3A_369 = tpu.memref_slice %arg3[%add3A_367] : memref<640000xi32, #tpu.memory_space<hbm>> -> memref<80xi32, #tpu.memory_space<hbm>>
          tpu.enqueue_dma source(%dma_start3A_369 : memref<80xi32, #tpu.memory_space<hbm>>) target(%arg9 : memref<80xi32, #tpu.memory_space<vmem>>) target_semaphore(%arg22 : memref<!tpu.dma_semaphore, #tpu.memory_space<semaphore_mem>>)
        } else {
        }
      } else {
      }
      %mul3A_296 = arith.constant 2 : i32
      %mul3A_297 = arith.muli %scan3A_240, %mul3A_296 : i32
      %mul3A_298 = arith.constant 4 : i32
      %mul3A_299 = arith.muli %mul3A_297, %mul3A_298 : i32
      %add3A_300 = arith.constant 5 : i32
      %add3A_301 = arith.addi %mul3A_299, %add3A_300 : i32
      %lt3A_302 = arith.constant 125 : i32
      %lt3A_303 = arith.cmpi slt, %add3A_301, %lt3A_302 : i32
      %convert_element_type3A_304 = arith.extui %lt3A_303 : i1 to i32
      %cond3A_305 = arith.constant 0 : i32
      %cond3A_306 = arith.cmpi ne, %convert_element_type3A_304, %cond3A_305 : i32
      scf.if %cond3A_306 {
        %add3A_330 = arith.constant 2 : i32
        %add3A_331 = arith.addi %add3A_301, %add3A_330 : i32
        %lt3A_332 = arith.constant 125 : i32
        %lt3A_333 = arith.cmpi slt, %add3A_331, %lt3A_332 : i32
        %convert_element_type3A_334 = arith.extui %lt3A_333 : i1 to i32
        %cond3A_335 = arith.constant 0 : i32
        %cond3A_336 = arith.cmpi ne, %convert_element_type3A_334, %cond3A_335 : i32
        scf.if %cond3A_336 {
          %add3A_350 = arith.constant 2 : i32
          %add3A_351 = arith.addi %add3A_301, %add3A_350 : i32
          %mul3A_352 = arith.constant 10000 : i32
          %mul3A_353 = arith.muli %add3A, %mul3A_352 : i32
          %mul3A_354 = arith.constant 80 : i32
          %mul3A_355 = arith.muli %add3A_351, %mul3A_354 : i32
          %add3A_356 = arith.addi %mul3A_353, %mul3A_355 : i32
          %dma_wait3A_357 = tpu.memref_slice %arg3[%add3A_356] : memref<640000xi32, #tpu.memory_space<hbm>> -> memref<80xi32, #tpu.memory_space<hbm>>
          %dma_wait3A_358 = tpu.memref_slice %arg3[%add3A_356] : memref<640000xi32, #tpu.memory_space<hbm>> -> memref<80xi32, #tpu.memory_space<hbm>>
          tpu.wait_dma2 semaphore(%arg25 : memref<!tpu.dma_semaphore, #tpu.memory_space<semaphore_mem>>) src(%dma_wait3A_358 : memref<80xi32, #tpu.memory_space<hbm>>) dst(%arg8 : memref<80xi32, #tpu.memory_space<vmem>>)
          %add3A_359 = arith.constant 2 : i32
          %add3A_360 = arith.addi %add3A_301, %add3A_359 : i32
          %mul3A_361 = arith.constant 10000 : i32
          %mul3A_362 = arith.muli %add3A, %mul3A_361 : i32
          %add3A_363 = arith.constant 320000 : i32
          %add3A_364 = arith.addi %add3A_363, %mul3A_362 : i32
          %mul3A_365 = arith.constant 80 : i32
          %mul3A_366 = arith.muli %add3A_360, %mul3A_365 : i32
          %add3A_367 = arith.addi %add3A_364, %mul3A_366 : i32
          %dma_wait3A_368 = tpu.memref_slice %arg3[%add3A_367] : memref<640000xi32, #tpu.memory_space<hbm>> -> memref<80xi32, #tpu.memory_space<hbm>>
          %dma_wait3A_369 = tpu.memref_slice %arg3[%add3A_367] : memref<640000xi32, #tpu.memory_space<hbm>> -> memref<80xi32, #tpu.memory_space<hbm>>
          tpu.wait_dma2 semaphore(%arg25 : memref<!tpu.dma_semaphore, #tpu.memory_space<semaphore_mem>>) src(%dma_wait3A_369 : memref<80xi32, #tpu.memory_space<hbm>>) dst(%arg16 : memref<80xi32, #tpu.memory_space<vmem>>)
          %ge3A = arith.constant 2 : i32
          %ge3A_370 = arith.cmpi sge, %add3A_301, %ge3A : i32
          %convert_element_type3A_371 = arith.extui %ge3A_370 : i1 to i32
          %cond3A_372 = arith.constant 0 : i32
          %cond3A_373 = arith.cmpi ne, %convert_element_type3A_371, %cond3A_372 : i32
          scf.if %cond3A_373 {
            %dma_wait3A_377 = arith.constant 0 : i32
            %dma_wait3A_378 = arith.constant 0 : i32
            %dma_wait3A_379 = tpu.memref_slice %arg21[%dma_wait3A_377, %dma_wait3A_378] : memref<10000x128xf32, #tpu.memory_space<vmem_shared>> -> memref<10000x128xf32, #tpu.memory_space<vmem_shared>>
            tpu.wait_indirect_dma semaphore(%arg33 : memref<!tpu.dma_semaphore, #tpu.memory_space<semaphore_mem>>) src(%arg20 : memref<80x128xf32, #tpu.memory_space<vmem>>) dst(%dma_wait3A_379 : memref<10000x128xf32, #tpu.memory_space<vmem_shared>>)
          } else {
          }
          %dma_start3A_374 = arith.constant 0 : i32
          %dma_start3A_375 = arith.constant 0 : i32
          %dma_start3A_376 = tpu.memref_slice %arg2[%dma_start3A_374, %dma_start3A_375] : memref<10000x128xf32, #tpu.memory_space<hbm>> -> memref<10000x128xf32, #tpu.memory_space<hbm>>
          tpu.enqueue_indirect_dma source(%dma_start3A_376 : memref<10000x128xf32, #tpu.memory_space<hbm>>) target(%arg20 : memref<80x128xf32, #tpu.memory_space<vmem>>) offsets(%arg8 : memref<80xi32, #tpu.memory_space<vmem>>) semaphore(%arg29 : memref<!tpu.dma_semaphore, #tpu.memory_space<semaphore_mem>>)
        } else {
        }
        %dma_wait3A_337 = arith.constant 0 : i32
        %dma_wait3A_338 = arith.constant 0 : i32
        %dma_wait3A_339 = tpu.memref_slice %arg2[%dma_wait3A_337, %dma_wait3A_338] : memref<10000x128xf32, #tpu.memory_space<hbm>> -> memref<10000x128xf32, #tpu.memory_space<hbm>>
        tpu.wait_indirect_dma semaphore(%arg27 : memref<!tpu.dma_semaphore, #tpu.memory_space<semaphore_mem>>) src(%dma_wait3A_339 : memref<10000x128xf32, #tpu.memory_space<hbm>>) dst(%arg18 : memref<80x128xf32, #tpu.memory_space<vmem>>)
        %dma_start3A_340 = arith.constant 0 : i32
        %dma_start3A_341 = arith.constant 0 : i32
        %dma_start3A_342 = tpu.memref_slice %arg21[%dma_start3A_340, %dma_start3A_341] : memref<10000x128xf32, #tpu.memory_space<vmem_shared>> -> memref<10000x128xf32, #tpu.memory_space<vmem_shared>>
        tpu.enqueue_indirect_dma source(%arg18 : memref<80x128xf32, #tpu.memory_space<vmem>>) target(%dma_start3A_342 : memref<10000x128xf32, #tpu.memory_space<vmem_shared>>) offsets(%arg14 : memref<80xi32, #tpu.memory_space<vmem>>) semaphore(%arg31 : memref<!tpu.dma_semaphore, #tpu.memory_space<semaphore_mem>>) {add = true}
        %add3A_343 = arith.constant 4 : i32
        %add3A_344 = arith.addi %add3A_301, %add3A_343 : i32
        %lt3A_345 = arith.constant 125 : i32
        %lt3A_346 = arith.cmpi slt, %add3A_344, %lt3A_345 : i32
        %convert_element_type3A_347 = arith.extui %lt3A_346 : i1 to i32
        %cond3A_348 = arith.constant 0 : i32
        %cond3A_349 = arith.cmpi ne, %convert_element_type3A_347, %cond3A_348 : i32
        scf.if %cond3A_349 {
          %add3A_350 = arith.constant 4 : i32
          %add3A_351 = arith.addi %add3A_301, %add3A_350 : i32
          %mul3A_352 = arith.constant 10000 : i32
          %mul3A_353 = arith.muli %add3A, %mul3A_352 : i32
          %mul3A_354 = arith.constant 80 : i32
          %mul3A_355 = arith.muli %add3A_351, %mul3A_354 : i32
          %add3A_356 = arith.addi %mul3A_353, %mul3A_355 : i32
          %dma_start3A_357 = tpu.memref_slice %arg3[%add3A_356] : memref<640000xi32, #tpu.memory_space<hbm>> -> memref<80xi32, #tpu.memory_space<hbm>>
          %dma_start3A_358 = tpu.memref_slice %arg3[%add3A_356] : memref<640000xi32, #tpu.memory_space<hbm>> -> memref<80xi32, #tpu.memory_space<hbm>>
          tpu.enqueue_dma source(%dma_start3A_358 : memref<80xi32, #tpu.memory_space<hbm>>) target(%arg6 : memref<80xi32, #tpu.memory_space<vmem>>) target_semaphore(%arg23 : memref<!tpu.dma_semaphore, #tpu.memory_space<semaphore_mem>>)
          %add3A_359 = arith.constant 4 : i32
          %add3A_360 = arith.addi %add3A_301, %add3A_359 : i32
          %mul3A_361 = arith.constant 10000 : i32
          %mul3A_362 = arith.muli %add3A, %mul3A_361 : i32
          %add3A_363 = arith.constant 320000 : i32
          %add3A_364 = arith.addi %add3A_363, %mul3A_362 : i32
          %mul3A_365 = arith.constant 80 : i32
          %mul3A_366 = arith.muli %add3A_360, %mul3A_365 : i32
          %add3A_367 = arith.addi %add3A_364, %mul3A_366 : i32
          %dma_start3A_368 = tpu.memref_slice %arg3[%add3A_367] : memref<640000xi32, #tpu.memory_space<hbm>> -> memref<80xi32, #tpu.memory_space<hbm>>
          %dma_start3A_369 = tpu.memref_slice %arg3[%add3A_367] : memref<640000xi32, #tpu.memory_space<hbm>> -> memref<80xi32, #tpu.memory_space<hbm>>
          tpu.enqueue_dma source(%dma_start3A_369 : memref<80xi32, #tpu.memory_space<hbm>>) target(%arg10 : memref<80xi32, #tpu.memory_space<vmem>>) target_semaphore(%arg23 : memref<!tpu.dma_semaphore, #tpu.memory_space<semaphore_mem>>)
        } else {
        }
      } else {
      }
      %mul3A_307 = arith.constant 2 : i32
      %mul3A_308 = arith.muli %scan3A_240, %mul3A_307 : i32
      %mul3A_309 = arith.constant 4 : i32
      %mul3A_310 = arith.muli %mul3A_308, %mul3A_309 : i32
      %add3A_311 = arith.constant 6 : i32
      %add3A_312 = arith.addi %mul3A_310, %add3A_311 : i32
      %lt3A_313 = arith.constant 125 : i32
      %lt3A_314 = arith.cmpi slt, %add3A_312, %lt3A_313 : i32
      %convert_element_type3A_315 = arith.extui %lt3A_314 : i1 to i32
      %cond3A_316 = arith.constant 0 : i32
      %cond3A_317 = arith.cmpi ne, %convert_element_type3A_315, %cond3A_316 : i32
      scf.if %cond3A_317 {
        %add3A_330 = arith.constant 2 : i32
        %add3A_331 = arith.addi %add3A_312, %add3A_330 : i32
        %lt3A_332 = arith.constant 125 : i32
        %lt3A_333 = arith.cmpi slt, %add3A_331, %lt3A_332 : i32
        %convert_element_type3A_334 = arith.extui %lt3A_333 : i1 to i32
        %cond3A_335 = arith.constant 0 : i32
        %cond3A_336 = arith.cmpi ne, %convert_element_type3A_334, %cond3A_335 : i32
        scf.if %cond3A_336 {
          %add3A_350 = arith.constant 2 : i32
          %add3A_351 = arith.addi %add3A_312, %add3A_350 : i32
          %mul3A_352 = arith.constant 10000 : i32
          %mul3A_353 = arith.muli %add3A, %mul3A_352 : i32
          %mul3A_354 = arith.constant 80 : i32
          %mul3A_355 = arith.muli %add3A_351, %mul3A_354 : i32
          %add3A_356 = arith.addi %mul3A_353, %mul3A_355 : i32
          %dma_wait3A_357 = tpu.memref_slice %arg3[%add3A_356] : memref<640000xi32, #tpu.memory_space<hbm>> -> memref<80xi32, #tpu.memory_space<hbm>>
          %dma_wait3A_358 = tpu.memref_slice %arg3[%add3A_356] : memref<640000xi32, #tpu.memory_space<hbm>> -> memref<80xi32, #tpu.memory_space<hbm>>
          tpu.wait_dma2 semaphore(%arg22 : memref<!tpu.dma_semaphore, #tpu.memory_space<semaphore_mem>>) src(%dma_wait3A_358 : memref<80xi32, #tpu.memory_space<hbm>>) dst(%arg5 : memref<80xi32, #tpu.memory_space<vmem>>)
          %add3A_359 = arith.constant 2 : i32
          %add3A_360 = arith.addi %add3A_312, %add3A_359 : i32
          %mul3A_361 = arith.constant 10000 : i32
          %mul3A_362 = arith.muli %add3A, %mul3A_361 : i32
          %add3A_363 = arith.constant 320000 : i32
          %add3A_364 = arith.addi %add3A_363, %mul3A_362 : i32
          %mul3A_365 = arith.constant 80 : i32
          %mul3A_366 = arith.muli %add3A_360, %mul3A_365 : i32
          %add3A_367 = arith.addi %add3A_364, %mul3A_366 : i32
          %dma_wait3A_368 = tpu.memref_slice %arg3[%add3A_367] : memref<640000xi32, #tpu.memory_space<hbm>> -> memref<80xi32, #tpu.memory_space<hbm>>
          %dma_wait3A_369 = tpu.memref_slice %arg3[%add3A_367] : memref<640000xi32, #tpu.memory_space<hbm>> -> memref<80xi32, #tpu.memory_space<hbm>>
          tpu.wait_dma2 semaphore(%arg22 : memref<!tpu.dma_semaphore, #tpu.memory_space<semaphore_mem>>) src(%dma_wait3A_369 : memref<80xi32, #tpu.memory_space<hbm>>) dst(%arg9 : memref<80xi32, #tpu.memory_space<vmem>>)
          %ge3A = arith.constant 2 : i32
          %ge3A_370 = arith.cmpi sge, %add3A_312, %ge3A : i32
          %convert_element_type3A_371 = arith.extui %ge3A_370 : i1 to i32
          %cond3A_372 = arith.constant 0 : i32
          %cond3A_373 = arith.cmpi ne, %convert_element_type3A_371, %cond3A_372 : i32
          scf.if %cond3A_373 {
            %dma_wait3A_377 = arith.constant 0 : i32
            %dma_wait3A_378 = arith.constant 0 : i32
            %dma_wait3A_379 = tpu.memref_slice %arg21[%dma_wait3A_377, %dma_wait3A_378] : memref<10000x128xf32, #tpu.memory_space<vmem_shared>> -> memref<10000x128xf32, #tpu.memory_space<vmem_shared>>
            tpu.wait_indirect_dma semaphore(%arg30 : memref<!tpu.dma_semaphore, #tpu.memory_space<semaphore_mem>>) src(%arg17 : memref<80x128xf32, #tpu.memory_space<vmem>>) dst(%dma_wait3A_379 : memref<10000x128xf32, #tpu.memory_space<vmem_shared>>)
          } else {
          }
          %dma_start3A_374 = arith.constant 0 : i32
          %dma_start3A_375 = arith.constant 0 : i32
          %dma_start3A_376 = tpu.memref_slice %arg2[%dma_start3A_374, %dma_start3A_375] : memref<10000x128xf32, #tpu.memory_space<hbm>> -> memref<10000x128xf32, #tpu.memory_space<hbm>>
          tpu.enqueue_indirect_dma source(%dma_start3A_376 : memref<10000x128xf32, #tpu.memory_space<hbm>>) target(%arg17 : memref<80x128xf32, #tpu.memory_space<vmem>>) offsets(%arg5 : memref<80xi32, #tpu.memory_space<vmem>>) semaphore(%arg26 : memref<!tpu.dma_semaphore, #tpu.memory_space<semaphore_mem>>)
        } else {
        }
        %dma_wait3A_337 = arith.constant 0 : i32
        %dma_wait3A_338 = arith.constant 0 : i32
        %dma_wait3A_339 = tpu.memref_slice %arg2[%dma_wait3A_337, %dma_wait3A_338] : memref<10000x128xf32, #tpu.memory_space<hbm>> -> memref<10000x128xf32, #tpu.memory_space<hbm>>
        tpu.wait_indirect_dma semaphore(%arg28 : memref<!tpu.dma_semaphore, #tpu.memory_space<semaphore_mem>>) src(%dma_wait3A_339 : memref<10000x128xf32, #tpu.memory_space<hbm>>) dst(%arg19 : memref<80x128xf32, #tpu.memory_space<vmem>>)
        %dma_start3A_340 = arith.constant 0 : i32
        %dma_start3A_341 = arith.constant 0 : i32
        %dma_start3A_342 = tpu.memref_slice %arg21[%dma_start3A_340, %dma_start3A_341] : memref<10000x128xf32, #tpu.memory_space<vmem_shared>> -> memref<10000x128xf32, #tpu.memory_space<vmem_shared>>
        tpu.enqueue_indirect_dma source(%arg19 : memref<80x128xf32, #tpu.memory_space<vmem>>) target(%dma_start3A_342 : memref<10000x128xf32, #tpu.memory_space<vmem_shared>>) offsets(%arg15 : memref<80xi32, #tpu.memory_space<vmem>>) semaphore(%arg32 : memref<!tpu.dma_semaphore, #tpu.memory_space<semaphore_mem>>) {add = true}
        %add3A_343 = arith.constant 4 : i32
        %add3A_344 = arith.addi %add3A_312, %add3A_343 : i32
        %lt3A_345 = arith.constant 125 : i32
        %lt3A_346 = arith.cmpi slt, %add3A_344, %lt3A_345 : i32
        %convert_element_type3A_347 = arith.extui %lt3A_346 : i1 to i32
        %cond3A_348 = arith.constant 0 : i32
        %cond3A_349 = arith.cmpi ne, %convert_element_type3A_347, %cond3A_348 : i32
        scf.if %cond3A_349 {
          %add3A_350 = arith.constant 4 : i32
          %add3A_351 = arith.addi %add3A_312, %add3A_350 : i32
          %mul3A_352 = arith.constant 10000 : i32
          %mul3A_353 = arith.muli %add3A, %mul3A_352 : i32
          %mul3A_354 = arith.constant 80 : i32
          %mul3A_355 = arith.muli %add3A_351, %mul3A_354 : i32
          %add3A_356 = arith.addi %mul3A_353, %mul3A_355 : i32
          %dma_start3A_357 = tpu.memref_slice %arg3[%add3A_356] : memref<640000xi32, #tpu.memory_space<hbm>> -> memref<80xi32, #tpu.memory_space<hbm>>
          %dma_start3A_358 = tpu.memref_slice %arg3[%add3A_356] : memref<640000xi32, #tpu.memory_space<hbm>> -> memref<80xi32, #tpu.memory_space<hbm>>
          tpu.enqueue_dma source(%dma_start3A_358 : memref<80xi32, #tpu.memory_space<hbm>>) target(%arg7 : memref<80xi32, #tpu.memory_space<vmem>>) target_semaphore(%arg24 : memref<!tpu.dma_semaphore, #tpu.memory_space<semaphore_mem>>)
          %add3A_359 = arith.constant 4 : i32
          %add3A_360 = arith.addi %add3A_312, %add3A_359 : i32
          %mul3A_361 = arith.constant 10000 : i32
          %mul3A_362 = arith.muli %add3A, %mul3A_361 : i32
          %add3A_363 = arith.constant 320000 : i32
          %add3A_364 = arith.addi %add3A_363, %mul3A_362 : i32
          %mul3A_365 = arith.constant 80 : i32
          %mul3A_366 = arith.muli %add3A_360, %mul3A_365 : i32
          %add3A_367 = arith.addi %add3A_364, %mul3A_366 : i32
          %dma_start3A_368 = tpu.memref_slice %arg3[%add3A_367] : memref<640000xi32, #tpu.memory_space<hbm>> -> memref<80xi32, #tpu.memory_space<hbm>>
          %dma_start3A_369 = tpu.memref_slice %arg3[%add3A_367] : memref<640000xi32, #tpu.memory_space<hbm>> -> memref<80xi32, #tpu.memory_space<hbm>>
          tpu.enqueue_dma source(%dma_start3A_369 : memref<80xi32, #tpu.memory_space<hbm>>) target(%arg11 : memref<80xi32, #tpu.memory_space<vmem>>) target_semaphore(%arg24 : memref<!tpu.dma_semaphore, #tpu.memory_space<semaphore_mem>>)
        } else {
        }
      } else {
      }
      %mul3A_318 = arith.constant 2 : i32
      %mul3A_319 = arith.muli %scan3A_240, %mul3A_318 : i32
      %mul3A_320 = arith.constant 4 : i32
      %mul3A_321 = arith.muli %mul3A_319, %mul3A_320 : i32
      %add3A_322 = arith.constant 7 : i32
      %add3A_323 = arith.addi %mul3A_321, %add3A_322 : i32
      %lt3A_324 = arith.constant 125 : i32
      %lt3A_325 = arith.cmpi slt, %add3A_323, %lt3A_324 : i32
      %convert_element_type3A_326 = arith.extui %lt3A_325 : i1 to i32
      %cond3A_327 = arith.constant 0 : i32
      %cond3A_328 = arith.cmpi ne, %convert_element_type3A_326, %cond3A_327 : i32
      scf.if %cond3A_328 {
        %add3A_330 = arith.constant 2 : i32
        %add3A_331 = arith.addi %add3A_323, %add3A_330 : i32
        %lt3A_332 = arith.constant 125 : i32
        %lt3A_333 = arith.cmpi slt, %add3A_331, %lt3A_332 : i32
        %convert_element_type3A_334 = arith.extui %lt3A_333 : i1 to i32
        %cond3A_335 = arith.constant 0 : i32
        %cond3A_336 = arith.cmpi ne, %convert_element_type3A_334, %cond3A_335 : i32
        scf.if %cond3A_336 {
          %add3A_350 = arith.constant 2 : i32
          %add3A_351 = arith.addi %add3A_323, %add3A_350 : i32
          %mul3A_352 = arith.constant 10000 : i32
          %mul3A_353 = arith.muli %add3A, %mul3A_352 : i32
          %mul3A_354 = arith.constant 80 : i32
          %mul3A_355 = arith.muli %add3A_351, %mul3A_354 : i32
          %add3A_356 = arith.addi %mul3A_353, %mul3A_355 : i32
          %dma_wait3A_357 = tpu.memref_slice %arg3[%add3A_356] : memref<640000xi32, #tpu.memory_space<hbm>> -> memref<80xi32, #tpu.memory_space<hbm>>
          %dma_wait3A_358 = tpu.memref_slice %arg3[%add3A_356] : memref<640000xi32, #tpu.memory_space<hbm>> -> memref<80xi32, #tpu.memory_space<hbm>>
          tpu.wait_dma2 semaphore(%arg23 : memref<!tpu.dma_semaphore, #tpu.memory_space<semaphore_mem>>) src(%dma_wait3A_358 : memref<80xi32, #tpu.memory_space<hbm>>) dst(%arg6 : memref<80xi32, #tpu.memory_space<vmem>>)
          %add3A_359 = arith.constant 2 : i32
          %add3A_360 = arith.addi %add3A_323, %add3A_359 : i32
          %mul3A_361 = arith.constant 10000 : i32
          %mul3A_362 = arith.muli %add3A, %mul3A_361 : i32
          %add3A_363 = arith.constant 320000 : i32
          %add3A_364 = arith.addi %add3A_363, %mul3A_362 : i32
          %mul3A_365 = arith.constant 80 : i32
          %mul3A_366 = arith.muli %add3A_360, %mul3A_365 : i32
          %add3A_367 = arith.addi %add3A_364, %mul3A_366 : i32
          %dma_wait3A_368 = tpu.memref_slice %arg3[%add3A_367] : memref<640000xi32, #tpu.memory_space<hbm>> -> memref<80xi32, #tpu.memory_space<hbm>>
          %dma_wait3A_369 = tpu.memref_slice %arg3[%add3A_367] : memref<640000xi32, #tpu.memory_space<hbm>> -> memref<80xi32, #tpu.memory_space<hbm>>
          tpu.wait_dma2 semaphore(%arg23 : memref<!tpu.dma_semaphore, #tpu.memory_space<semaphore_mem>>) src(%dma_wait3A_369 : memref<80xi32, #tpu.memory_space<hbm>>) dst(%arg10 : memref<80xi32, #tpu.memory_space<vmem>>)
          %ge3A = arith.constant 2 : i32
          %ge3A_370 = arith.cmpi sge, %add3A_323, %ge3A : i32
          %convert_element_type3A_371 = arith.extui %ge3A_370 : i1 to i32
          %cond3A_372 = arith.constant 0 : i32
          %cond3A_373 = arith.cmpi ne, %convert_element_type3A_371, %cond3A_372 : i32
          scf.if %cond3A_373 {
            %dma_wait3A_377 = arith.constant 0 : i32
            %dma_wait3A_378 = arith.constant 0 : i32
            %dma_wait3A_379 = tpu.memref_slice %arg21[%dma_wait3A_377, %dma_wait3A_378] : memref<10000x128xf32, #tpu.memory_space<vmem_shared>> -> memref<10000x128xf32, #tpu.memory_space<vmem_shared>>
            tpu.wait_indirect_dma semaphore(%arg31 : memref<!tpu.dma_semaphore, #tpu.memory_space<semaphore_mem>>) src(%arg18 : memref<80x128xf32, #tpu.memory_space<vmem>>) dst(%dma_wait3A_379 : memref<10000x128xf32, #tpu.memory_space<vmem_shared>>)
          } else {
          }
          %dma_start3A_374 = arith.constant 0 : i32
          %dma_start3A_375 = arith.constant 0 : i32
          %dma_start3A_376 = tpu.memref_slice %arg2[%dma_start3A_374, %dma_start3A_375] : memref<10000x128xf32, #tpu.memory_space<hbm>> -> memref<10000x128xf32, #tpu.memory_space<hbm>>
          tpu.enqueue_indirect_dma source(%dma_start3A_376 : memref<10000x128xf32, #tpu.memory_space<hbm>>) target(%arg18 : memref<80x128xf32, #tpu.memory_space<vmem>>) offsets(%arg6 : memref<80xi32, #tpu.memory_space<vmem>>) semaphore(%arg27 : memref<!tpu.dma_semaphore, #tpu.memory_space<semaphore_mem>>)
        } else {
        }
        %dma_wait3A_337 = arith.constant 0 : i32
        %dma_wait3A_338 = arith.constant 0 : i32
        %dma_wait3A_339 = tpu.memref_slice %arg2[%dma_wait3A_337, %dma_wait3A_338] : memref<10000x128xf32, #tpu.memory_space<hbm>> -> memref<10000x128xf32, #tpu.memory_space<hbm>>
        tpu.wait_indirect_dma semaphore(%arg29 : memref<!tpu.dma_semaphore, #tpu.memory_space<semaphore_mem>>) src(%dma_wait3A_339 : memref<10000x128xf32, #tpu.memory_space<hbm>>) dst(%arg20 : memref<80x128xf32, #tpu.memory_space<vmem>>)
        %dma_start3A_340 = arith.constant 0 : i32
        %dma_start3A_341 = arith.constant 0 : i32
        %dma_start3A_342 = tpu.memref_slice %arg21[%dma_start3A_340, %dma_start3A_341] : memref<10000x128xf32, #tpu.memory_space<vmem_shared>> -> memref<10000x128xf32, #tpu.memory_space<vmem_shared>>
        tpu.enqueue_indirect_dma source(%arg20 : memref<80x128xf32, #tpu.memory_space<vmem>>) target(%dma_start3A_342 : memref<10000x128xf32, #tpu.memory_space<vmem_shared>>) offsets(%arg16 : memref<80xi32, #tpu.memory_space<vmem>>) semaphore(%arg33 : memref<!tpu.dma_semaphore, #tpu.memory_space<semaphore_mem>>) {add = true}
        %add3A_343 = arith.constant 4 : i32
        %add3A_344 = arith.addi %add3A_323, %add3A_343 : i32
        %lt3A_345 = arith.constant 125 : i32
        %lt3A_346 = arith.cmpi slt, %add3A_344, %lt3A_345 : i32
        %convert_element_type3A_347 = arith.extui %lt3A_346 : i1 to i32
        %cond3A_348 = arith.constant 0 : i32
        %cond3A_349 = arith.cmpi ne, %convert_element_type3A_347, %cond3A_348 : i32
        scf.if %cond3A_349 {
          %add3A_350 = arith.constant 4 : i32
          %add3A_351 = arith.addi %add3A_323, %add3A_350 : i32
          %mul3A_352 = arith.constant 10000 : i32
          %mul3A_353 = arith.muli %add3A, %mul3A_352 : i32
          %mul3A_354 = arith.constant 80 : i32
          %mul3A_355 = arith.muli %add3A_351, %mul3A_354 : i32
          %add3A_356 = arith.addi %mul3A_353, %mul3A_355 : i32
          %dma_start3A_357 = tpu.memref_slice %arg3[%add3A_356] : memref<640000xi32, #tpu.memory_space<hbm>> -> memref<80xi32, #tpu.memory_space<hbm>>
          %dma_start3A_358 = tpu.memref_slice %arg3[%add3A_356] : memref<640000xi32, #tpu.memory_space<hbm>> -> memref<80xi32, #tpu.memory_space<hbm>>
          tpu.enqueue_dma source(%dma_start3A_358 : memref<80xi32, #tpu.memory_space<hbm>>) target(%arg8 : memref<80xi32, #tpu.memory_space<vmem>>) target_semaphore(%arg25 : memref<!tpu.dma_semaphore, #tpu.memory_space<semaphore_mem>>)
          %add3A_359 = arith.constant 4 : i32
          %add3A_360 = arith.addi %add3A_323, %add3A_359 : i32
          %mul3A_361 = arith.constant 10000 : i32
          %mul3A_362 = arith.muli %add3A, %mul3A_361 : i32
          %add3A_363 = arith.constant 320000 : i32
          %add3A_364 = arith.addi %add3A_363, %mul3A_362 : i32
          %mul3A_365 = arith.constant 80 : i32
          %mul3A_366 = arith.muli %add3A_360, %mul3A_365 : i32
          %add3A_367 = arith.addi %add3A_364, %mul3A_366 : i32
          %dma_start3A_368 = tpu.memref_slice %arg3[%add3A_367] : memref<640000xi32, #tpu.memory_space<hbm>> -> memref<80xi32, #tpu.memory_space<hbm>>
          %dma_start3A_369 = tpu.memref_slice %arg3[%add3A_367] : memref<640000xi32, #tpu.memory_space<hbm>> -> memref<80xi32, #tpu.memory_space<hbm>>
          tpu.enqueue_dma source(%dma_start3A_369 : memref<80xi32, #tpu.memory_space<hbm>>) target(%arg12 : memref<80xi32, #tpu.memory_space<vmem>>) target_semaphore(%arg25 : memref<!tpu.dma_semaphore, #tpu.memory_space<semaphore_mem>>)
        } else {
        }
      } else {
      }
      %scan3A_329 = arith.constant 0 : i32
      scf.yield %scan3A_329 : i32
    }
    %scan3A_218 = arith.constant 16 : i32
    %dma_wait3A_219 = arith.constant 0 : i32
    %dma_wait3A_220 = arith.constant 0 : i32
    %dma_wait3A_221 = tpu.memref_slice %arg21[%dma_wait3A_219, %dma_wait3A_220] : memref<10000x128xf32, #tpu.memory_space<vmem_shared>> -> memref<10000x128xf32, #tpu.memory_space<vmem_shared>>
    tpu.wait_indirect_dma semaphore(%arg31 : memref<!tpu.dma_semaphore, #tpu.memory_space<semaphore_mem>>) src(%arg18 : memref<80x128xf32, #tpu.memory_space<vmem>>) dst(%dma_wait3A_221 : memref<10000x128xf32, #tpu.memory_space<vmem_shared>>)
    %dma_wait3A_222 = arith.constant 0 : i32
    %dma_wait3A_223 = arith.constant 0 : i32
    %dma_wait3A_224 = tpu.memref_slice %arg21[%dma_wait3A_222, %dma_wait3A_223] : memref<10000x128xf32, #tpu.memory_space<vmem_shared>> -> memref<10000x128xf32, #tpu.memory_space<vmem_shared>>
    tpu.wait_indirect_dma semaphore(%arg32 : memref<!tpu.dma_semaphore, #tpu.memory_space<semaphore_mem>>) src(%arg19 : memref<80x128xf32, #tpu.memory_space<vmem>>) dst(%dma_wait3A_224 : memref<10000x128xf32, #tpu.memory_space<vmem_shared>>)
    %dma_wait3A_225 = arith.constant 0 : i32
    %dma_wait3A_226 = arith.constant 0 : i32
    %dma_wait3A_227 = tpu.memref_slice %arg21[%dma_wait3A_225, %dma_wait3A_226] : memref<10000x128xf32, #tpu.memory_space<vmem_shared>> -> memref<10000x128xf32, #tpu.memory_space<vmem_shared>>
    tpu.wait_indirect_dma semaphore(%arg33 : memref<!tpu.dma_semaphore, #tpu.memory_space<semaphore_mem>>) src(%arg20 : memref<80x128xf32, #tpu.memory_space<vmem>>) dst(%dma_wait3A_227 : memref<10000x128xf32, #tpu.memory_space<vmem_shared>>)
    %dma_wait3A_228 = arith.constant 0 : i32
    %dma_wait3A_229 = arith.constant 0 : i32
    %dma_wait3A_230 = tpu.memref_slice %arg21[%dma_wait3A_228, %dma_wait3A_229] : memref<10000x128xf32, #tpu.memory_space<vmem_shared>> -> memref<10000x128xf32, #tpu.memory_space<vmem_shared>>
    tpu.wait_indirect_dma semaphore(%arg30 : memref<!tpu.dma_semaphore, #tpu.memory_space<semaphore_mem>>) src(%arg17 : memref<80x128xf32, #tpu.memory_space<vmem>>) dst(%dma_wait3A_230 : memref<10000x128xf32, #tpu.memory_space<vmem_shared>>)
    %barrier3A_231 = arith.constant 0 : index
    tpu.barrier barrier_id(%barrier3A_231)
    %mul3A_232 = arith.constant 624 : i32
    %mul3A_233 = arith.muli %arg1, %mul3A_232 : i32
    %multiple_of3A_234 = tpu.assume_multiple %mul3A_233, 8 : i32
    "tpu.region"() ({
      %run_scoped3A = tpu.sem_alloc : memref<!tpu.dma_semaphore, #tpu.memory_space<semaphore_mem>>
      %dma_start3A_240 = arith.constant 0 : i32
      %dma_start3A_241 = tpu.memref_slice %arg4[%arg0, %multiple_of3A_234, %dma_start3A_240] : memref<2x10000x128xf32, #tpu.memory_space<hbm>> -> memref<1x624x128xf32, #tpu.memory_space<hbm>>
      %dma_start3A_242 = tpu.memref_squeeze %dma_start3A_241 : memref<1x624x128xf32, #tpu.memory_space<hbm>> -> memref<624x128xf32, #tpu.memory_space<hbm>>
      %dma_start3A_243 = arith.constant 0 : i32
      %dma_start3A_244 = tpu.memref_slice %arg21[%multiple_of3A_234, %dma_start3A_243] : memref<10000x128xf32, #tpu.memory_space<vmem_shared>> -> memref<624x128xf32, #tpu.memory_space<vmem_shared>>
      tpu.enqueue_dma source(%dma_start3A_244 : memref<624x128xf32, #tpu.memory_space<vmem_shared>>) target(%dma_start3A_242 : memref<624x128xf32, #tpu.memory_space<hbm>>) target_semaphore(%run_scoped3A : memref<!tpu.dma_semaphore, #tpu.memory_space<semaphore_mem>>)
      %dma_wait3A_245 = arith.constant 0 : i32
      %dma_wait3A_246 = tpu.memref_slice %arg4[%arg0, %multiple_of3A_234, %dma_wait3A_245] : memref<2x10000x128xf32, #tpu.memory_space<hbm>> -> memref<1x624x128xf32, #tpu.memory_space<hbm>>
      %dma_wait3A_247 = tpu.memref_squeeze %dma_wait3A_246 : memref<1x624x128xf32, #tpu.memory_space<hbm>> -> memref<624x128xf32, #tpu.memory_space<hbm>>
      %dma_wait3A_248 = arith.constant 0 : i32
      %dma_wait3A_249 = tpu.memref_slice %arg21[%multiple_of3A_234, %dma_wait3A_248] : memref<10000x128xf32, #tpu.memory_space<vmem_shared>> -> memref<624x128xf32, #tpu.memory_space<vmem_shared>>
      tpu.wait_dma2 semaphore(%run_scoped3A : memref<!tpu.dma_semaphore, #tpu.memory_space<semaphore_mem>>) src(%dma_wait3A_249 : memref<624x128xf32, #tpu.memory_space<vmem_shared>>) dst(%dma_wait3A_247 : memref<624x128xf32, #tpu.memory_space<hbm>>)
      tpu.yield
    }) : () -> ()
    %eq3A_235 = arith.constant 0 : i32
    %eq3A_236 = arith.cmpi eq, %arg1, %eq3A_235 : i32
    %convert_element_type3A_237 = arith.extui %eq3A_236 : i1 to i32
    %cond3A_238 = arith.constant 0 : i32
    %cond3A_239 = arith.cmpi ne, %convert_element_type3A_237, %cond3A_238 : i32
    scf.if %cond3A_239 {
      "tpu.region"() ({
        %run_scoped3A = tpu.sem_alloc : memref<!tpu.dma_semaphore, #tpu.memory_space<semaphore_mem>>
        %dma_start3A_240 = arith.constant 9984 : i32
        %dma_start3A_241 = arith.constant 0 : i32
        %dma_start3A_242 = tpu.memref_slice %arg4[%arg0, %dma_start3A_240, %dma_start3A_241] : memref<2x10000x128xf32, #tpu.memory_space<hbm>> -> memref<1x16x128xf32, #tpu.memory_space<hbm>>
        %dma_start3A_243 = tpu.memref_squeeze %dma_start3A_242 : memref<1x16x128xf32, #tpu.memory_space<hbm>> -> memref<16x128xf32, #tpu.memory_space<hbm>>
        %dma_start3A_244 = arith.constant 9984 : i32
        %dma_start3A_245 = arith.constant 0 : i32
        %dma_start3A_246 = tpu.memref_slice %arg21[%dma_start3A_244, %dma_start3A_245] : memref<10000x128xf32, #tpu.memory_space<vmem_shared>> -> memref<16x128xf32, #tpu.memory_space<vmem_shared>>
        tpu.enqueue_dma source(%dma_start3A_246 : memref<16x128xf32, #tpu.memory_space<vmem_shared>>) target(%dma_start3A_243 : memref<16x128xf32, #tpu.memory_space<hbm>>) target_semaphore(%run_scoped3A : memref<!tpu.dma_semaphore, #tpu.memory_space<semaphore_mem>>)
        %dma_wait3A_247 = arith.constant 9984 : i32
        %dma_wait3A_248 = arith.constant 0 : i32
        %dma_wait3A_249 = tpu.memref_slice %arg4[%arg0, %dma_wait3A_247, %dma_wait3A_248] : memref<2x10000x128xf32, #tpu.memory_space<hbm>> -> memref<1x16x128xf32, #tpu.memory_space<hbm>>
        %dma_wait3A_250 = tpu.memref_squeeze %dma_wait3A_249 : memref<1x16x128xf32, #tpu.memory_space<hbm>> -> memref<16x128xf32, #tpu.memory_space<hbm>>
        %dma_wait3A_251 = arith.constant 9984 : i32
        %dma_wait3A_252 = arith.constant 0 : i32
        %dma_wait3A_253 = tpu.memref_slice %arg21[%dma_wait3A_251, %dma_wait3A_252] : memref<10000x128xf32, #tpu.memory_space<vmem_shared>> -> memref<16x128xf32, #tpu.memory_space<vmem_shared>>
        tpu.wait_dma2 semaphore(%run_scoped3A : memref<!tpu.dma_semaphore, #tpu.memory_space<semaphore_mem>>) src(%dma_wait3A_253 : memref<16x128xf32, #tpu.memory_space<vmem_shared>>) dst(%dma_wait3A_250 : memref<16x128xf32, #tpu.memory_space<hbm>>)
        tpu.yield
      }) : () -> ()
    } else {
    }
    return
  }
}

module attributes {stable_mosaic.version = 14 : i64} {
  func.func @_k1_body(%arg0: i32, %arg1: memref<2000x128xf32, #tpu.memory_space<vmem>>, %arg2: memref<128x128xf32, #tpu.memory_space<vmem>>, %arg3: memref<2x2000x1xf32, #tpu.memory_space<vmem>>, %arg4: memref<2000x128xf32, #tpu.memory_space<vmem>>, %arg5: memref<2000x1xf32, #tpu.memory_space<vmem>>) attributes {dimension_semantics = [#tpu.dimension_semantics<arbitrary>], iteration_bounds = array<i64: 5>, scalar_prefetch = 0 : i64, scratch_operands = 0 : i64, tpu.core_type = #tpu.core_type<tc>, window_params = [{transform_indices = @transform_0, window_bounds = array<i64: 2000, 128>}, {pipeline_mode = #tpu.pipeline_mode<synchronous>, transform_indices = @transform_1, window_bounds = array<i64: 128, 128>}, {transform_indices = @transform_2, window_bounds = array<i64: 2, 2000, 1>}, {transform_indices = @transform_3, window_bounds = array<i64: 2000, 128>}, {transform_indices = @transform_4, window_bounds = array<i64: 2000, 1>}]} {
    %get3A = arith.constant 0 : index
    %get3A_0 = arith.constant 0 : index
    %get3A_1 = arith.constant 0 : index
    %get3A_2 = vector.load %arg3[%get3A, %get3A_0, %get3A_1] : memref<2x2000x1xf32, #tpu.memory_space<vmem>>, vector<1x2000x1xf32>
    %get3A_3 = vector.shape_cast %get3A_2 : vector<1x2000x1xf32> to vector<2000x1xf32>
    %get3A_4 = arith.constant 1 : index
    %get3A_5 = arith.constant 0 : index
    %get3A_6 = arith.constant 0 : index
    %get3A_7 = vector.load %arg3[%get3A_4, %get3A_5, %get3A_6] : memref<2x2000x1xf32, #tpu.memory_space<vmem>>, vector<1x2000x1xf32>
    %get3A_8 = vector.shape_cast %get3A_7 : vector<1x2000x1xf32> to vector<2000x1xf32>
    %add3A = arith.addf %get3A_3, %get3A_8 : vector<2000x1xf32>
    %add3A_9 = arith.constant 1.000000e+00 : f32
    %add3A_10 = vector.broadcast %add3A_9 : f32 to vector<2000x1xf32>
    %add3A_11 = arith.addf %add3A, %add3A_10 : vector<2000x1xf32>
    %rsqrt3A = math.rsqrt %add3A_11 : vector<2000x1xf32>
    %get3A_12 = arith.constant 0 : index
    %get3A_13 = arith.constant 0 : index
    %get3A_14 = vector.load %arg1[%get3A_12, %get3A_13] : memref<2000x128xf32, #tpu.memory_space<vmem>>, vector<2000x128xf32>
    %get3A_15 = arith.constant 0 : index
    %get3A_16 = arith.constant 0 : index
    %get3A_17 = vector.load %arg2[%get3A_15, %get3A_16] : memref<128x128xf32, #tpu.memory_space<vmem>>, vector<128x128xf32>
    %dot_general3A = arith.constant dense<0.000000e+00> : vector<2000x128xf32>
    %dot_general3A_18 = tpu.matmul %get3A_14, %get3A_17, %dot_general3A {dimension_numbers = #tpu.dot_dimension_numbers<[1], [0], [0], [1], [0, 0, 1, 1], [], []>, transpose_lhs_hint = false} : vector<2000x128xf32>, vector<128x128xf32>, vector<2000x128xf32> -> vector<2000x128xf32>
    %mul3A = vector.broadcast %rsqrt3A : vector<2000x1xf32> to vector<2000x128xf32>
    %mul3A_19 = arith.mulf %dot_general3A_18, %mul3A : vector<2000x128xf32>
    %swap3A = arith.constant 0 : index
    %swap3A_20 = arith.constant 0 : index
    %swap3A_21 = vector.load %arg4[%swap3A, %swap3A_20] : memref<2000x128xf32, #tpu.memory_space<vmem>>, vector<2000x128xf32>
    tpu.vector_store %arg4[%swap3A, %swap3A_20], %mul3A_19 {strides = array<i32>} : memref<2000x128xf32, #tpu.memory_space<vmem>>, vector<2000x128xf32>,
    %swap3A_22 = arith.constant 0 : index
    %swap3A_23 = arith.constant 0 : index
    %swap3A_24 = vector.load %arg5[%swap3A_22, %swap3A_23] : memref<2000x1xf32, #tpu.memory_space<vmem>>, vector<2000x1xf32>
    tpu.vector_store %arg5[%swap3A_22, %swap3A_23], %rsqrt3A {strides = array<i32>} : memref<2000x1xf32, #tpu.memory_space<vmem>>, vector<2000x1xf32>,
    return
  }
  func.func @transform_0(%arg0: i32) -> (i32, i32) {
    %c0_i32 = arith.constant 0 : i32
    %c0_i32_0 = arith.constant 0 : i32
    return %arg0, %c0_i32 : i32, i32
  }
  func.func @transform_1(%arg0: i32) -> (i32, i32) {
    %c0_i32 = arith.constant 0 : i32
    %c0_i32_0 = arith.constant 0 : i32
    %c0_i32_1 = arith.constant 0 : i32
    return %c0_i32, %c0_i32_0 : i32, i32
  }
  func.func @transform_2(%arg0: i32) -> (i32, i32, i32) {
    %c0_i32 = arith.constant 0 : i32
    %c0_i32_0 = arith.constant 0 : i32
    %c0_i32_1 = arith.constant 0 : i32
    return %c0_i32, %arg0, %c0_i32_0 : i32, i32, i32
  }
  func.func @transform_3(%arg0: i32) -> (i32, i32) {
    %c0_i32 = arith.constant 0 : i32
    %c0_i32_0 = arith.constant 0 : i32
    return %arg0, %c0_i32 : i32, i32
  }
  func.func @transform_4(%arg0: i32) -> (i32, i32) {
    %c0_i32 = arith.constant 0 : i32
    %c0_i32_0 = arith.constant 0 : i32
    return %arg0, %c0_i32 : i32, i32
  }
}

module attributes {stable_mosaic.version = 14 : i64} {
  func.func @_k2_body(%arg0: i32, %arg1: memref<2x2000x128xf32, #tpu.memory_space<vmem>>, %arg2: memref<2000x128xf32, #tpu.memory_space<vmem>>, %arg3: memref<2000x1xf32, #tpu.memory_space<vmem>>, %arg4: memref<1x128xf32, #tpu.memory_space<vmem>>, %arg5: memref<128x128xf32, #tpu.memory_space<vmem>>, %arg6: memref<2000x128xf32, #tpu.memory_space<vmem>>) attributes {dimension_semantics = [#tpu.dimension_semantics<arbitrary>], iteration_bounds = array<i64: 5>, scalar_prefetch = 0 : i64, scratch_operands = 0 : i64, tpu.core_type = #tpu.core_type<tc>, window_params = [{transform_indices = @transform_0, window_bounds = array<i64: 2, 2000, 128>}, {transform_indices = @transform_1, window_bounds = array<i64: 2000, 128>}, {transform_indices = @transform_2, window_bounds = array<i64: 2000, 1>}, {pipeline_mode = #tpu.pipeline_mode<synchronous>, transform_indices = @transform_3, window_bounds = array<i64: 1, 128>}, {pipeline_mode = #tpu.pipeline_mode<synchronous>, transform_indices = @transform_4, window_bounds = array<i64: 128, 128>}, {transform_indices = @transform_5, window_bounds = array<i64: 2000, 128>}]} {
    %get3A = arith.constant 0 : index
    %get3A_0 = arith.constant 0 : index
    %get3A_1 = arith.constant 0 : index
    %get3A_2 = vector.load %arg1[%get3A, %get3A_0, %get3A_1] : memref<2x2000x128xf32, #tpu.memory_space<vmem>>, vector<1x2000x128xf32>
    %get3A_3 = vector.shape_cast %get3A_2 : vector<1x2000x128xf32> to vector<2000x128xf32>
    %get3A_4 = arith.constant 1 : index
    %get3A_5 = arith.constant 0 : index
    %get3A_6 = arith.constant 0 : index
    %get3A_7 = vector.load %arg1[%get3A_4, %get3A_5, %get3A_6] : memref<2x2000x128xf32, #tpu.memory_space<vmem>>, vector<1x2000x128xf32>
    %get3A_8 = vector.shape_cast %get3A_7 : vector<1x2000x128xf32> to vector<2000x128xf32>
    %add3A = arith.addf %get3A_3, %get3A_8 : vector<2000x128xf32>
    %get3A_9 = arith.constant 0 : index
    %get3A_10 = arith.constant 0 : index
    %get3A_11 = vector.load %arg2[%get3A_9, %get3A_10] : memref<2000x128xf32, #tpu.memory_space<vmem>>, vector<2000x128xf32>
    %add3A_12 = arith.addf %add3A, %get3A_11 : vector<2000x128xf32>
    %get3A_13 = arith.constant 0 : index
    %get3A_14 = arith.constant 0 : index
    %get3A_15 = vector.load %arg3[%get3A_13, %get3A_14] : memref<2000x1xf32, #tpu.memory_space<vmem>>, vector<2000x1xf32>
    %mul3A = vector.broadcast %get3A_15 : vector<2000x1xf32> to vector<2000x128xf32>
    %mul3A_16 = arith.mulf %add3A_12, %mul3A : vector<2000x128xf32>
    %get3A_17 = arith.constant 0 : index
    %get3A_18 = arith.constant 0 : index
    %get3A_19 = vector.load %arg4[%get3A_17, %get3A_18] : memref<1x128xf32, #tpu.memory_space<vmem>>, vector<1x128xf32>
    %add3A_20 = vector.broadcast %get3A_19 : vector<1x128xf32> to vector<2000x128xf32>
    %add3A_21 = arith.addf %mul3A_16, %add3A_20 : vector<2000x128xf32>
    %max3A = arith.constant 0.000000e+00 : f32
    %max3A_22 = vector.broadcast %max3A : f32 to vector<2000x128xf32>
    %max3A_23 = arith.maximumf %add3A_21, %max3A_22 : vector<2000x128xf32>
    %get3A_24 = arith.constant 0 : index
    %get3A_25 = arith.constant 0 : index
    %get3A_26 = vector.load %arg5[%get3A_24, %get3A_25] : memref<128x128xf32, #tpu.memory_space<vmem>>, vector<128x128xf32>
    %dot_general3A = arith.constant dense<0.000000e+00> : vector<2000x128xf32>
    %dot_general3A_27 = tpu.matmul %max3A_23, %get3A_26, %dot_general3A {dimension_numbers = #tpu.dot_dimension_numbers<[1], [0], [0], [1], [0, 0, 1, 1], [], []>, transpose_lhs_hint = false} : vector<2000x128xf32>, vector<128x128xf32>, vector<2000x128xf32> -> vector<2000x128xf32>
    %get3A_28 = arith.constant 0 : index
    %get3A_29 = arith.constant 0 : index
    %get3A_30 = vector.load %arg3[%get3A_28, %get3A_29] : memref<2000x1xf32, #tpu.memory_space<vmem>>, vector<2000x1xf32>
    %mul3A_31 = vector.broadcast %get3A_30 : vector<2000x1xf32> to vector<2000x128xf32>
    %mul3A_32 = arith.mulf %dot_general3A_27, %mul3A_31 : vector<2000x128xf32>
    %swap3A = arith.constant 0 : index
    %swap3A_33 = arith.constant 0 : index
    %swap3A_34 = vector.load %arg6[%swap3A, %swap3A_33] : memref<2000x128xf32, #tpu.memory_space<vmem>>, vector<2000x128xf32>
    tpu.vector_store %arg6[%swap3A, %swap3A_33], %mul3A_32 {strides = array<i32>} : memref<2000x128xf32, #tpu.memory_space<vmem>>, vector<2000x128xf32>,
    return
  }
  func.func @transform_0(%arg0: i32) -> (i32, i32, i32) {
    %c0_i32 = arith.constant 0 : i32
    %c0_i32_0 = arith.constant 0 : i32
    %c0_i32_1 = arith.constant 0 : i32
    return %c0_i32, %arg0, %c0_i32_0 : i32, i32, i32
  }
  func.func @transform_1(%arg0: i32) -> (i32, i32) {
    %c0_i32 = arith.constant 0 : i32
    %c0_i32_0 = arith.constant 0 : i32
    return %arg0, %c0_i32 : i32, i32
  }
  func.func @transform_2(%arg0: i32) -> (i32, i32) {
    %c0_i32 = arith.constant 0 : i32
    %c0_i32_0 = arith.constant 0 : i32
    return %arg0, %c0_i32 : i32, i32
  }
  func.func @transform_3(%arg0: i32) -> (i32, i32) {
    %c0_i32 = arith.constant 0 : i32
    %c0_i32_0 = arith.constant 0 : i32
    %c0_i32_1 = arith.constant 0 : i32
    return %c0_i32, %c0_i32_0 : i32, i32
  }
  func.func @transform_4(%arg0: i32) -> (i32, i32) {
    %c0_i32 = arith.constant 0 : i32
    %c0_i32_0 = arith.constant 0 : i32
    %c0_i32_1 = arith.constant 0 : i32
    return %c0_i32, %c0_i32_0 : i32, i32
  }
  func.func @transform_5(%arg0: i32) -> (i32, i32) {
    %c0_i32 = arith.constant 0 : i32
    %c0_i32_0 = arith.constant 0 : i32
    return %arg0, %c0_i32 : i32, i32
  }
}

module attributes {stable_mosaic.version = 14 : i64} {
  func.func @_k3_body(%arg0: i32, %arg1: memref<2x2000x128xf32, #tpu.memory_space<vmem>>, %arg2: memref<2000x128xf32, #tpu.memory_space<vmem>>, %arg3: memref<2000x1xf32, #tpu.memory_space<vmem>>, %arg4: memref<1x128xf32, #tpu.memory_space<vmem>>, %arg5: memref<128x40xf32, #tpu.memory_space<vmem>>, %arg6: memref<1x40xf32, #tpu.memory_space<vmem>>, %arg7: memref<2000x40xf32, #tpu.memory_space<vmem>>) attributes {dimension_semantics = [#tpu.dimension_semantics<arbitrary>], iteration_bounds = array<i64: 5>, scalar_prefetch = 0 : i64, scratch_operands = 0 : i64, tpu.core_type = #tpu.core_type<tc>, window_params = [{transform_indices = @transform_0, window_bounds = array<i64: 2, 2000, 128>}, {transform_indices = @transform_1, window_bounds = array<i64: 2000, 128>}, {transform_indices = @transform_2, window_bounds = array<i64: 2000, 1>}, {pipeline_mode = #tpu.pipeline_mode<synchronous>, transform_indices = @transform_3, window_bounds = array<i64: 1, 128>}, {pipeline_mode = #tpu.pipeline_mode<synchronous>, transform_indices = @transform_4, window_bounds = array<i64: 128, 40>}, {pipeline_mode = #tpu.pipeline_mode<synchronous>, transform_indices = @transform_5, window_bounds = array<i64: 1, 40>}, {transform_indices = @transform_6, window_bounds = array<i64: 2000, 40>}]} {
    %get3A = arith.constant 0 : index
    %get3A_0 = arith.constant 0 : index
    %get3A_1 = arith.constant 0 : index
    %get3A_2 = vector.load %arg1[%get3A, %get3A_0, %get3A_1] : memref<2x2000x128xf32, #tpu.memory_space<vmem>>, vector<1x2000x128xf32>
    %get3A_3 = vector.shape_cast %get3A_2 : vector<1x2000x128xf32> to vector<2000x128xf32>
    %get3A_4 = arith.constant 1 : index
    %get3A_5 = arith.constant 0 : index
    %get3A_6 = arith.constant 0 : index
    %get3A_7 = vector.load %arg1[%get3A_4, %get3A_5, %get3A_6] : memref<2x2000x128xf32, #tpu.memory_space<vmem>>, vector<1x2000x128xf32>
    %get3A_8 = vector.shape_cast %get3A_7 : vector<1x2000x128xf32> to vector<2000x128xf32>
    %add3A = arith.addf %get3A_3, %get3A_8 : vector<2000x128xf32>
    %get3A_9 = arith.constant 0 : index
    %get3A_10 = arith.constant 0 : index
    %get3A_11 = vector.load %arg2[%get3A_9, %get3A_10] : memref<2000x128xf32, #tpu.memory_space<vmem>>, vector<2000x128xf32>
    %add3A_12 = arith.addf %add3A, %get3A_11 : vector<2000x128xf32>
    %get3A_13 = arith.constant 0 : index
    %get3A_14 = arith.constant 0 : index
    %get3A_15 = vector.load %arg3[%get3A_13, %get3A_14] : memref<2000x1xf32, #tpu.memory_space<vmem>>, vector<2000x1xf32>
    %mul3A = vector.broadcast %get3A_15 : vector<2000x1xf32> to vector<2000x128xf32>
    %mul3A_16 = arith.mulf %add3A_12, %mul3A : vector<2000x128xf32>
    %get3A_17 = arith.constant 0 : index
    %get3A_18 = arith.constant 0 : index
    %get3A_19 = vector.load %arg4[%get3A_17, %get3A_18] : memref<1x128xf32, #tpu.memory_space<vmem>>, vector<1x128xf32>
    %add3A_20 = vector.broadcast %get3A_19 : vector<1x128xf32> to vector<2000x128xf32>
    %add3A_21 = arith.addf %mul3A_16, %add3A_20 : vector<2000x128xf32>
    %get3A_22 = arith.constant 0 : index
    %get3A_23 = arith.constant 0 : index
    %get3A_24 = vector.load %arg5[%get3A_22, %get3A_23] : memref<128x40xf32, #tpu.memory_space<vmem>>, vector<128x40xf32>
    %dot_general3A = arith.constant dense<0.000000e+00> : vector<2000x40xf32>
    %dot_general3A_25 = tpu.matmul %add3A_21, %get3A_24, %dot_general3A {dimension_numbers = #tpu.dot_dimension_numbers<[1], [0], [0], [1], [0, 0, 1, 1], [], []>, transpose_lhs_hint = false} : vector<2000x128xf32>, vector<128x40xf32>, vector<2000x40xf32> -> vector<2000x40xf32>
    %get3A_26 = arith.constant 0 : index
    %get3A_27 = arith.constant 0 : index
    %get3A_28 = vector.load %arg6[%get3A_26, %get3A_27] : memref<1x40xf32, #tpu.memory_space<vmem>>, vector<1x40xf32>
    %add3A_29 = vector.broadcast %get3A_28 : vector<1x40xf32> to vector<2000x40xf32>
    %add3A_30 = arith.addf %dot_general3A_25, %add3A_29 : vector<2000x40xf32>
    %swap3A = arith.constant 0 : index
    %swap3A_31 = arith.constant 0 : index
    %swap3A_32 = vector.load %arg7[%swap3A, %swap3A_31] : memref<2000x40xf32, #tpu.memory_space<vmem>>, vector<2000x40xf32>
    tpu.vector_store %arg7[%swap3A, %swap3A_31], %add3A_30 {strides = array<i32>} : memref<2000x40xf32, #tpu.memory_space<vmem>>, vector<2000x40xf32>,
    return
  }
  func.func @transform_0(%arg0: i32) -> (i32, i32, i32) {
    %c0_i32 = arith.constant 0 : i32
    %c0_i32_0 = arith.constant 0 : i32
    %c0_i32_1 = arith.constant 0 : i32
    return %c0_i32, %arg0, %c0_i32_0 : i32, i32, i32
  }
  func.func @transform_1(%arg0: i32) -> (i32, i32) {
    %c0_i32 = arith.constant 0 : i32
    %c0_i32_0 = arith.constant 0 : i32
    return %arg0, %c0_i32 : i32, i32
  }
  func.func @transform_2(%arg0: i32) -> (i32, i32) {
    %c0_i32 = arith.constant 0 : i32
    %c0_i32_0 = arith.constant 0 : i32
    return %arg0, %c0_i32 : i32, i32
  }
  func.func @transform_3(%arg0: i32) -> (i32, i32) {
    %c0_i32 = arith.constant 0 : i32
    %c0_i32_0 = arith.constant 0 : i32
    %c0_i32_1 = arith.constant 0 : i32
    return %c0_i32, %c0_i32_0 : i32, i32
  }
  func.func @transform_4(%arg0: i32) -> (i32, i32) {
    %c0_i32 = arith.constant 0 : i32
    %c0_i32_0 = arith.constant 0 : i32
    %c0_i32_1 = arith.constant 0 : i32
    return %c0_i32, %c0_i32_0 : i32, i32
  }
  func.func @transform_5(%arg0: i32) -> (i32, i32) {
    %c0_i32 = arith.constant 0 : i32
    %c0_i32_0 = arith.constant 0 : i32
    %c0_i32_1 = arith.constant 0 : i32
    return %c0_i32, %c0_i32_0 : i32, i32
  }
  func.func @transform_6(%arg0: i32) -> (i32, i32) {
    %c0_i32 = arith.constant 0 : i32
    %c0_i32_0 = arith.constant 0 : i32
    return %arg0, %c0_i32 : i32, i32
  }
}

</mosaic_0001>

<sc_bundles>
// kernel: kernel.11.cloned.1.call-start
scs
__scs_entry_jumppad:
0x0: {  	(pc) =	sbr.rel $0x88, $3  }
0x1: {  	(tag) =	ssettag $0x0;
	lr =	simm.s32 $0x1  }
0x2: {  	[smem:$0x3F99] =	sst lr;
	_ =	strace $0xD0000000  }
0x3: {  	_ = 	snop  }
0x4: {  	_ = 	snop  }
0x5: {  	_ = 	snop  }
0x6: {  	_ = 	snop  }
0x7: {  	_ = 	snop  }
__scs_overlays_trampoline_lowered:
0x8: {  	[smem:$0x3FA8] =	sst s0  }
0x9: {  	[smem:$0x3FA9] =	sst s1  }
0xa: {  	[smem:$0x3FAA] =	sst s2  }
0xb: {  	[smem:$0x3FAB] =	sst s3  }
0xc: {  	[smem:$0x3FAC] =	sst s4  }
0xd: {  	[smem:$0x3FAD] =	sst s5  }
0xe: {  	[smem:$0x3FAE] =	sst s6  }
0xf: {  	[smem:$0x3FAF] =	sst s7  }
0x10: {  	[smem:$0x3FB0] =	sst s8  }
0x11: {  	[smem:$0x3FB1] =	sst s9;
	s0 =	simm.s32 @!p0 $0x0  }
0x12: {  	s1 =	sld [smem:$0x3F97];
	s0 =	simm.s32 @p0 $0x1  }
0x13: {  	[smem:$0x3FB2] =	sst s0;
	s0 =	simm.s32 @!p1 $0x0  }
0x14: {  	s2 =	sld [smem:$0x3F96];
	s0 =	simm.s32 @p1 $0x1  }
0x15: {  	[smem:$0x3FB3] =	sst s0;
	s0 =	simm.s32 @!p2 $0x0  }
0x16: {  	s3 =	sld [smem:$0x3FDB];
	s0 =	simm.s32 @p2 $0x1  }
0x17: {  	s4 =	simm.s32 $0x1BF5;
	[smem:$0x3FB5] =	sst s0  }
0x18: {  	s0 =	sld [smem:$0x3F98];
	_ =	swait.ge [sflag:s4], $0x0  }
0x19: {  	s7 =	sld [smem:$0x3F99]  }
0x1a: {  	s8 =	sadd.s32 $0xFFFFE003, lr  }
0x1b: {  	s9 =	sadd.s32 $0xFFFFFEF7, lr;
	s5 =	simm.s32 $0xFFFFFFFF;
	p2 =	slt.u32 s8, $0xFFFFF086  }
0x1c: {  	p1 =	slt.u32 s9, $0xF7A;
	s5 =	simm.s32 @!p2 $0x0  }
0x1d: {  	s5 =	simm.s32 @p1 $0x1;
	p0 =	seq.s32 s7, s2  }
0x1e: {  	s7 =	smul.u32 @!p0 $0xF7A, s2;
	p2 =	seq.s32 @!p0 s5, $0x0  }
0x1f: {  	s9 =	smul.u32 $0xF7A, s1;
	s8 =	simm.s32 @!p0 $0x1BF5;
	p2 =	por !p2, p0  }
0x20: {  	[sflag:s8] =	ssyncset.s32 @!p0 $0xFFFFF086;
	s6 =	sadd.s32 @!p0 s3, s7;
	s7 =	simm.s32 @!p0 $0x108  }
0x21: {  	s3 =	sadd.s32 s3, s9;
	s6 =	sadd.s32 @!p0 $0x88, s6;
	s7 =	simm.s32 @p2 $0x1082  }
0x22: {  	[simem:s7], [sflag:s8] =	dma.local @!p0 [hbm:s6], $0xF7A  }
0x23: {  	s9 =	sor.u32 $0xD0000000, s2;
	s6 =	simm.s32 $0x108;
	_ =	swait.ge @!p0 [sflag:s8], $0x0  }
0x24: {  	s3 =	sadd.s32 $0x88, s3;
	s6 =	simm.s32 @!p1 $0x1082;
	[sflag:s4] =	ssyncset.s32 $0xFFFFF086  }
0x25: {  	[simem:s6], [sflag:s4] =	dma.local [hbm:s3], $0xF7A  }
0x26: {  	[smem:$0x3F99] =	sst s1;
	(tag) =	ssettag s2;
	_ =	strace s9  }
0x27: {  	s1 =	sld [smem:$0x3FA9]  }
0x28: {  	s2 =	sld [smem:$0x3FAA]  }
0x29: {  	s4 =	sld [smem:$0x3FAC]  }
0x2a: {  	p0 =	seq.s32 s5, $0x0;
	s5 =	sld [smem:$0x3FAD]  }
0x2b: {  	s6 =	sld [smem:$0x3FAE]  }
0x2c: {  	s7 =	sld [smem:$0x3FAF]  }
0x2d: {  	s3 =	simm.s32 $0x108;
	s8 =	sld [smem:$0x3FB0]  }
0x2e: {  	s3 =	simm.s32 @!p0 $0x1082;
	s9 =	sld [smem:$0x3FB1]  }
0x2f: {  	lr =	sadd.s32 s0, s3;
	s0 =	sld [smem:$0x3FA8]  }
0x30: {  	s3 =	sld [smem:$0x3FAB]  }
0x31: {  	[smem:$0x3FB4] =	sst s10  }
0x32: {  	s10 =	sld [smem:$0x3FB2];
	_ =	sdelay $0x3  }
0x33: {  	p0 =	seq.s32 s10, $0x1;
	s10 =	sld [smem:$0x3FB4];
	_ =	sdelay $0x3  }
0x34: {  	[smem:$0x3FB4] =	sst s10  }
0x35: {  	s10 =	sld [smem:$0x3FB3];
	_ =	sdelay $0x3  }
0x36: {  	p1 =	seq.s32 s10, $0x1;
	s10 =	sld [smem:$0x3FB4];
	_ =	sdelay $0x3  }
0x37: {  	[smem:$0x3FB4] =	sst s10  }
0x38: {  	s10 =	sld [smem:$0x3FB5]  }
0x39: {  	_ = 	snop;
	(pc) =	sbr.ind lr, $3  }
0x3a: {  	_ = 	snop  }
0x3b: {  	_ = 	snop  }
0x3c: {  	p2 =	seq.s32 s10, $0x1;
	s10 =	sld [smem:$0x3FB4]  }
0x3d: {  	_ =	shalt  }
0x3e: {  	_ =	shalt  }
0x3f: {  	_ =	shalt  }
0x40: {  	_ =	shalt  }
0x41: {  	_ =	shalt  }
0x42: {  	_ =	shalt  }
0x43: {  	_ =	shalt  }
0x44: {  	_ =	shalt  }
0x45: {  	_ =	shalt  }
0x46: {  	_ =	shalt  }
0x47: {  	_ =	shalt  }
0x48: {  	_ =	shalt  }
0x49: {  	_ =	shalt  }
0x4a: {  	_ =	shalt  }
0x4b: {  	_ =	shalt  }
0x4c: {  	_ =	shalt  }
0x4d: {  	_ =	shalt  }
0x4e: {  	_ =	shalt  }
0x4f: {  	_ =	shalt  }
0x50: {  	_ =	shalt  }
0x51: {  	_ =	shalt  }
0x52: {  	_ =	shalt  }
0x53: {  	_ =	shalt  }
0x54: {  	_ =	shalt  }
0x55: {  	_ =	shalt  }
0x56: {  	_ =	shalt  }
0x57: {  	_ =	shalt  }
0x58: {  	_ =	shalt  }
0x59: {  	_ =	shalt  }
0x5a: {  	_ =	shalt  }
0x5b: {  	_ =	shalt  }
0x5c: {  	_ =	shalt  }
0x5d: {  	_ =	shalt  }
0x5e: {  	_ =	shalt  }
0x5f: {  	_ =	shalt  }
0x60: {  	_ =	shalt  }
0x61: {  	_ =	shalt  }
0x62: {  	_ =	shalt  }
0x63: {  	_ =	shalt  }
0x64: {  	_ =	shalt  }
0x65: {  	_ =	shalt  }
0x66: {  	_ =	shalt  }
0x67: {  	_ =	shalt  }
0x68: {  	_ =	shalt  }
0x69: {  	_ =	shalt  }
0x6a: {  	_ =	shalt  }
0x6b: {  	_ =	shalt  }
0x6c: {  	_ =	shalt  }
0x6d: {  	_ =	shalt  }
0x6e: {  	_ =	shalt  }
0x6f: {  	_ =	shalt  }
0x70: {  	_ =	shalt  }
0x71: {  	_ =	shalt  }
0x72: {  	_ =	shalt  }
0x73: {  	_ =	shalt  }
0x74: {  	_ =	shalt  }
0x75: {  	_ =	shalt  }
0x76: {  	_ =	shalt  }
0x77: {  	_ =	shalt  }
0x78: {  	_ =	shalt  }
0x79: {  	_ =	shalt  }
0x7a: {  	_ =	shalt  }
0x7b: {  	_ =	shalt  }
0x7c: {  	_ =	shalt  }
0x7d: {  	_ =	shalt  }
0x7e: {  	_ =	shalt  }
0x7f: {  	_ =	shalt  }
0x80: {  	_ =	shalt  }
0x81: {  	_ =	shalt  }
0x82: {  	_ =	shalt  }
0x83: {  	_ =	shalt  }
0x84: {  	_ =	shalt  }
0x85: {  	_ =	shalt  }
0x86: {  	_ =	shalt  }
0x87: {  	_ =	shalt  }
.Lfunc_end0:
.L_simem_size_0:
called_computation.1_lowered:
.L_overlay_start_0:
0x88: {  	s2 =	sld [smem:$0x3FD9]  }
0x89: {  	s3 =	sld [smem:$0x3FFE];
	_ =	sdelay $0x1  }
0x8a: {  	s1 =	srdreg.scid  }
0x8b: {  	s0 =	sand.u32 $0x1, s1  }
0x8c: {  	s16 =	sshll.u32 s0, $0xA;
	s2 =	sadd.s32 s3, s2  }
0x8d: {  	s2 =	sadd.s32 s2, s16  }
0x8e: {  	[smem:$0x3FC0] =	sst s2  }
0x8f: {  	_ = 	snop  }
0x90: {  	(tm) =	ssettm $0x1  }
0x91: {  	s17 =	sld [smem:$0x3FFB];
	_ =	sdelay $0x3  }
0x92: {  	_ =	strace s17  }
0x93: {  	s2 =	sld [smem:$0x3FFC];
	_ =	sdelay $0x3  }
0x94: {  	_ =	strace s2  }
0x95: {  	s2 =	sld [smem:$0x3FFD];
	_ =	sdelay $0x3  }
0x96: {  	_ =	strace s2  }
0x97: {  	_ =	strace $0x8FFFFFFF  }
0x98: {  	s18 =	sld [smem:$0x3FDB];
	_ =	sdelay $0x1  }
0x99: {  	s19 =	simm.s32 $_scs_section_size  }
0x9a: {  	s4 =	simm.s32 $_size__tile_overlayer_lowered;
	s5 =	simm.s32 $_tile_overlayer_lowered  }
0x9b: {  	s22 =	simm.s32 $0x1BFF;
	s21 =	sshll.u32 s5, $0x1;
	s2 =	sadd.s32 s19, s18  }
0x9c: {  	s6 =	simm.s32 $0x0;
	s20 =	sshll.u32 s4, $0x1;
	s4 =	sadd.s32 s21, s2  }
0x9d: {  	[timem:s6], [sflag:s22] =	dma.local [hbm:s4], s20  }
0x9e: {  	_ =	swait.ge [sflag:s22], s20  }
0x9f: {  	s3 =	ssub.s32 $0x0, s20;
	[sflag:s22] =	ssyncset.done $0x0  }
0xa0: {  	[sflag:s22] =	ssyncadd.s32 s3;
	_ =	sdelay $0x1  }
0xa1: {  	s23 =	simm.s32 $0x1B8B  }
0xa2: {  	_ =	swait.ge [sflag:s23], $0x1  }
0xa3: {  	[sflag:s23] =	ssyncset.done $0x0  }
0xa4: {  	s25 =	simm.s32 $0x1B8E;
	s24 =	sld [smem:$0x3FFE];
	[sflag:s23] =	ssyncadd.s32 $0xFFFFFFFF  }
0xa5: {  	s26 =	simm.s32 $execute0_lowered;
	[smem:$0x3FD2] =	sst s25  }
0xa6: {  	s4 =	sshll.u32 s26, $0x1;
	_ =	strace $0x80000049;
	[dreg:$0x1] =	wrdreg $0xFFFFFFFF  }
0xa7: {  	s28 =	simm.s32 $_size_execute0_lowered;
	s2 =	sadd.s32 s2, s4;
	[dreg:$0x0] =	wrdreg $0x0  }
0xa8: {  	s4 =	sshll.u32 s28, $0x1;
	[dreg:$0x2] =	wrdreg s2  }
0xa9: {  	[dreg:$0x3] =	wrdreg s4  }
0xaa: {  	[dreg:$0x4] =	wrdreg $0xC0  }
0xab: {  	_ =	task [dreg:s6], $0x5FFFF  }
0xac: {  	[dreg:$0x1] =	wrdreg $0xFFFFFFFF  }
0xad: {  	[dreg:$0x0] =	wrdreg $0x60  }
0xae: {  	[dreg:$0x2] =	wrdreg s24  }
0xaf: {  	[dreg:$0x3] =	wrdreg $0xA6000  }
0xb0: {  	[dreg:$0x4] =	wrdreg $0x9  }
0xb1: {  	_ =	task.clear_ibuf [dreg:s6], $0x5FFFF;
	_ =	strace $0x90000049  }
0xb2: {  	s29 =	simm.s32 $0x9;
	_ =	strace $0x8000004B  }
0xb3: {  	_ =	swait.ge [sflag:s29], $0x1  }
0xb4: {  	[sflag:s29] =	ssyncadd.s32 $0xFFFFFFFF  }
0xb5: {  	_ =	strace $0x9000004B  }
0xb6: {  	_ =	sfence  }
0xb7: {  	s30 =	sld [smem:$0x0];
	_ =	sdelay $0x2  }
0xb8: {  	s31 =	sshll.u32 s1, $0xD;
	s1 =	sshrl.u32 s1, $0x2  }
0xb9: {  	s3 =	sand.u32 $0x4000, s31;
	s1 =	sadd.s32 s1, s30  }
0xba: {  	s0 =	sor.u32 s3, s0;
	s1 =	sshll.u32 s1, $0x11  }
0xbb: {  	s0 =	sor.u32 s1, s0  }
0xbc: {  	s0 =	sadd.s32 $0x8F2B, s0  }
0xbd: {  	[sflag:s0] =	ssyncadd.remote.s32 $0x1  }
0xbe: {  	_ =	sfence.sel $0xFFFF  }
0xbf: {  	[dreg:$0x0] =	wrdreg $0xFFFFFFFF;
	(pc) =	sbr.abs _section_cstart, $3  }
0xc0: {  	[dreg:$0x1] =	wrdreg $0xFFFFFFFF  }
0xc1: {  	_ =	task.clear_ibuf [dreg:s6], $0x2FFFF;
	_ =	strace $0x9FFFFFFF  }
0xc2: {  	(tm) =	ssettm $0x7FFFFFFF  }
0xc3: {  	_ =	shalt  }
tec
execute0_lowered:
.L_overlay_start_1:
0x0: {  	(tag) =	ssettag $0x1  }
0x1: {  	s0 =	rddreg [dreg:$0x0]  }
0x2: {  	s1 =	rddreg [dreg:$0x1];
	s2 =	simm.s32 $0x0;
	s3 =	srdreg.scid  }
0x3: {  	s10 =	stileid.u32;
	s30 =	simm.s32 $0x280;
	s31 =	simm.s32 $0x380  }
0x4: {  	[smem:$0x7FF] =	sst s2;
	s3 =	sand.u32 $0x1, s3;
	s6 =	smul.u32 $0x4E000, s10  }
0x5: {  	s4 =	sadd.s32 $0x16400, s0;
	s11 =	sadd.s32 $0x2A00, s0;
	s16 =	smul.u32 $0x13800, s10  }
0x6: {  	s0 =	sadd.s32 $0x3D600, s0;
	s19 =	smul.u32 $0x2710, s10;
	p0 =	sne.s32 s10, $0x0  }
0x7: {  	s29 =	sadd.s32 $0x138000, s1;
	_ =	strace $0x8000004A;
	s5 =	sshll.u32 s3, $0x4  }
0x8: {  	s7 =	ssub.s32 $0x2, s3;
	s9 =	smul.u32 $0x138800, s3;
	[dreg:$0x3] =	wrdreg s11  }
0x9: {  	s3 =	smul.u32 $0x27100, s3;
	[smem:$0x7FD] =	sst s29;
	s5 =	sor.u32 s10, s5  }
0xa: {  	s8 =	sshrl.u32 s7, $0x1;
	s6 =	sshrl.u32 s6, $0x2;
	s5 =	smul.u32 $0x2710, s5  }
0xb: {  	s7 =	ssub.s32 s7, s8;
	s17 =	sadd.s32 s16, s9;
	s18 =	sshrl.u32 s9, $0x3  }
0xc: {  	s28 =	sadd.s32 s6, s1;
	s20 =	sshrl.u32 s17, $0x3;
	s21 =	sadd.s32 s0, s18  }
0xd: {  	s23 =	smax.u32 s7, $0x1;
	[dreg:$0x4] =	wrdreg s28;
	s5 =	sshrl.u32 s5, $0x3  }
0xe: {  	s0 =	sadd.s32 s0, s20;
	s22 =	sadd.s32 $0x27000, s21;
	[dreg:$0x8] =	wrdreg s23  }
0xf: {  	s12 =	sadd.s32 s11, s5;
	[dreg:$0x6] =	wrdreg s0;
	s0 =	sadd.s32 s19, s3  }
0x10: {  	[dreg:$0x7] =	wrdreg s22;
	s24 =	sadd.s32 $0x370, s0;
	s25 =	sadd.s32 $0x4E570, s0  }
0x11: {  	s26 =	sadd.s32 $0x320, s0;
	s7 =	sadd.s32 $0x4E520, s0;
	s8 =	sadd.s32 $0x2D0, s0  }
0x12: {  	s9 =	sadd.s32 $0x4E4D0, s0;
	s15 =	sadd.s32 $0x280, s0;
	s16 =	sadd.s32 $0x4E480, s0  }
0x13: {  	s17 =	sadd.s32 $0x140, s0;
	s18 =	sadd.s32 $0x4E340, s0;
	s22 =	sadd.s32 $0x4E430, s0  }
0x14: {  	s23 =	sadd.s32 $0x230, s0;
	[dreg:$0x5] =	wrdreg s12;
	s3 =	sshrl.u32 s24, $0x3  }
0x15: {  	s5 =	sshrl.u32 s25, $0x3;
	s6 =	sshrl.u32 s26, $0x3;
	s14 =	sshrl.u32 s9, $0x3  }
0x16: {  	[dreg:$0xf] =	wrdreg s15;
	s19 =	sshrl.u32 s17, $0x3;
	s15 =	sadd.s32 $0x7800, s28  }
0x17: {  	s20 =	sshrl.u32 s18, $0x3;
	s17 =	sadd.s32 $0xC800, s28;
	[dreg:$0x1b] =	wrdreg s15  }
0x18: {  	s24 =	sadd.s32 $0x4E3E0, s0;
	s18 =	sadd.s32 $0xF000, s28;
	[dreg:$0x1d] =	wrdreg s17  }
0x19: {  	s25 =	sshrl.u32 s23, $0x3;
	s23 =	sadd.s32 $0x14, s12;
	[dreg:$0x1e] =	wrdreg s18  }
0x1a: {  	s3 =	sadd.s32 s3, s11;
	s5 =	sadd.s32 s5, s11;
	[smem:$0x7F9] =	sst s23  }
0x1b: {  	s21 =	sadd.s32 s20, s11;
	s26 =	sshrl.u32 s24, $0x3;
	[dreg:$0x9] =	wrdreg s3  }
0x1c: {  	s20 =	sadd.s32 $0x9C40, s12;
	s24 =	sadd.s32 $0x9C54, s12;
	[dreg:$0xa] =	wrdreg s5  }
0x1d: {  	s15 =	simm.s32 $0x600;
	s17 =	simm.s32 $0x200;
	[dreg:$0x12] =	wrdreg s21  }
0x1e: {  	s18 =	simm.s32 $0x9;
	s3 =	sadd.s32 s6, s11;
	[smem:$0x7F6] =	sst s20  }
0x1f: {  	s5 =	sshrl.u32 s8, $0x3;
	s6 =	sadd.s32 s26, s11;
	[smem:$0x7FA] =	sst s24  }
0x20: {  	s8 =	sadd.s32 $0x4E390, s0;
	s21 =	sadd.s32 $0xA, s12;
	[dreg:$0xb] =	wrdreg s3  }
0x21: {  	s26 =	sadd.s32 $0x9C5E, s12;
	s20 =	simm.s32 $0x8;
	[dreg:$0x15] =	wrdreg s6  }
0x22: {  	s3 =	sshrl.u32 s7, $0x3;
	s13 =	sadd.s32 s5, s11;
	[smem:$0x7F7] =	sst s21  }
0x23: {  	s7 =	sadd.s32 $0x1E0, s0;
	s0 =	sadd.s32 $0x190, s0;
	[smem:$0x7FC] =	sst s26  }
0x24: {  	s9 =	sshrl.u32 s8, $0x3;
	s3 =	sadd.s32 s3, s11;
	[dreg:$0xd] =	wrdreg s13  }
0x25: {  	s8 =	simm.s32 $0x5;
	s13 =	sadd.s32 $0x2800, s28;
	[dreg:$0xc] =	wrdreg s3  }
0x26: {  	s0 =	sshrl.u32 s0, $0x3;
	s3 =	sadd.s32 s14, s11;
	[dreg:$0x19] =	wrdreg s13  }
0x27: {  	s6 =	simm.s32 $0x50;
	s0 =	sadd.s32 s0, s11;
	[dreg:$0xe] =	wrdreg s3  }
0x28: {  	s21 =	simm.s32 $0x2E00;
	s14 =	sadd.s32 $0x5000, s28;
	[dreg:$0x18] =	wrdreg s0  }
0x29: {  	s3 =	sshrl.u32 s16, $0x3;
	[dreg:$0x1a] =	wrdreg s14;
	s16 =	sadd.s32 $0xA000, s28  }
0x2a: {  	s0 =	simm.s32 $0x100;
	s3 =	sadd.s32 s3, s11;
	[dreg:$0x1c] =	wrdreg s16  }
0x2b: {  	s14 =	simm.s32 $0x4;
	[dreg:$0x10] =	wrdreg s3;
	s3 =	sadd.s32 s19, s11  }
0x2c: {  	s16 =	simm.s32 $0x6;
	s19 =	sadd.s32 $0x11800, s28;
	[dreg:$0x11] =	wrdreg s3  }
0x2d: {  	s3 =	sshrl.u32 s22, $0x3;
	[dreg:$0x1f] =	wrdreg s19;
	s22 =	sadd.s32 $0x9C4A, s12  }
0x2e: {  	s19 =	simm.s32 $0x7;
	s3 =	sadd.s32 s3, s11;
	[smem:$0x7F8] =	sst s22  }
.Ltmp0:
0x2f: {  	[dreg:$0x13] =	wrdreg s3;
	s3 =	sadd.s32 s25, s11;
	(pc) =	sbr.rel .LBB2_1-.Ltmp0, $4  }
0x30: {  	s25 =	sadd.s32 $0x1E, s12;
	[dreg:$0x14] =	wrdreg s3;
	s3 =	sshrl.u32 s7, $0x3  }
0x31: {  	s22 =	simm.s32 $0x5600;
	[smem:$0x7FB] =	sst s25;
	s3 =	sadd.s32 s3, s11  }
0x32: {  	s7 =	simm.s32 $0x1;
	[dreg:$0x16] =	wrdreg s3;
	s3 =	sadd.s32 s9, s11  }
0x33: {  	v0 =	vimm.f32 $0.0e+00;
	s11 =	simm.s32 $0x3;
	[dreg:$0x17] =	wrdreg s3;
	s3 =	simm.s32 $0x0  }
.LBB2_6:
0x34: {  	s0 =	simm.s32 $0xA  }
0x35: {  	_ =	swait.ge [sflag:s0], $0x2800  }
0x36: {  	[sflag:s0] =	ssyncset.done $0x0  }
0x37: {  	s23 =	simm.s32 $0xB;
	[sflag:s0] =	ssyncadd.s32 $0xFFFFD800  }
0x38: {  	_ =	swait.ge [sflag:s23], $0x2800  }
0x39: {  	[sflag:s23] =	ssyncset.done $0x0  }
0x3a: {  	s24 =	simm.s32 $0xC;
	[sflag:s23] =	ssyncadd.s32 $0xFFFFD800  }
0x3b: {  	_ =	swait.ge [sflag:s24], $0x2800  }
0x3c: {  	[sflag:s24] =	ssyncset.done $0x0  }
0x3d: {  	[sflag:s24] =	ssyncadd.s32 $0xFFFFD800  }
0x3e: {  	_ =	swait.ge [sflag:s18], $0x2800  }
0x3f: {  	[sflag:s18] =	ssyncset.done $0x0  }
0x40: {  	[sflag:s18] =	ssyncadd.s32 $0xFFFFD800  }
0x41: {  	s10 =	stileid.u32;
	[bflag:$0x0] =	sbarrier.arrive $0xFFFF  }
0x42: {  	s25 =	simm.s32 $0xD;
	s10 =	sshll.u32 s10, $0x6;
	s28 =	rddreg [dreg:$0x4]  }
0x43: {  	s10 =	sor.u32 $0x1C0D, s10;
	s23 =	rddreg [dreg:$0x6];
	s17 =	sshrl.u32 s28, $0x3  }
0x44: {  	[hbm:s23], [sflag:s10] =	dma.local [spmem:s17], $0x2700  }
0x45: {  	_ =	swait.ge [sflag:s25], $0x2700  }
0x46: {  	s29 =	sld [smem:$0x7FD];
	_ =	sdelay $0x1  }
0x47: {  	[sflag:s25] =	ssyncset.done $0x0  }
0x48: {  	s23 =	rddreg [dreg:$0x7];
	[sflag:s25] =	ssyncadd.s32 $0xFFFFD900;
	s17 =	sshrl.u32 @!p0 s29, $0x3  }
0x49: {  	[hbm:s23], [sflag:s10] =	dma.local @!p0 [spmem:s17], $0x100  }
0x4a: {  	s10 =	simm.s32 @!p0 $0xD  }
0x4b: {  	_ =	swait.ge @!p0 [sflag:s10], $0x100  }
0x4c: {  	s3 =	sld [smem:$0x7F5];
	_ =	sdelay $0x2  }
0x4d: {  	s26 =	rddreg [dreg:$0x8];
	s3 =	sadd.s32 $0x1, s3  }
0x4e: {  	p1 =	sne.s32 s3, s26  }
.Ltmp1:
0x4f: {  	_ = 	snop;
	(pc) =	sbr.rel @!p1 .LBB2_7-.Ltmp1, $3  }
0x50: {  	_ =	sdelay $0x1  }
0x51: {  	s30 =	simm.s32 $0x280;
	s31 =	simm.s32 $0x380;
	[sflag:s10] =	ssyncset.done @!p0 $0x0  }
0x52: {  	s0 =	simm.s32 $0x100;
	s17 =	simm.s32 $0x200;
	[sflag:s10] =	ssyncadd.s32 @!p0 $0xFFFFFF00  }
.LBB2_1:
0x53: {  	s23 =	sand.u32 $0xFE00, s2  }
0x54: {  	[smem:$0x7F5] =	sst s3;
	s24 =	sand.u32 $0x70, s2;
	s25 =	sshrl.u32 s23, $0x2  }
0x55: {  	s23 =	simm.s32 $0x40;
	s25 =	sor.u32 s24, s25;
	s24 =	simm.s32 $0x0  }
.LBB2_2:
0x56: {  	p1 =	sne.s32 s23, $0x9FC0  }
0x57: {  	[tilespmem:s25+$0x600] =	vst v0;
	s24 =	sadd.s32 $0x10, s24;
	s25 =	smov.u32 s23;
	s23 =	sadd.s32 $0x40, s23  }
.Ltmp2:
0x58: {  	(pc) =	sbr.rel @p1 .LBB2_2-.Ltmp2, $4  }
0x59: {  	_ = 	snop  }
0x5a: {  	s25 =	sand.u32 $0xFE00, s25  }
0x5b: {  	s26 =	sand.u32 $0x70, s24;
	s25 =	sshrl.u32 s25, $0x2  }
0x5c: {  	s25 =	sor.u32 s26, s25  }
0x5d: {  	[tilespmem:s25+$0x600] =	vst v0  }
0x5e: {  	[spmem:s28] =	stream.linear.scatter [tilespmem:s15], [sflag:$0x5], $0x2800, $0x38;
	[tilespmem:$0x1DE80] =	vst v63  }
0x5f: {  	s10 =	rddreg [dreg:$0x19]  }
0x60: {  	[spmem:s10] =	stream.linear.scatter [tilespmem:s15], [sflag:$0x5], $0x2800, $0x38;
	[tilespmem:$0x1DE80] =	vst v63  }
0x61: {  	s13 =	rddreg [dreg:$0x1a]  }
0x62: {  	[spmem:s13] =	stream.linear.scatter [tilespmem:s15], [sflag:$0x5], $0x2800, $0x38;
	[tilespmem:$0x1DE80] =	vst v63  }
0x63: {  	s23 =	rddreg [dreg:$0x1b]  }
0x64: {  	[spmem:s23] =	stream.linear.scatter [tilespmem:s15], [sflag:$0x5], $0x2800, $0x38;
	[tilespmem:$0x1DE80] =	vst v63  }
0x65: {  	s24 =	rddreg [dreg:$0x1c]  }
0x66: {  	[spmem:s24] =	stream.linear.scatter [tilespmem:s15], [sflag:$0x5], $0x2800, $0x38;
	[tilespmem:$0x1DE80] =	vst v63  }
0x67: {  	s25 =	rddreg [dreg:$0x1d]  }
0x68: {  	[spmem:s25] =	stream.linear.scatter [tilespmem:s15], [sflag:$0x5], $0x2800, $0x38;
	[tilespmem:$0x1DE80] =	vst v63  }
0x69: {  	s26 =	rddreg [dreg:$0x1e]  }
0x6a: {  	[spmem:s26] =	stream.linear.scatter [tilespmem:s15], [sflag:$0x5], $0x2800, $0x38;
	[tilespmem:$0x1DE80] =	vst v63  }
0x6b: {  	s28 =	rddreg [dreg:$0x1f]  }
0x6c: {  	[spmem:s28] =	stream.linear.scatter [tilespmem:s15], [sflag:$0x5], $0x2000, $0x38;
	[tilespmem:$0x1DE80] =	vst v63  }
0x6d: {  	s23 =	simm.s32 @!p0 $0x600  }
0x6e: {  	[spmem:s29] =	stream.linear.scatter @!p0 [tilespmem:s23], [sflag:$0x5], $0x800, $0x38;
	[tilespmem:$0x1DE80] =	vst v63  }
0x6f: {  	_ =	swait.ge [sflag:s8], $0x2800  }
0x70: {  	[sflag:s8] =	ssyncset.done $0x0  }
0x71: {  	[sflag:s8] =	ssyncadd.s32 $0xFFFFD800  }
0x72: {  	_ =	swait.ge [sflag:s8], $0x2800  }
0x73: {  	[sflag:s8] =	ssyncset.done $0x0  }
0x74: {  	[sflag:s8] =	ssyncadd.s32 $0xFFFFD800  }
0x75: {  	_ =	swait.ge [sflag:s8], $0x2800  }
0x76: {  	[sflag:s8] =	ssyncset.done $0x0  }
0x77: {  	[sflag:s8] =	ssyncadd.s32 $0xFFFFD800  }
0x78: {  	_ =	swait.ge [sflag:s8], $0x2800  }
0x79: {  	[sflag:s8] =	ssyncset.done $0x0  }
0x7a: {  	[sflag:s8] =	ssyncadd.s32 $0xFFFFD800  }
0x7b: {  	_ =	swait.ge [sflag:s8], $0x2800  }
0x7c: {  	[sflag:s8] =	ssyncset.done $0x0  }
0x7d: {  	[sflag:s8] =	ssyncadd.s32 $0xFFFFD800  }
0x7e: {  	_ =	swait.ge [sflag:s8], $0x2800  }
0x7f: {  	[sflag:s8] =	ssyncset.done $0x0  }
0x80: {  	[sflag:s8] =	ssyncadd.s32 $0xFFFFD800  }
0x81: {  	_ =	swait.ge [sflag:s8], $0x2800  }
0x82: {  	[sflag:s8] =	ssyncset.done $0x0  }
0x83: {  	[sflag:s8] =	ssyncadd.s32 $0xFFFFD800  }
0x84: {  	_ =	swait.ge [sflag:s8], $0x2000  }
0x85: {  	[sflag:s8] =	ssyncset.done $0x0  }
0x86: {  	s23 =	simm.s32 @!p0 $0x5;
	[sflag:s8] =	ssyncadd.s32 $0xFFFFE000  }
0x87: {  	_ =	swait.ge @!p0 [sflag:s23], $0x800  }
0x88: {  	[sflag:s23] =	ssyncset.done @!p0 $0x0;
	s3 =	rddreg [dreg:$0x5]  }
0x89: {  	s5 =	sld [smem:$0x7F6];
	[sflag:s23] =	ssyncadd.s32 @!p0 $0xFFFFF800;
	s23 =	simm.s32 $0x0  }
0x8a: {  	[tilespmem:s23], [sflag:$0x1] =	stream.linear.gather [hbm4b:s3+s23], $0x50, $0x38;
	[tilespmem:$0x1DE80] =	vst v63  }
0x8b: {  	s9 =	sld [smem:$0x7F7]  }
0x8c: {  	[tilespmem:s17], [sflag:$0x1] =	stream.linear.gather [hbm4b:s5+s23], $0x50, $0x38;
	[tilespmem:$0x1DE80] =	vst v63  }
0x8d: {  	s24 =	simm.s32 $0x80;
	s12 =	sld [smem:$0x7F8]  }
0x8e: {  	[tilespmem:s24], [sflag:$0x2] =	stream.linear.gather [hbm4b:s9+s23], $0x50, $0x38;
	[tilespmem:$0x1DE80] =	vst v63  }
0x8f: {  	s13 =	sld [smem:$0x7F9]  }
0x90: {  	[tilespmem:s30], [sflag:$0x2] =	stream.linear.gather [hbm4b:s12+s23], $0x50, $0x38;
	[tilespmem:$0x1DE80] =	vst v63  }
0x91: {  	s25 =	sld [smem:$0x7FA]  }
0x92: {  	[tilespmem:s0], [sflag:$0x3] =	stream.linear.gather [hbm4b:s13+s23], $0x50, $0x38;
	[tilespmem:$0x1DE80] =	vst v63  }
0x93: {  	s29 =	simm.s32 $0x300;
	s26 =	sld [smem:$0x7FB]  }
0x94: {  	[tilespmem:s29], [sflag:$0x3] =	stream.linear.gather [hbm4b:s25+s23], $0x50, $0x38;
	[tilespmem:$0x1DE80] =	vst v63  }
0x95: {  	s28 =	sld [smem:$0x7FC];
	s5 =	simm.s32 $0x180  }
0x96: {  	[tilespmem:s5], [sflag:$0x4] =	stream.linear.gather [hbm4b:s26+s23], $0x50, $0x38;
	[tilespmem:$0x1DE80] =	vst v63  }
0x97: {  	_ = 	snop  }
0x98: {  	[tilespmem:s31], [sflag:$0x4] =	stream.linear.gather [hbm4b:s28+s23], $0x50, $0x38;
	[tilespmem:$0x1DE80] =	vst v63  }
0x99: {  	_ =	swait.ge [sflag:s7], $0x50  }
0x9a: {  	[sflag:s7] =	ssyncset.done $0x0  }
0x9b: {  	[sflag:s7] =	ssyncadd.s32 $0xFFFFFFB0  }
0x9c: {  	_ =	swait.ge [sflag:s7], $0x50  }
0x9d: {  	[sflag:s7] =	ssyncset.done $0x0  }
0x9e: {  	s3 =	simm.s32 $0x2;
	[sflag:s7] =	ssyncadd.s32 $0xFFFFFFB0  }
0x9f: {  	[tilespmem:s15], [sflag:$0x5] =	stream.indirect.gather [hbm4b:s4+s6], $0x80, s23, s6, $0xb8;
	[tilespmem:$0x1DE80] =	vst v63  }
0xa0: {  	_ =	swait.ge [sflag:s3], $0x50  }
0xa1: {  	[sflag:s3] =	ssyncset.done $0x0  }
0xa2: {  	[sflag:s3] =	ssyncadd.s32 $0xFFFFFFB0  }
0xa3: {  	_ =	swait.ge [sflag:s3], $0x50  }
0xa4: {  	[sflag:s3] =	ssyncset.done $0x0  }
0xa5: {  	s12 =	simm.s32 $0x2E00;
	[sflag:s3] =	ssyncadd.s32 $0xFFFFFFB0  }
0xa6: {  	[tilespmem:s12], [sflag:$0x6] =	stream.indirect.gather [hbm4b:s4+s6], $0x80, s24, s6, $0xb8;
	[tilespmem:$0x1DE80] =	vst v63  }
0xa7: {  	s13 =	simm.s32 $0x5600;
	s26 =	simm.s32 $0x0;
	[bflag:$0x0] =	sbarrier.arrive $0xFFFF  }
0xa8: {  	s3 =	simm.s32 $0x7E00;
	s24 =	simm.s32 $0x7;
	s25 =	rddreg [dreg:$0xf]  }
.LBB2_4:
0xa9: {  	_ =	swait.ge [sflag:s11], $0x50  }
0xaa: {  	[sflag:s11] =	ssyncset.done $0x0  }
0xab: {  	[sflag:s11] =	ssyncadd.s32 $0xFFFFFFB0  }
0xac: {  	_ =	swait.ge [sflag:s11], $0x50  }
0xad: {  	p1 =	seq.s32 s23, $0x0;
	[sflag:s11] =	ssyncset.done $0x0  }
0xae: {  	s10 =	simm.s32 @!p1 $0xB;
	[sflag:s11] =	ssyncadd.s32 $0xFFFFFFB0  }
0xaf: {  	_ =	swait.ge @!p1 [sflag:s10], $0x2800  }
0xb0: {  	[sflag:s10] =	ssyncset.done @!p1 $0x0  }
0xb1: {  	[sflag:s10] =	ssyncadd.s32 @!p1 $0xFFFFD800  }
0xb2: {  	[tilespmem:s13], [sflag:$0x7] =	stream.indirect.gather [hbm4b:s4+s6], $0x80, s0, s6, $0xb8;
	[tilespmem:$0x1DE80] =	vst v63  }
0xb3: {  	_ =	swait.ge [sflag:s8], $0x2800  }
0xb4: {  	[sflag:s8] =	ssyncset.done $0x0  }
0xb5: {  	[sflag:s8] =	ssyncadd.s32 $0xFFFFD800  }
0xb6: {  	[spmem:s1] =	stream.indirect.scatter.add.f32 [tilespmem:s15], [sflag:$0x9], $0x80, s17, s6, $0xb8;
	[tilespmem:$0x1DE80] =	vst v63  }
0xb7: {  	s15 =	rddreg [dreg:$0x11]  }
0xb8: {  	s17 =	rddreg [dreg:$0x12];
	s10 =	sadd.s32 s23, s15  }
0xb9: {  	[tilespmem:s2], [sflag:$0x1] =	stream.linear.gather [hbm4b:s10+s2], $0x50, $0x38;
	[tilespmem:$0x1DE80] =	vst v63  }
0xba: {  	s15 =	simm.s32 $0x400;
	s10 =	sadd.s32 s23, s17  }
0xbb: {  	[tilespmem:s15], [sflag:$0x1] =	stream.linear.gather [hbm4b:s10+s2], $0x50, $0x38;
	[tilespmem:$0x1DE80] =	vst v63  }
0xbc: {  	_ =	swait.ge [sflag:s14], $0x50  }
0xbd: {  	[sflag:s14] =	ssyncset.done $0x0  }
0xbe: {  	[sflag:s14] =	ssyncadd.s32 $0xFFFFFFB0  }
0xbf: {  	_ =	swait.ge [sflag:s14], $0x50  }
0xc0: {  	[sflag:s14] =	ssyncset.done $0x0  }
0xc1: {  	s10 =	simm.s32 @!p1 $0xC;
	[sflag:s14] =	ssyncadd.s32 $0xFFFFFFB0  }
0xc2: {  	_ =	swait.ge @!p1 [sflag:s10], $0x2800  }
0xc3: {  	[sflag:s10] =	ssyncset.done @!p1 $0x0  }
0xc4: {  	[sflag:s10] =	ssyncadd.s32 @!p1 $0xFFFFD800  }
0xc5: {  	[tilespmem:s3], [sflag:$0x8] =	stream.indirect.gather [hbm4b:s4+s6], $0x80, s5, s6, $0xb8;
	[tilespmem:$0x1DE80] =	vst v63  }
0xc6: {  	_ =	swait.ge [sflag:s16], $0x2800  }
0xc7: {  	s28 =	sadd.s32 $0xFFFFFFFE, s24;
	[sflag:s16] =	ssyncset.done $0x0  }
0xc8: {  	p1 =	sgt.u32 s28, $0x7C;
	s10 =	rddreg [dreg:$0x18];
	[sflag:s16] =	ssyncadd.s32 $0xFFFFD800  }
0xc9: {  	[spmem:s1] =	stream.indirect.scatter.add.f32 [tilespmem:s12], [sflag:$0xA], $0x80, s30, s6, $0xb8;
	[tilespmem:$0x1DE80] =	vst v63  }
0xca: {  	s17 =	simm.s32 @!p1 $0x0;
	s28 =	simm.s32 @!p1 $0x80;
	s10 =	sadd.s32 @!p1 s23, s10  }
0xcb: {  	[tilespmem:s28], [sflag:$0x2] =	stream.linear.gather @!p1 [hbm4b:s10+s17], $0x50, $0x38;
	[tilespmem:$0x1DE80] =	vst v63  }
0xcc: {  	s10 =	rddreg [dreg:$0x17]  }
0xcd: {  	s28 =	simm.s32 @!p1 $0x480;
	s10 =	sadd.s32 @!p1 s23, s10  }
0xce: {  	[tilespmem:s28], [sflag:$0x2] =	stream.linear.gather @!p1 [hbm4b:s10+s17], $0x50, $0x38;
	[tilespmem:$0x1DE80] =	vst v63  }
0xcf: {  	_ =	swait.ge [sflag:s7], $0x50  }
0xd0: {  	[sflag:s7] =	ssyncset.done $0x0  }
0xd1: {  	[sflag:s7] =	ssyncadd.s32 $0xFFFFFFB0  }
0xd2: {  	_ =	swait.ge [sflag:s7], $0x50  }
0xd3: {  	[sflag:s7] =	ssyncset.done $0x0  }
0xd4: {  	[sflag:s7] =	ssyncadd.s32 $0xFFFFFFB0  }
0xd5: {  	_ =	swait.ge [sflag:s18], $0x2800  }
0xd6: {  	[sflag:s18] =	ssyncset.done $0x0  }
0xd7: {  	s9 =	simm.s32 $0x600;
	[sflag:s18] =	ssyncadd.s32 $0xFFFFD800  }
0xd8: {  	[tilespmem:s9], [sflag:$0x5] =	stream.indirect.gather [hbm4b:s4+s6], $0x80, s2, s6, $0xb8;
	[tilespmem:$0x1DE80] =	vst v63  }
0xd9: {  	_ =	swait.ge [sflag:s19], $0x2800  }
0xda: {  	[sflag:s19] =	ssyncset.done $0x0  }
0xdb: {  	[sflag:s19] =	ssyncadd.s32 $0xFFFFD800  }
0xdc: {  	[spmem:s1] =	stream.indirect.scatter.add.f32 [tilespmem:s22], [sflag:$0xB], $0x80, s29, s6, $0xb8;
	[tilespmem:$0x1DE80] =	vst v63  }
0xdd: {  	s29 =	sadd.s32 $0xFFFFFFFF, s24  }
0xde: {  	s10 =	rddreg [dreg:$0x16];
	p1 =	sgt.u32 s29, $0x7C  }
0xdf: {  	s10 =	sadd.s32 @!p1 s23, s10;
	s17 =	simm.s32 @!p1 $0x0;
	s28 =	simm.s32 @!p1 $0x100  }
0xe0: {  	[tilespmem:s28], [sflag:$0x3] =	stream.linear.gather @!p1 [hbm4b:s10+s17], $0x50, $0x38;
	[tilespmem:$0x1DE80] =	vst v63  }
0xe1: {  	s10 =	rddreg [dreg:$0x15]  }
0xe2: {  	s28 =	simm.s32 @!p1 $0x500;
	s10 =	sadd.s32 @!p1 s23, s10  }
0xe3: {  	[tilespmem:s28], [sflag:$0x3] =	stream.linear.gather @!p1 [hbm4b:s10+s17], $0x50, $0x38;
	[tilespmem:$0x1DE80] =	vst v63  }
0xe4: {  	p1 =	sgt.u32 s26, $0xE  }
0xe5: {  	s10 =	simm.s32 @!p1 $0x2  }
0xe6: {  	_ =	swait.ge @!p1 [sflag:s10], $0x50  }
0xe7: {  	[sflag:s10] =	ssyncset.done @!p1 $0x0  }
0xe8: {  	[sflag:s10] =	ssyncadd.s32 @!p1 $0xFFFFFFB0  }
0xe9: {  	_ =	swait.ge @!p1 [sflag:s10], $0x50  }
0xea: {  	[sflag:s10] =	ssyncset.done @!p1 $0x0  }
0xeb: {  	[sflag:s10] =	ssyncadd.s32 @!p1 $0xFFFFFFB0;
	s10 =	simm.s32 @!p1 $0xA  }
0xec: {  	_ =	swait.ge @!p1 [sflag:s10], $0x2800  }
0xed: {  	s17 =	simm.s32 @!p1 $0x80;
	[sflag:s10] =	ssyncset.done @!p1 $0x0  }
0xee: {  	s28 =	simm.s32 @!p1 $0x2E00;
	[sflag:s10] =	ssyncadd.s32 @!p1 $0xFFFFD800;
	s10 =	simm.s32 @!p1 $0x50  }
0xef: {  	[tilespmem:s28], [sflag:$0x6] =	stream.indirect.gather @!p1 [hbm4b:s4+s10], $0x80, s17, s10, $0xb8;
	[tilespmem:$0x1DE80] =	vst v63  }
0xf0: {  	_ =	swait.ge [sflag:s20], $0x2800  }
0xf1: {  	p2 =	sgt.u32 s24, $0x7C;
	[sflag:s20] =	ssyncset.done $0x0  }
0xf2: {  	s3 =	simm.s32 $0x7E00;
	s17 =	rddreg [dreg:$0x14];
	[sflag:s20] =	ssyncadd.s32 $0xFFFFD800  }
0xf3: {  	[spmem:s1] =	stream.indirect.scatter.add.f32 [tilespmem:s3], [sflag:$0xC], $0x80, s31, s6, $0xb8;
	[tilespmem:$0x1DE80] =	vst v63  }
0xf4: {  	s29 =	simm.s32 @!p2 $0x180;
	s28 =	simm.s32 @!p2 $0x0;
	s17 =	sadd.s32 @!p2 s23, s17  }
0xf5: {  	[tilespmem:s29], [sflag:$0x4] =	stream.linear.gather @!p2 [hbm4b:s17+s28], $0x50, $0x38;
	[tilespmem:$0x1DE80] =	vst v63  }
0xf6: {  	s17 =	rddreg [dreg:$0x13]  }
0xf7: {  	s29 =	simm.s32 @!p2 $0x580;
	s17 =	sadd.s32 @!p2 s23, s17  }
0xf8: {  	[tilespmem:s29], [sflag:$0x4] =	stream.linear.gather @!p2 [hbm4b:s17+s28], $0x50, $0x38;
	[tilespmem:$0x1DE80] =	vst v63  }
0xf9: {  	s17 =	simm.s32 @!p1 $0x3  }
0xfa: {  	_ =	swait.ge @!p1 [sflag:s17], $0x50  }
0xfb: {  	[sflag:s17] =	ssyncset.done @!p1 $0x0  }
0xfc: {  	[sflag:s17] =	ssyncadd.s32 @!p1 $0xFFFFFFB0  }
0xfd: {  	_ =	swait.ge @!p1 [sflag:s17], $0x50  }
0xfe: {  	[sflag:s17] =	ssyncset.done @!p1 $0x0  }
0xff: {  	[sflag:s17] =	ssyncadd.s32 @!p1 $0xFFFFFFB0;
	s17 =	simm.s32 @!p1 $0xB  }
0x100: {  	_ =	swait.ge @!p1 [sflag:s17], $0x2800  }
0x101: {  	[sflag:s17] =	ssyncset.done @!p1 $0x0  }
0x102: {  	s28 =	simm.s32 @!p1 $0x5600;
	[sflag:s17] =	ssyncadd.s32 @!p1 $0xFFFFD800;
	s17 =	simm.s32 @!p1 $0x100  }
0x103: {  	[tilespmem:s28], [sflag:$0x7] =	stream.indirect.gather @!p1 [hbm4b:s4+s10], $0x80, s17, s10, $0xb8;
	[tilespmem:$0x1DE80] =	vst v63  }
0x104: {  	p1 =	seq.s32 s23, $0x4B0  }
.Ltmp3:
0x105: {  	_ =	swait.ge [sflag:s8], $0x2800;
	(pc) =	sbr.rel @p1 .LBB2_6-.Ltmp3, $4  }
0x106: {  	s13 =	simm.s32 $0x100;
	s0 =	simm.s32 $0x280;
	[sflag:s8] =	ssyncset.done $0x0  }
0x107: {  	s5 =	simm.s32 $0x180;
	s30 =	simm.s32 $0x200;
	[sflag:s8] =	ssyncadd.s32 $0xFFFFD800  }
0x108: {  	[spmem:s1] =	stream.indirect.scatter.add.f32 [tilespmem:s9], [sflag:$0x9], $0x80, s15, s6, $0xb8;
	[tilespmem:$0x1DE80] =	vst v63  }
0x109: {  	s12 =	simm.s32 $0x380;
	s31 =	simm.s32 $0x300;
	s15 =	simm.s32 $0x600  }
0x10a: {  	s10 =	sshrl.u32 s25, $0x3;
	s17 =	rddreg [dreg:$0x3]  }
0x10b: {  	s9 =	rddreg [dreg:$0x10];
	s10 =	sadd.s32 s17, s10  }
0x10c: {  	[tilespmem:s2], [sflag:$0x1] =	stream.linear.gather [hbm4b:s10+s2], $0x50, $0x38;
	[tilespmem:$0x1DE80] =	vst v63  }
0x10d: {  	s10 =	sadd.s32 s23, s9  }
0x10e: {  	[tilespmem:s30], [sflag:$0x1] =	stream.linear.gather [hbm4b:s10+s2], $0x50, $0x38;
	[tilespmem:$0x1DE80] =	vst v63  }
0x10f: {  	_ =	swait.ge [sflag:s14], $0x50  }
0x110: {  	[sflag:s14] =	ssyncset.done $0x0  }
0x111: {  	[sflag:s14] =	ssyncadd.s32 $0xFFFFFFB0  }
0x112: {  	_ =	swait.ge [sflag:s14], $0x50  }
0x113: {  	[sflag:s14] =	ssyncset.done $0x0  }
0x114: {  	s9 =	simm.s32 $0xC;
	[sflag:s14] =	ssyncadd.s32 $0xFFFFFFB0  }
0x115: {  	_ =	swait.ge [sflag:s9], $0x2800  }
0x116: {  	[sflag:s9] =	ssyncset.done $0x0  }
0x117: {  	[sflag:s9] =	ssyncadd.s32 $0xFFFFD800  }
0x118: {  	[tilespmem:s3], [sflag:$0x8] =	stream.indirect.gather [hbm4b:s4+s6], $0x80, s5, s6, $0xb8;
	[tilespmem:$0x1DE80] =	vst v63  }
0x119: {  	_ =	swait.ge [sflag:s16], $0x2800  }
0x11a: {  	[sflag:s16] =	ssyncset.done $0x0  }
0x11b: {  	s17 =	simm.s32 $0x480;
	s28 =	rddreg [dreg:$0xd];
	[sflag:s16] =	ssyncadd.s32 $0xFFFFD800  }
0x11c: {  	[spmem:s1] =	stream.indirect.scatter.add.f32 [tilespmem:s21], [sflag:$0xA], $0x80, s17, s6, $0xb8;
	[tilespmem:$0x1DE80] =	vst v63  }
0x11d: {  	s9 =	rddreg [dreg:$0xe];
	s10 =	sadd.s32 s23, s28;
	s17 =	simm.s32 $0x80  }
0x11e: {  	[tilespmem:s17], [sflag:$0x2] =	stream.linear.gather [hbm4b:s10+s2], $0x50, $0x38;
	[tilespmem:$0x1DE80] =	vst v63  }
0x11f: {  	s10 =	sadd.s32 s23, s9  }
0x120: {  	[tilespmem:s0], [sflag:$0x2] =	stream.linear.gather [hbm4b:s10+s2], $0x50, $0x38;
	[tilespmem:$0x1DE80] =	vst v63  }
0x121: {  	_ =	swait.ge [sflag:s7], $0x50  }
0x122: {  	[sflag:s7] =	ssyncset.done $0x0  }
0x123: {  	[sflag:s7] =	ssyncadd.s32 $0xFFFFFFB0  }
0x124: {  	_ =	swait.ge [sflag:s7], $0x50  }
0x125: {  	[sflag:s7] =	ssyncset.done $0x0  }
0x126: {  	[sflag:s7] =	ssyncadd.s32 $0xFFFFFFB0  }
0x127: {  	_ =	swait.ge [sflag:s18], $0x2800  }
0x128: {  	[sflag:s18] =	ssyncset.done $0x0  }
0x129: {  	[sflag:s18] =	ssyncadd.s32 $0xFFFFD800  }
0x12a: {  	[tilespmem:s15], [sflag:$0x5] =	stream.indirect.gather [hbm4b:s4+s6], $0x80, s2, s6, $0xb8;
	[tilespmem:$0x1DE80] =	vst v63  }
0x12b: {  	_ =	swait.ge [sflag:s19], $0x2800  }
0x12c: {  	[sflag:s19] =	ssyncset.done $0x0  }
0x12d: {  	s10 =	simm.s32 $0x500;
	s28 =	rddreg [dreg:$0xb];
	[sflag:s19] =	ssyncadd.s32 $0xFFFFD800  }
0x12e: {  	[spmem:s1] =	stream.indirect.scatter.add.f32 [tilespmem:s22], [sflag:$0xB], $0x80, s10, s6, $0xb8;
	[tilespmem:$0x1DE80] =	vst v63  }
0x12f: {  	s0 =	rddreg [dreg:$0xc];
	s10 =	sadd.s32 s23, s28  }
0x130: {  	[tilespmem:s13], [sflag:$0x3] =	stream.linear.gather [hbm4b:s10+s2], $0x50, $0x38;
	[tilespmem:$0x1DE80] =	vst v63  }
0x131: {  	s9 =	simm.s32 $0x2;
	s10 =	sadd.s32 s23, s0  }
0x132: {  	[tilespmem:s31], [sflag:$0x3] =	stream.linear.gather [hbm4b:s10+s2], $0x50, $0x38;
	[tilespmem:$0x1DE80] =	vst v63  }
0x133: {  	_ =	swait.ge [sflag:s9], $0x50  }
0x134: {  	[sflag:s9] =	ssyncset.done $0x0  }
0x135: {  	[sflag:s9] =	ssyncadd.s32 $0xFFFFFFB0  }
0x136: {  	_ =	swait.ge [sflag:s9], $0x50  }
0x137: {  	[sflag:s9] =	ssyncset.done $0x0  }
0x138: {  	s10 =	simm.s32 $0xA;
	[sflag:s9] =	ssyncadd.s32 $0xFFFFFFB0  }
0x139: {  	_ =	swait.ge [sflag:s10], $0x2800  }
0x13a: {  	s26 =	sadd.s32 $0x1, s26;
	s25 =	sadd.s32 $0x280, s25;
	[sflag:s10] =	ssyncset.done $0x0  }
0x13b: {  	s24 =	sadd.s32 $0x8, s24;
	s29 =	simm.s32 $0x300;
	[sflag:s10] =	ssyncadd.s32 $0xFFFFD800  }
0x13c: {  	[tilespmem:s21], [sflag:$0x6] =	stream.indirect.gather [hbm4b:s4+s6], $0x80, s17, s6, $0xb8;
	[tilespmem:$0x1DE80] =	vst v63  }
0x13d: {  	s30 =	simm.s32 $0x280;
	s13 =	simm.s32 $0x580;
	_ =	swait.ge [sflag:s20], $0x2800  }
0x13e: {  	s0 =	simm.s32 $0x100;
	[sflag:s20] =	ssyncset.done $0x0;
	s17 =	rddreg [dreg:$0x9]  }
0x13f: {  	s31 =	simm.s32 $0x380;
	s28 =	rddreg [dreg:$0xa];
	[sflag:s20] =	ssyncadd.s32 $0xFFFFD800  }
0x140: {  	[spmem:s1] =	stream.indirect.scatter.add.f32 [tilespmem:s3], [sflag:$0xC], $0x80, s13, s6, $0xb8;
	[tilespmem:$0x1DE80] =	vst v63  }
.Ltmp4:
0x141: {  	s10 =	sadd.s32 s23, s17;
	s17 =	simm.s32 $0x200;
	(pc) =	sbr.rel .LBB2_4-.Ltmp4, $4  }
0x142: {  	[tilespmem:s5], [sflag:$0x4] =	stream.linear.gather [hbm4b:s10+s2], $0x50, $0x38;
	[tilespmem:$0x1DE80] =	vst v63  }
0x143: {  	s13 =	simm.s32 $0x5600;
	s3 =	simm.s32 $0x7E00;
	s10 =	sadd.s32 s23, s28  }
0x144: {  	[tilespmem:s12], [sflag:$0x4] =	stream.linear.gather [hbm4b:s10+s2], $0x50, $0x38;
	[tilespmem:$0x1DE80] =	vst v63  }
0x145: {  	s23 =	sadd.s32 $0x50, s23;
	s5 =	simm.s32 $0x180;
	s12 =	simm.s32 $0x2E00  }
.LBB2_7:
0x146: {  	_ =	sfence.sel $0x180000  }
0x147: {  	[bflag:$0x0] =	sbarrier.arrive $0xFFFF  }
0x148: {  	_ =	strace $0x9000004A  }
0x149: {  	[bflag:$0x2] =	sbarrier.arrive $0xFFFF  }
0x14a: {  	s0 =	rddreg [dreg:$0x2]  }
0x14b: {  	s0 =	sadd.s32 @!p0 $0x100000, s0  }
0x14c: {  	[sflag:s0] =	ssyncadd.tile.s32 @!p0 $0x1;
	_ =	shalt  }
.Lfunc_end2:
_tile_overlayer_lowered:
.L_overlay_start_2:
0x14d: {  	(tag) =	ssettag $0x2  }
0x14e: {  	s0 =	rddreg [dreg:$0x0];
	s2 =	stileid.u32  }
0x14f: {  	s1 =	rddreg [dreg:$0x1];
	p0 =	sne.s32 s2, $0x0  }
0x150: {  	s3 =	rddreg [dreg:$0x2];
	[bflag:$0x3] =	sbarrier.arrive $0xFFFF;
	s2 =	simm.s32 @!p0 $0x1C0D  }
0x151: {  	[timem:s3], [sflag:s2] =	dma.local @!p0 [hbm:s0], s1  }
0x152: {  	s0 =	simm.s32 @!p0 $0xD  }
0x153: {  	_ =	swait.ge @!p0 [sflag:s0], s1  }
0x154: {  	s1 =	ssub.s32 @!p0 $0x0, s1;
	[sflag:s0] =	ssyncset.done @!p0 $0x0  }
0x155: {  	[sflag:s0] =	ssyncadd.s32 @!p0 s1  }
0x156: {  	[bflag:$0x3] =	sbarrier.arrive $0xFFFF  }
0x157: {  	_ =	shalt  }

// kernel: kernel.14.cloned.1.call-start
scs
__scs_entry_jumppad:
0x0: {  	(pc) =	sbr.rel $0x88, $3  }
0x1: {  	(tag) =	ssettag $0x0;
	lr =	simm.s32 $0x1  }
0x2: {  	[smem:$0x3F99] =	sst lr;
	_ =	strace $0xD0000000  }
0x3: {  	_ = 	snop  }
0x4: {  	_ = 	snop  }
0x5: {  	_ = 	snop  }
0x6: {  	_ = 	snop  }
0x7: {  	_ = 	snop  }
__scs_overlays_trampoline_lowered:
0x8: {  	[smem:$0x3FA8] =	sst s0  }
0x9: {  	[smem:$0x3FA9] =	sst s1  }
0xa: {  	[smem:$0x3FAA] =	sst s2  }
0xb: {  	[smem:$0x3FAB] =	sst s3  }
0xc: {  	[smem:$0x3FAC] =	sst s4  }
0xd: {  	[smem:$0x3FAD] =	sst s5  }
0xe: {  	[smem:$0x3FAE] =	sst s6  }
0xf: {  	[smem:$0x3FAF] =	sst s7  }
0x10: {  	[smem:$0x3FB0] =	sst s8  }
0x11: {  	[smem:$0x3FB1] =	sst s9;
	s0 =	simm.s32 @!p0 $0x0  }
0x12: {  	s1 =	sld [smem:$0x3F97];
	s0 =	simm.s32 @p0 $0x1  }
0x13: {  	[smem:$0x3FB2] =	sst s0;
	s0 =	simm.s32 @!p1 $0x0  }
0x14: {  	s2 =	sld [smem:$0x3F96];
	s0 =	simm.s32 @p1 $0x1  }
0x15: {  	[smem:$0x3FB3] =	sst s0;
	s0 =	simm.s32 @!p2 $0x0  }
0x16: {  	s3 =	sld [smem:$0x3FDB];
	s0 =	simm.s32 @p2 $0x1  }
0x17: {  	s4 =	simm.s32 $0x1BF5;
	[smem:$0x3FB5] =	sst s0  }
0x18: {  	s0 =	sld [smem:$0x3F98];
	_ =	swait.ge [sflag:s4], $0x0  }
0x19: {  	s7 =	sld [smem:$0x3F99]  }
0x1a: {  	s8 =	sadd.s32 $0xFFFFE003, lr  }
0x1b: {  	s9 =	sadd.s32 $0xFFFFFEF7, lr;
	s5 =	simm.s32 $0xFFFFFFFF;
	p2 =	slt.u32 s8, $0xFFFFF086  }
0x1c: {  	p1 =	slt.u32 s9, $0xF7A;
	s5 =	simm.s32 @!p2 $0x0  }
0x1d: {  	s5 =	simm.s32 @p1 $0x1;
	p0 =	seq.s32 s7, s2  }
0x1e: {  	s7 =	smul.u32 @!p0 $0xF7A, s2;
	p2 =	seq.s32 @!p0 s5, $0x0  }
0x1f: {  	s9 =	smul.u32 $0xF7A, s1;
	s8 =	simm.s32 @!p0 $0x1BF5;
	p2 =	por !p2, p0  }
0x20: {  	[sflag:s8] =	ssyncset.s32 @!p0 $0xFFFFF086;
	s6 =	sadd.s32 @!p0 s3, s7;
	s7 =	simm.s32 @!p0 $0x108  }
0x21: {  	s3 =	sadd.s32 s3, s9;
	s6 =	sadd.s32 @!p0 $0x88, s6;
	s7 =	simm.s32 @p2 $0x1082  }
0x22: {  	[simem:s7], [sflag:s8] =	dma.local @!p0 [hbm:s6], $0xF7A  }
0x23: {  	s9 =	sor.u32 $0xD0000000, s2;
	s6 =	simm.s32 $0x108;
	_ =	swait.ge @!p0 [sflag:s8], $0x0  }
0x24: {  	s3 =	sadd.s32 $0x88, s3;
	s6 =	simm.s32 @!p1 $0x1082;
	[sflag:s4] =	ssyncset.s32 $0xFFFFF086  }
0x25: {  	[simem:s6], [sflag:s4] =	dma.local [hbm:s3], $0xF7A  }
0x26: {  	[smem:$0x3F99] =	sst s1;
	(tag) =	ssettag s2;
	_ =	strace s9  }
0x27: {  	s1 =	sld [smem:$0x3FA9]  }
0x28: {  	s2 =	sld [smem:$0x3FAA]  }
0x29: {  	s4 =	sld [smem:$0x3FAC]  }
0x2a: {  	p0 =	seq.s32 s5, $0x0;
	s5 =	sld [smem:$0x3FAD]  }
0x2b: {  	s6 =	sld [smem:$0x3FAE]  }
0x2c: {  	s7 =	sld [smem:$0x3FAF]  }
0x2d: {  	s3 =	simm.s32 $0x108;
	s8 =	sld [smem:$0x3FB0]  }
0x2e: {  	s3 =	simm.s32 @!p0 $0x1082;
	s9 =	sld [smem:$0x3FB1]  }
0x2f: {  	lr =	sadd.s32 s0, s3;
	s0 =	sld [smem:$0x3FA8]  }
0x30: {  	s3 =	sld [smem:$0x3FAB]  }
0x31: {  	[smem:$0x3FB4] =	sst s10  }
0x32: {  	s10 =	sld [smem:$0x3FB2];
	_ =	sdelay $0x3  }
0x33: {  	p0 =	seq.s32 s10, $0x1;
	s10 =	sld [smem:$0x3FB4];
	_ =	sdelay $0x3  }
0x34: {  	[smem:$0x3FB4] =	sst s10  }
0x35: {  	s10 =	sld [smem:$0x3FB3];
	_ =	sdelay $0x3  }
0x36: {  	p1 =	seq.s32 s10, $0x1;
	s10 =	sld [smem:$0x3FB4];
	_ =	sdelay $0x3  }
0x37: {  	[smem:$0x3FB4] =	sst s10  }
0x38: {  	s10 =	sld [smem:$0x3FB5]  }
0x39: {  	_ = 	snop;
	(pc) =	sbr.ind lr, $3  }
0x3a: {  	_ = 	snop  }
0x3b: {  	_ = 	snop  }
0x3c: {  	p2 =	seq.s32 s10, $0x1;
	s10 =	sld [smem:$0x3FB4]  }
0x3d: {  	_ =	shalt  }
0x3e: {  	_ =	shalt  }
0x3f: {  	_ =	shalt  }
0x40: {  	_ =	shalt  }
0x41: {  	_ =	shalt  }
0x42: {  	_ =	shalt  }
0x43: {  	_ =	shalt  }
0x44: {  	_ =	shalt  }
0x45: {  	_ =	shalt  }
0x46: {  	_ =	shalt  }
0x47: {  	_ =	shalt  }
0x48: {  	_ =	shalt  }
0x49: {  	_ =	shalt  }
0x4a: {  	_ =	shalt  }
0x4b: {  	_ =	shalt  }
0x4c: {  	_ =	shalt  }
0x4d: {  	_ =	shalt  }
0x4e: {  	_ =	shalt  }
0x4f: {  	_ =	shalt  }
0x50: {  	_ =	shalt  }
0x51: {  	_ =	shalt  }
0x52: {  	_ =	shalt  }
0x53: {  	_ =	shalt  }
0x54: {  	_ =	shalt  }
0x55: {  	_ =	shalt  }
0x56: {  	_ =	shalt  }
0x57: {  	_ =	shalt  }
0x58: {  	_ =	shalt  }
0x59: {  	_ =	shalt  }
0x5a: {  	_ =	shalt  }
0x5b: {  	_ =	shalt  }
0x5c: {  	_ =	shalt  }
0x5d: {  	_ =	shalt  }
0x5e: {  	_ =	shalt  }
0x5f: {  	_ =	shalt  }
0x60: {  	_ =	shalt  }
0x61: {  	_ =	shalt  }
0x62: {  	_ =	shalt  }
0x63: {  	_ =	shalt  }
0x64: {  	_ =	shalt  }
0x65: {  	_ =	shalt  }
0x66: {  	_ =	shalt  }
0x67: {  	_ =	shalt  }
0x68: {  	_ =	shalt  }
0x69: {  	_ =	shalt  }
0x6a: {  	_ =	shalt  }
0x6b: {  	_ =	shalt  }
0x6c: {  	_ =	shalt  }
0x6d: {  	_ =	shalt  }
0x6e: {  	_ =	shalt  }
0x6f: {  	_ =	shalt  }
0x70: {  	_ =	shalt  }
0x71: {  	_ =	shalt  }
0x72: {  	_ =	shalt  }
0x73: {  	_ =	shalt  }
0x74: {  	_ =	shalt  }
0x75: {  	_ =	shalt  }
0x76: {  	_ =	shalt  }
0x77: {  	_ =	shalt  }
0x78: {  	_ =	shalt  }
0x79: {  	_ =	shalt  }
0x7a: {  	_ =	shalt  }
0x7b: {  	_ =	shalt  }
0x7c: {  	_ =	shalt  }
0x7d: {  	_ =	shalt  }
0x7e: {  	_ =	shalt  }
0x7f: {  	_ =	shalt  }
0x80: {  	_ =	shalt  }
0x81: {  	_ =	shalt  }
0x82: {  	_ =	shalt  }
0x83: {  	_ =	shalt  }
0x84: {  	_ =	shalt  }
0x85: {  	_ =	shalt  }
0x86: {  	_ =	shalt  }
0x87: {  	_ =	shalt  }
.Lfunc_end0:
.L_simem_size_0:
called_computation.2_lowered:
.L_overlay_start_0:
0x88: {  	s2 =	sld [smem:$0x3FD9]  }
0x89: {  	s3 =	sld [smem:$0x3FFE];
	_ =	sdelay $0x1  }
0x8a: {  	s1 =	srdreg.scid  }
0x8b: {  	s0 =	sand.u32 $0x1, s1  }
0x8c: {  	s16 =	sshll.u32 s0, $0xA;
	s2 =	sadd.s32 s3, s2  }
0x8d: {  	s2 =	sadd.s32 s2, s16  }
0x8e: {  	[smem:$0x3FC0] =	sst s2  }
0x8f: {  	_ = 	snop  }
0x90: {  	(tm) =	ssettm $0x1  }
0x91: {  	s17 =	sld [smem:$0x3FFB];
	_ =	sdelay $0x3  }
0x92: {  	_ =	strace s17  }
0x93: {  	s2 =	sld [smem:$0x3FFC];
	_ =	sdelay $0x3  }
0x94: {  	_ =	strace s2  }
0x95: {  	s2 =	sld [smem:$0x3FFD];
	_ =	sdelay $0x3  }
0x96: {  	_ =	strace s2  }
0x97: {  	_ =	strace $0x8FFFFFFF  }
0x98: {  	s18 =	sld [smem:$0x3FDB];
	_ =	sdelay $0x1  }
0x99: {  	s19 =	simm.s32 $_scs_section_size  }
0x9a: {  	s4 =	simm.s32 $_size__tile_overlayer_lowered;
	s5 =	simm.s32 $_tile_overlayer_lowered  }
0x9b: {  	s22 =	simm.s32 $0x1BFF;
	s21 =	sshll.u32 s5, $0x1;
	s2 =	sadd.s32 s19, s18  }
0x9c: {  	s6 =	simm.s32 $0x0;
	s20 =	sshll.u32 s4, $0x1;
	s4 =	sadd.s32 s21, s2  }
0x9d: {  	[timem:s6], [sflag:s22] =	dma.local [hbm:s4], s20  }
0x9e: {  	_ =	swait.ge [sflag:s22], s20  }
0x9f: {  	s3 =	ssub.s32 $0x0, s20;
	[sflag:s22] =	ssyncset.done $0x0  }
0xa0: {  	[sflag:s22] =	ssyncadd.s32 s3;
	_ =	sdelay $0x1  }
0xa1: {  	s23 =	simm.s32 $0x1B8B  }
0xa2: {  	_ =	swait.ge [sflag:s23], $0x1  }
0xa3: {  	[sflag:s23] =	ssyncset.done $0x0  }
0xa4: {  	s25 =	simm.s32 $0x1B8E;
	s24 =	sld [smem:$0x3FFE];
	[sflag:s23] =	ssyncadd.s32 $0xFFFFFFFF  }
0xa5: {  	s26 =	simm.s32 $execute0_lowered;
	[smem:$0x3FD2] =	sst s25  }
0xa6: {  	s4 =	sshll.u32 s26, $0x1;
	_ =	strace $0x8000004C;
	[dreg:$0x1] =	wrdreg $0xFFFFFFFF  }
0xa7: {  	s28 =	simm.s32 $_size_execute0_lowered;
	s2 =	sadd.s32 s2, s4;
	[dreg:$0x0] =	wrdreg $0x0  }
0xa8: {  	s4 =	sshll.u32 s28, $0x1;
	[dreg:$0x2] =	wrdreg s2  }
0xa9: {  	[dreg:$0x3] =	wrdreg s4  }
0xaa: {  	[dreg:$0x4] =	wrdreg $0xC0  }
0xab: {  	_ =	task [dreg:s6], $0x5FFFF  }
0xac: {  	[dreg:$0x1] =	wrdreg $0xFFFFFFFF  }
0xad: {  	[dreg:$0x0] =	wrdreg $0x60  }
0xae: {  	[dreg:$0x2] =	wrdreg s24  }
0xaf: {  	[dreg:$0x3] =	wrdreg $0xA6000  }
0xb0: {  	[dreg:$0x4] =	wrdreg $0x9  }
0xb1: {  	_ =	task.clear_ibuf [dreg:s6], $0x5FFFF;
	_ =	strace $0x9000004C  }
0xb2: {  	s29 =	simm.s32 $0x9;
	_ =	strace $0x8000004E  }
0xb3: {  	_ =	swait.ge [sflag:s29], $0x1  }
0xb4: {  	[sflag:s29] =	ssyncadd.s32 $0xFFFFFFFF  }
0xb5: {  	_ =	strace $0x9000004E  }
0xb6: {  	_ =	sfence  }
0xb7: {  	s30 =	sld [smem:$0x0];
	_ =	sdelay $0x2  }
0xb8: {  	s31 =	sshll.u32 s1, $0xD;
	s1 =	sshrl.u32 s1, $0x2  }
0xb9: {  	s3 =	sand.u32 $0x4000, s31;
	s1 =	sadd.s32 s1, s30  }
0xba: {  	s0 =	sor.u32 s3, s0;
	s1 =	sshll.u32 s1, $0x11  }
0xbb: {  	s0 =	sor.u32 s1, s0  }
0xbc: {  	s0 =	sadd.s32 $0x8F2B, s0  }
0xbd: {  	[sflag:s0] =	ssyncadd.remote.s32 $0x1  }
0xbe: {  	_ =	sfence.sel $0xFFFF  }
0xbf: {  	[dreg:$0x0] =	wrdreg $0xFFFFFFFF;
	(pc) =	sbr.abs _section_cstart, $3  }
0xc0: {  	[dreg:$0x1] =	wrdreg $0xFFFFFFFF  }
0xc1: {  	_ =	task.clear_ibuf [dreg:s6], $0x2FFFF;
	_ =	strace $0x9FFFFFFF  }
0xc2: {  	(tm) =	ssettm $0x7FFFFFFF  }
0xc3: {  	_ =	shalt  }
tec
execute0_lowered:
.L_overlay_start_1:
0x0: {  	(tag) =	ssettag $0x1  }
0x1: {  	s0 =	rddreg [dreg:$0x0]  }
0x2: {  	s1 =	rddreg [dreg:$0x1];
	s2 =	simm.s32 $0x0;
	s3 =	srdreg.scid  }
0x3: {  	s10 =	stileid.u32;
	s30 =	simm.s32 $0x280;
	s31 =	simm.s32 $0x380  }
0x4: {  	[smem:$0x7FF] =	sst s2;
	s3 =	sand.u32 $0x1, s3;
	s6 =	smul.u32 $0x4E000, s10  }
0x5: {  	s4 =	sadd.s32 $0x16400, s0;
	s11 =	sadd.s32 $0x2A00, s0;
	s16 =	smul.u32 $0x13800, s10  }
0x6: {  	s0 =	sadd.s32 $0x3D600, s0;
	s19 =	smul.u32 $0x2710, s10;
	p0 =	sne.s32 s10, $0x0  }
0x7: {  	s29 =	sadd.s32 $0x138000, s1;
	_ =	strace $0x8000004D;
	s5 =	sshll.u32 s3, $0x4  }
0x8: {  	s7 =	ssub.s32 $0x2, s3;
	s9 =	smul.u32 $0x138800, s3;
	[dreg:$0x3] =	wrdreg s11  }
0x9: {  	s3 =	smul.u32 $0x27100, s3;
	[smem:$0x7FD] =	sst s29;
	s5 =	sor.u32 s10, s5  }
0xa: {  	s8 =	sshrl.u32 s7, $0x1;
	s6 =	sshrl.u32 s6, $0x2;
	s5 =	smul.u32 $0x2710, s5  }
0xb: {  	s7 =	ssub.s32 s7, s8;
	s17 =	sadd.s32 s16, s9;
	s18 =	sshrl.u32 s9, $0x3  }
0xc: {  	s28 =	sadd.s32 s6, s1;
	s20 =	sshrl.u32 s17, $0x3;
	s21 =	sadd.s32 s0, s18  }
0xd: {  	s23 =	smax.u32 s7, $0x1;
	[dreg:$0x4] =	wrdreg s28;
	s5 =	sshrl.u32 s5, $0x3  }
0xe: {  	s0 =	sadd.s32 s0, s20;
	s22 =	sadd.s32 $0x27000, s21;
	[dreg:$0x8] =	wrdreg s23  }
0xf: {  	s12 =	sadd.s32 s11, s5;
	[dreg:$0x6] =	wrdreg s0;
	s0 =	sadd.s32 s19, s3  }
0x10: {  	[dreg:$0x7] =	wrdreg s22;
	s24 =	sadd.s32 $0x370, s0;
	s25 =	sadd.s32 $0x4E570, s0  }
0x11: {  	s26 =	sadd.s32 $0x320, s0;
	s7 =	sadd.s32 $0x4E520, s0;
	s8 =	sadd.s32 $0x2D0, s0  }
0x12: {  	s9 =	sadd.s32 $0x4E4D0, s0;
	s15 =	sadd.s32 $0x280, s0;
	s16 =	sadd.s32 $0x4E480, s0  }
0x13: {  	s17 =	sadd.s32 $0x140, s0;
	s18 =	sadd.s32 $0x4E340, s0;
	s22 =	sadd.s32 $0x4E430, s0  }
0x14: {  	s23 =	sadd.s32 $0x230, s0;
	[dreg:$0x5] =	wrdreg s12;
	s3 =	sshrl.u32 s24, $0x3  }
0x15: {  	s5 =	sshrl.u32 s25, $0x3;
	s6 =	sshrl.u32 s26, $0x3;
	s14 =	sshrl.u32 s9, $0x3  }
0x16: {  	[dreg:$0xf] =	wrdreg s15;
	s19 =	sshrl.u32 s17, $0x3;
	s15 =	sadd.s32 $0x7800, s28  }
0x17: {  	s20 =	sshrl.u32 s18, $0x3;
	s17 =	sadd.s32 $0xC800, s28;
	[dreg:$0x1b] =	wrdreg s15  }
0x18: {  	s24 =	sadd.s32 $0x4E3E0, s0;
	s18 =	sadd.s32 $0xF000, s28;
	[dreg:$0x1d] =	wrdreg s17  }
0x19: {  	s25 =	sshrl.u32 s23, $0x3;
	s23 =	sadd.s32 $0x14, s12;
	[dreg:$0x1e] =	wrdreg s18  }
0x1a: {  	s3 =	sadd.s32 s3, s11;
	s5 =	sadd.s32 s5, s11;
	[smem:$0x7F9] =	sst s23  }
0x1b: {  	s21 =	sadd.s32 s20, s11;
	s26 =	sshrl.u32 s24, $0x3;
	[dreg:$0x9] =	wrdreg s3  }
0x1c: {  	s20 =	sadd.s32 $0x9C40, s12;
	s24 =	sadd.s32 $0x9C54, s12;
	[dreg:$0xa] =	wrdreg s5  }
0x1d: {  	s15 =	simm.s32 $0x600;
	s17 =	simm.s32 $0x200;
	[dreg:$0x12] =	wrdreg s21  }
0x1e: {  	s18 =	simm.s32 $0x9;
	s3 =	sadd.s32 s6, s11;
	[smem:$0x7F6] =	sst s20  }
0x1f: {  	s5 =	sshrl.u32 s8, $0x3;
	s6 =	sadd.s32 s26, s11;
	[smem:$0x7FA] =	sst s24  }
0x20: {  	s8 =	sadd.s32 $0x4E390, s0;
	s21 =	sadd.s32 $0xA, s12;
	[dreg:$0xb] =	wrdreg s3  }
0x21: {  	s26 =	sadd.s32 $0x9C5E, s12;
	s20 =	simm.s32 $0x8;
	[dreg:$0x15] =	wrdreg s6  }
0x22: {  	s3 =	sshrl.u32 s7, $0x3;
	s13 =	sadd.s32 s5, s11;
	[smem:$0x7F7] =	sst s21  }
0x23: {  	s7 =	sadd.s32 $0x1E0, s0;
	s0 =	sadd.s32 $0x190, s0;
	[smem:$0x7FC] =	sst s26  }
0x24: {  	s9 =	sshrl.u32 s8, $0x3;
	s3 =	sadd.s32 s3, s11;
	[dreg:$0xd] =	wrdreg s13  }
0x25: {  	s8 =	simm.s32 $0x5;
	s13 =	sadd.s32 $0x2800, s28;
	[dreg:$0xc] =	wrdreg s3  }
0x26: {  	s0 =	sshrl.u32 s0, $0x3;
	s3 =	sadd.s32 s14, s11;
	[dreg:$0x19] =	wrdreg s13  }
0x27: {  	s6 =	simm.s32 $0x50;
	s0 =	sadd.s32 s0, s11;
	[dreg:$0xe] =	wrdreg s3  }
0x28: {  	s21 =	simm.s32 $0x2E00;
	s14 =	sadd.s32 $0x5000, s28;
	[dreg:$0x18] =	wrdreg s0  }
0x29: {  	s3 =	sshrl.u32 s16, $0x3;
	[dreg:$0x1a] =	wrdreg s14;
	s16 =	sadd.s32 $0xA000, s28  }
0x2a: {  	s0 =	simm.s32 $0x100;
	s3 =	sadd.s32 s3, s11;
	[dreg:$0x1c] =	wrdreg s16  }
0x2b: {  	s14 =	simm.s32 $0x4;
	[dreg:$0x10] =	wrdreg s3;
	s3 =	sadd.s32 s19, s11  }
0x2c: {  	s16 =	simm.s32 $0x6;
	s19 =	sadd.s32 $0x11800, s28;
	[dreg:$0x11] =	wrdreg s3  }
0x2d: {  	s3 =	sshrl.u32 s22, $0x3;
	[dreg:$0x1f] =	wrdreg s19;
	s22 =	sadd.s32 $0x9C4A, s12  }
0x2e: {  	s19 =	simm.s32 $0x7;
	s3 =	sadd.s32 s3, s11;
	[smem:$0x7F8] =	sst s22  }
.Ltmp0:
0x2f: {  	[dreg:$0x13] =	wrdreg s3;
	s3 =	sadd.s32 s25, s11;
	(pc) =	sbr.rel .LBB2_1-.Ltmp0, $4  }
0x30: {  	s25 =	sadd.s32 $0x1E, s12;
	[dreg:$0x14] =	wrdreg s3;
	s3 =	sshrl.u32 s7, $0x3  }
0x31: {  	s22 =	simm.s32 $0x5600;
	[smem:$0x7FB] =	sst s25;
	s3 =	sadd.s32 s3, s11  }
0x32: {  	s7 =	simm.s32 $0x1;
	[dreg:$0x16] =	wrdreg s3;
	s3 =	sadd.s32 s9, s11  }
0x33: {  	v0 =	vimm.f32 $0.0e+00;
	s11 =	simm.s32 $0x3;
	[dreg:$0x17] =	wrdreg s3;
	s3 =	simm.s32 $0x0  }
.LBB2_6:
0x34: {  	s0 =	simm.s32 $0xA  }
0x35: {  	_ =	swait.ge [sflag:s0], $0x2800  }
0x36: {  	[sflag:s0] =	ssyncset.done $0x0  }
0x37: {  	s23 =	simm.s32 $0xB;
	[sflag:s0] =	ssyncadd.s32 $0xFFFFD800  }
0x38: {  	_ =	swait.ge [sflag:s23], $0x2800  }
0x39: {  	[sflag:s23] =	ssyncset.done $0x0  }
0x3a: {  	s24 =	simm.s32 $0xC;
	[sflag:s23] =	ssyncadd.s32 $0xFFFFD800  }
0x3b: {  	_ =	swait.ge [sflag:s24], $0x2800  }
0x3c: {  	[sflag:s24] =	ssyncset.done $0x0  }
0x3d: {  	[sflag:s24] =	ssyncadd.s32 $0xFFFFD800  }
0x3e: {  	_ =	swait.ge [sflag:s18], $0x2800  }
0x3f: {  	[sflag:s18] =	ssyncset.done $0x0  }
0x40: {  	[sflag:s18] =	ssyncadd.s32 $0xFFFFD800  }
0x41: {  	s10 =	stileid.u32;
	[bflag:$0x0] =	sbarrier.arrive $0xFFFF  }
0x42: {  	s25 =	simm.s32 $0xD;
	s10 =	sshll.u32 s10, $0x6;
	s28 =	rddreg [dreg:$0x4]  }
0x43: {  	s10 =	sor.u32 $0x1C0D, s10;
	s23 =	rddreg [dreg:$0x6];
	s17 =	sshrl.u32 s28, $0x3  }
0x44: {  	[hbm:s23], [sflag:s10] =	dma.local [spmem:s17], $0x2700  }
0x45: {  	_ =	swait.ge [sflag:s25], $0x2700  }
0x46: {  	s29 =	sld [smem:$0x7FD];
	_ =	sdelay $0x1  }
0x47: {  	[sflag:s25] =	ssyncset.done $0x0  }
0x48: {  	s23 =	rddreg [dreg:$0x7];
	[sflag:s25] =	ssyncadd.s32 $0xFFFFD900;
	s17 =	sshrl.u32 @!p0 s29, $0x3  }
0x49: {  	[hbm:s23], [sflag:s10] =	dma.local @!p0 [spmem:s17], $0x100  }
0x4a: {  	s10 =	simm.s32 @!p0 $0xD  }
0x4b: {  	_ =	swait.ge @!p0 [sflag:s10], $0x100  }
0x4c: {  	s3 =	sld [smem:$0x7F5];
	_ =	sdelay $0x2  }
0x4d: {  	s26 =	rddreg [dreg:$0x8];
	s3 =	sadd.s32 $0x1, s3  }
0x4e: {  	p1 =	sne.s32 s3, s26  }
.Ltmp1:
0x4f: {  	_ = 	snop;
	(pc) =	sbr.rel @!p1 .LBB2_7-.Ltmp1, $3  }
0x50: {  	_ =	sdelay $0x1  }
0x51: {  	s30 =	simm.s32 $0x280;
	s31 =	simm.s32 $0x380;
	[sflag:s10] =	ssyncset.done @!p0 $0x0  }
0x52: {  	s0 =	simm.s32 $0x100;
	s17 =	simm.s32 $0x200;
	[sflag:s10] =	ssyncadd.s32 @!p0 $0xFFFFFF00  }
.LBB2_1:
0x53: {  	s23 =	sand.u32 $0xFE00, s2  }
0x54: {  	[smem:$0x7F5] =	sst s3;
	s24 =	sand.u32 $0x70, s2;
	s25 =	sshrl.u32 s23, $0x2  }
0x55: {  	s23 =	simm.s32 $0x40;
	s25 =	sor.u32 s24, s25;
	s24 =	simm.s32 $0x0  }
.LBB2_2:
0x56: {  	p1 =	sne.s32 s23, $0x9FC0  }
0x57: {  	[tilespmem:s25+$0x600] =	vst v0;
	s24 =	sadd.s32 $0x10, s24;
	s25 =	smov.u32 s23;
	s23 =	sadd.s32 $0x40, s23  }
.Ltmp2:
0x58: {  	(pc) =	sbr.rel @p1 .LBB2_2-.Ltmp2, $4  }
0x59: {  	_ = 	snop  }
0x5a: {  	s25 =	sand.u32 $0xFE00, s25  }
0x5b: {  	s26 =	sand.u32 $0x70, s24;
	s25 =	sshrl.u32 s25, $0x2  }
0x5c: {  	s25 =	sor.u32 s26, s25  }
0x5d: {  	[tilespmem:s25+$0x600] =	vst v0  }
0x5e: {  	[spmem:s28] =	stream.linear.scatter [tilespmem:s15], [sflag:$0x5], $0x2800, $0x38;
	[tilespmem:$0x1DE80] =	vst v63  }
0x5f: {  	s10 =	rddreg [dreg:$0x19]  }
0x60: {  	[spmem:s10] =	stream.linear.scatter [tilespmem:s15], [sflag:$0x5], $0x2800, $0x38;
	[tilespmem:$0x1DE80] =	vst v63  }
0x61: {  	s13 =	rddreg [dreg:$0x1a]  }
0x62: {  	[spmem:s13] =	stream.linear.scatter [tilespmem:s15], [sflag:$0x5], $0x2800, $0x38;
	[tilespmem:$0x1DE80] =	vst v63  }
0x63: {  	s23 =	rddreg [dreg:$0x1b]  }
0x64: {  	[spmem:s23] =	stream.linear.scatter [tilespmem:s15], [sflag:$0x5], $0x2800, $0x38;
	[tilespmem:$0x1DE80] =	vst v63  }
0x65: {  	s24 =	rddreg [dreg:$0x1c]  }
0x66: {  	[spmem:s24] =	stream.linear.scatter [tilespmem:s15], [sflag:$0x5], $0x2800, $0x38;
	[tilespmem:$0x1DE80] =	vst v63  }
0x67: {  	s25 =	rddreg [dreg:$0x1d]  }
0x68: {  	[spmem:s25] =	stream.linear.scatter [tilespmem:s15], [sflag:$0x5], $0x2800, $0x38;
	[tilespmem:$0x1DE80] =	vst v63  }
0x69: {  	s26 =	rddreg [dreg:$0x1e]  }
0x6a: {  	[spmem:s26] =	stream.linear.scatter [tilespmem:s15], [sflag:$0x5], $0x2800, $0x38;
	[tilespmem:$0x1DE80] =	vst v63  }
0x6b: {  	s28 =	rddreg [dreg:$0x1f]  }
0x6c: {  	[spmem:s28] =	stream.linear.scatter [tilespmem:s15], [sflag:$0x5], $0x2000, $0x38;
	[tilespmem:$0x1DE80] =	vst v63  }
0x6d: {  	s23 =	simm.s32 @!p0 $0x600  }
0x6e: {  	[spmem:s29] =	stream.linear.scatter @!p0 [tilespmem:s23], [sflag:$0x5], $0x800, $0x38;
	[tilespmem:$0x1DE80] =	vst v63  }
0x6f: {  	_ =	swait.ge [sflag:s8], $0x2800  }
0x70: {  	[sflag:s8] =	ssyncset.done $0x0  }
0x71: {  	[sflag:s8] =	ssyncadd.s32 $0xFFFFD800  }
0x72: {  	_ =	swait.ge [sflag:s8], $0x2800  }
0x73: {  	[sflag:s8] =	ssyncset.done $0x0  }
0x74: {  	[sflag:s8] =	ssyncadd.s32 $0xFFFFD800  }
0x75: {  	_ =	swait.ge [sflag:s8], $0x2800  }
0x76: {  	[sflag:s8] =	ssyncset.done $0x0  }
0x77: {  	[sflag:s8] =	ssyncadd.s32 $0xFFFFD800  }
0x78: {  	_ =	swait.ge [sflag:s8], $0x2800  }
0x79: {  	[sflag:s8] =	ssyncset.done $0x0  }
0x7a: {  	[sflag:s8] =	ssyncadd.s32 $0xFFFFD800  }
0x7b: {  	_ =	swait.ge [sflag:s8], $0x2800  }
0x7c: {  	[sflag:s8] =	ssyncset.done $0x0  }
0x7d: {  	[sflag:s8] =	ssyncadd.s32 $0xFFFFD800  }
0x7e: {  	_ =	swait.ge [sflag:s8], $0x2800  }
0x7f: {  	[sflag:s8] =	ssyncset.done $0x0  }
0x80: {  	[sflag:s8] =	ssyncadd.s32 $0xFFFFD800  }
0x81: {  	_ =	swait.ge [sflag:s8], $0x2800  }
0x82: {  	[sflag:s8] =	ssyncset.done $0x0  }
0x83: {  	[sflag:s8] =	ssyncadd.s32 $0xFFFFD800  }
0x84: {  	_ =	swait.ge [sflag:s8], $0x2000  }
0x85: {  	[sflag:s8] =	ssyncset.done $0x0  }
0x86: {  	s23 =	simm.s32 @!p0 $0x5;
	[sflag:s8] =	ssyncadd.s32 $0xFFFFE000  }
0x87: {  	_ =	swait.ge @!p0 [sflag:s23], $0x800  }
0x88: {  	[sflag:s23] =	ssyncset.done @!p0 $0x0;
	s3 =	rddreg [dreg:$0x5]  }
0x89: {  	s5 =	sld [smem:$0x7F6];
	[sflag:s23] =	ssyncadd.s32 @!p0 $0xFFFFF800;
	s23 =	simm.s32 $0x0  }
0x8a: {  	[tilespmem:s23], [sflag:$0x1] =	stream.linear.gather [hbm4b:s3+s23], $0x50, $0x38;
	[tilespmem:$0x1DE80] =	vst v63  }
0x8b: {  	s9 =	sld [smem:$0x7F7]  }
0x8c: {  	[tilespmem:s17], [sflag:$0x1] =	stream.linear.gather [hbm4b:s5+s23], $0x50, $0x38;
	[tilespmem:$0x1DE80] =	vst v63  }
0x8d: {  	s24 =	simm.s32 $0x80;
	s12 =	sld [smem:$0x7F8]  }
0x8e: {  	[tilespmem:s24], [sflag:$0x2] =	stream.linear.gather [hbm4b:s9+s23], $0x50, $0x38;
	[tilespmem:$0x1DE80] =	vst v63  }
0x8f: {  	s13 =	sld [smem:$0x7F9]  }
0x90: {  	[tilespmem:s30], [sflag:$0x2] =	stream.linear.gather [hbm4b:s12+s23], $0x50, $0x38;
	[tilespmem:$0x1DE80] =	vst v63  }
0x91: {  	s25 =	sld [smem:$0x7FA]  }
0x92: {  	[tilespmem:s0], [sflag:$0x3] =	stream.linear.gather [hbm4b:s13+s23], $0x50, $0x38;
	[tilespmem:$0x1DE80] =	vst v63  }
0x93: {  	s29 =	simm.s32 $0x300;
	s26 =	sld [smem:$0x7FB]  }
0x94: {  	[tilespmem:s29], [sflag:$0x3] =	stream.linear.gather [hbm4b:s25+s23], $0x50, $0x38;
	[tilespmem:$0x1DE80] =	vst v63  }
0x95: {  	s28 =	sld [smem:$0x7FC];
	s5 =	simm.s32 $0x180  }
0x96: {  	[tilespmem:s5], [sflag:$0x4] =	stream.linear.gather [hbm4b:s26+s23], $0x50, $0x38;
	[tilespmem:$0x1DE80] =	vst v63  }
0x97: {  	_ = 	snop  }
0x98: {  	[tilespmem:s31], [sflag:$0x4] =	stream.linear.gather [hbm4b:s28+s23], $0x50, $0x38;
	[tilespmem:$0x1DE80] =	vst v63  }
0x99: {  	_ =	swait.ge [sflag:s7], $0x50  }
0x9a: {  	[sflag:s7] =	ssyncset.done $0x0  }
0x9b: {  	[sflag:s7] =	ssyncadd.s32 $0xFFFFFFB0  }
0x9c: {  	_ =	swait.ge [sflag:s7], $0x50  }
0x9d: {  	[sflag:s7] =	ssyncset.done $0x0  }
0x9e: {  	s3 =	simm.s32 $0x2;
	[sflag:s7] =	ssyncadd.s32 $0xFFFFFFB0  }
0x9f: {  	[tilespmem:s15], [sflag:$0x5] =	stream.indirect.gather [hbm4b:s4+s6], $0x80, s23, s6, $0xb8;
	[tilespmem:$0x1DE80] =	vst v63  }
0xa0: {  	_ =	swait.ge [sflag:s3], $0x50  }
0xa1: {  	[sflag:s3] =	ssyncset.done $0x0  }
0xa2: {  	[sflag:s3] =	ssyncadd.s32 $0xFFFFFFB0  }
0xa3: {  	_ =	swait.ge [sflag:s3], $0x50  }
0xa4: {  	[sflag:s3] =	ssyncset.done $0x0  }
0xa5: {  	s12 =	simm.s32 $0x2E00;
	[sflag:s3] =	ssyncadd.s32 $0xFFFFFFB0  }
0xa6: {  	[tilespmem:s12], [sflag:$0x6] =	stream.indirect.gather [hbm4b:s4+s6], $0x80, s24, s6, $0xb8;
	[tilespmem:$0x1DE80] =	vst v63  }
0xa7: {  	s13 =	simm.s32 $0x5600;
	s26 =	simm.s32 $0x0;
	[bflag:$0x0] =	sbarrier.arrive $0xFFFF  }
0xa8: {  	s3 =	simm.s32 $0x7E00;
	s24 =	simm.s32 $0x7;
	s25 =	rddreg [dreg:$0xf]  }
.LBB2_4:
0xa9: {  	_ =	swait.ge [sflag:s11], $0x50  }
0xaa: {  	[sflag:s11] =	ssyncset.done $0x0  }
0xab: {  	[sflag:s11] =	ssyncadd.s32 $0xFFFFFFB0  }
0xac: {  	_ =	swait.ge [sflag:s11], $0x50  }
0xad: {  	p1 =	seq.s32 s23, $0x0;
	[sflag:s11] =	ssyncset.done $0x0  }
0xae: {  	s10 =	simm.s32 @!p1 $0xB;
	[sflag:s11] =	ssyncadd.s32 $0xFFFFFFB0  }
0xaf: {  	_ =	swait.ge @!p1 [sflag:s10], $0x2800  }
0xb0: {  	[sflag:s10] =	ssyncset.done @!p1 $0x0  }
0xb1: {  	[sflag:s10] =	ssyncadd.s32 @!p1 $0xFFFFD800  }
0xb2: {  	[tilespmem:s13], [sflag:$0x7] =	stream.indirect.gather [hbm4b:s4+s6], $0x80, s0, s6, $0xb8;
	[tilespmem:$0x1DE80] =	vst v63  }
0xb3: {  	_ =	swait.ge [sflag:s8], $0x2800  }
0xb4: {  	[sflag:s8] =	ssyncset.done $0x0  }
0xb5: {  	[sflag:s8] =	ssyncadd.s32 $0xFFFFD800  }
0xb6: {  	[spmem:s1] =	stream.indirect.scatter.add.f32 [tilespmem:s15], [sflag:$0x9], $0x80, s17, s6, $0xb8;
	[tilespmem:$0x1DE80] =	vst v63  }
0xb7: {  	s15 =	rddreg [dreg:$0x11]  }
0xb8: {  	s17 =	rddreg [dreg:$0x12];
	s10 =	sadd.s32 s23, s15  }
0xb9: {  	[tilespmem:s2], [sflag:$0x1] =	stream.linear.gather [hbm4b:s10+s2], $0x50, $0x38;
	[tilespmem:$0x1DE80] =	vst v63  }
0xba: {  	s15 =	simm.s32 $0x400;
	s10 =	sadd.s32 s23, s17  }
0xbb: {  	[tilespmem:s15], [sflag:$0x1] =	stream.linear.gather [hbm4b:s10+s2], $0x50, $0x38;
	[tilespmem:$0x1DE80] =	vst v63  }
0xbc: {  	_ =	swait.ge [sflag:s14], $0x50  }
0xbd: {  	[sflag:s14] =	ssyncset.done $0x0  }
0xbe: {  	[sflag:s14] =	ssyncadd.s32 $0xFFFFFFB0  }
0xbf: {  	_ =	swait.ge [sflag:s14], $0x50  }
0xc0: {  	[sflag:s14] =	ssyncset.done $0x0  }
0xc1: {  	s10 =	simm.s32 @!p1 $0xC;
	[sflag:s14] =	ssyncadd.s32 $0xFFFFFFB0  }
0xc2: {  	_ =	swait.ge @!p1 [sflag:s10], $0x2800  }
0xc3: {  	[sflag:s10] =	ssyncset.done @!p1 $0x0  }
0xc4: {  	[sflag:s10] =	ssyncadd.s32 @!p1 $0xFFFFD800  }
0xc5: {  	[tilespmem:s3], [sflag:$0x8] =	stream.indirect.gather [hbm4b:s4+s6], $0x80, s5, s6, $0xb8;
	[tilespmem:$0x1DE80] =	vst v63  }
0xc6: {  	_ =	swait.ge [sflag:s16], $0x2800  }
0xc7: {  	s28 =	sadd.s32 $0xFFFFFFFE, s24;
	[sflag:s16] =	ssyncset.done $0x0  }
0xc8: {  	p1 =	sgt.u32 s28, $0x7C;
	s10 =	rddreg [dreg:$0x18];
	[sflag:s16] =	ssyncadd.s32 $0xFFFFD800  }
0xc9: {  	[spmem:s1] =	stream.indirect.scatter.add.f32 [tilespmem:s12], [sflag:$0xA], $0x80, s30, s6, $0xb8;
	[tilespmem:$0x1DE80] =	vst v63  }
0xca: {  	s17 =	simm.s32 @!p1 $0x0;
	s28 =	simm.s32 @!p1 $0x80;
	s10 =	sadd.s32 @!p1 s23, s10  }
0xcb: {  	[tilespmem:s28], [sflag:$0x2] =	stream.linear.gather @!p1 [hbm4b:s10+s17], $0x50, $0x38;
	[tilespmem:$0x1DE80] =	vst v63  }
0xcc: {  	s10 =	rddreg [dreg:$0x17]  }
0xcd: {  	s28 =	simm.s32 @!p1 $0x480;
	s10 =	sadd.s32 @!p1 s23, s10  }
0xce: {  	[tilespmem:s28], [sflag:$0x2] =	stream.linear.gather @!p1 [hbm4b:s10+s17], $0x50, $0x38;
	[tilespmem:$0x1DE80] =	vst v63  }
0xcf: {  	_ =	swait.ge [sflag:s7], $0x50  }
0xd0: {  	[sflag:s7] =	ssyncset.done $0x0  }
0xd1: {  	[sflag:s7] =	ssyncadd.s32 $0xFFFFFFB0  }
0xd2: {  	_ =	swait.ge [sflag:s7], $0x50  }
0xd3: {  	[sflag:s7] =	ssyncset.done $0x0  }
0xd4: {  	[sflag:s7] =	ssyncadd.s32 $0xFFFFFFB0  }
0xd5: {  	_ =	swait.ge [sflag:s18], $0x2800  }
0xd6: {  	[sflag:s18] =	ssyncset.done $0x0  }
0xd7: {  	s9 =	simm.s32 $0x600;
	[sflag:s18] =	ssyncadd.s32 $0xFFFFD800  }
0xd8: {  	[tilespmem:s9], [sflag:$0x5] =	stream.indirect.gather [hbm4b:s4+s6], $0x80, s2, s6, $0xb8;
	[tilespmem:$0x1DE80] =	vst v63  }
0xd9: {  	_ =	swait.ge [sflag:s19], $0x2800  }
0xda: {  	[sflag:s19] =	ssyncset.done $0x0  }
0xdb: {  	[sflag:s19] =	ssyncadd.s32 $0xFFFFD800  }
0xdc: {  	[spmem:s1] =	stream.indirect.scatter.add.f32 [tilespmem:s22], [sflag:$0xB], $0x80, s29, s6, $0xb8;
	[tilespmem:$0x1DE80] =	vst v63  }
0xdd: {  	s29 =	sadd.s32 $0xFFFFFFFF, s24  }
0xde: {  	s10 =	rddreg [dreg:$0x16];
	p1 =	sgt.u32 s29, $0x7C  }
0xdf: {  	s10 =	sadd.s32 @!p1 s23, s10;
	s17 =	simm.s32 @!p1 $0x0;
	s28 =	simm.s32 @!p1 $0x100  }
0xe0: {  	[tilespmem:s28], [sflag:$0x3] =	stream.linear.gather @!p1 [hbm4b:s10+s17], $0x50, $0x38;
	[tilespmem:$0x1DE80] =	vst v63  }
0xe1: {  	s10 =	rddreg [dreg:$0x15]  }
0xe2: {  	s28 =	simm.s32 @!p1 $0x500;
	s10 =	sadd.s32 @!p1 s23, s10  }
0xe3: {  	[tilespmem:s28], [sflag:$0x3] =	stream.linear.gather @!p1 [hbm4b:s10+s17], $0x50, $0x38;
	[tilespmem:$0x1DE80] =	vst v63  }
0xe4: {  	p1 =	sgt.u32 s26, $0xE  }
0xe5: {  	s10 =	simm.s32 @!p1 $0x2  }
0xe6: {  	_ =	swait.ge @!p1 [sflag:s10], $0x50  }
0xe7: {  	[sflag:s10] =	ssyncset.done @!p1 $0x0  }
0xe8: {  	[sflag:s10] =	ssyncadd.s32 @!p1 $0xFFFFFFB0  }
0xe9: {  	_ =	swait.ge @!p1 [sflag:s10], $0x50  }
0xea: {  	[sflag:s10] =	ssyncset.done @!p1 $0x0  }
0xeb: {  	[sflag:s10] =	ssyncadd.s32 @!p1 $0xFFFFFFB0;
	s10 =	simm.s32 @!p1 $0xA  }
0xec: {  	_ =	swait.ge @!p1 [sflag:s10], $0x2800  }
0xed: {  	s17 =	simm.s32 @!p1 $0x80;
	[sflag:s10] =	ssyncset.done @!p1 $0x0  }
0xee: {  	s28 =	simm.s32 @!p1 $0x2E00;
	[sflag:s10] =	ssyncadd.s32 @!p1 $0xFFFFD800;
	s10 =	simm.s32 @!p1 $0x50  }
0xef: {  	[tilespmem:s28], [sflag:$0x6] =	stream.indirect.gather @!p1 [hbm4b:s4+s10], $0x80, s17, s10, $0xb8;
	[tilespmem:$0x1DE80] =	vst v63  }
0xf0: {  	_ =	swait.ge [sflag:s20], $0x2800  }
0xf1: {  	p2 =	sgt.u32 s24, $0x7C;
	[sflag:s20] =	ssyncset.done $0x0  }
0xf2: {  	s3 =	simm.s32 $0x7E00;
	s17 =	rddreg [dreg:$0x14];
	[sflag:s20] =	ssyncadd.s32 $0xFFFFD800  }
0xf3: {  	[spmem:s1] =	stream.indirect.scatter.add.f32 [tilespmem:s3], [sflag:$0xC], $0x80, s31, s6, $0xb8;
	[tilespmem:$0x1DE80] =	vst v63  }
0xf4: {  	s29 =	simm.s32 @!p2 $0x180;
	s28 =	simm.s32 @!p2 $0x0;
	s17 =	sadd.s32 @!p2 s23, s17  }
0xf5: {  	[tilespmem:s29], [sflag:$0x4] =	stream.linear.gather @!p2 [hbm4b:s17+s28], $0x50, $0x38;
	[tilespmem:$0x1DE80] =	vst v63  }
0xf6: {  	s17 =	rddreg [dreg:$0x13]  }
0xf7: {  	s29 =	simm.s32 @!p2 $0x580;
	s17 =	sadd.s32 @!p2 s23, s17  }
0xf8: {  	[tilespmem:s29], [sflag:$0x4] =	stream.linear.gather @!p2 [hbm4b:s17+s28], $0x50, $0x38;
	[tilespmem:$0x1DE80] =	vst v63  }
0xf9: {  	s17 =	simm.s32 @!p1 $0x3  }
0xfa: {  	_ =	swait.ge @!p1 [sflag:s17], $0x50  }
0xfb: {  	[sflag:s17] =	ssyncset.done @!p1 $0x0  }
0xfc: {  	[sflag:s17] =	ssyncadd.s32 @!p1 $0xFFFFFFB0  }
0xfd: {  	_ =	swait.ge @!p1 [sflag:s17], $0x50  }
0xfe: {  	[sflag:s17] =	ssyncset.done @!p1 $0x0  }
0xff: {  	[sflag:s17] =	ssyncadd.s32 @!p1 $0xFFFFFFB0;
	s17 =	simm.s32 @!p1 $0xB  }
0x100: {  	_ =	swait.ge @!p1 [sflag:s17], $0x2800  }
0x101: {  	[sflag:s17] =	ssyncset.done @!p1 $0x0  }
0x102: {  	s28 =	simm.s32 @!p1 $0x5600;
	[sflag:s17] =	ssyncadd.s32 @!p1 $0xFFFFD800;
	s17 =	simm.s32 @!p1 $0x100  }
0x103: {  	[tilespmem:s28], [sflag:$0x7] =	stream.indirect.gather @!p1 [hbm4b:s4+s10], $0x80, s17, s10, $0xb8;
	[tilespmem:$0x1DE80] =	vst v63  }
0x104: {  	p1 =	seq.s32 s23, $0x4B0  }
.Ltmp3:
0x105: {  	_ =	swait.ge [sflag:s8], $0x2800;
	(pc) =	sbr.rel @p1 .LBB2_6-.Ltmp3, $4  }
0x106: {  	s13 =	simm.s32 $0x100;
	s0 =	simm.s32 $0x280;
	[sflag:s8] =	ssyncset.done $0x0  }
0x107: {  	s5 =	simm.s32 $0x180;
	s30 =	simm.s32 $0x200;
	[sflag:s8] =	ssyncadd.s32 $0xFFFFD800  }
0x108: {  	[spmem:s1] =	stream.indirect.scatter.add.f32 [tilespmem:s9], [sflag:$0x9], $0x80, s15, s6, $0xb8;
	[tilespmem:$0x1DE80] =	vst v63  }
0x109: {  	s12 =	simm.s32 $0x380;
	s31 =	simm.s32 $0x300;
	s15 =	simm.s32 $0x600  }
0x10a: {  	s10 =	sshrl.u32 s25, $0x3;
	s17 =	rddreg [dreg:$0x3]  }
0x10b: {  	s9 =	rddreg [dreg:$0x10];
	s10 =	sadd.s32 s17, s10  }
0x10c: {  	[tilespmem:s2], [sflag:$0x1] =	stream.linear.gather [hbm4b:s10+s2], $0x50, $0x38;
	[tilespmem:$0x1DE80] =	vst v63  }
0x10d: {  	s10 =	sadd.s32 s23, s9  }
0x10e: {  	[tilespmem:s30], [sflag:$0x1] =	stream.linear.gather [hbm4b:s10+s2], $0x50, $0x38;
	[tilespmem:$0x1DE80] =	vst v63  }
0x10f: {  	_ =	swait.ge [sflag:s14], $0x50  }
0x110: {  	[sflag:s14] =	ssyncset.done $0x0  }
0x111: {  	[sflag:s14] =	ssyncadd.s32 $0xFFFFFFB0  }
0x112: {  	_ =	swait.ge [sflag:s14], $0x50  }
0x113: {  	[sflag:s14] =	ssyncset.done $0x0  }
0x114: {  	s9 =	simm.s32 $0xC;
	[sflag:s14] =	ssyncadd.s32 $0xFFFFFFB0  }
0x115: {  	_ =	swait.ge [sflag:s9], $0x2800  }
0x116: {  	[sflag:s9] =	ssyncset.done $0x0  }
0x117: {  	[sflag:s9] =	ssyncadd.s32 $0xFFFFD800  }
0x118: {  	[tilespmem:s3], [sflag:$0x8] =	stream.indirect.gather [hbm4b:s4+s6], $0x80, s5, s6, $0xb8;
	[tilespmem:$0x1DE80] =	vst v63  }
0x119: {  	_ =	swait.ge [sflag:s16], $0x2800  }
0x11a: {  	[sflag:s16] =	ssyncset.done $0x0  }
0x11b: {  	s17 =	simm.s32 $0x480;
	s28 =	rddreg [dreg:$0xd];
	[sflag:s16] =	ssyncadd.s32 $0xFFFFD800  }
0x11c: {  	[spmem:s1] =	stream.indirect.scatter.add.f32 [tilespmem:s21], [sflag:$0xA], $0x80, s17, s6, $0xb8;
	[tilespmem:$0x1DE80] =	vst v63  }
0x11d: {  	s9 =	rddreg [dreg:$0xe];
	s10 =	sadd.s32 s23, s28;
	s17 =	simm.s32 $0x80  }
0x11e: {  	[tilespmem:s17], [sflag:$0x2] =	stream.linear.gather [hbm4b:s10+s2], $0x50, $0x38;
	[tilespmem:$0x1DE80] =	vst v63  }
0x11f: {  	s10 =	sadd.s32 s23, s9  }
0x120: {  	[tilespmem:s0], [sflag:$0x2] =	stream.linear.gather [hbm4b:s10+s2], $0x50, $0x38;
	[tilespmem:$0x1DE80] =	vst v63  }
0x121: {  	_ =	swait.ge [sflag:s7], $0x50  }
0x122: {  	[sflag:s7] =	ssyncset.done $0x0  }
0x123: {  	[sflag:s7] =	ssyncadd.s32 $0xFFFFFFB0  }
0x124: {  	_ =	swait.ge [sflag:s7], $0x50  }
0x125: {  	[sflag:s7] =	ssyncset.done $0x0  }
0x126: {  	[sflag:s7] =	ssyncadd.s32 $0xFFFFFFB0  }
0x127: {  	_ =	swait.ge [sflag:s18], $0x2800  }
0x128: {  	[sflag:s18] =	ssyncset.done $0x0  }
0x129: {  	[sflag:s18] =	ssyncadd.s32 $0xFFFFD800  }
0x12a: {  	[tilespmem:s15], [sflag:$0x5] =	stream.indirect.gather [hbm4b:s4+s6], $0x80, s2, s6, $0xb8;
	[tilespmem:$0x1DE80] =	vst v63  }
0x12b: {  	_ =	swait.ge [sflag:s19], $0x2800  }
0x12c: {  	[sflag:s19] =	ssyncset.done $0x0  }
0x12d: {  	s10 =	simm.s32 $0x500;
	s28 =	rddreg [dreg:$0xb];
	[sflag:s19] =	ssyncadd.s32 $0xFFFFD800  }
0x12e: {  	[spmem:s1] =	stream.indirect.scatter.add.f32 [tilespmem:s22], [sflag:$0xB], $0x80, s10, s6, $0xb8;
	[tilespmem:$0x1DE80] =	vst v63  }
0x12f: {  	s0 =	rddreg [dreg:$0xc];
	s10 =	sadd.s32 s23, s28  }
0x130: {  	[tilespmem:s13], [sflag:$0x3] =	stream.linear.gather [hbm4b:s10+s2], $0x50, $0x38;
	[tilespmem:$0x1DE80] =	vst v63  }
0x131: {  	s9 =	simm.s32 $0x2;
	s10 =	sadd.s32 s23, s0  }
0x132: {  	[tilespmem:s31], [sflag:$0x3] =	stream.linear.gather [hbm4b:s10+s2], $0x50, $0x38;
	[tilespmem:$0x1DE80] =	vst v63  }
0x133: {  	_ =	swait.ge [sflag:s9], $0x50  }
0x134: {  	[sflag:s9] =	ssyncset.done $0x0  }
0x135: {  	[sflag:s9] =	ssyncadd.s32 $0xFFFFFFB0  }
0x136: {  	_ =	swait.ge [sflag:s9], $0x50  }
0x137: {  	[sflag:s9] =	ssyncset.done $0x0  }
0x138: {  	s10 =	simm.s32 $0xA;
	[sflag:s9] =	ssyncadd.s32 $0xFFFFFFB0  }
0x139: {  	_ =	swait.ge [sflag:s10], $0x2800  }
0x13a: {  	s26 =	sadd.s32 $0x1, s26;
	s25 =	sadd.s32 $0x280, s25;
	[sflag:s10] =	ssyncset.done $0x0  }
0x13b: {  	s24 =	sadd.s32 $0x8, s24;
	s29 =	simm.s32 $0x300;
	[sflag:s10] =	ssyncadd.s32 $0xFFFFD800  }
0x13c: {  	[tilespmem:s21], [sflag:$0x6] =	stream.indirect.gather [hbm4b:s4+s6], $0x80, s17, s6, $0xb8;
	[tilespmem:$0x1DE80] =	vst v63  }
0x13d: {  	s30 =	simm.s32 $0x280;
	s13 =	simm.s32 $0x580;
	_ =	swait.ge [sflag:s20], $0x2800  }
0x13e: {  	s0 =	simm.s32 $0x100;
	[sflag:s20] =	ssyncset.done $0x0;
	s17 =	rddreg [dreg:$0x9]  }
0x13f: {  	s31 =	simm.s32 $0x380;
	s28 =	rddreg [dreg:$0xa];
	[sflag:s20] =	ssyncadd.s32 $0xFFFFD800  }
0x140: {  	[spmem:s1] =	stream.indirect.scatter.add.f32 [tilespmem:s3], [sflag:$0xC], $0x80, s13, s6, $0xb8;
	[tilespmem:$0x1DE80] =	vst v63  }
.Ltmp4:
0x141: {  	s10 =	sadd.s32 s23, s17;
	s17 =	simm.s32 $0x200;
	(pc) =	sbr.rel .LBB2_4-.Ltmp4, $4  }
0x142: {  	[tilespmem:s5], [sflag:$0x4] =	stream.linear.gather [hbm4b:s10+s2], $0x50, $0x38;
	[tilespmem:$0x1DE80] =	vst v63  }
0x143: {  	s13 =	simm.s32 $0x5600;
	s3 =	simm.s32 $0x7E00;
	s10 =	sadd.s32 s23, s28  }
0x144: {  	[tilespmem:s12], [sflag:$0x4] =	stream.linear.gather [hbm4b:s10+s2], $0x50, $0x38;
	[tilespmem:$0x1DE80] =	vst v63  }
0x145: {  	s23 =	sadd.s32 $0x50, s23;
	s5 =	simm.s32 $0x180;
	s12 =	simm.s32 $0x2E00  }
.LBB2_7:
0x146: {  	_ =	sfence.sel $0x180000  }
0x147: {  	[bflag:$0x0] =	sbarrier.arrive $0xFFFF  }
0x148: {  	_ =	strace $0x9000004D  }
0x149: {  	[bflag:$0x2] =	sbarrier.arrive $0xFFFF  }
0x14a: {  	s0 =	rddreg [dreg:$0x2]  }
0x14b: {  	s0 =	sadd.s32 @!p0 $0x100000, s0  }
0x14c: {  	[sflag:s0] =	ssyncadd.tile.s32 @!p0 $0x1;
	_ =	shalt  }
.Lfunc_end2:
_tile_overlayer_lowered:
.L_overlay_start_2:
0x14d: {  	(tag) =	ssettag $0x2  }
0x14e: {  	s0 =	rddreg [dreg:$0x0];
	s2 =	stileid.u32  }
0x14f: {  	s1 =	rddreg [dreg:$0x1];
	p0 =	sne.s32 s2, $0x0  }
0x150: {  	s3 =	rddreg [dreg:$0x2];
	[bflag:$0x3] =	sbarrier.arrive $0xFFFF;
	s2 =	simm.s32 @!p0 $0x1C0D  }
0x151: {  	[timem:s3], [sflag:s2] =	dma.local @!p0 [hbm:s0], s1  }
0x152: {  	s0 =	simm.s32 @!p0 $0xD  }
0x153: {  	_ =	swait.ge @!p0 [sflag:s0], s1  }
0x154: {  	s1 =	ssub.s32 @!p0 $0x0, s1;
	[sflag:s0] =	ssyncset.done @!p0 $0x0  }
0x155: {  	[sflag:s0] =	ssyncadd.s32 @!p0 s1  }
0x156: {  	[bflag:$0x3] =	sbarrier.arrive $0xFFFF  }
0x157: {  	_ =	shalt  }

// kernel: kernel.8.cloned.1.call-start
scs
__scs_entry_jumppad:
0x0: {  	(pc) =	sbr.rel $0x88, $3  }
0x1: {  	(tag) =	ssettag $0x0;
	lr =	simm.s32 $0x1  }
0x2: {  	[smem:$0x3F99] =	sst lr;
	_ =	strace $0xD0000000  }
0x3: {  	_ = 	snop  }
0x4: {  	_ = 	snop  }
0x5: {  	_ = 	snop  }
0x6: {  	_ = 	snop  }
0x7: {  	_ = 	snop  }
__scs_overlays_trampoline_lowered:
0x8: {  	[smem:$0x3FA8] =	sst s0  }
0x9: {  	[smem:$0x3FA9] =	sst s1  }
0xa: {  	[smem:$0x3FAA] =	sst s2  }
0xb: {  	[smem:$0x3FAB] =	sst s3  }
0xc: {  	[smem:$0x3FAC] =	sst s4  }
0xd: {  	[smem:$0x3FAD] =	sst s5  }
0xe: {  	[smem:$0x3FAE] =	sst s6  }
0xf: {  	[smem:$0x3FAF] =	sst s7  }
0x10: {  	[smem:$0x3FB0] =	sst s8  }
0x11: {  	[smem:$0x3FB1] =	sst s9;
	s0 =	simm.s32 @!p0 $0x0  }
0x12: {  	s1 =	sld [smem:$0x3F97];
	s0 =	simm.s32 @p0 $0x1  }
0x13: {  	[smem:$0x3FB2] =	sst s0;
	s0 =	simm.s32 @!p1 $0x0  }
0x14: {  	s2 =	sld [smem:$0x3F96];
	s0 =	simm.s32 @p1 $0x1  }
0x15: {  	[smem:$0x3FB3] =	sst s0;
	s0 =	simm.s32 @!p2 $0x0  }
0x16: {  	s3 =	sld [smem:$0x3FDB];
	s0 =	simm.s32 @p2 $0x1  }
0x17: {  	s4 =	simm.s32 $0x1BF5;
	[smem:$0x3FB5] =	sst s0  }
0x18: {  	s0 =	sld [smem:$0x3F98];
	_ =	swait.ge [sflag:s4], $0x0  }
0x19: {  	s7 =	sld [smem:$0x3F99]  }
0x1a: {  	s8 =	sadd.s32 $0xFFFFE003, lr  }
0x1b: {  	s9 =	sadd.s32 $0xFFFFFEF7, lr;
	s5 =	simm.s32 $0xFFFFFFFF;
	p2 =	slt.u32 s8, $0xFFFFF086  }
0x1c: {  	p1 =	slt.u32 s9, $0xF7A;
	s5 =	simm.s32 @!p2 $0x0  }
0x1d: {  	s5 =	simm.s32 @p1 $0x1;
	p0 =	seq.s32 s7, s2  }
0x1e: {  	s7 =	smul.u32 @!p0 $0xF7A, s2;
	p2 =	seq.s32 @!p0 s5, $0x0  }
0x1f: {  	s9 =	smul.u32 $0xF7A, s1;
	s8 =	simm.s32 @!p0 $0x1BF5;
	p2 =	por !p2, p0  }
0x20: {  	[sflag:s8] =	ssyncset.s32 @!p0 $0xFFFFF086;
	s6 =	sadd.s32 @!p0 s3, s7;
	s7 =	simm.s32 @!p0 $0x108  }
0x21: {  	s3 =	sadd.s32 s3, s9;
	s6 =	sadd.s32 @!p0 $0x88, s6;
	s7 =	simm.s32 @p2 $0x1082  }
0x22: {  	[simem:s7], [sflag:s8] =	dma.local @!p0 [hbm:s6], $0xF7A  }
0x23: {  	s9 =	sor.u32 $0xD0000000, s2;
	s6 =	simm.s32 $0x108;
	_ =	swait.ge @!p0 [sflag:s8], $0x0  }
0x24: {  	s3 =	sadd.s32 $0x88, s3;
	s6 =	simm.s32 @!p1 $0x1082;
	[sflag:s4] =	ssyncset.s32 $0xFFFFF086  }
0x25: {  	[simem:s6], [sflag:s4] =	dma.local [hbm:s3], $0xF7A  }
0x26: {  	[smem:$0x3F99] =	sst s1;
	(tag) =	ssettag s2;
	_ =	strace s9  }
0x27: {  	s1 =	sld [smem:$0x3FA9]  }
0x28: {  	s2 =	sld [smem:$0x3FAA]  }
0x29: {  	s4 =	sld [smem:$0x3FAC]  }
0x2a: {  	p0 =	seq.s32 s5, $0x0;
	s5 =	sld [smem:$0x3FAD]  }
0x2b: {  	s6 =	sld [smem:$0x3FAE]  }
0x2c: {  	s7 =	sld [smem:$0x3FAF]  }
0x2d: {  	s3 =	simm.s32 $0x108;
	s8 =	sld [smem:$0x3FB0]  }
0x2e: {  	s3 =	simm.s32 @!p0 $0x1082;
	s9 =	sld [smem:$0x3FB1]  }
0x2f: {  	lr =	sadd.s32 s0, s3;
	s0 =	sld [smem:$0x3FA8]  }
0x30: {  	s3 =	sld [smem:$0x3FAB]  }
0x31: {  	[smem:$0x3FB4] =	sst s10  }
0x32: {  	s10 =	sld [smem:$0x3FB2];
	_ =	sdelay $0x3  }
0x33: {  	p0 =	seq.s32 s10, $0x1;
	s10 =	sld [smem:$0x3FB4];
	_ =	sdelay $0x3  }
0x34: {  	[smem:$0x3FB4] =	sst s10  }
0x35: {  	s10 =	sld [smem:$0x3FB3];
	_ =	sdelay $0x3  }
0x36: {  	p1 =	seq.s32 s10, $0x1;
	s10 =	sld [smem:$0x3FB4];
	_ =	sdelay $0x3  }
0x37: {  	[smem:$0x3FB4] =	sst s10  }
0x38: {  	s10 =	sld [smem:$0x3FB5]  }
0x39: {  	_ = 	snop;
	(pc) =	sbr.ind lr, $3  }
0x3a: {  	_ = 	snop  }
0x3b: {  	_ = 	snop  }
0x3c: {  	p2 =	seq.s32 s10, $0x1;
	s10 =	sld [smem:$0x3FB4]  }
0x3d: {  	_ =	shalt  }
0x3e: {  	_ =	shalt  }
0x3f: {  	_ =	shalt  }
0x40: {  	_ =	shalt  }
0x41: {  	_ =	shalt  }
0x42: {  	_ =	shalt  }
0x43: {  	_ =	shalt  }
0x44: {  	_ =	shalt  }
0x45: {  	_ =	shalt  }
0x46: {  	_ =	shalt  }
0x47: {  	_ =	shalt  }
0x48: {  	_ =	shalt  }
0x49: {  	_ =	shalt  }
0x4a: {  	_ =	shalt  }
0x4b: {  	_ =	shalt  }
0x4c: {  	_ =	shalt  }
0x4d: {  	_ =	shalt  }
0x4e: {  	_ =	shalt  }
0x4f: {  	_ =	shalt  }
0x50: {  	_ =	shalt  }
0x51: {  	_ =	shalt  }
0x52: {  	_ =	shalt  }
0x53: {  	_ =	shalt  }
0x54: {  	_ =	shalt  }
0x55: {  	_ =	shalt  }
0x56: {  	_ =	shalt  }
0x57: {  	_ =	shalt  }
0x58: {  	_ =	shalt  }
0x59: {  	_ =	shalt  }
0x5a: {  	_ =	shalt  }
0x5b: {  	_ =	shalt  }
0x5c: {  	_ =	shalt  }
0x5d: {  	_ =	shalt  }
0x5e: {  	_ =	shalt  }
0x5f: {  	_ =	shalt  }
0x60: {  	_ =	shalt  }
0x61: {  	_ =	shalt  }
0x62: {  	_ =	shalt  }
0x63: {  	_ =	shalt  }
0x64: {  	_ =	shalt  }
0x65: {  	_ =	shalt  }
0x66: {  	_ =	shalt  }
0x67: {  	_ =	shalt  }
0x68: {  	_ =	shalt  }
0x69: {  	_ =	shalt  }
0x6a: {  	_ =	shalt  }
0x6b: {  	_ =	shalt  }
0x6c: {  	_ =	shalt  }
0x6d: {  	_ =	shalt  }
0x6e: {  	_ =	shalt  }
0x6f: {  	_ =	shalt  }
0x70: {  	_ =	shalt  }
0x71: {  	_ =	shalt  }
0x72: {  	_ =	shalt  }
0x73: {  	_ =	shalt  }
0x74: {  	_ =	shalt  }
0x75: {  	_ =	shalt  }
0x76: {  	_ =	shalt  }
0x77: {  	_ =	shalt  }
0x78: {  	_ =	shalt  }
0x79: {  	_ =	shalt  }
0x7a: {  	_ =	shalt  }
0x7b: {  	_ =	shalt  }
0x7c: {  	_ =	shalt  }
0x7d: {  	_ =	shalt  }
0x7e: {  	_ =	shalt  }
0x7f: {  	_ =	shalt  }
0x80: {  	_ =	shalt  }
0x81: {  	_ =	shalt  }
0x82: {  	_ =	shalt  }
0x83: {  	_ =	shalt  }
0x84: {  	_ =	shalt  }
0x85: {  	_ =	shalt  }
0x86: {  	_ =	shalt  }
0x87: {  	_ =	shalt  }
.Lfunc_end0:
.L_simem_size_0:
called_computation_lowered:
.L_overlay_start_0:
0x88: {  	s2 =	sld [smem:$0x3FD9]  }
0x89: {  	s3 =	sld [smem:$0x3FFE];
	_ =	sdelay $0x1  }
0x8a: {  	s1 =	srdreg.scid  }
0x8b: {  	s0 =	sand.u32 $0x1, s1  }
0x8c: {  	s17 =	sshll.u32 s0, $0xA;
	s2 =	sadd.s32 s3, s2  }
0x8d: {  	s2 =	sadd.s32 s2, s17  }
0x8e: {  	[smem:$0x3FC0] =	sst s2  }
0x8f: {  	_ = 	snop  }
0x90: {  	s2 =	sld [smem:$0x3FD0];
	(tm) =	ssettm $0x1  }
0x91: {  	s18 =	sld [smem:$0x3FFB];
	_ =	sdelay $0x3  }
0x92: {  	_ =	strace s18  }
0x93: {  	s3 =	sld [smem:$0x3FFC];
	_ =	sdelay $0x3  }
0x94: {  	_ =	strace s3  }
0x95: {  	s3 =	sld [smem:$0x3FFD];
	_ =	sdelay $0x3  }
0x96: {  	_ =	strace s3  }
0x97: {  	_ =	strace $0x8FFFFFFF  }
0x98: {  	s19 =	sld [smem:$0x3FDB];
	_ =	sdelay $0x1  }
0x99: {  	s4 =	simm.s32 $_scs_section_size  }
0x9a: {  	s5 =	simm.s32 $_size__tile_overlayer_lowered;
	s6 =	simm.s32 $_tile_overlayer_lowered  }
0x9b: {  	s22 =	simm.s32 $0x1BFF;
	s21 =	sshll.u32 s6, $0x1;
	s3 =	sadd.s32 s4, s19  }
0x9c: {  	s7 =	simm.s32 $0x0;
	s20 =	sshll.u32 s5, $0x1;
	s5 =	sadd.s32 s21, s3  }
0x9d: {  	[timem:s7], [sflag:s22] =	dma.local [hbm:s5], s20  }
0x9e: {  	_ =	swait.ge [sflag:s22], s20  }
0x9f: {  	s4 =	ssub.s32 $0x0, s20;
	[sflag:s22] =	ssyncset.done $0x0  }
0xa0: {  	[sflag:s22] =	ssyncadd.s32 s4;
	_ =	sdelay $0x1  }
0xa1: {  	s23 =	simm.s32 $0x1B8B  }
0xa2: {  	_ =	swait.ge [sflag:s23], $0x1  }
0xa3: {  	[sflag:s23] =	ssyncset.done $0x0  }
0xa4: {  	s25 =	simm.s32 $0x1B8E;
	s24 =	sld [smem:$0x3FFE];
	[sflag:s23] =	ssyncadd.s32 $0xFFFFFFFF  }
0xa5: {  	s26 =	simm.s32 $execute0_lowered;
	[smem:$0x3FD2] =	sst s25  }
0xa6: {  	s5 =	sshll.u32 s26, $0x1;
	_ =	strace $0x80000046;
	[dreg:$0x1] =	wrdreg $0xFFFFFFFF  }
0xa7: {  	s28 =	simm.s32 $_size_execute0_lowered;
	s3 =	sadd.s32 s3, s5;
	[dreg:$0x0] =	wrdreg $0x0  }
0xa8: {  	s5 =	sshll.u32 s28, $0x1;
	[dreg:$0x2] =	wrdreg s3  }
0xa9: {  	[dreg:$0x3] =	wrdreg s5  }
0xaa: {  	[dreg:$0x4] =	wrdreg $0xC0  }
0xab: {  	_ =	task [dreg:s7], $0x5FFFF  }
0xac: {  	[dreg:$0x1] =	wrdreg $0xFFFFFFFF  }
0xad: {  	[dreg:$0x0] =	wrdreg $0x60  }
0xae: {  	[dreg:$0x2] =	wrdreg s24  }
0xaf: {  	[dreg:$0x3] =	wrdreg s2  }
0xb0: {  	[dreg:$0x4] =	wrdreg $0x10000  }
0xb1: {  	[dreg:$0x5] =	wrdreg $0x9  }
0xb2: {  	_ =	task.clear_ibuf [dreg:s7], $0x6FFFF;
	_ =	strace $0x90000046  }
0xb3: {  	s29 =	simm.s32 $0x9;
	_ =	strace $0x80000048  }
0xb4: {  	_ =	swait.ge [sflag:s29], $0x1  }
0xb5: {  	[sflag:s29] =	ssyncadd.s32 $0xFFFFFFFF  }
0xb6: {  	_ =	strace $0x90000048  }
0xb7: {  	_ =	sfence  }
0xb8: {  	s30 =	sld [smem:$0x0];
	_ =	sdelay $0x2  }
0xb9: {  	s31 =	sshll.u32 s1, $0xD;
	s1 =	sshrl.u32 s1, $0x2  }
0xba: {  	s3 =	sand.u32 $0x4000, s31;
	s1 =	sadd.s32 s1, s30  }
0xbb: {  	s0 =	sor.u32 s3, s0;
	s1 =	sshll.u32 s1, $0x11  }
0xbc: {  	s0 =	sor.u32 s1, s0  }
0xbd: {  	s0 =	sadd.s32 $0x8F2B, s0  }
0xbe: {  	[sflag:s0] =	ssyncadd.remote.s32 $0x1  }
0xbf: {  	_ =	sfence.sel $0xFFFF  }
0xc0: {  	[dreg:$0x0] =	wrdreg $0xFFFFFFFF;
	(pc) =	sbr.abs _section_cstart, $3  }
0xc1: {  	[dreg:$0x1] =	wrdreg $0xFFFFFFFF  }
0xc2: {  	_ =	task.clear_ibuf [dreg:s7], $0x2FFFF;
	_ =	strace $0x9FFFFFFF  }
0xc3: {  	(tm) =	ssettm $0x7FFFFFFF  }
tec
execute0_lowered:
.L_overlay_start_1:
0x0: {  	(tag) =	ssettag $0x1  }
0x1: {  	s4 =	rddreg [dreg:$0x0]  }
0x2: {  	s0 =	srdreg.scid;
	s8 =	rddreg [dreg:$0x1]  }
0x3: {  	s14 =	stileid.u32;
	s1 =	rddreg [dreg:$0x2]  }
0x4: {  	s2 =	simm.s32 $0x0;
	s15 =	simm.s32 $0x7D0;
	s16 =	simm.s32 $0x800  }
0x5: {  	s18 =	simm.s32 $0x0;
	s3 =	sand.u32 $0x1, s0;
	s0 =	rddreg [dreg:$0x3]  }
0x6: {  	[smem:$0x7FF] =	sst s2;
	s6 =	sadd.s32 $0x1F40, s1;
	s7 =	sshll.u32 s3, $0x4  }
0x7: {  	p0 =	sne.s32 s14, $0x0;
	s3 =	ssub.s32 $0x2, s3;
	s30 =	sor.u32 s14, s7  }
0x8: {  	_ =	strace $0x80000047;
	s17 =	sshrl.u32 @!p0 s1, $0x3;
	s5 =	smul.u32 $0x2710, s30  }
0x9: {  	s31 =	sshrl.u32 s3, $0x1;
	s7 =	sadd.s32 s8, s7;
	s14 =	simm.s32 $0x1  }
0xa: {  	s9 =	ssub.s32 s3, s31;
	s3 =	sadd.s32 $0x7D0, s1;
	s5 =	sshrl.u32 s5, $0x3  }
0xb: {  	s8 =	smax.u32 s9, $0x1;
	s13 =	sadd.s32 s5, s4;
	s4 =	sadd.s32 $0xFA0, s1  }
0xc: {  	s5 =	sadd.s32 $0x1770, s1;
	s9 =	sadd.s32 $0xC640, s13;
	s10 =	sadd.s32 $0xC73A, s13  }
0xd: {  	v0 =	vimm.f32 $0.0e+00;
	v1 =	vimm.f32 $1.000000000e+00;
	s11 =	sadd.s32 $0xC834, s13;
	s12 =	sadd.s32 $0xC92E, s13;
	s13 =	sadd.s32 $0xCA28, s13  }
.LBB2_1:
0xe: {  	s19 =	simm.s32 $0x40;
	s20 =	simm.s32 $0x0  }
.LBB2_2:
0xf: {  	p1 =	sne.s32 s19, $0x1F00;
	[tilespmem:s20+$0x800] =	vst v0;
	s20 =	smov.u32 s19;
	s19 =	sadd.s32 $0x40, s19  }
.Ltmp0:
0x10: {  	(pc) =	sbr.rel @p1 .LBB2_2-.Ltmp0, $2  }
0x11: {  	_ =	sdelay $0x2  }
0x12: {  	s20 =	sshra.s32 s20, $0x2  }
0x13: {  	[tilespmem:s20+$0x800] =	vst v0;
	s19 =	simm.s32 @!p0 $0x800;
	s20 =	simm.s32 @!p0 $0x1  }
0x14: {  	[spmem:s1] =	stream.linear.scatter @!p0 [tilespmem:s19], [sflag:$0x1], $0x7D0, $0x38;
	[tilespmem:$0x1278] =	vst v63  }
0x15: {  	_ =	swait.ge @!p0 [sflag:s20], $0x7D0  }
0x16: {  	[sflag:s20] =	ssyncset.done @!p0 $0x0  }
0x17: {  	[sflag:s20] =	ssyncadd.s32 @!p0 $0xFFFFF830  }
0x18: {  	[spmem:s3] =	stream.linear.scatter @!p0 [tilespmem:s19], [sflag:$0x1], $0x7D0, $0x38;
	[tilespmem:$0x1278] =	vst v63  }
0x19: {  	_ =	swait.ge @!p0 [sflag:s20], $0x7D0  }
0x1a: {  	[sflag:s20] =	ssyncset.done @!p0 $0x0  }
0x1b: {  	[sflag:s20] =	ssyncadd.s32 @!p0 $0xFFFFF830  }
0x1c: {  	[spmem:s4] =	stream.linear.scatter @!p0 [tilespmem:s19], [sflag:$0x1], $0x7D0, $0x38;
	[tilespmem:$0x1278] =	vst v63  }
0x1d: {  	_ =	swait.ge @!p0 [sflag:s20], $0x7D0  }
0x1e: {  	[sflag:s20] =	ssyncset.done @!p0 $0x0  }
0x1f: {  	[sflag:s20] =	ssyncadd.s32 @!p0 $0xFFFFF830  }
0x20: {  	[spmem:s5] =	stream.linear.scatter @!p0 [tilespmem:s19], [sflag:$0x1], $0x7D0, $0x38;
	[tilespmem:$0x1278] =	vst v63  }
0x21: {  	_ =	swait.ge @!p0 [sflag:s20], $0x7D0  }
0x22: {  	[sflag:s20] =	ssyncset.done @!p0 $0x0  }
0x23: {  	[sflag:s20] =	ssyncadd.s32 @!p0 $0xFFFFF830  }
0x24: {  	[spmem:s6] =	stream.linear.scatter @!p0 [tilespmem:s19], [sflag:$0x1], $0x7D0, $0x38;
	[tilespmem:$0x1278] =	vst v63  }
0x25: {  	_ =	swait.ge @!p0 [sflag:s20], $0x7D0  }
0x26: {  	[sflag:s20] =	ssyncset.done @!p0 $0x0  }
0x27: {  	s19 =	simm.s32 $0x40;
	[sflag:s20] =	ssyncadd.s32 @!p0 $0xFFFFF830;
	s20 =	simm.s32 $0x0  }
.LBB2_4:
0x28: {  	p1 =	sne.s32 s19, $0x1F00;
	[tilespmem:s20+$0x800] =	vst v1;
	s20 =	smov.u32 s19;
	s19 =	sadd.s32 $0x40, s19  }
.Ltmp1:
0x29: {  	(pc) =	sbr.rel @p1 .LBB2_4-.Ltmp1, $2  }
0x2a: {  	_ =	sdelay $0x2  }
0x2b: {  	s20 =	sshra.s32 s20, $0x2  }
0x2c: {  	[tilespmem:s20+$0x800] =	vst v1  }
0x2d: {  	[bflag:$0x0] =	sbarrier.arrive $0xFFFF  }
0x2e: {  	[tilespmem:s2], [sflag:$0x1] =	stream.linear.gather [hbm4b:s9+s2], $0x7D0, $0x38;
	[tilespmem:$0x1278] =	vst v63  }
0x2f: {  	_ =	swait.ge [sflag:s14], $0x7D0  }
0x30: {  	[sflag:s14] =	ssyncset.done $0x0  }
0x31: {  	[sflag:s14] =	ssyncadd.s32 $0xFFFFF830  }
0x32: {  	[spmem:s1] =	stream.indirect.scatter.add.f32 [tilespmem:s16], [sflag:$0x1], $0x1, s2, s15, $0xb8;
	[tilespmem:$0x1278] =	vst v63  }
0x33: {  	_ =	swait.ge [sflag:s14], $0x7D0  }
0x34: {  	[sflag:s14] =	ssyncset.done $0x0  }
0x35: {  	[sflag:s14] =	ssyncadd.s32 $0xFFFFF830  }
0x36: {  	[tilespmem:s2], [sflag:$0x1] =	stream.linear.gather [hbm4b:s10+s2], $0x7D0, $0x38;
	[tilespmem:$0x1278] =	vst v63  }
0x37: {  	_ =	swait.ge [sflag:s14], $0x7D0  }
0x38: {  	[sflag:s14] =	ssyncset.done $0x0  }
0x39: {  	[sflag:s14] =	ssyncadd.s32 $0xFFFFF830  }
0x3a: {  	[spmem:s1] =	stream.indirect.scatter.add.f32 [tilespmem:s16], [sflag:$0x1], $0x1, s2, s15, $0xb8;
	[tilespmem:$0x1278] =	vst v63  }
0x3b: {  	_ =	swait.ge [sflag:s14], $0x7D0  }
0x3c: {  	[sflag:s14] =	ssyncset.done $0x0  }
0x3d: {  	[sflag:s14] =	ssyncadd.s32 $0xFFFFF830  }
0x3e: {  	[tilespmem:s2], [sflag:$0x1] =	stream.linear.gather [hbm4b:s11+s2], $0x7D0, $0x38;
	[tilespmem:$0x1278] =	vst v63  }
0x3f: {  	_ =	swait.ge [sflag:s14], $0x7D0  }
0x40: {  	[sflag:s14] =	ssyncset.done $0x0  }
0x41: {  	[sflag:s14] =	ssyncadd.s32 $0xFFFFF830  }
0x42: {  	[spmem:s1] =	stream.indirect.scatter.add.f32 [tilespmem:s16], [sflag:$0x1], $0x1, s2, s15, $0xb8;
	[tilespmem:$0x1278] =	vst v63  }
0x43: {  	_ =	swait.ge [sflag:s14], $0x7D0  }
0x44: {  	[sflag:s14] =	ssyncset.done $0x0  }
0x45: {  	[sflag:s14] =	ssyncadd.s32 $0xFFFFF830  }
0x46: {  	[tilespmem:s2], [sflag:$0x1] =	stream.linear.gather [hbm4b:s12+s2], $0x7D0, $0x38;
	[tilespmem:$0x1278] =	vst v63  }
0x47: {  	_ =	swait.ge [sflag:s14], $0x7D0  }
0x48: {  	[sflag:s14] =	ssyncset.done $0x0  }
0x49: {  	[sflag:s14] =	ssyncadd.s32 $0xFFFFF830  }
0x4a: {  	[spmem:s1] =	stream.indirect.scatter.add.f32 [tilespmem:s16], [sflag:$0x1], $0x1, s2, s15, $0xb8;
	[tilespmem:$0x1278] =	vst v63  }
0x4b: {  	_ =	swait.ge [sflag:s14], $0x7D0  }
0x4c: {  	[sflag:s14] =	ssyncset.done $0x0  }
0x4d: {  	[sflag:s14] =	ssyncadd.s32 $0xFFFFF830  }
0x4e: {  	[tilespmem:s2], [sflag:$0x1] =	stream.linear.gather [hbm4b:s13+s2], $0x7D0, $0x38;
	[tilespmem:$0x1278] =	vst v63  }
0x4f: {  	_ =	swait.ge [sflag:s14], $0x7D0  }
0x50: {  	[sflag:s14] =	ssyncset.done $0x0  }
0x51: {  	[sflag:s14] =	ssyncadd.s32 $0xFFFFF830  }
0x52: {  	[spmem:s1] =	stream.indirect.scatter.add.f32 [tilespmem:s16], [sflag:$0x1], $0x1, s2, s15, $0xb8;
	[tilespmem:$0x1278] =	vst v63  }
0x53: {  	s19 =	simm.s32 @!p0 $0x1;
	_ =	swait.ge [sflag:s14], $0x7D0  }
0x54: {  	s20 =	simm.s32 @!p0 $0x20;
	s18 =	sadd.s32 $0x1, s18;
	[sflag:s14] =	ssyncset.done $0x0  }
0x55: {  	s21 =	simm.s32 @!p0 $0x10;
	p1 =	sne.s32 s18, s8;
	[sflag:s14] =	ssyncadd.s32 $0xFFFFF830  }
.Ltmp2:
0x56: {  	s22 =	simm.s32 @!p0 $0x1C01;
	[bflag:$0x0] =	sbarrier.arrive $0xFFFF;
	(pc) =	sbr.rel @p1 .LBB2_1-.Ltmp2, $4  }
0x57: {  	[hbm:s7@s20], [sflag:s22] =	dma.strided @!p0 [spmem:s17@s21], $0x4F0, s19, $0x10   }
0x58: {  	_ =	swait.ge @!p0 [sflag:s19], $0x4F0  }
0x59: {  	[sflag:s19] =	ssyncset.done @!p0 $0x0  }
0x5a: {  	[sflag:s19] =	ssyncadd.s32 @!p0 $0xFFFFFB10  }
0x5b: {  	_ =	sfence.sel $0x180000  }
0x5c: {  	[bflag:$0x0] =	sbarrier.arrive $0xFFFF  }
0x5d: {  	_ =	strace $0x90000047  }
0x5e: {  	s0 =	sadd.s32 @!p0 $0x100000, s0;
	[bflag:$0x2] =	sbarrier.arrive $0xFFFF  }
0x5f: {  	[sflag:s0] =	ssyncadd.tile.s32 @!p0 $0x1;
	_ =	shalt  }
.Lfunc_end2:
_tile_overlayer_lowered:
.L_overlay_start_2:
0x60: {  	(tag) =	ssettag $0x2  }
0x61: {  	s0 =	rddreg [dreg:$0x0];
	s2 =	stileid.u32  }
0x62: {  	s1 =	rddreg [dreg:$0x1];
	p0 =	sne.s32 s2, $0x0  }
0x63: {  	s3 =	rddreg [dreg:$0x2];
	[bflag:$0x3] =	sbarrier.arrive $0xFFFF;
	s2 =	simm.s32 @!p0 $0x1C01  }
0x64: {  	[timem:s3], [sflag:s2] =	dma.local @!p0 [hbm:s0], s1  }
0x65: {  	s0 =	simm.s32 @!p0 $0x1  }
0x66: {  	_ =	swait.ge @!p0 [sflag:s0], s1  }
0x67: {  	s1 =	ssub.s32 @!p0 $0x0, s1;
	[sflag:s0] =	ssyncset.done @!p0 $0x0  }
0x68: {  	[sflag:s0] =	ssyncadd.s32 @!p0 s1  }
0x69: {  	[bflag:$0x3] =	sbarrier.arrive $0xFFFF  }
0x6a: {  	_ =	shalt  }

</sc_bundles>
